<compile_context>
chip_gen: v7x
topology: tpu7x:2x2x1
jax: 0.10.2.dev20260603
libtpu: 0.0.44.dev20260713+nightly
codegen_flags: <defaults>
</compile_context>

<pallas_src>
import functools

import jax
import jax.numpy as jnp
from jax import lax
from jax.experimental import pallas as pl
from jax.experimental.pallas import tpu as pltpu
from jax.experimental.pallas import tpu_sc as plsc

N_ATOMS = 10000
N_EDGES = 160000
N_SPECIES = 50
N_CONFS = 10
MOL_SIZE = 20
F = 128
G = 32
N_CONV = 3
CUTOFF = 5.0

NC = 2
NS = 16
NW = NC * NS
EP = 163840
EWM = EP // NW
C = 64
TOT_CH = EP // C
N0 = 102
N1 = (TOT_CH - NS * N0) // NS
NCHMAX = max(N0, N1)
NP = 10112
RPS = NP // NS

_LOG2 = 0.6931471805599453


def _ssp(x):
    return (jnp.maximum(x, 0.0) + jnp.log1p(jnp.exp(-jnp.abs(x)))) - _LOG2


def _mesh():
    return plsc.VectorSubcoreMesh(
        core_axis_name="c", subcore_axis_name="s", num_cores=NC, num_subcores=NS
    )


def _sc_d2_body(x_hbm, y_hbm, z_hbm, a0_hbm, a1_hbm, out_hbm,
                xv, yv, zv, i0v, i1v, dv):
    cid = lax.axis_index("c")
    sid = lax.axis_index("s")
    wid = cid * NS + sid
    pltpu.sync_copy(x_hbm, xv)
    pltpu.sync_copy(y_hbm, yv)
    pltpu.sync_copy(z_hbm, zv)
    base = wid * EWM
    pltpu.sync_copy(a0_hbm.at[pl.ds(base, EWM)], i0v)
    pltpu.sync_copy(a1_hbm.at[pl.ds(base, EWM)], i1v)

    def body(k, _):
        i0 = i0v[pl.ds(k * 16, 16)]
        i1 = i1v[pl.ds(k * 16, 16)]
        dx = plsc.load_gather(xv, [i0]) - plsc.load_gather(xv, [i1])
        dy = plsc.load_gather(yv, [i0]) - plsc.load_gather(yv, [i1])
        dz = plsc.load_gather(zv, [i0]) - plsc.load_gather(zv, [i1])
        dv[pl.ds(k * 16, 16)] = dx * dx + dy * dy + dz * dz
        return 0

    lax.fori_loop(0, EWM // 16, body, 0)
    pltpu.sync_copy(dv, out_hbm.at[wid])


def _sc_d2(x, y, z, a0p, a1p):
    fn = pl.kernel(
        _sc_d2_body,
        out_type=jax.ShapeDtypeStruct((NW, EWM), jnp.float32),
        mesh=_mesh(),
        scratch_types=[
            pltpu.VMEM((N_ATOMS,), jnp.float32),
            pltpu.VMEM((N_ATOMS,), jnp.float32),
            pltpu.VMEM((N_ATOMS,), jnp.float32),
            pltpu.VMEM((EWM,), jnp.int32),
            pltpu.VMEM((EWM,), jnp.int32),
            pltpu.VMEM((EWM,), jnp.float32),
        ],
        compiler_params=pltpu.CompilerParams(needs_layout_passes=False),
    )
    return fn(x, y, z, a0p, a1p)


def _sc_msg_body(nodes_hbm, we_hbm, idx0_hbm, idx1_hbm, zeros_hbm, out_hbm,
                 ic0_0, ic0_1, ic1_0, ic1_1,
                 rows0_0, rows0_1, rows1_0, rows1_1, web_0, web_1, agg,
                 si_0, si_1, sg0_0, sg0_1, sg1_0, sg1_1, sw_0, sw_1):
    cid = lax.axis_index("c")
    sid = lax.axis_index("s")

    ncc = jnp.where(cid == 0, N0, N1)
    cb = jnp.where(cid == 0, sid * N0, NS * N0 + sid * N1)

    ic0 = (ic0_0, ic0_1)
    ic1 = (ic1_0, ic1_1)
    rows0 = (rows0_0, rows0_1)
    rows1 = (rows1_0, rows1_1)
    web = (web_0, web_1)
    si = (si_0, si_1)
    sg0 = (sg0_0, sg0_1)
    sg1 = (sg1_0, sg1_1)
    sw = (sw_0, sw_1)

    def fire_idx(j, b):
        pltpu.async_copy(idx0_hbm.at[pl.ds((cb + j) * C, C)], ic0[b], si[b])
        pltpu.async_copy(idx1_hbm.at[pl.ds((cb + j) * C, C)], ic1[b], si[b])

    def wait_idx(b):
        pltpu.make_async_copy(idx0_hbm.at[pl.ds(0, C)], ic0[b], si[b]).wait()
        pltpu.make_async_copy(idx1_hbm.at[pl.ds(0, C)], ic1[b], si[b]).wait()

    def fire_gathers(j, b):
        pltpu.async_copy(nodes_hbm.at[ic0[b]], rows0[b], sg0[b])
        pltpu.async_copy(nodes_hbm.at[ic1[b]], rows1[b], sg1[b])
        pltpu.async_copy(we_hbm.at[pl.ds((cb + j) * C, C)], web[b], sw[b])

    def wait_gathers(b):
        pltpu.make_async_copy(nodes_hbm.at[ic0[b]], rows0[b], sg0[b]).wait()
        pltpu.make_async_copy(nodes_hbm.at[ic1[b]], rows1[b], sg1[b]).wait()
        pltpu.make_async_copy(we_hbm.at[pl.ds(0, C)], web[b], sw[b]).wait()

    pltpu.sync_copy(zeros_hbm, agg.at[pl.ds(sid * RPS, RPS)])
    plsc.subcore_barrier()

    def super_step(t, _):
        for b in range(2):
            j = 2 * t + b
            fire_idx(j, b)
            wait_idx(b)
            fire_gathers(j, b)
            wait_gathers(b)

            def mrow(r, _):
                for v in range(8):
                    w16 = web[b][r, pl.ds(v * 16, 16)]
                    rows0[b][r, pl.ds(v * 16, 16)] = rows0[b][r, pl.ds(v * 16, 16)] * w16
                    rows1[b][r, pl.ds(v * 16, 16)] = rows1[b][r, pl.ds(v * 16, 16)] * w16
                return 0

            lax.fori_loop(0, C, mrow, 0)
            pltpu.sync_copy(rows0[b], agg.at[ic1[b]], add=True)
            pltpu.sync_copy(rows1[b], agg.at[ic0[b]], add=True)
        return 0

    lax.fori_loop(0, ncc // 2, super_step, 0)
    plsc.subcore_barrier()
    pltpu.sync_copy(agg.at[pl.ds(sid * RPS, RPS)],
                    out_hbm.at[cid, pl.ds(sid * RPS, RPS)])


def _sc_msg(nodes, we, idx0, idx1, zeros):
    fn = pl.kernel(
        _sc_msg_body,
        out_type=jax.ShapeDtypeStruct((NC, NP, F), jnp.float32),
        mesh=_mesh(),
        scratch_types=[
            pltpu.VMEM((C,), jnp.int32),
            pltpu.VMEM((C,), jnp.int32),
            pltpu.VMEM((C,), jnp.int32),
            pltpu.VMEM((C,), jnp.int32),
            pltpu.VMEM((C, F), jnp.float32),
            pltpu.VMEM((C, F), jnp.float32),
            pltpu.VMEM((C, F), jnp.float32),
            pltpu.VMEM((C, F), jnp.float32),
            pltpu.VMEM((C, F), jnp.float32),
            pltpu.VMEM((C, F), jnp.float32),
            pltpu.VMEM_SHARED((NP, F), jnp.float32),
            pltpu.SemaphoreType.DMA,
            pltpu.SemaphoreType.DMA,
            pltpu.SemaphoreType.DMA,
            pltpu.SemaphoreType.DMA,
            pltpu.SemaphoreType.DMA,
            pltpu.SemaphoreType.DMA,
            pltpu.SemaphoreType.DMA,
            pltpu.SemaphoreType.DMA,
        ],
        compiler_params=pltpu.CompilerParams(needs_layout_passes=False),
    )
    return fn(nodes, we, idx0, idx1, zeros)


_EB = 1024
_AB = 1000


def _tc_we_body(d2_ref, valid_ref, offs_ref, coeff_ref,
                ef1w_ref, ef1b_ref, ef2w_ref, ef2b_ref, o0, o1, o2):
    d = jnp.sqrt(d2_ref[...])
    g = jnp.exp(coeff_ref[...] * (d - offs_ref[...]) ** 2)
    valid = valid_ref[...]
    outs = (o0, o1, o2)
    for i in range(N_CONV):
        h = _ssp(jnp.dot(g, ef1w_ref[i], preferred_element_type=jnp.float32)
                 + ef1b_ref[i])
        outs[i][...] = (jnp.dot(h, ef2w_ref[i], preferred_element_type=jnp.float32)
                        + ef2b_ref[i]) * valid


def _tc_we(d2, valid, offs, coeff, ef1_W, ef1_b, ef2_W, ef2_b):
    nblk = EP // _EB
    full = lambda s: pl.BlockSpec(s, lambda i: (0,) * len(s))
    out = jax.ShapeDtypeStruct((EP, F), jnp.float32)
    return pl.pallas_call(
        _tc_we_body,
        grid=(nblk,),
        in_specs=[
            pl.BlockSpec((_EB, 1), lambda i: (i, 0)),
            pl.BlockSpec((_EB, 1), lambda i: (i, 0)),
            full((1, G)), full((1, 1)),
            full((N_CONV, G, F)), full((N_CONV, 1, F)),
            full((N_CONV, F, F)), full((N_CONV, 1, F)),
        ],
        out_specs=[pl.BlockSpec((_EB, F), lambda i: (i, 0))] * 3,
        out_shape=[out, out, out],
    )(d2, valid, offs, coeff, ef1_W, ef1_b, ef2_W, ef2_b)


def _tc_embed_body(z_ref, emb_ref, nfw_ref, nfb_ref, r_out, nodes_out):
    zb = z_ref[...]
    onehot = (zb == lax.broadcasted_iota(jnp.int32, (_AB, F), 1)).astype(jnp.float32)
    r = jnp.dot(onehot, emb_ref[...], preferred_element_type=jnp.float32,
                precision=lax.Precision.HIGHEST)
    r_out[...] = r
    nodes_out[...] = (jnp.dot(r, nfw_ref[0], preferred_element_type=jnp.float32)
                      + nfb_ref[0])


def _tc_embed(z, emb_pad, nf_W, nf_b):
    nblk = N_ATOMS // _AB
    full = lambda s: pl.BlockSpec(s, lambda i: (0,) * len(s))
    out = jax.ShapeDtypeStruct((N_ATOMS, F), jnp.float32)
    return pl.pallas_call(
        _tc_embed_body,
        grid=(nblk,),
        in_specs=[
            pl.BlockSpec((_AB, 1), lambda i: (i, 0)),
            full((F, F)), full((N_CONV, F, F)), full((N_CONV, 1, F)),
        ],
        out_specs=[pl.BlockSpec((_AB, F), lambda i: (i, 0))] * 2,
        out_shape=[out, out],
    )(z, emb_pad, nf_W, nf_b)


def _tc_update_body(i, want_nodes, r_ref, q0_ref, q1_ref,
                    up1w_ref, up1b_ref, up2w_ref, up2b_ref,
                    nfw_ref, nfb_ref, *outs):
    agg = q0_ref[...] + q1_ref[...]
    h = _ssp(jnp.dot(agg, up1w_ref[i], preferred_element_type=jnp.float32)
             + up1b_ref[i])
    dr = jnp.dot(h, up2w_ref[i], preferred_element_type=jnp.float32) + up2b_ref[i]
    rn = r_ref[...] + dr
    outs[0][...] = rn
    if want_nodes:
        outs[1][...] = (jnp.dot(rn, nfw_ref[i + 1], preferred_element_type=jnp.float32)
                        + nfb_ref[i + 1])


def _tc_update(i, want_nodes, r, q0, q1, up1_W, up1_b, up2_W, up2_b, nf_W, nf_b):
    nblk = N_ATOMS // _AB
    full = lambda s: pl.BlockSpec(s, lambda i: (0,) * len(s))
    ab = pl.BlockSpec((_AB, F), lambda i: (i, 0))
    out = jax.ShapeDtypeStruct((N_ATOMS, F), jnp.float32)
    return pl.pallas_call(
        functools.partial(_tc_update_body, i, want_nodes),
        grid=(nblk,),
        in_specs=[ab, ab, ab,
                  full((N_CONV, F, F)), full((N_CONV, 1, F)),
                  full((N_CONV, F, F)), full((N_CONV, 1, F)),
                  full((N_CONV, F, F)), full((N_CONV, 1, F))],
        out_specs=[ab] * (2 if want_nodes else 1),
        out_shape=[out] * (2 if want_nodes else 1),
    )(r, q0, q1, up1_W, up1_b, up2_W, up2_b, nf_W, nf_b)


def _tc_readout_body(r2_ref, S_ref, mw1_ref, mb1_ref, mw2_ref, mb2_ref,
                     wcol_ref, P_ref, rw1_ref, rb1_ref, rw2_ref, rb2_ref, o_ref):
    pooled = jnp.dot(r2_ref[...], S_ref[...], preferred_element_type=jnp.float32,
                     precision=lax.Precision.HIGHEST)
    h = _ssp(jnp.dot(pooled, mw1_ref[...], preferred_element_type=jnp.float32)
             + mb1_ref[...])
    mol = jnp.dot(h, mw2_ref[...], preferred_element_type=jnp.float32) + mb2_ref[...]
    molw = mol * wcol_ref[...]
    fp = jnp.dot(P_ref[...], molw, preferred_element_type=jnp.float32,
                 precision=lax.Precision.HIGHEST)
    hh = _ssp(jnp.dot(fp, rw1_ref[...], preferred_element_type=jnp.float32)
              + rb1_ref[...])
    o_ref[...] = jnp.dot(hh, rw2_ref[...], preferred_element_type=jnp.float32) + rb2_ref[...]


def _tc_readout(r2, S, mw1, mb1, mw2, mb2, wcol, P, rw1, rb1, rw2, rb2):
    return pl.pallas_call(
        _tc_readout_body,
        out_shape=jax.ShapeDtypeStruct((N_SPECIES, 1), jnp.float32),
    )(r2, S, mw1, mb1, mw2, mb2, wcol, P, rw1, rb1, rw2, rb2)


def kernel(nxyz, nbr_list, weights, atom_embed,
           ef1_W, ef1_b, ef2_W, ef2_b, nf_W, nf_b,
           up1_W, up1_b, up2_W, up2_b,
           mol_W1, mol_b1, mol_W2, mol_b2,
           ro_W1, ro_b1, ro_W2, ro_b2):
    f32 = jnp.float32
    z = nxyz[:, 0].astype(jnp.int32).reshape(N_ATOMS, 1)
    xyz = nxyz[:, 1:4]
    a0 = nbr_list[:, 0].astype(jnp.int32)
    a1 = nbr_list[:, 1].astype(jnp.int32)
    a0p = jnp.pad(a0, (0, EP - N_EDGES))
    a1p = jnp.pad(a1, (0, EP - N_EDGES))
    valid = jnp.pad(jnp.ones((N_EDGES,), f32), (0, EP - N_EDGES)).reshape(EP, 1)
    zeros_blk = jnp.zeros((RPS, F), f32)

    emb_pad = jnp.zeros((F, F), f32).at[:100].set(atom_embed)
    b3 = lambda b: b.reshape(N_CONV, 1, F)
    ef1b, ef2b, nfb = b3(ef1_b), b3(ef2_b), b3(nf_b)
    up1b, up2b = b3(up1_b), b3(up2_b)

    d2w = _sc_d2(xyz[:, 0].ravel(), xyz[:, 1].ravel(), xyz[:, 2].ravel(), a0p, a1p)
    d2 = d2w.reshape(EP, 1)

    offsets = jnp.linspace(0.0, CUTOFF, G)
    width = offsets[1] - offsets[0]
    coeff = (-0.5 / (width ** 2)).astype(f32).reshape(1, 1)
    we0, we1, we2 = _tc_we(d2, valid, offsets.reshape(1, G), coeff,
                           ef1_W, ef1b, ef2_W, ef2b)
    wes = (we0, we1, we2)

    r, nodes = _tc_embed(z, emb_pad, nf_W, nfb)

    for i in range(N_CONV):
        part = _sc_msg(nodes, wes[i], a0p, a1p, zeros_blk)
        want_nodes = i < N_CONV - 1
        res = _tc_update(i, want_nodes, r, part[0, :N_ATOMS], part[1, :N_ATOMS],
                         up1_W, up1b, up2_W, up2b, nf_W, nfb)
        if want_nodes:
            r, nodes = res
        else:
            (r,) = res

    r2 = r.reshape(N_SPECIES * N_CONFS, MOL_SIZE * F)
    S = jnp.tile(jnp.eye(F, dtype=f32), (MOL_SIZE, 1))
    P = jnp.kron(jnp.eye(N_SPECIES, dtype=f32), jnp.ones((1, N_CONFS), f32))
    wcol = weights.reshape(N_SPECIES * N_CONFS, 1)
    mb1 = mol_b1.reshape(1, -1)
    mb2 = mol_b2.reshape(1, -1)
    rb1 = ro_b1.reshape(1, -1)
    rb2 = ro_b2.reshape(1, 1)
    return _tc_readout(r2, S, mol_W1, mb1, mol_W2, mb2, wcol, P,
                       ro_W1, rb1, ro_W2, rb2)

# --- scband reference (transcript-rebuilt; emitter-appended) ---
"""Pipeline reference for scband-weighted-conformers-9113920602468 (READ-ONLY COPY).

The authoritative reference and input builder live on the scoring server;
editing this copy changes nothing except your own understanding.
"""

import jax, jax.numpy as jnp
import numpy as np

N_ATOMS = 10000
N_EDGES = 160000
N_SPECIES = 50
N_CONFS = 10
MOL_SIZE = 20
N_ATOM_BASIS = 128
N_FILTERS = 128
N_GAUSS = 32
N_CONV = 3
CUTOFF = 5.0
MOL_HID = 192
MOL_BASIS = 256
RO_HID = 128


def ssp(x):
    # shifted softplus: softplus(x) - log(2)
    return jax.nn.softplus(x) - jnp.log(2.0)


def setup_inputs(seed: int = 0) -> dict:
    key = jax.random.key(seed)
    keys = list(jax.random.split(key, 80))
    kit = iter(keys)

    def nk():
        return next(kit)

    def dense(i, o, s=0.05):
        W = jax.random.normal(nk(), (i, o), dtype=jnp.float32) * s
        b = jax.random.normal(nk(), (o,), dtype=jnp.float32) * 0.01
        return W, b

    def stacked(n, i, o):
        Ws, bs = [], []
        for _ in range(n):
            W, b = dense(i, o)
            Ws.append(W)
            bs.append(b)
        return jnp.stack(Ws), jnp.stack(bs)

    z = jax.random.randint(nk(), (N_ATOMS,), 1, 100)
    xyz = jax.random.normal(nk(), (N_ATOMS, 3), dtype=jnp.float32) * 3.0
    nxyz = jnp.concatenate([z.astype(jnp.float32)[:, None], xyz], axis=1)
    nbr_list = jax.random.randint(nk(), (N_EDGES, 2), 0, N_ATOMS)
    w = jax.random.uniform(nk(), (N_SPECIES, N_CONFS), dtype=jnp.float32) + 0.1
    weights = (w / w.sum(axis=1, keepdims=True)).reshape(-1)

    atom_embed = jax.random.normal(nk(), (100, N_ATOM_BASIS), dtype=jnp.float32) * 0.1
    atom_embed = atom_embed.at[0].set(0.0)  # padding_idx=0

    ef1_W, ef1_b = stacked(N_CONV, N_GAUSS, N_FILTERS)
    ef2_W, ef2_b = stacked(N_CONV, N_FILTERS, N_FILTERS)
    nf_W, nf_b = stacked(N_CONV, N_ATOM_BASIS, N_FILTERS)
    up1_W, up1_b = stacked(N_CONV, N_FILTERS, N_ATOM_BASIS)
    up2_W, up2_b = stacked(N_CONV, N_ATOM_BASIS, N_ATOM_BASIS)
    mol_W1, mol_b1 = dense(N_ATOM_BASIS, MOL_HID)
    mol_W2, mol_b2 = dense(MOL_HID, MOL_BASIS)
    ro_W1, ro_b1 = dense(MOL_BASIS, RO_HID)
    ro_W2, ro_b2 = dense(RO_HID, 1)

    return {
        "nxyz": nxyz, "nbr_list": nbr_list, "weights": weights,
        "atom_embed": atom_embed,
        "ef1_W": ef1_W, "ef1_b": ef1_b, "ef2_W": ef2_W, "ef2_b": ef2_b,
        "nf_W": nf_W, "nf_b": nf_b,
        "up1_W": up1_W, "up1_b": up1_b, "up2_W": up2_W, "up2_b": up2_b,
        "mol_W1": mol_W1, "mol_b1": mol_b1, "mol_W2": mol_W2, "mol_b2": mol_b2,
        "ro_W1": ro_W1, "ro_b1": ro_b1, "ro_W2": ro_W2, "ro_b2": ro_b2,
    }


def reference(nxyz, nbr_list, weights, atom_embed,
              ef1_W, ef1_b, ef2_W, ef2_b, nf_W, nf_b,
              up1_W, up1_b, up2_W, up2_b,
              mol_W1, mol_b1, mol_W2, mol_b2,
              ro_W1, ro_b1, ro_W2, ro_b2):
    z = jax.lax.stop_gradient(nxyz[:, 0]).astype(jnp.int32)
    xyz = nxyz[:, 1:4]
    a = nbr_list
    # edge distances e = ||xyz[i] - xyz[j]||  (offsets = 0)
    e = jnp.sqrt(jnp.sum((xyz[a[:, 0]] - xyz[a[:, 1]]) ** 2, axis=1))[:, None]
    # gaussian smearing of distances
    offsets = jnp.linspace(0.0, CUTOFF, N_GAUSS)
    width = offsets[1] - offsets[0]
    coeff = -0.5 / (width ** 2)
    g = jnp.exp(coeff * (e - offsets[None, :]) ** 2)  # [E, G]

    # atomic embedding (gather)
    r = jnp.take(atom_embed, z, axis=0)  # [N, n_atom_basis]

    for i in range(N_CONV):
        # message edge filter: Dense -> ssp -> Dense on smeared distances
        W_e = ssp(g @ ef1_W[i] + ef1_b[i]) @ ef2_W[i] + ef2_b[i]  # [E, F]
        # message node filter
        nodes = r @ nf_W[i] + nf_b[i]  # [N, F]
        m_ij = jnp.take(nodes, a[:, 0], axis=0) * W_e
        m_ji = jnp.take(nodes, a[:, 1], axis=0) * W_e
        # symmetric scatter-add aggregation
        agg = jnp.zeros((r.shape[0], N_FILTERS), dtype=r.dtype)
        agg = agg.at[a[:, 1]].add(m_ij)
        agg = agg.at[a[:, 0]].add(m_ji)
        # update network, residual connection
        dr = ssp(agg @ up1_W[i] + up1_b[i]) @ up2_W[i] + up2_b[i]
        r = r + dr

    # split atomic fps by molecule / conformer, sum atoms per conformer
    conf_fps = r.reshape(N_SPECIES, N_CONFS, MOL_SIZE, N_ATOM_BASIS).sum(axis=2)
    # per-conformer molecular fingerprint network
    mol_fps = ssp(conf_fps @ mol_W1 + mol_b1) @ mol_W2 + mol_b2  # [S, C, mol_basis]
    # boltzmann 'multiply': weight conformers and sum per species
    w = weights.reshape(N_SPECIES, N_CONFS)
    final_fp = (mol_fps * w[..., None]).sum(axis=1)  # [S, mol_basis]
    # readout head ('covid')
    out = ssp(final_fp @ ro_W1 + ro_b1) @ ro_W2 + ro_b2  # [S, 1]
    return out


if False:  # reference __main__ guard neutralized (emitter)
    inp = setup_inputs()
    out = reference(**inp)
    print(out.shape)

if __name__ == "__main__":
    import jax
    _d = setup_inputs()
    print(jax.jit(kernel)(*tuple(_d.values())))

</pallas_src>

<mosaic_0001>
#map = affine_map<(d0, d1) -> (0, 0)>
#map1 = affine_map<(d0, d1) -> (0)>
#map2 = affine_map<(d0, d1) -> (0, 0, 0)>
module attributes {stable_mosaic.version = 14 : i64} {
  func.func @_sc_msg_body(%arg0: i32, %arg1: i32, %arg2: memref<10000x128xf32, #tpu.memory_space<hbm>>, %arg3: memref<163840x128xf32, #tpu.memory_space<hbm>>, %arg4: memref<163840xi32, #tpu.memory_space<hbm>>, %arg5: memref<163840xi32, #tpu.memory_space<hbm>>, %arg6: memref<632x128xf32, #tpu.memory_space<hbm>>, %arg7: memref<2x10112x128xf32, #tpu.memory_space<hbm>>, %arg8: memref<64xi32, #tpu.memory_space<vmem>>, %arg9: memref<64xi32, #tpu.memory_space<vmem>>, %arg10: memref<64xi32, #tpu.memory_space<vmem>>, %arg11: memref<64xi32, #tpu.memory_space<vmem>>, %arg12: memref<64x128xf32, #tpu.memory_space<vmem>>, %arg13: memref<64x128xf32, #tpu.memory_space<vmem>>, %arg14: memref<64x128xf32, #tpu.memory_space<vmem>>, %arg15: memref<64x128xf32, #tpu.memory_space<vmem>>, %arg16: memref<64x128xf32, #tpu.memory_space<vmem>>, %arg17: memref<64x128xf32, #tpu.memory_space<vmem>>, %arg18: memref<10112x128xf32, #tpu.memory_space<vmem_shared>>, %arg19: memref<!tpu.dma_semaphore, #tpu.memory_space<semaphore_mem>>, %arg20: memref<!tpu.dma_semaphore, #tpu.memory_space<semaphore_mem>>, %arg21: memref<!tpu.dma_semaphore, #tpu.memory_space<semaphore_mem>>, %arg22: memref<!tpu.dma_semaphore, #tpu.memory_space<semaphore_mem>>, %arg23: memref<!tpu.dma_semaphore, #tpu.memory_space<semaphore_mem>>, %arg24: memref<!tpu.dma_semaphore, #tpu.memory_space<semaphore_mem>>, %arg25: memref<!tpu.dma_semaphore, #tpu.memory_space<semaphore_mem>>, %arg26: memref<!tpu.dma_semaphore, #tpu.memory_space<semaphore_mem>>) attributes {dimension_semantics = [#tpu.dimension_semantics<core_parallel>, #tpu.dimension_semantics<subcore_parallel>], iteration_bounds = array<i64: 2, 16>, scalar_prefetch = 0 : i64, scratch_operands = 19 : i64, tpu.core_type = #tpu.core_type<sc_vector_subcore>, window_params = [{transform_indices = #map}, {transform_indices = #map}, {transform_indices = #map1}, {transform_indices = #map1}, {transform_indices = #map}, {transform_indices = #map2}]} {
    %eq3A = arith.constant 0 : i32
    %eq3A_0 = arith.cmpi eq, %arg0, %eq3A : i32
    %jit3A = arith.constant 102 : i32
    %jit3A_1 = arith.constant 58 : i32
    %select_n3A = arith.select %eq3A_0, %jit3A, %jit3A_1 : i32
    %eq3A_2 = arith.constant 0 : i32
    %eq3A_3 = arith.cmpi eq, %arg0, %eq3A_2 : i32
    %mul3A = arith.constant 102 : i32
    %mul3A_4 = arith.muli %arg1, %mul3A : i32
    %mul3A_5 = arith.constant 58 : i32
    %mul3A_6 = arith.muli %arg1, %mul3A_5 : i32
    %add3A = arith.constant 1632 : i32
    %add3A_7 = arith.addi %add3A, %mul3A_6 : i32
    %select_n3A_8 = arith.select %eq3A_3, %mul3A_4, %add3A_7 : i32
    %mul3A_9 = arith.constant 632 : i32
    %mul3A_10 = arith.muli %arg1, %mul3A_9 : i32
    "tpu.region"() ({
      %run_scoped3A = tpu.sem_alloc : memref<!tpu.dma_semaphore, #tpu.memory_space<semaphore_mem>>
      %dma_start3A = arith.constant 0 : i32
      %dma_start3A_45 = tpu.memref_slice %arg18[%mul3A_10, %dma_start3A] : memref<10112x128xf32, #tpu.memory_space<vmem_shared>> -> memref<632x128xf32, #tpu.memory_space<vmem_shared>>
      tpu.enqueue_dma source(%arg6 : memref<632x128xf32, #tpu.memory_space<hbm>>) target(%dma_start3A_45 : memref<632x128xf32, #tpu.memory_space<vmem_shared>>) target_semaphore(%run_scoped3A : memref<!tpu.dma_semaphore, #tpu.memory_space<semaphore_mem>>)
      %dma_wait3A = arith.constant 0 : i32
      %dma_wait3A_46 = tpu.memref_slice %arg18[%mul3A_10, %dma_wait3A] : memref<10112x128xf32, #tpu.memory_space<vmem_shared>> -> memref<632x128xf32, #tpu.memory_space<vmem_shared>>
      tpu.wait_dma2 semaphore(%run_scoped3A : memref<!tpu.dma_semaphore, #tpu.memory_space<semaphore_mem>>) src(%arg6 : memref<632x128xf32, #tpu.memory_space<hbm>>) dst(%dma_wait3A_46 : memref<632x128xf32, #tpu.memory_space<vmem_shared>>)
      tpu.yield
    }) : () -> ()
    %barrier3A = arith.constant 0 : index
    tpu.barrier barrier_id(%barrier3A)
    %jit3A_11 = arith.constant 2 : i32
    %div3A = arith.divsi %select_n3A, %jit3A_11 : i32
    %sign3A = arith.constant 0 : i32
    %sign3A_12 = arith.cmpi sgt, %select_n3A, %sign3A : i32
    %sign3A_13 = arith.extui %sign3A_12 : i1 to i32
    %sign3A_14 = arith.constant 0 : i32
    %sign3A_15 = arith.cmpi slt, %select_n3A, %sign3A_14 : i32
    %sign3A_16 = arith.extui %sign3A_15 : i1 to i32
    %sign3A_17 = arith.subi %sign3A_13, %sign3A_16 : i32
    %sign3A_18 = arith.constant 0 : i32
    %sign3A_19 = arith.cmpi sgt, %jit3A_11, %sign3A_18 : i32
    %sign3A_20 = arith.extui %sign3A_19 : i1 to i32
    %sign3A_21 = arith.constant 0 : i32
    %sign3A_22 = arith.cmpi slt, %jit3A_11, %sign3A_21 : i32
    %sign3A_23 = arith.extui %sign3A_22 : i1 to i32
    %sign3A_24 = arith.subi %sign3A_20, %sign3A_23 : i32
    %ne3A = arith.cmpi ne, %sign3A_17, %sign3A_24 : i32
    %rem3A = arith.remsi %select_n3A, %jit3A_11 : i32
    %ne3A_25 = arith.constant 0 : i32
    %ne3A_26 = arith.cmpi ne, %rem3A, %ne3A_25 : i32
    %and3A = arith.andi %ne3A, %ne3A_26 : i1
    %sub3A = arith.constant 1 : i32
    %sub3A_27 = arith.subi %div3A, %sub3A : i32
    %select_n3A_28 = arith.select %and3A, %sub3A_27, %div3A : i32
    %while3A = arith.constant 0 : i32
    %while3A_29 = arith.constant 0 : i32
    %while3A_30 = arith.subi %select_n3A_28, %while3A : i32
    %while3A_31 = arith.addi %while3A, %while3A_30 : i32
    %while3A_32 = arith.constant 1 : i32
    %while3A_33 = arith.divsi %while3A_30, %while3A_32 : i32
    %while3A_34 = arith.muli %while3A_33, %while3A_32 : i32
    %while3A_35 = arith.addi %while3A, %while3A_34 : i32
    %while3A_36 = arith.constant 1 : i32
    %while3A_37 = scf.for %while3A_45 = %while3A to %while3A_35 step %while3A_36 iter_args(%while3A_46 = %while3A_29) -> (i32)  : i32 {
      %mul3A_47 = arith.constant 2 : i32
      %mul3A_48 = arith.muli %mul3A_47, %while3A_45 : i32
      %add3A_49 = arith.constant 0 : i32
      %add3A_50 = arith.addi %mul3A_48, %add3A_49 : i32
      %add3A_51 = arith.addi %select_n3A_8, %add3A_50 : i32
      %mul3A_52 = arith.constant 64 : i32
      %mul3A_53 = arith.muli %add3A_51, %mul3A_52 : i32
      %dma_start3A = tpu.memref_slice %arg4[%mul3A_53] : memref<163840xi32, #tpu.memory_space<hbm>> -> memref<64xi32, #tpu.memory_space<hbm>>
      %dma_start3A_54 = tpu.memref_slice %arg4[%mul3A_53] : memref<163840xi32, #tpu.memory_space<hbm>> -> memref<64xi32, #tpu.memory_space<hbm>>
      tpu.enqueue_dma source(%dma_start3A_54 : memref<64xi32, #tpu.memory_space<hbm>>) target(%arg8 : memref<64xi32, #tpu.memory_space<vmem>>) target_semaphore(%arg19 : memref<!tpu.dma_semaphore, #tpu.memory_space<semaphore_mem>>)
      %add3A_55 = arith.addi %select_n3A_8, %add3A_50 : i32
      %mul3A_56 = arith.constant 64 : i32
      %mul3A_57 = arith.muli %add3A_55, %mul3A_56 : i32
      %dma_start3A_58 = tpu.memref_slice %arg5[%mul3A_57] : memref<163840xi32, #tpu.memory_space<hbm>> -> memref<64xi32, #tpu.memory_space<hbm>>
      %dma_start3A_59 = tpu.memref_slice %arg5[%mul3A_57] : memref<163840xi32, #tpu.memory_space<hbm>> -> memref<64xi32, #tpu.memory_space<hbm>>
      tpu.enqueue_dma source(%dma_start3A_59 : memref<64xi32, #tpu.memory_space<hbm>>) target(%arg10 : memref<64xi32, #tpu.memory_space<vmem>>) target_semaphore(%arg19 : memref<!tpu.dma_semaphore, #tpu.memory_space<semaphore_mem>>)
      %dma_wait3A = arith.constant 0 : i32
      %dma_wait3A_60 = tpu.memref_slice %arg4[%dma_wait3A] : memref<163840xi32, #tpu.memory_space<hbm>> -> memref<64xi32, #tpu.memory_space<hbm>>
      %dma_wait3A_61 = arith.constant 0 : i32
      %dma_wait3A_62 = tpu.memref_slice %arg4[%dma_wait3A_61] : memref<163840xi32, #tpu.memory_space<hbm>> -> memref<64xi32, #tpu.memory_space<hbm>>
      tpu.wait_dma2 semaphore(%arg19 : memref<!tpu.dma_semaphore, #tpu.memory_space<semaphore_mem>>) src(%dma_wait3A_62 : memref<64xi32, #tpu.memory_space<hbm>>) dst(%arg8 : memref<64xi32, #tpu.memory_space<vmem>>)
      %dma_wait3A_63 = arith.constant 0 : i32
      %dma_wait3A_64 = tpu.memref_slice %arg5[%dma_wait3A_63] : memref<163840xi32, #tpu.memory_space<hbm>> -> memref<64xi32, #tpu.memory_space<hbm>>
      %dma_wait3A_65 = arith.constant 0 : i32
      %dma_wait3A_66 = tpu.memref_slice %arg5[%dma_wait3A_65] : memref<163840xi32, #tpu.memory_space<hbm>> -> memref<64xi32, #tpu.memory_space<hbm>>
      tpu.wait_dma2 semaphore(%arg19 : memref<!tpu.dma_semaphore, #tpu.memory_space<semaphore_mem>>) src(%dma_wait3A_66 : memref<64xi32, #tpu.memory_space<hbm>>) dst(%arg10 : memref<64xi32, #tpu.memory_space<vmem>>)
      %dma_start3A_67 = arith.constant 0 : i32
      %dma_start3A_68 = arith.constant 0 : i32
      %dma_start3A_69 = tpu.memref_slice %arg2[%dma_start3A_67, %dma_start3A_68] : memref<10000x128xf32, #tpu.memory_space<hbm>> -> memref<10000x128xf32, #tpu.memory_space<hbm>>
      tpu.enqueue_indirect_dma source(%dma_start3A_69 : memref<10000x128xf32, #tpu.memory_space<hbm>>) target(%arg12 : memref<64x128xf32, #tpu.memory_space<vmem>>) offsets(%arg8 : memref<64xi32, #tpu.memory_space<vmem>>) semaphore(%arg21 : memref<!tpu.dma_semaphore, #tpu.memory_space<semaphore_mem>>)
      %dma_start3A_70 = arith.constant 0 : i32
      %dma_start3A_71 = arith.constant 0 : i32
      %dma_start3A_72 = tpu.memref_slice %arg2[%dma_start3A_70, %dma_start3A_71] : memref<10000x128xf32, #tpu.memory_space<hbm>> -> memref<10000x128xf32, #tpu.memory_space<hbm>>
      tpu.enqueue_indirect_dma source(%dma_start3A_72 : memref<10000x128xf32, #tpu.memory_space<hbm>>) target(%arg14 : memref<64x128xf32, #tpu.memory_space<vmem>>) offsets(%arg10 : memref<64xi32, #tpu.memory_space<vmem>>) semaphore(%arg23 : memref<!tpu.dma_semaphore, #tpu.memory_space<semaphore_mem>>)
      %add3A_73 = arith.addi %select_n3A_8, %add3A_50 : i32
      %mul3A_74 = arith.constant 64 : i32
      %mul3A_75 = arith.muli %add3A_73, %mul3A_74 : i32
      %dma_start3A_76 = arith.constant 0 : i32
      %dma_start3A_77 = tpu.memref_slice %arg3[%mul3A_75, %dma_start3A_76] : memref<163840x128xf32, #tpu.memory_space<hbm>> -> memref<64x128xf32, #tpu.memory_space<hbm>>
      %dma_start3A_78 = arith.constant 0 : i32
      %dma_start3A_79 = tpu.memref_slice %arg3[%mul3A_75, %dma_start3A_78] : memref<163840x128xf32, #tpu.memory_space<hbm>> -> memref<64x128xf32, #tpu.memory_space<hbm>>
      tpu.enqueue_dma source(%dma_start3A_79 : memref<64x128xf32, #tpu.memory_space<hbm>>) target(%arg16 : memref<64x128xf32, #tpu.memory_space<vmem>>) target_semaphore(%arg25 : memref<!tpu.dma_semaphore, #tpu.memory_space<semaphore_mem>>)
      %dma_wait3A_80 = arith.constant 0 : i32
      %dma_wait3A_81 = arith.constant 0 : i32
      %dma_wait3A_82 = tpu.memref_slice %arg2[%dma_wait3A_80, %dma_wait3A_81] : memref<10000x128xf32, #tpu.memory_space<hbm>> -> memref<10000x128xf32, #tpu.memory_space<hbm>>
      tpu.wait_indirect_dma semaphore(%arg21 : memref<!tpu.dma_semaphore, #tpu.memory_space<semaphore_mem>>) src(%dma_wait3A_82 : memref<10000x128xf32, #tpu.memory_space<hbm>>) dst(%arg12 : memref<64x128xf32, #tpu.memory_space<vmem>>)
      %dma_wait3A_83 = arith.constant 0 : i32
      %dma_wait3A_84 = arith.constant 0 : i32
      %dma_wait3A_85 = tpu.memref_slice %arg2[%dma_wait3A_83, %dma_wait3A_84] : memref<10000x128xf32, #tpu.memory_space<hbm>> -> memref<10000x128xf32, #tpu.memory_space<hbm>>
      tpu.wait_indirect_dma semaphore(%arg23 : memref<!tpu.dma_semaphore, #tpu.memory_space<semaphore_mem>>) src(%dma_wait3A_85 : memref<10000x128xf32, #tpu.memory_space<hbm>>) dst(%arg14 : memref<64x128xf32, #tpu.memory_space<vmem>>)
      %dma_wait3A_86 = arith.constant 0 : i32
      %dma_wait3A_87 = arith.constant 0 : i32
      %dma_wait3A_88 = tpu.memref_slice %arg3[%dma_wait3A_86, %dma_wait3A_87] : memref<163840x128xf32, #tpu.memory_space<hbm>> -> memref<64x128xf32, #tpu.memory_space<hbm>>
      %dma_wait3A_89 = arith.constant 0 : i32
      %dma_wait3A_90 = arith.constant 0 : i32
      %dma_wait3A_91 = tpu.memref_slice %arg3[%dma_wait3A_89, %dma_wait3A_90] : memref<163840x128xf32, #tpu.memory_space<hbm>> -> memref<64x128xf32, #tpu.memory_space<hbm>>
      tpu.wait_dma2 semaphore(%arg25 : memref<!tpu.dma_semaphore, #tpu.memory_space<semaphore_mem>>) src(%dma_wait3A_91 : memref<64x128xf32, #tpu.memory_space<hbm>>) dst(%arg16 : memref<64x128xf32, #tpu.memory_space<vmem>>)
      %scan3A = arith.constant 0 : i32
      %scan3A_92 = arith.constant 0 : i32
      %scan3A_93 = arith.constant 64 : i32
      %scan3A_94 = arith.addi %scan3A_92, %scan3A_93 : i32
      %scan3A_95 = arith.constant 1 : i32
      %scan3A_96 = scf.for %scan3A_153 = %scan3A_92 to %scan3A_94 step %scan3A_95 iter_args(%scan3A_154 = %scan3A) -> (i32)  : i32 {
        %get3A = arith.index_cast %scan3A_153 : i32 to index
        %get3A_155 = arith.constant 0 : index
        %get3A_156 = tpu.vector_load %arg16[%get3A, %get3A_155] {strides = array<i32>} : memref<64x128xf32, #tpu.memory_space<vmem>>, vector<16xf32>,
        %get3A_157 = arith.index_cast %scan3A_153 : i32 to index
        %get3A_158 = arith.constant 0 : index
        %get3A_159 = tpu.vector_load %arg12[%get3A_157, %get3A_158] {strides = array<i32>} : memref<64x128xf32, #tpu.memory_space<vmem>>, vector<16xf32>,
        %mul3A_160 = arith.mulf %get3A_159, %get3A_156 : vector<16xf32>
        %swap3A = arith.index_cast %scan3A_153 : i32 to index
        %swap3A_161 = arith.constant 0 : index
        %swap3A_162 = tpu.vector_load %arg12[%swap3A, %swap3A_161] {strides = array<i32>} : memref<64x128xf32, #tpu.memory_space<vmem>>, vector<16xf32>,
        tpu.vector_store %arg12[%swap3A, %swap3A_161], %mul3A_160 {strides = array<i32>} : memref<64x128xf32, #tpu.memory_space<vmem>>, vector<16xf32>,
        %get3A_163 = arith.index_cast %scan3A_153 : i32 to index
        %get3A_164 = arith.constant 0 : index
        %get3A_165 = tpu.vector_load %arg14[%get3A_163, %get3A_164] {strides = array<i32>} : memref<64x128xf32, #tpu.memory_space<vmem>>, vector<16xf32>,
        %mul3A_166 = arith.mulf %get3A_165, %get3A_156 : vector<16xf32>
        %swap3A_167 = arith.index_cast %scan3A_153 : i32 to index
        %swap3A_168 = arith.constant 0 : index
        %swap3A_169 = tpu.vector_load %arg14[%swap3A_167, %swap3A_168] {strides = array<i32>} : memref<64x128xf32, #tpu.memory_space<vmem>>, vector<16xf32>,
        tpu.vector_store %arg14[%swap3A_167, %swap3A_168], %mul3A_166 {strides = array<i32>} : memref<64x128xf32, #tpu.memory_space<vmem>>, vector<16xf32>,
        %get3A_170 = arith.index_cast %scan3A_153 : i32 to index
        %get3A_171 = arith.constant 16 : index
        %get3A_172 = tpu.vector_load %arg16[%get3A_170, %get3A_171] {strides = array<i32>} : memref<64x128xf32, #tpu.memory_space<vmem>>, vector<16xf32>,
        %get3A_173 = arith.index_cast %scan3A_153 : i32 to index
        %get3A_174 = arith.constant 16 : index
        %get3A_175 = tpu.vector_load %arg12[%get3A_173, %get3A_174] {strides = array<i32>} : memref<64x128xf32, #tpu.memory_space<vmem>>, vector<16xf32>,
        %mul3A_176 = arith.mulf %get3A_175, %get3A_172 : vector<16xf32>
        %swap3A_177 = arith.index_cast %scan3A_153 : i32 to index
        %swap3A_178 = arith.constant 16 : index
        %swap3A_179 = tpu.vector_load %arg12[%swap3A_177, %swap3A_178] {strides = array<i32>} : memref<64x128xf32, #tpu.memory_space<vmem>>, vector<16xf32>,
        tpu.vector_store %arg12[%swap3A_177, %swap3A_178], %mul3A_176 {strides = array<i32>} : memref<64x128xf32, #tpu.memory_space<vmem>>, vector<16xf32>,
        %get3A_180 = arith.index_cast %scan3A_153 : i32 to index
        %get3A_181 = arith.constant 16 : index
        %get3A_182 = tpu.vector_load %arg14[%get3A_180, %get3A_181] {strides = array<i32>} : memref<64x128xf32, #tpu.memory_space<vmem>>, vector<16xf32>,
        %mul3A_183 = arith.mulf %get3A_182, %get3A_172 : vector<16xf32>
        %swap3A_184 = arith.index_cast %scan3A_153 : i32 to index
        %swap3A_185 = arith.constant 16 : index
        %swap3A_186 = tpu.vector_load %arg14[%swap3A_184, %swap3A_185] {strides = array<i32>} : memref<64x128xf32, #tpu.memory_space<vmem>>, vector<16xf32>,
        tpu.vector_store %arg14[%swap3A_184, %swap3A_185], %mul3A_183 {strides = array<i32>} : memref<64x128xf32, #tpu.memory_space<vmem>>, vector<16xf32>,
        %get3A_187 = arith.index_cast %scan3A_153 : i32 to index
        %get3A_188 = arith.constant 32 : index
        %get3A_189 = tpu.vector_load %arg16[%get3A_187, %get3A_188] {strides = array<i32>} : memref<64x128xf32, #tpu.memory_space<vmem>>, vector<16xf32>,
        %get3A_190 = arith.index_cast %scan3A_153 : i32 to index
        %get3A_191 = arith.constant 32 : index
        %get3A_192 = tpu.vector_load %arg12[%get3A_190, %get3A_191] {strides = array<i32>} : memref<64x128xf32, #tpu.memory_space<vmem>>, vector<16xf32>,
        %mul3A_193 = arith.mulf %get3A_192, %get3A_189 : vector<16xf32>
        %swap3A_194 = arith.index_cast %scan3A_153 : i32 to index
        %swap3A_195 = arith.constant 32 : index
        %swap3A_196 = tpu.vector_load %arg12[%swap3A_194, %swap3A_195] {strides = array<i32>} : memref<64x128xf32, #tpu.memory_space<vmem>>, vector<16xf32>,
        tpu.vector_store %arg12[%swap3A_194, %swap3A_195], %mul3A_193 {strides = array<i32>} : memref<64x128xf32, #tpu.memory_space<vmem>>, vector<16xf32>,
        %get3A_197 = arith.index_cast %scan3A_153 : i32 to index
        %get3A_198 = arith.constant 32 : index
        %get3A_199 = tpu.vector_load %arg14[%get3A_197, %get3A_198] {strides = array<i32>} : memref<64x128xf32, #tpu.memory_space<vmem>>, vector<16xf32>,
        %mul3A_200 = arith.mulf %get3A_199, %get3A_189 : vector<16xf32>
        %swap3A_201 = arith.index_cast %scan3A_153 : i32 to index
        %swap3A_202 = arith.constant 32 : index
        %swap3A_203 = tpu.vector_load %arg14[%swap3A_201, %swap3A_202] {strides = array<i32>} : memref<64x128xf32, #tpu.memory_space<vmem>>, vector<16xf32>,
        tpu.vector_store %arg14[%swap3A_201, %swap3A_202], %mul3A_200 {strides = array<i32>} : memref<64x128xf32, #tpu.memory_space<vmem>>, vector<16xf32>,
        %get3A_204 = arith.index_cast %scan3A_153 : i32 to index
        %get3A_205 = arith.constant 48 : index
        %get3A_206 = tpu.vector_load %arg16[%get3A_204, %get3A_205] {strides = array<i32>} : memref<64x128xf32, #tpu.memory_space<vmem>>, vector<16xf32>,
        %get3A_207 = arith.index_cast %scan3A_153 : i32 to index
        %get3A_208 = arith.constant 48 : index
        %get3A_209 = tpu.vector_load %arg12[%get3A_207, %get3A_208] {strides = array<i32>} : memref<64x128xf32, #tpu.memory_space<vmem>>, vector<16xf32>,
        %mul3A_210 = arith.mulf %get3A_209, %get3A_206 : vector<16xf32>
        %swap3A_211 = arith.index_cast %scan3A_153 : i32 to index
        %swap3A_212 = arith.constant 48 : index
        %swap3A_213 = tpu.vector_load %arg12[%swap3A_211, %swap3A_212] {strides = array<i32>} : memref<64x128xf32, #tpu.memory_space<vmem>>, vector<16xf32>,
        tpu.vector_store %arg12[%swap3A_211, %swap3A_212], %mul3A_210 {strides = array<i32>} : memref<64x128xf32, #tpu.memory_space<vmem>>, vector<16xf32>,
        %get3A_214 = arith.index_cast %scan3A_153 : i32 to index
        %get3A_215 = arith.constant 48 : index
        %get3A_216 = tpu.vector_load %arg14[%get3A_214, %get3A_215] {strides = array<i32>} : memref<64x128xf32, #tpu.memory_space<vmem>>, vector<16xf32>,
        %mul3A_217 = arith.mulf %get3A_216, %get3A_206 : vector<16xf32>
        %swap3A_218 = arith.index_cast %scan3A_153 : i32 to index
        %swap3A_219 = arith.constant 48 : index
        %swap3A_220 = tpu.vector_load %arg14[%swap3A_218, %swap3A_219] {strides = array<i32>} : memref<64x128xf32, #tpu.memory_space<vmem>>, vector<16xf32>,
        tpu.vector_store %arg14[%swap3A_218, %swap3A_219], %mul3A_217 {strides = array<i32>} : memref<64x128xf32, #tpu.memory_space<vmem>>, vector<16xf32>,
        %get3A_221 = arith.index_cast %scan3A_153 : i32 to index
        %get3A_222 = arith.constant 64 : index
        %get3A_223 = tpu.vector_load %arg16[%get3A_221, %get3A_222] {strides = array<i32>} : memref<64x128xf32, #tpu.memory_space<vmem>>, vector<16xf32>,
        %get3A_224 = arith.index_cast %scan3A_153 : i32 to index
        %get3A_225 = arith.constant 64 : index
        %get3A_226 = tpu.vector_load %arg12[%get3A_224, %get3A_225] {strides = array<i32>} : memref<64x128xf32, #tpu.memory_space<vmem>>, vector<16xf32>,
        %mul3A_227 = arith.mulf %get3A_226, %get3A_223 : vector<16xf32>
        %swap3A_228 = arith.index_cast %scan3A_153 : i32 to index
        %swap3A_229 = arith.constant 64 : index
        %swap3A_230 = tpu.vector_load %arg12[%swap3A_228, %swap3A_229] {strides = array<i32>} : memref<64x128xf32, #tpu.memory_space<vmem>>, vector<16xf32>,
        tpu.vector_store %arg12[%swap3A_228, %swap3A_229], %mul3A_227 {strides = array<i32>} : memref<64x128xf32, #tpu.memory_space<vmem>>, vector<16xf32>,
        %get3A_231 = arith.index_cast %scan3A_153 : i32 to index
        %get3A_232 = arith.constant 64 : index
        %get3A_233 = tpu.vector_load %arg14[%get3A_231, %get3A_232] {strides = array<i32>} : memref<64x128xf32, #tpu.memory_space<vmem>>, vector<16xf32>,
        %mul3A_234 = arith.mulf %get3A_233, %get3A_223 : vector<16xf32>
        %swap3A_235 = arith.index_cast %scan3A_153 : i32 to index
        %swap3A_236 = arith.constant 64 : index
        %swap3A_237 = tpu.vector_load %arg14[%swap3A_235, %swap3A_236] {strides = array<i32>} : memref<64x128xf32, #tpu.memory_space<vmem>>, vector<16xf32>,
        tpu.vector_store %arg14[%swap3A_235, %swap3A_236], %mul3A_234 {strides = array<i32>} : memref<64x128xf32, #tpu.memory_space<vmem>>, vector<16xf32>,
        %get3A_238 = arith.index_cast %scan3A_153 : i32 to index
        %get3A_239 = arith.constant 80 : index
        %get3A_240 = tpu.vector_load %arg16[%get3A_238, %get3A_239] {strides = array<i32>} : memref<64x128xf32, #tpu.memory_space<vmem>>, vector<16xf32>,
        %get3A_241 = arith.index_cast %scan3A_153 : i32 to index
        %get3A_242 = arith.constant 80 : index
        %get3A_243 = tpu.vector_load %arg12[%get3A_241, %get3A_242] {strides = array<i32>} : memref<64x128xf32, #tpu.memory_space<vmem>>, vector<16xf32>,
        %mul3A_244 = arith.mulf %get3A_243, %get3A_240 : vector<16xf32>
        %swap3A_245 = arith.index_cast %scan3A_153 : i32 to index
        %swap3A_246 = arith.constant 80 : index
        %swap3A_247 = tpu.vector_load %arg12[%swap3A_245, %swap3A_246] {strides = array<i32>} : memref<64x128xf32, #tpu.memory_space<vmem>>, vector<16xf32>,
        tpu.vector_store %arg12[%swap3A_245, %swap3A_246], %mul3A_244 {strides = array<i32>} : memref<64x128xf32, #tpu.memory_space<vmem>>, vector<16xf32>,
        %get3A_248 = arith.index_cast %scan3A_153 : i32 to index
        %get3A_249 = arith.constant 80 : index
        %get3A_250 = tpu.vector_load %arg14[%get3A_248, %get3A_249] {strides = array<i32>} : memref<64x128xf32, #tpu.memory_space<vmem>>, vector<16xf32>,
        %mul3A_251 = arith.mulf %get3A_250, %get3A_240 : vector<16xf32>
        %swap3A_252 = arith.index_cast %scan3A_153 : i32 to index
        %swap3A_253 = arith.constant 80 : index
        %swap3A_254 = tpu.vector_load %arg14[%swap3A_252, %swap3A_253] {strides = array<i32>} : memref<64x128xf32, #tpu.memory_space<vmem>>, vector<16xf32>,
        tpu.vector_store %arg14[%swap3A_252, %swap3A_253], %mul3A_251 {strides = array<i32>} : memref<64x128xf32, #tpu.memory_space<vmem>>, vector<16xf32>,
        %get3A_255 = arith.index_cast %scan3A_153 : i32 to index
        %get3A_256 = arith.constant 96 : index
        %get3A_257 = tpu.vector_load %arg16[%get3A_255, %get3A_256] {strides = array<i32>} : memref<64x128xf32, #tpu.memory_space<vmem>>, vector<16xf32>,
        %get3A_258 = arith.index_cast %scan3A_153 : i32 to index
        %get3A_259 = arith.constant 96 : index
        %get3A_260 = tpu.vector_load %arg12[%get3A_258, %get3A_259] {strides = array<i32>} : memref<64x128xf32, #tpu.memory_space<vmem>>, vector<16xf32>,
        %mul3A_261 = arith.mulf %get3A_260, %get3A_257 : vector<16xf32>
        %swap3A_262 = arith.index_cast %scan3A_153 : i32 to index
        %swap3A_263 = arith.constant 96 : index
        %swap3A_264 = tpu.vector_load %arg12[%swap3A_262, %swap3A_263] {strides = array<i32>} : memref<64x128xf32, #tpu.memory_space<vmem>>, vector<16xf32>,
        tpu.vector_store %arg12[%swap3A_262, %swap3A_263], %mul3A_261 {strides = array<i32>} : memref<64x128xf32, #tpu.memory_space<vmem>>, vector<16xf32>,
        %get3A_265 = arith.index_cast %scan3A_153 : i32 to index
        %get3A_266 = arith.constant 96 : index
        %get3A_267 = tpu.vector_load %arg14[%get3A_265, %get3A_266] {strides = array<i32>} : memref<64x128xf32, #tpu.memory_space<vmem>>, vector<16xf32>,
        %mul3A_268 = arith.mulf %get3A_267, %get3A_257 : vector<16xf32>
        %swap3A_269 = arith.index_cast %scan3A_153 : i32 to index
        %swap3A_270 = arith.constant 96 : index
        %swap3A_271 = tpu.vector_load %arg14[%swap3A_269, %swap3A_270] {strides = array<i32>} : memref<64x128xf32, #tpu.memory_space<vmem>>, vector<16xf32>,
        tpu.vector_store %arg14[%swap3A_269, %swap3A_270], %mul3A_268 {strides = array<i32>} : memref<64x128xf32, #tpu.memory_space<vmem>>, vector<16xf32>,
        %get3A_272 = arith.index_cast %scan3A_153 : i32 to index
        %get3A_273 = arith.constant 112 : index
        %get3A_274 = tpu.vector_load %arg16[%get3A_272, %get3A_273] {strides = array<i32>} : memref<64x128xf32, #tpu.memory_space<vmem>>, vector<16xf32>,
        %get3A_275 = arith.index_cast %scan3A_153 : i32 to index
        %get3A_276 = arith.constant 112 : index
        %get3A_277 = tpu.vector_load %arg12[%get3A_275, %get3A_276] {strides = array<i32>} : memref<64x128xf32, #tpu.memory_space<vmem>>, vector<16xf32>,
        %mul3A_278 = arith.mulf %get3A_277, %get3A_274 : vector<16xf32>
        %swap3A_279 = arith.index_cast %scan3A_153 : i32 to index
        %swap3A_280 = arith.constant 112 : index
        %swap3A_281 = tpu.vector_load %arg12[%swap3A_279, %swap3A_280] {strides = array<i32>} : memref<64x128xf32, #tpu.memory_space<vmem>>, vector<16xf32>,
        tpu.vector_store %arg12[%swap3A_279, %swap3A_280], %mul3A_278 {strides = array<i32>} : memref<64x128xf32, #tpu.memory_space<vmem>>, vector<16xf32>,
        %get3A_282 = arith.index_cast %scan3A_153 : i32 to index
        %get3A_283 = arith.constant 112 : index
        %get3A_284 = tpu.vector_load %arg14[%get3A_282, %get3A_283] {strides = array<i32>} : memref<64x128xf32, #tpu.memory_space<vmem>>, vector<16xf32>,
        %mul3A_285 = arith.mulf %get3A_284, %get3A_274 : vector<16xf32>
        %swap3A_286 = arith.index_cast %scan3A_153 : i32 to index
        %swap3A_287 = arith.constant 112 : index
        %swap3A_288 = tpu.vector_load %arg14[%swap3A_286, %swap3A_287] {strides = array<i32>} : memref<64x128xf32, #tpu.memory_space<vmem>>, vector<16xf32>,
        tpu.vector_store %arg14[%swap3A_286, %swap3A_287], %mul3A_285 {strides = array<i32>} : memref<64x128xf32, #tpu.memory_space<vmem>>, vector<16xf32>,
        %scan3A_289 = arith.constant 0 : i32
        scf.yield %scan3A_289 : i32
      }
      %scan3A_97 = arith.constant 64 : i32
      "tpu.region"() ({
        %run_scoped3A = tpu.sem_alloc : memref<!tpu.dma_semaphore, #tpu.memory_space<semaphore_mem>>
        %dma_start3A_153 = arith.constant 0 : i32
        %dma_start3A_154 = arith.constant 0 : i32
        %dma_start3A_155 = tpu.memref_slice %arg18[%dma_start3A_153, %dma_start3A_154] : memref<10112x128xf32, #tpu.memory_space<vmem_shared>> -> memref<10112x128xf32, #tpu.memory_space<vmem_shared>>
        tpu.enqueue_indirect_dma source(%arg12 : memref<64x128xf32, #tpu.memory_space<vmem>>) target(%dma_start3A_155 : memref<10112x128xf32, #tpu.memory_space<vmem_shared>>) offsets(%arg10 : memref<64xi32, #tpu.memory_space<vmem>>) semaphore(%run_scoped3A : memref<!tpu.dma_semaphore, #tpu.memory_space<semaphore_mem>>) {add = true}
        %dma_wait3A_156 = arith.constant 0 : i32
        %dma_wait3A_157 = arith.constant 0 : i32
        %dma_wait3A_158 = tpu.memref_slice %arg18[%dma_wait3A_156, %dma_wait3A_157] : memref<10112x128xf32, #tpu.memory_space<vmem_shared>> -> memref<10112x128xf32, #tpu.memory_space<vmem_shared>>
        tpu.wait_indirect_dma semaphore(%run_scoped3A : memref<!tpu.dma_semaphore, #tpu.memory_space<semaphore_mem>>) src(%arg12 : memref<64x128xf32, #tpu.memory_space<vmem>>) dst(%dma_wait3A_158 : memref<10112x128xf32, #tpu.memory_space<vmem_shared>>)
        tpu.yield
      }) : () -> ()
      "tpu.region"() ({
        %run_scoped3A = tpu.sem_alloc : memref<!tpu.dma_semaphore, #tpu.memory_space<semaphore_mem>>
        %dma_start3A_153 = arith.constant 0 : i32
        %dma_start3A_154 = arith.constant 0 : i32
        %dma_start3A_155 = tpu.memref_slice %arg18[%dma_start3A_153, %dma_start3A_154] : memref<10112x128xf32, #tpu.memory_space<vmem_shared>> -> memref<10112x128xf32, #tpu.memory_space<vmem_shared>>
        tpu.enqueue_indirect_dma source(%arg14 : memref<64x128xf32, #tpu.memory_space<vmem>>) target(%dma_start3A_155 : memref<10112x128xf32, #tpu.memory_space<vmem_shared>>) offsets(%arg8 : memref<64xi32, #tpu.memory_space<vmem>>) semaphore(%run_scoped3A : memref<!tpu.dma_semaphore, #tpu.memory_space<semaphore_mem>>) {add = true}
        %dma_wait3A_156 = arith.constant 0 : i32
        %dma_wait3A_157 = arith.constant 0 : i32
        %dma_wait3A_158 = tpu.memref_slice %arg18[%dma_wait3A_156, %dma_wait3A_157] : memref<10112x128xf32, #tpu.memory_space<vmem_shared>> -> memref<10112x128xf32, #tpu.memory_space<vmem_shared>>
        tpu.wait_indirect_dma semaphore(%run_scoped3A : memref<!tpu.dma_semaphore, #tpu.memory_space<semaphore_mem>>) src(%arg14 : memref<64x128xf32, #tpu.memory_space<vmem>>) dst(%dma_wait3A_158 : memref<10112x128xf32, #tpu.memory_space<vmem_shared>>)
        tpu.yield
      }) : () -> ()
      %mul3A_98 = arith.constant 2 : i32
      %mul3A_99 = arith.muli %mul3A_98, %while3A_45 : i32
      %add3A_100 = arith.constant 1 : i32
      %add3A_101 = arith.addi %mul3A_99, %add3A_100 : i32
      %add3A_102 = arith.addi %select_n3A_8, %add3A_101 : i32
      %mul3A_103 = arith.constant 64 : i32
      %mul3A_104 = arith.muli %add3A_102, %mul3A_103 : i32
      %dma_start3A_105 = tpu.memref_slice %arg4[%mul3A_104] : memref<163840xi32, #tpu.memory_space<hbm>> -> memref<64xi32, #tpu.memory_space<hbm>>
      %dma_start3A_106 = tpu.memref_slice %arg4[%mul3A_104] : memref<163840xi32, #tpu.memory_space<hbm>> -> memref<64xi32, #tpu.memory_space<hbm>>
      tpu.enqueue_dma source(%dma_start3A_106 : memref<64xi32, #tpu.memory_space<hbm>>) target(%arg9 : memref<64xi32, #tpu.memory_space<vmem>>) target_semaphore(%arg20 : memref<!tpu.dma_semaphore, #tpu.memory_space<semaphore_mem>>)
      %add3A_107 = arith.addi %select_n3A_8, %add3A_101 : i32
      %mul3A_108 = arith.constant 64 : i32
      %mul3A_109 = arith.muli %add3A_107, %mul3A_108 : i32
      %dma_start3A_110 = tpu.memref_slice %arg5[%mul3A_109] : memref<163840xi32, #tpu.memory_space<hbm>> -> memref<64xi32, #tpu.memory_space<hbm>>
      %dma_start3A_111 = tpu.memref_slice %arg5[%mul3A_109] : memref<163840xi32, #tpu.memory_space<hbm>> -> memref<64xi32, #tpu.memory_space<hbm>>
      tpu.enqueue_dma source(%dma_start3A_111 : memref<64xi32, #tpu.memory_space<hbm>>) target(%arg11 : memref<64xi32, #tpu.memory_space<vmem>>) target_semaphore(%arg20 : memref<!tpu.dma_semaphore, #tpu.memory_space<semaphore_mem>>)
      %dma_wait3A_112 = arith.constant 0 : i32
      %dma_wait3A_113 = tpu.memref_slice %arg4[%dma_wait3A_112] : memref<163840xi32, #tpu.memory_space<hbm>> -> memref<64xi32, #tpu.memory_space<hbm>>
      %dma_wait3A_114 = arith.constant 0 : i32
      %dma_wait3A_115 = tpu.memref_slice %arg4[%dma_wait3A_114] : memref<163840xi32, #tpu.memory_space<hbm>> -> memref<64xi32, #tpu.memory_space<hbm>>
      tpu.wait_dma2 semaphore(%arg20 : memref<!tpu.dma_semaphore, #tpu.memory_space<semaphore_mem>>) src(%dma_wait3A_115 : memref<64xi32, #tpu.memory_space<hbm>>) dst(%arg9 : memref<64xi32, #tpu.memory_space<vmem>>)
      %dma_wait3A_116 = arith.constant 0 : i32
      %dma_wait3A_117 = tpu.memref_slice %arg5[%dma_wait3A_116] : memref<163840xi32, #tpu.memory_space<hbm>> -> memref<64xi32, #tpu.memory_space<hbm>>
      %dma_wait3A_118 = arith.constant 0 : i32
      %dma_wait3A_119 = tpu.memref_slice %arg5[%dma_wait3A_118] : memref<163840xi32, #tpu.memory_space<hbm>> -> memref<64xi32, #tpu.memory_space<hbm>>
      tpu.wait_dma2 semaphore(%arg20 : memref<!tpu.dma_semaphore, #tpu.memory_space<semaphore_mem>>) src(%dma_wait3A_119 : memref<64xi32, #tpu.memory_space<hbm>>) dst(%arg11 : memref<64xi32, #tpu.memory_space<vmem>>)
      %dma_start3A_120 = arith.constant 0 : i32
      %dma_start3A_121 = arith.constant 0 : i32
      %dma_start3A_122 = tpu.memref_slice %arg2[%dma_start3A_120, %dma_start3A_121] : memref<10000x128xf32, #tpu.memory_space<hbm>> -> memref<10000x128xf32, #tpu.memory_space<hbm>>
      tpu.enqueue_indirect_dma source(%dma_start3A_122 : memref<10000x128xf32, #tpu.memory_space<hbm>>) target(%arg13 : memref<64x128xf32, #tpu.memory_space<vmem>>) offsets(%arg9 : memref<64xi32, #tpu.memory_space<vmem>>) semaphore(%arg22 : memref<!tpu.dma_semaphore, #tpu.memory_space<semaphore_mem>>)
      %dma_start3A_123 = arith.constant 0 : i32
      %dma_start3A_124 = arith.constant 0 : i32
      %dma_start3A_125 = tpu.memref_slice %arg2[%dma_start3A_123, %dma_start3A_124] : memref<10000x128xf32, #tpu.memory_space<hbm>> -> memref<10000x128xf32, #tpu.memory_space<hbm>>
      tpu.enqueue_indirect_dma source(%dma_start3A_125 : memref<10000x128xf32, #tpu.memory_space<hbm>>) target(%arg15 : memref<64x128xf32, #tpu.memory_space<vmem>>) offsets(%arg11 : memref<64xi32, #tpu.memory_space<vmem>>) semaphore(%arg24 : memref<!tpu.dma_semaphore, #tpu.memory_space<semaphore_mem>>)
      %add3A_126 = arith.addi %select_n3A_8, %add3A_101 : i32
      %mul3A_127 = arith.constant 64 : i32
      %mul3A_128 = arith.muli %add3A_126, %mul3A_127 : i32
      %dma_start3A_129 = arith.constant 0 : i32
      %dma_start3A_130 = tpu.memref_slice %arg3[%mul3A_128, %dma_start3A_129] : memref<163840x128xf32, #tpu.memory_space<hbm>> -> memref<64x128xf32, #tpu.memory_space<hbm>>
      %dma_start3A_131 = arith.constant 0 : i32
      %dma_start3A_132 = tpu.memref_slice %arg3[%mul3A_128, %dma_start3A_131] : memref<163840x128xf32, #tpu.memory_space<hbm>> -> memref<64x128xf32, #tpu.memory_space<hbm>>
      tpu.enqueue_dma source(%dma_start3A_132 : memref<64x128xf32, #tpu.memory_space<hbm>>) target(%arg17 : memref<64x128xf32, #tpu.memory_space<vmem>>) target_semaphore(%arg26 : memref<!tpu.dma_semaphore, #tpu.memory_space<semaphore_mem>>)
      %dma_wait3A_133 = arith.constant 0 : i32
      %dma_wait3A_134 = arith.constant 0 : i32
      %dma_wait3A_135 = tpu.memref_slice %arg2[%dma_wait3A_133, %dma_wait3A_134] : memref<10000x128xf32, #tpu.memory_space<hbm>> -> memref<10000x128xf32, #tpu.memory_space<hbm>>
      tpu.wait_indirect_dma semaphore(%arg22 : memref<!tpu.dma_semaphore, #tpu.memory_space<semaphore_mem>>) src(%dma_wait3A_135 : memref<10000x128xf32, #tpu.memory_space<hbm>>) dst(%arg13 : memref<64x128xf32, #tpu.memory_space<vmem>>)
      %dma_wait3A_136 = arith.constant 0 : i32
      %dma_wait3A_137 = arith.constant 0 : i32
      %dma_wait3A_138 = tpu.memref_slice %arg2[%dma_wait3A_136, %dma_wait3A_137] : memref<10000x128xf32, #tpu.memory_space<hbm>> -> memref<10000x128xf32, #tpu.memory_space<hbm>>
      tpu.wait_indirect_dma semaphore(%arg24 : memref<!tpu.dma_semaphore, #tpu.memory_space<semaphore_mem>>) src(%dma_wait3A_138 : memref<10000x128xf32, #tpu.memory_space<hbm>>) dst(%arg15 : memref<64x128xf32, #tpu.memory_space<vmem>>)
      %dma_wait3A_139 = arith.constant 0 : i32
      %dma_wait3A_140 = arith.constant 0 : i32
      %dma_wait3A_141 = tpu.memref_slice %arg3[%dma_wait3A_139, %dma_wait3A_140] : memref<163840x128xf32, #tpu.memory_space<hbm>> -> memref<64x128xf32, #tpu.memory_space<hbm>>
      %dma_wait3A_142 = arith.constant 0 : i32
      %dma_wait3A_143 = arith.constant 0 : i32
      %dma_wait3A_144 = tpu.memref_slice %arg3[%dma_wait3A_142, %dma_wait3A_143] : memref<163840x128xf32, #tpu.memory_space<hbm>> -> memref<64x128xf32, #tpu.memory_space<hbm>>
      tpu.wait_dma2 semaphore(%arg26 : memref<!tpu.dma_semaphore, #tpu.memory_space<semaphore_mem>>) src(%dma_wait3A_144 : memref<64x128xf32, #tpu.memory_space<hbm>>) dst(%arg17 : memref<64x128xf32, #tpu.memory_space<vmem>>)
      %scan3A_145 = arith.constant 0 : i32
      %scan3A_146 = arith.constant 0 : i32
      %scan3A_147 = arith.constant 64 : i32
      %scan3A_148 = arith.addi %scan3A_146, %scan3A_147 : i32
      %scan3A_149 = arith.constant 1 : i32
      %scan3A_150 = scf.for %scan3A_153 = %scan3A_146 to %scan3A_148 step %scan3A_149 iter_args(%scan3A_154 = %scan3A_145) -> (i32)  : i32 {
        %get3A = arith.index_cast %scan3A_153 : i32 to index
        %get3A_155 = arith.constant 0 : index
        %get3A_156 = tpu.vector_load %arg17[%get3A, %get3A_155] {strides = array<i32>} : memref<64x128xf32, #tpu.memory_space<vmem>>, vector<16xf32>,
        %get3A_157 = arith.index_cast %scan3A_153 : i32 to index
        %get3A_158 = arith.constant 0 : index
        %get3A_159 = tpu.vector_load %arg13[%get3A_157, %get3A_158] {strides = array<i32>} : memref<64x128xf32, #tpu.memory_space<vmem>>, vector<16xf32>,
        %mul3A_160 = arith.mulf %get3A_159, %get3A_156 : vector<16xf32>
        %swap3A = arith.index_cast %scan3A_153 : i32 to index
        %swap3A_161 = arith.constant 0 : index
        %swap3A_162 = tpu.vector_load %arg13[%swap3A, %swap3A_161] {strides = array<i32>} : memref<64x128xf32, #tpu.memory_space<vmem>>, vector<16xf32>,
        tpu.vector_store %arg13[%swap3A, %swap3A_161], %mul3A_160 {strides = array<i32>} : memref<64x128xf32, #tpu.memory_space<vmem>>, vector<16xf32>,
        %get3A_163 = arith.index_cast %scan3A_153 : i32 to index
        %get3A_164 = arith.constant 0 : index
        %get3A_165 = tpu.vector_load %arg15[%get3A_163, %get3A_164] {strides = array<i32>} : memref<64x128xf32, #tpu.memory_space<vmem>>, vector<16xf32>,
        %mul3A_166 = arith.mulf %get3A_165, %get3A_156 : vector<16xf32>
        %swap3A_167 = arith.index_cast %scan3A_153 : i32 to index
        %swap3A_168 = arith.constant 0 : index
        %swap3A_169 = tpu.vector_load %arg15[%swap3A_167, %swap3A_168] {strides = array<i32>} : memref<64x128xf32, #tpu.memory_space<vmem>>, vector<16xf32>,
        tpu.vector_store %arg15[%swap3A_167, %swap3A_168], %mul3A_166 {strides = array<i32>} : memref<64x128xf32, #tpu.memory_space<vmem>>, vector<16xf32>,
        %get3A_170 = arith.index_cast %scan3A_153 : i32 to index
        %get3A_171 = arith.constant 16 : index
        %get3A_172 = tpu.vector_load %arg17[%get3A_170, %get3A_171] {strides = array<i32>} : memref<64x128xf32, #tpu.memory_space<vmem>>, vector<16xf32>,
        %get3A_173 = arith.index_cast %scan3A_153 : i32 to index
        %get3A_174 = arith.constant 16 : index
        %get3A_175 = tpu.vector_load %arg13[%get3A_173, %get3A_174] {strides = array<i32>} : memref<64x128xf32, #tpu.memory_space<vmem>>, vector<16xf32>,
        %mul3A_176 = arith.mulf %get3A_175, %get3A_172 : vector<16xf32>
        %swap3A_177 = arith.index_cast %scan3A_153 : i32 to index
        %swap3A_178 = arith.constant 16 : index
        %swap3A_179 = tpu.vector_load %arg13[%swap3A_177, %swap3A_178] {strides = array<i32>} : memref<64x128xf32, #tpu.memory_space<vmem>>, vector<16xf32>,
        tpu.vector_store %arg13[%swap3A_177, %swap3A_178], %mul3A_176 {strides = array<i32>} : memref<64x128xf32, #tpu.memory_space<vmem>>, vector<16xf32>,
        %get3A_180 = arith.index_cast %scan3A_153 : i32 to index
        %get3A_181 = arith.constant 16 : index
        %get3A_182 = tpu.vector_load %arg15[%get3A_180, %get3A_181] {strides = array<i32>} : memref<64x128xf32, #tpu.memory_space<vmem>>, vector<16xf32>,
        %mul3A_183 = arith.mulf %get3A_182, %get3A_172 : vector<16xf32>
        %swap3A_184 = arith.index_cast %scan3A_153 : i32 to index
        %swap3A_185 = arith.constant 16 : index
        %swap3A_186 = tpu.vector_load %arg15[%swap3A_184, %swap3A_185] {strides = array<i32>} : memref<64x128xf32, #tpu.memory_space<vmem>>, vector<16xf32>,
        tpu.vector_store %arg15[%swap3A_184, %swap3A_185], %mul3A_183 {strides = array<i32>} : memref<64x128xf32, #tpu.memory_space<vmem>>, vector<16xf32>,
        %get3A_187 = arith.index_cast %scan3A_153 : i32 to index
        %get3A_188 = arith.constant 32 : index
        %get3A_189 = tpu.vector_load %arg17[%get3A_187, %get3A_188] {strides = array<i32>} : memref<64x128xf32, #tpu.memory_space<vmem>>, vector<16xf32>,
        %get3A_190 = arith.index_cast %scan3A_153 : i32 to index
        %get3A_191 = arith.constant 32 : index
        %get3A_192 = tpu.vector_load %arg13[%get3A_190, %get3A_191] {strides = array<i32>} : memref<64x128xf32, #tpu.memory_space<vmem>>, vector<16xf32>,
        %mul3A_193 = arith.mulf %get3A_192, %get3A_189 : vector<16xf32>
        %swap3A_194 = arith.index_cast %scan3A_153 : i32 to index
        %swap3A_195 = arith.constant 32 : index
        %swap3A_196 = tpu.vector_load %arg13[%swap3A_194, %swap3A_195] {strides = array<i32>} : memref<64x128xf32, #tpu.memory_space<vmem>>, vector<16xf32>,
        tpu.vector_store %arg13[%swap3A_194, %swap3A_195], %mul3A_193 {strides = array<i32>} : memref<64x128xf32, #tpu.memory_space<vmem>>, vector<16xf32>,
        %get3A_197 = arith.index_cast %scan3A_153 : i32 to index
        %get3A_198 = arith.constant 32 : index
        %get3A_199 = tpu.vector_load %arg15[%get3A_197, %get3A_198] {strides = array<i32>} : memref<64x128xf32, #tpu.memory_space<vmem>>, vector<16xf32>,
        %mul3A_200 = arith.mulf %get3A_199, %get3A_189 : vector<16xf32>
        %swap3A_201 = arith.index_cast %scan3A_153 : i32 to index
        %swap3A_202 = arith.constant 32 : index
        %swap3A_203 = tpu.vector_load %arg15[%swap3A_201, %swap3A_202] {strides = array<i32>} : memref<64x128xf32, #tpu.memory_space<vmem>>, vector<16xf32>,
        tpu.vector_store %arg15[%swap3A_201, %swap3A_202], %mul3A_200 {strides = array<i32>} : memref<64x128xf32, #tpu.memory_space<vmem>>, vector<16xf32>,
        %get3A_204 = arith.index_cast %scan3A_153 : i32 to index
        %get3A_205 = arith.constant 48 : index
        %get3A_206 = tpu.vector_load %arg17[%get3A_204, %get3A_205] {strides = array<i32>} : memref<64x128xf32, #tpu.memory_space<vmem>>, vector<16xf32>,
        %get3A_207 = arith.index_cast %scan3A_153 : i32 to index
        %get3A_208 = arith.constant 48 : index
        %get3A_209 = tpu.vector_load %arg13[%get3A_207, %get3A_208] {strides = array<i32>} : memref<64x128xf32, #tpu.memory_space<vmem>>, vector<16xf32>,
        %mul3A_210 = arith.mulf %get3A_209, %get3A_206 : vector<16xf32>
        %swap3A_211 = arith.index_cast %scan3A_153 : i32 to index
        %swap3A_212 = arith.constant 48 : index
        %swap3A_213 = tpu.vector_load %arg13[%swap3A_211, %swap3A_212] {strides = array<i32>} : memref<64x128xf32, #tpu.memory_space<vmem>>, vector<16xf32>,
        tpu.vector_store %arg13[%swap3A_211, %swap3A_212], %mul3A_210 {strides = array<i32>} : memref<64x128xf32, #tpu.memory_space<vmem>>, vector<16xf32>,
        %get3A_214 = arith.index_cast %scan3A_153 : i32 to index
        %get3A_215 = arith.constant 48 : index
        %get3A_216 = tpu.vector_load %arg15[%get3A_214, %get3A_215] {strides = array<i32>} : memref<64x128xf32, #tpu.memory_space<vmem>>, vector<16xf32>,
        %mul3A_217 = arith.mulf %get3A_216, %get3A_206 : vector<16xf32>
        %swap3A_218 = arith.index_cast %scan3A_153 : i32 to index
        %swap3A_219 = arith.constant 48 : index
        %swap3A_220 = tpu.vector_load %arg15[%swap3A_218, %swap3A_219] {strides = array<i32>} : memref<64x128xf32, #tpu.memory_space<vmem>>, vector<16xf32>,
        tpu.vector_store %arg15[%swap3A_218, %swap3A_219], %mul3A_217 {strides = array<i32>} : memref<64x128xf32, #tpu.memory_space<vmem>>, vector<16xf32>,
        %get3A_221 = arith.index_cast %scan3A_153 : i32 to index
        %get3A_222 = arith.constant 64 : index
        %get3A_223 = tpu.vector_load %arg17[%get3A_221, %get3A_222] {strides = array<i32>} : memref<64x128xf32, #tpu.memory_space<vmem>>, vector<16xf32>,
        %get3A_224 = arith.index_cast %scan3A_153 : i32 to index
        %get3A_225 = arith.constant 64 : index
        %get3A_226 = tpu.vector_load %arg13[%get3A_224, %get3A_225] {strides = array<i32>} : memref<64x128xf32, #tpu.memory_space<vmem>>, vector<16xf32>,
        %mul3A_227 = arith.mulf %get3A_226, %get3A_223 : vector<16xf32>
        %swap3A_228 = arith.index_cast %scan3A_153 : i32 to index
        %swap3A_229 = arith.constant 64 : index
        %swap3A_230 = tpu.vector_load %arg13[%swap3A_228, %swap3A_229] {strides = array<i32>} : memref<64x128xf32, #tpu.memory_space<vmem>>, vector<16xf32>,
        tpu.vector_store %arg13[%swap3A_228, %swap3A_229], %mul3A_227 {strides = array<i32>} : memref<64x128xf32, #tpu.memory_space<vmem>>, vector<16xf32>,
        %get3A_231 = arith.index_cast %scan3A_153 : i32 to index
        %get3A_232 = arith.constant 64 : index
        %get3A_233 = tpu.vector_load %arg15[%get3A_231, %get3A_232] {strides = array<i32>} : memref<64x128xf32, #tpu.memory_space<vmem>>, vector<16xf32>,
        %mul3A_234 = arith.mulf %get3A_233, %get3A_223 : vector<16xf32>
        %swap3A_235 = arith.index_cast %scan3A_153 : i32 to index
        %swap3A_236 = arith.constant 64 : index
        %swap3A_237 = tpu.vector_load %arg15[%swap3A_235, %swap3A_236] {strides = array<i32>} : memref<64x128xf32, #tpu.memory_space<vmem>>, vector<16xf32>,
        tpu.vector_store %arg15[%swap3A_235, %swap3A_236], %mul3A_234 {strides = array<i32>} : memref<64x128xf32, #tpu.memory_space<vmem>>, vector<16xf32>,
        %get3A_238 = arith.index_cast %scan3A_153 : i32 to index
        %get3A_239 = arith.constant 80 : index
        %get3A_240 = tpu.vector_load %arg17[%get3A_238, %get3A_239] {strides = array<i32>} : memref<64x128xf32, #tpu.memory_space<vmem>>, vector<16xf32>,
        %get3A_241 = arith.index_cast %scan3A_153 : i32 to index
        %get3A_242 = arith.constant 80 : index
        %get3A_243 = tpu.vector_load %arg13[%get3A_241, %get3A_242] {strides = array<i32>} : memref<64x128xf32, #tpu.memory_space<vmem>>, vector<16xf32>,
        %mul3A_244 = arith.mulf %get3A_243, %get3A_240 : vector<16xf32>
        %swap3A_245 = arith.index_cast %scan3A_153 : i32 to index
        %swap3A_246 = arith.constant 80 : index
        %swap3A_247 = tpu.vector_load %arg13[%swap3A_245, %swap3A_246] {strides = array<i32>} : memref<64x128xf32, #tpu.memory_space<vmem>>, vector<16xf32>,
        tpu.vector_store %arg13[%swap3A_245, %swap3A_246], %mul3A_244 {strides = array<i32>} : memref<64x128xf32, #tpu.memory_space<vmem>>, vector<16xf32>,
        %get3A_248 = arith.index_cast %scan3A_153 : i32 to index
        %get3A_249 = arith.constant 80 : index
        %get3A_250 = tpu.vector_load %arg15[%get3A_248, %get3A_249] {strides = array<i32>} : memref<64x128xf32, #tpu.memory_space<vmem>>, vector<16xf32>,
        %mul3A_251 = arith.mulf %get3A_250, %get3A_240 : vector<16xf32>
        %swap3A_252 = arith.index_cast %scan3A_153 : i32 to index
        %swap3A_253 = arith.constant 80 : index
        %swap3A_254 = tpu.vector_load %arg15[%swap3A_252, %swap3A_253] {strides = array<i32>} : memref<64x128xf32, #tpu.memory_space<vmem>>, vector<16xf32>,
        tpu.vector_store %arg15[%swap3A_252, %swap3A_253], %mul3A_251 {strides = array<i32>} : memref<64x128xf32, #tpu.memory_space<vmem>>, vector<16xf32>,
        %get3A_255 = arith.index_cast %scan3A_153 : i32 to index
        %get3A_256 = arith.constant 96 : index
        %get3A_257 = tpu.vector_load %arg17[%get3A_255, %get3A_256] {strides = array<i32>} : memref<64x128xf32, #tpu.memory_space<vmem>>, vector<16xf32>,
        %get3A_258 = arith.index_cast %scan3A_153 : i32 to index
        %get3A_259 = arith.constant 96 : index
        %get3A_260 = tpu.vector_load %arg13[%get3A_258, %get3A_259] {strides = array<i32>} : memref<64x128xf32, #tpu.memory_space<vmem>>, vector<16xf32>,
        %mul3A_261 = arith.mulf %get3A_260, %get3A_257 : vector<16xf32>
        %swap3A_262 = arith.index_cast %scan3A_153 : i32 to index
        %swap3A_263 = arith.constant 96 : index
        %swap3A_264 = tpu.vector_load %arg13[%swap3A_262, %swap3A_263] {strides = array<i32>} : memref<64x128xf32, #tpu.memory_space<vmem>>, vector<16xf32>,
        tpu.vector_store %arg13[%swap3A_262, %swap3A_263], %mul3A_261 {strides = array<i32>} : memref<64x128xf32, #tpu.memory_space<vmem>>, vector<16xf32>,
        %get3A_265 = arith.index_cast %scan3A_153 : i32 to index
        %get3A_266 = arith.constant 96 : index
        %get3A_267 = tpu.vector_load %arg15[%get3A_265, %get3A_266] {strides = array<i32>} : memref<64x128xf32, #tpu.memory_space<vmem>>, vector<16xf32>,
        %mul3A_268 = arith.mulf %get3A_267, %get3A_257 : vector<16xf32>
        %swap3A_269 = arith.index_cast %scan3A_153 : i32 to index
        %swap3A_270 = arith.constant 96 : index
        %swap3A_271 = tpu.vector_load %arg15[%swap3A_269, %swap3A_270] {strides = array<i32>} : memref<64x128xf32, #tpu.memory_space<vmem>>, vector<16xf32>,
        tpu.vector_store %arg15[%swap3A_269, %swap3A_270], %mul3A_268 {strides = array<i32>} : memref<64x128xf32, #tpu.memory_space<vmem>>, vector<16xf32>,
        %get3A_272 = arith.index_cast %scan3A_153 : i32 to index
        %get3A_273 = arith.constant 112 : index
        %get3A_274 = tpu.vector_load %arg17[%get3A_272, %get3A_273] {strides = array<i32>} : memref<64x128xf32, #tpu.memory_space<vmem>>, vector<16xf32>,
        %get3A_275 = arith.index_cast %scan3A_153 : i32 to index
        %get3A_276 = arith.constant 112 : index
        %get3A_277 = tpu.vector_load %arg13[%get3A_275, %get3A_276] {strides = array<i32>} : memref<64x128xf32, #tpu.memory_space<vmem>>, vector<16xf32>,
        %mul3A_278 = arith.mulf %get3A_277, %get3A_274 : vector<16xf32>
        %swap3A_279 = arith.index_cast %scan3A_153 : i32 to index
        %swap3A_280 = arith.constant 112 : index
        %swap3A_281 = tpu.vector_load %arg13[%swap3A_279, %swap3A_280] {strides = array<i32>} : memref<64x128xf32, #tpu.memory_space<vmem>>, vector<16xf32>,
        tpu.vector_store %arg13[%swap3A_279, %swap3A_280], %mul3A_278 {strides = array<i32>} : memref<64x128xf32, #tpu.memory_space<vmem>>, vector<16xf32>,
        %get3A_282 = arith.index_cast %scan3A_153 : i32 to index
        %get3A_283 = arith.constant 112 : index
        %get3A_284 = tpu.vector_load %arg15[%get3A_282, %get3A_283] {strides = array<i32>} : memref<64x128xf32, #tpu.memory_space<vmem>>, vector<16xf32>,
        %mul3A_285 = arith.mulf %get3A_284, %get3A_274 : vector<16xf32>
        %swap3A_286 = arith.index_cast %scan3A_153 : i32 to index
        %swap3A_287 = arith.constant 112 : index
        %swap3A_288 = tpu.vector_load %arg15[%swap3A_286, %swap3A_287] {strides = array<i32>} : memref<64x128xf32, #tpu.memory_space<vmem>>, vector<16xf32>,
        tpu.vector_store %arg15[%swap3A_286, %swap3A_287], %mul3A_285 {strides = array<i32>} : memref<64x128xf32, #tpu.memory_space<vmem>>, vector<16xf32>,
        %scan3A_289 = arith.constant 0 : i32
        scf.yield %scan3A_289 : i32
      }
      %scan3A_151 = arith.constant 64 : i32
      "tpu.region"() ({
        %run_scoped3A = tpu.sem_alloc : memref<!tpu.dma_semaphore, #tpu.memory_space<semaphore_mem>>
        %dma_start3A_153 = arith.constant 0 : i32
        %dma_start3A_154 = arith.constant 0 : i32
        %dma_start3A_155 = tpu.memref_slice %arg18[%dma_start3A_153, %dma_start3A_154] : memref<10112x128xf32, #tpu.memory_space<vmem_shared>> -> memref<10112x128xf32, #tpu.memory_space<vmem_shared>>
        tpu.enqueue_indirect_dma source(%arg13 : memref<64x128xf32, #tpu.memory_space<vmem>>) target(%dma_start3A_155 : memref<10112x128xf32, #tpu.memory_space<vmem_shared>>) offsets(%arg11 : memref<64xi32, #tpu.memory_space<vmem>>) semaphore(%run_scoped3A : memref<!tpu.dma_semaphore, #tpu.memory_space<semaphore_mem>>) {add = true}
        %dma_wait3A_156 = arith.constant 0 : i32
        %dma_wait3A_157 = arith.constant 0 : i32
        %dma_wait3A_158 = tpu.memref_slice %arg18[%dma_wait3A_156, %dma_wait3A_157] : memref<10112x128xf32, #tpu.memory_space<vmem_shared>> -> memref<10112x128xf32, #tpu.memory_space<vmem_shared>>
        tpu.wait_indirect_dma semaphore(%run_scoped3A : memref<!tpu.dma_semaphore, #tpu.memory_space<semaphore_mem>>) src(%arg13 : memref<64x128xf32, #tpu.memory_space<vmem>>) dst(%dma_wait3A_158 : memref<10112x128xf32, #tpu.memory_space<vmem_shared>>)
        tpu.yield
      }) : () -> ()
      "tpu.region"() ({
        %run_scoped3A = tpu.sem_alloc : memref<!tpu.dma_semaphore, #tpu.memory_space<semaphore_mem>>
        %dma_start3A_153 = arith.constant 0 : i32
        %dma_start3A_154 = arith.constant 0 : i32
        %dma_start3A_155 = tpu.memref_slice %arg18[%dma_start3A_153, %dma_start3A_154] : memref<10112x128xf32, #tpu.memory_space<vmem_shared>> -> memref<10112x128xf32, #tpu.memory_space<vmem_shared>>
        tpu.enqueue_indirect_dma source(%arg15 : memref<64x128xf32, #tpu.memory_space<vmem>>) target(%dma_start3A_155 : memref<10112x128xf32, #tpu.memory_space<vmem_shared>>) offsets(%arg9 : memref<64xi32, #tpu.memory_space<vmem>>) semaphore(%run_scoped3A : memref<!tpu.dma_semaphore, #tpu.memory_space<semaphore_mem>>) {add = true}
        %dma_wait3A_156 = arith.constant 0 : i32
        %dma_wait3A_157 = arith.constant 0 : i32
        %dma_wait3A_158 = tpu.memref_slice %arg18[%dma_wait3A_156, %dma_wait3A_157] : memref<10112x128xf32, #tpu.memory_space<vmem_shared>> -> memref<10112x128xf32, #tpu.memory_space<vmem_shared>>
        tpu.wait_indirect_dma semaphore(%run_scoped3A : memref<!tpu.dma_semaphore, #tpu.memory_space<semaphore_mem>>) src(%arg15 : memref<64x128xf32, #tpu.memory_space<vmem>>) dst(%dma_wait3A_158 : memref<10112x128xf32, #tpu.memory_space<vmem_shared>>)
        tpu.yield
      }) : () -> ()
      %while3A_152 = arith.constant 0 : i32
      scf.yield %while3A_152 : i32
    }
    %while3A_38 = arith.constant 1 : i32
    %while3A_39 = scf.for %while3A_45 = %while3A_35 to %while3A_31 step %while3A_38 iter_args(%while3A_46 = %while3A_37) -> (i32)  : i32 {
      %mul3A_47 = arith.constant 2 : i32
      %mul3A_48 = arith.muli %mul3A_47, %while3A_45 : i32
      %add3A_49 = arith.constant 0 : i32
      %add3A_50 = arith.addi %mul3A_48, %add3A_49 : i32
      %add3A_51 = arith.addi %select_n3A_8, %add3A_50 : i32
      %mul3A_52 = arith.constant 64 : i32
      %mul3A_53 = arith.muli %add3A_51, %mul3A_52 : i32
      %dma_start3A = tpu.memref_slice %arg4[%mul3A_53] : memref<163840xi32, #tpu.memory_space<hbm>> -> memref<64xi32, #tpu.memory_space<hbm>>
      %dma_start3A_54 = tpu.memref_slice %arg4[%mul3A_53] : memref<163840xi32, #tpu.memory_space<hbm>> -> memref<64xi32, #tpu.memory_space<hbm>>
      tpu.enqueue_dma source(%dma_start3A_54 : memref<64xi32, #tpu.memory_space<hbm>>) target(%arg8 : memref<64xi32, #tpu.memory_space<vmem>>) target_semaphore(%arg19 : memref<!tpu.dma_semaphore, #tpu.memory_space<semaphore_mem>>)
      %add3A_55 = arith.addi %select_n3A_8, %add3A_50 : i32
      %mul3A_56 = arith.constant 64 : i32
      %mul3A_57 = arith.muli %add3A_55, %mul3A_56 : i32
      %dma_start3A_58 = tpu.memref_slice %arg5[%mul3A_57] : memref<163840xi32, #tpu.memory_space<hbm>> -> memref<64xi32, #tpu.memory_space<hbm>>
      %dma_start3A_59 = tpu.memref_slice %arg5[%mul3A_57] : memref<163840xi32, #tpu.memory_space<hbm>> -> memref<64xi32, #tpu.memory_space<hbm>>
      tpu.enqueue_dma source(%dma_start3A_59 : memref<64xi32, #tpu.memory_space<hbm>>) target(%arg10 : memref<64xi32, #tpu.memory_space<vmem>>) target_semaphore(%arg19 : memref<!tpu.dma_semaphore, #tpu.memory_space<semaphore_mem>>)
      %dma_wait3A = arith.constant 0 : i32
      %dma_wait3A_60 = tpu.memref_slice %arg4[%dma_wait3A] : memref<163840xi32, #tpu.memory_space<hbm>> -> memref<64xi32, #tpu.memory_space<hbm>>
      %dma_wait3A_61 = arith.constant 0 : i32
      %dma_wait3A_62 = tpu.memref_slice %arg4[%dma_wait3A_61] : memref<163840xi32, #tpu.memory_space<hbm>> -> memref<64xi32, #tpu.memory_space<hbm>>
      tpu.wait_dma2 semaphore(%arg19 : memref<!tpu.dma_semaphore, #tpu.memory_space<semaphore_mem>>) src(%dma_wait3A_62 : memref<64xi32, #tpu.memory_space<hbm>>) dst(%arg8 : memref<64xi32, #tpu.memory_space<vmem>>)
      %dma_wait3A_63 = arith.constant 0 : i32
      %dma_wait3A_64 = tpu.memref_slice %arg5[%dma_wait3A_63] : memref<163840xi32, #tpu.memory_space<hbm>> -> memref<64xi32, #tpu.memory_space<hbm>>
      %dma_wait3A_65 = arith.constant 0 : i32
      %dma_wait3A_66 = tpu.memref_slice %arg5[%dma_wait3A_65] : memref<163840xi32, #tpu.memory_space<hbm>> -> memref<64xi32, #tpu.memory_space<hbm>>
      tpu.wait_dma2 semaphore(%arg19 : memref<!tpu.dma_semaphore, #tpu.memory_space<semaphore_mem>>) src(%dma_wait3A_66 : memref<64xi32, #tpu.memory_space<hbm>>) dst(%arg10 : memref<64xi32, #tpu.memory_space<vmem>>)
      %dma_start3A_67 = arith.constant 0 : i32
      %dma_start3A_68 = arith.constant 0 : i32
      %dma_start3A_69 = tpu.memref_slice %arg2[%dma_start3A_67, %dma_start3A_68] : memref<10000x128xf32, #tpu.memory_space<hbm>> -> memref<10000x128xf32, #tpu.memory_space<hbm>>
      tpu.enqueue_indirect_dma source(%dma_start3A_69 : memref<10000x128xf32, #tpu.memory_space<hbm>>) target(%arg12 : memref<64x128xf32, #tpu.memory_space<vmem>>) offsets(%arg8 : memref<64xi32, #tpu.memory_space<vmem>>) semaphore(%arg21 : memref<!tpu.dma_semaphore, #tpu.memory_space<semaphore_mem>>)
      %dma_start3A_70 = arith.constant 0 : i32
      %dma_start3A_71 = arith.constant 0 : i32
      %dma_start3A_72 = tpu.memref_slice %arg2[%dma_start3A_70, %dma_start3A_71] : memref<10000x128xf32, #tpu.memory_space<hbm>> -> memref<10000x128xf32, #tpu.memory_space<hbm>>
      tpu.enqueue_indirect_dma source(%dma_start3A_72 : memref<10000x128xf32, #tpu.memory_space<hbm>>) target(%arg14 : memref<64x128xf32, #tpu.memory_space<vmem>>) offsets(%arg10 : memref<64xi32, #tpu.memory_space<vmem>>) semaphore(%arg23 : memref<!tpu.dma_semaphore, #tpu.memory_space<semaphore_mem>>)
      %add3A_73 = arith.addi %select_n3A_8, %add3A_50 : i32
      %mul3A_74 = arith.constant 64 : i32
      %mul3A_75 = arith.muli %add3A_73, %mul3A_74 : i32
      %dma_start3A_76 = arith.constant 0 : i32
      %dma_start3A_77 = tpu.memref_slice %arg3[%mul3A_75, %dma_start3A_76] : memref<163840x128xf32, #tpu.memory_space<hbm>> -> memref<64x128xf32, #tpu.memory_space<hbm>>
      %dma_start3A_78 = arith.constant 0 : i32
      %dma_start3A_79 = tpu.memref_slice %arg3[%mul3A_75, %dma_start3A_78] : memref<163840x128xf32, #tpu.memory_space<hbm>> -> memref<64x128xf32, #tpu.memory_space<hbm>>
      tpu.enqueue_dma source(%dma_start3A_79 : memref<64x128xf32, #tpu.memory_space<hbm>>) target(%arg16 : memref<64x128xf32, #tpu.memory_space<vmem>>) target_semaphore(%arg25 : memref<!tpu.dma_semaphore, #tpu.memory_space<semaphore_mem>>)
      %dma_wait3A_80 = arith.constant 0 : i32
      %dma_wait3A_81 = arith.constant 0 : i32
      %dma_wait3A_82 = tpu.memref_slice %arg2[%dma_wait3A_80, %dma_wait3A_81] : memref<10000x128xf32, #tpu.memory_space<hbm>> -> memref<10000x128xf32, #tpu.memory_space<hbm>>
      tpu.wait_indirect_dma semaphore(%arg21 : memref<!tpu.dma_semaphore, #tpu.memory_space<semaphore_mem>>) src(%dma_wait3A_82 : memref<10000x128xf32, #tpu.memory_space<hbm>>) dst(%arg12 : memref<64x128xf32, #tpu.memory_space<vmem>>)
      %dma_wait3A_83 = arith.constant 0 : i32
      %dma_wait3A_84 = arith.constant 0 : i32
      %dma_wait3A_85 = tpu.memref_slice %arg2[%dma_wait3A_83, %dma_wait3A_84] : memref<10000x128xf32, #tpu.memory_space<hbm>> -> memref<10000x128xf32, #tpu.memory_space<hbm>>
      tpu.wait_indirect_dma semaphore(%arg23 : memref<!tpu.dma_semaphore, #tpu.memory_space<semaphore_mem>>) src(%dma_wait3A_85 : memref<10000x128xf32, #tpu.memory_space<hbm>>) dst(%arg14 : memref<64x128xf32, #tpu.memory_space<vmem>>)
      %dma_wait3A_86 = arith.constant 0 : i32
      %dma_wait3A_87 = arith.constant 0 : i32
      %dma_wait3A_88 = tpu.memref_slice %arg3[%dma_wait3A_86, %dma_wait3A_87] : memref<163840x128xf32, #tpu.memory_space<hbm>> -> memref<64x128xf32, #tpu.memory_space<hbm>>
      %dma_wait3A_89 = arith.constant 0 : i32
      %dma_wait3A_90 = arith.constant 0 : i32
      %dma_wait3A_91 = tpu.memref_slice %arg3[%dma_wait3A_89, %dma_wait3A_90] : memref<163840x128xf32, #tpu.memory_space<hbm>> -> memref<64x128xf32, #tpu.memory_space<hbm>>
      tpu.wait_dma2 semaphore(%arg25 : memref<!tpu.dma_semaphore, #tpu.memory_space<semaphore_mem>>) src(%dma_wait3A_91 : memref<64x128xf32, #tpu.memory_space<hbm>>) dst(%arg16 : memref<64x128xf32, #tpu.memory_space<vmem>>)
      %scan3A = arith.constant 0 : i32
      %scan3A_92 = arith.constant 0 : i32
      %scan3A_93 = arith.constant 64 : i32
      %scan3A_94 = arith.addi %scan3A_92, %scan3A_93 : i32
      %scan3A_95 = arith.constant 1 : i32
      %scan3A_96 = scf.for %scan3A_153 = %scan3A_92 to %scan3A_94 step %scan3A_95 iter_args(%scan3A_154 = %scan3A) -> (i32)  : i32 {
        %get3A = arith.index_cast %scan3A_153 : i32 to index
        %get3A_155 = arith.constant 0 : index
        %get3A_156 = tpu.vector_load %arg16[%get3A, %get3A_155] {strides = array<i32>} : memref<64x128xf32, #tpu.memory_space<vmem>>, vector<16xf32>,
        %get3A_157 = arith.index_cast %scan3A_153 : i32 to index
        %get3A_158 = arith.constant 0 : index
        %get3A_159 = tpu.vector_load %arg12[%get3A_157, %get3A_158] {strides = array<i32>} : memref<64x128xf32, #tpu.memory_space<vmem>>, vector<16xf32>,
        %mul3A_160 = arith.mulf %get3A_159, %get3A_156 : vector<16xf32>
        %swap3A = arith.index_cast %scan3A_153 : i32 to index
        %swap3A_161 = arith.constant 0 : index
        %swap3A_162 = tpu.vector_load %arg12[%swap3A, %swap3A_161] {strides = array<i32>} : memref<64x128xf32, #tpu.memory_space<vmem>>, vector<16xf32>,
        tpu.vector_store %arg12[%swap3A, %swap3A_161], %mul3A_160 {strides = array<i32>} : memref<64x128xf32, #tpu.memory_space<vmem>>, vector<16xf32>,
        %get3A_163 = arith.index_cast %scan3A_153 : i32 to index
        %get3A_164 = arith.constant 0 : index
        %get3A_165 = tpu.vector_load %arg14[%get3A_163, %get3A_164] {strides = array<i32>} : memref<64x128xf32, #tpu.memory_space<vmem>>, vector<16xf32>,
        %mul3A_166 = arith.mulf %get3A_165, %get3A_156 : vector<16xf32>
        %swap3A_167 = arith.index_cast %scan3A_153 : i32 to index
        %swap3A_168 = arith.constant 0 : index
        %swap3A_169 = tpu.vector_load %arg14[%swap3A_167, %swap3A_168] {strides = array<i32>} : memref<64x128xf32, #tpu.memory_space<vmem>>, vector<16xf32>,
        tpu.vector_store %arg14[%swap3A_167, %swap3A_168], %mul3A_166 {strides = array<i32>} : memref<64x128xf32, #tpu.memory_space<vmem>>, vector<16xf32>,
        %get3A_170 = arith.index_cast %scan3A_153 : i32 to index
        %get3A_171 = arith.constant 16 : index
        %get3A_172 = tpu.vector_load %arg16[%get3A_170, %get3A_171] {strides = array<i32>} : memref<64x128xf32, #tpu.memory_space<vmem>>, vector<16xf32>,
        %get3A_173 = arith.index_cast %scan3A_153 : i32 to index
        %get3A_174 = arith.constant 16 : index
        %get3A_175 = tpu.vector_load %arg12[%get3A_173, %get3A_174] {strides = array<i32>} : memref<64x128xf32, #tpu.memory_space<vmem>>, vector<16xf32>,
        %mul3A_176 = arith.mulf %get3A_175, %get3A_172 : vector<16xf32>
        %swap3A_177 = arith.index_cast %scan3A_153 : i32 to index
        %swap3A_178 = arith.constant 16 : index
        %swap3A_179 = tpu.vector_load %arg12[%swap3A_177, %swap3A_178] {strides = array<i32>} : memref<64x128xf32, #tpu.memory_space<vmem>>, vector<16xf32>,
        tpu.vector_store %arg12[%swap3A_177, %swap3A_178], %mul3A_176 {strides = array<i32>} : memref<64x128xf32, #tpu.memory_space<vmem>>, vector<16xf32>,
        %get3A_180 = arith.index_cast %scan3A_153 : i32 to index
        %get3A_181 = arith.constant 16 : index
        %get3A_182 = tpu.vector_load %arg14[%get3A_180, %get3A_181] {strides = array<i32>} : memref<64x128xf32, #tpu.memory_space<vmem>>, vector<16xf32>,
        %mul3A_183 = arith.mulf %get3A_182, %get3A_172 : vector<16xf32>
        %swap3A_184 = arith.index_cast %scan3A_153 : i32 to index
        %swap3A_185 = arith.constant 16 : index
        %swap3A_186 = tpu.vector_load %arg14[%swap3A_184, %swap3A_185] {strides = array<i32>} : memref<64x128xf32, #tpu.memory_space<vmem>>, vector<16xf32>,
        tpu.vector_store %arg14[%swap3A_184, %swap3A_185], %mul3A_183 {strides = array<i32>} : memref<64x128xf32, #tpu.memory_space<vmem>>, vector<16xf32>,
        %get3A_187 = arith.index_cast %scan3A_153 : i32 to index
        %get3A_188 = arith.constant 32 : index
        %get3A_189 = tpu.vector_load %arg16[%get3A_187, %get3A_188] {strides = array<i32>} : memref<64x128xf32, #tpu.memory_space<vmem>>, vector<16xf32>,
        %get3A_190 = arith.index_cast %scan3A_153 : i32 to index
        %get3A_191 = arith.constant 32 : index
        %get3A_192 = tpu.vector_load %arg12[%get3A_190, %get3A_191] {strides = array<i32>} : memref<64x128xf32, #tpu.memory_space<vmem>>, vector<16xf32>,
        %mul3A_193 = arith.mulf %get3A_192, %get3A_189 : vector<16xf32>
        %swap3A_194 = arith.index_cast %scan3A_153 : i32 to index
        %swap3A_195 = arith.constant 32 : index
        %swap3A_196 = tpu.vector_load %arg12[%swap3A_194, %swap3A_195] {strides = array<i32>} : memref<64x128xf32, #tpu.memory_space<vmem>>, vector<16xf32>,
        tpu.vector_store %arg12[%swap3A_194, %swap3A_195], %mul3A_193 {strides = array<i32>} : memref<64x128xf32, #tpu.memory_space<vmem>>, vector<16xf32>,
        %get3A_197 = arith.index_cast %scan3A_153 : i32 to index
        %get3A_198 = arith.constant 32 : index
        %get3A_199 = tpu.vector_load %arg14[%get3A_197, %get3A_198] {strides = array<i32>} : memref<64x128xf32, #tpu.memory_space<vmem>>, vector<16xf32>,
        %mul3A_200 = arith.mulf %get3A_199, %get3A_189 : vector<16xf32>
        %swap3A_201 = arith.index_cast %scan3A_153 : i32 to index
        %swap3A_202 = arith.constant 32 : index
        %swap3A_203 = tpu.vector_load %arg14[%swap3A_201, %swap3A_202] {strides = array<i32>} : memref<64x128xf32, #tpu.memory_space<vmem>>, vector<16xf32>,
        tpu.vector_store %arg14[%swap3A_201, %swap3A_202], %mul3A_200 {strides = array<i32>} : memref<64x128xf32, #tpu.memory_space<vmem>>, vector<16xf32>,
        %get3A_204 = arith.index_cast %scan3A_153 : i32 to index
        %get3A_205 = arith.constant 48 : index
        %get3A_206 = tpu.vector_load %arg16[%get3A_204, %get3A_205] {strides = array<i32>} : memref<64x128xf32, #tpu.memory_space<vmem>>, vector<16xf32>,
        %get3A_207 = arith.index_cast %scan3A_153 : i32 to index
        %get3A_208 = arith.constant 48 : index
        %get3A_209 = tpu.vector_load %arg12[%get3A_207, %get3A_208] {strides = array<i32>} : memref<64x128xf32, #tpu.memory_space<vmem>>, vector<16xf32>,
        %mul3A_210 = arith.mulf %get3A_209, %get3A_206 : vector<16xf32>
        %swap3A_211 = arith.index_cast %scan3A_153 : i32 to index
        %swap3A_212 = arith.constant 48 : index
        %swap3A_213 = tpu.vector_load %arg12[%swap3A_211, %swap3A_212] {strides = array<i32>} : memref<64x128xf32, #tpu.memory_space<vmem>>, vector<16xf32>,
        tpu.vector_store %arg12[%swap3A_211, %swap3A_212], %mul3A_210 {strides = array<i32>} : memref<64x128xf32, #tpu.memory_space<vmem>>, vector<16xf32>,
        %get3A_214 = arith.index_cast %scan3A_153 : i32 to index
        %get3A_215 = arith.constant 48 : index
        %get3A_216 = tpu.vector_load %arg14[%get3A_214, %get3A_215] {strides = array<i32>} : memref<64x128xf32, #tpu.memory_space<vmem>>, vector<16xf32>,
        %mul3A_217 = arith.mulf %get3A_216, %get3A_206 : vector<16xf32>
        %swap3A_218 = arith.index_cast %scan3A_153 : i32 to index
        %swap3A_219 = arith.constant 48 : index
        %swap3A_220 = tpu.vector_load %arg14[%swap3A_218, %swap3A_219] {strides = array<i32>} : memref<64x128xf32, #tpu.memory_space<vmem>>, vector<16xf32>,
        tpu.vector_store %arg14[%swap3A_218, %swap3A_219], %mul3A_217 {strides = array<i32>} : memref<64x128xf32, #tpu.memory_space<vmem>>, vector<16xf32>,
        %get3A_221 = arith.index_cast %scan3A_153 : i32 to index
        %get3A_222 = arith.constant 64 : index
        %get3A_223 = tpu.vector_load %arg16[%get3A_221, %get3A_222] {strides = array<i32>} : memref<64x128xf32, #tpu.memory_space<vmem>>, vector<16xf32>,
        %get3A_224 = arith.index_cast %scan3A_153 : i32 to index
        %get3A_225 = arith.constant 64 : index
        %get3A_226 = tpu.vector_load %arg12[%get3A_224, %get3A_225] {strides = array<i32>} : memref<64x128xf32, #tpu.memory_space<vmem>>, vector<16xf32>,
        %mul3A_227 = arith.mulf %get3A_226, %get3A_223 : vector<16xf32>
        %swap3A_228 = arith.index_cast %scan3A_153 : i32 to index
        %swap3A_229 = arith.constant 64 : index
        %swap3A_230 = tpu.vector_load %arg12[%swap3A_228, %swap3A_229] {strides = array<i32>} : memref<64x128xf32, #tpu.memory_space<vmem>>, vector<16xf32>,
        tpu.vector_store %arg12[%swap3A_228, %swap3A_229], %mul3A_227 {strides = array<i32>} : memref<64x128xf32, #tpu.memory_space<vmem>>, vector<16xf32>,
        %get3A_231 = arith.index_cast %scan3A_153 : i32 to index
        %get3A_232 = arith.constant 64 : index
        %get3A_233 = tpu.vector_load %arg14[%get3A_231, %get3A_232] {strides = array<i32>} : memref<64x128xf32, #tpu.memory_space<vmem>>, vector<16xf32>,
        %mul3A_234 = arith.mulf %get3A_233, %get3A_223 : vector<16xf32>
        %swap3A_235 = arith.index_cast %scan3A_153 : i32 to index
        %swap3A_236 = arith.constant 64 : index
        %swap3A_237 = tpu.vector_load %arg14[%swap3A_235, %swap3A_236] {strides = array<i32>} : memref<64x128xf32, #tpu.memory_space<vmem>>, vector<16xf32>,
        tpu.vector_store %arg14[%swap3A_235, %swap3A_236], %mul3A_234 {strides = array<i32>} : memref<64x128xf32, #tpu.memory_space<vmem>>, vector<16xf32>,
        %get3A_238 = arith.index_cast %scan3A_153 : i32 to index
        %get3A_239 = arith.constant 80 : index
        %get3A_240 = tpu.vector_load %arg16[%get3A_238, %get3A_239] {strides = array<i32>} : memref<64x128xf32, #tpu.memory_space<vmem>>, vector<16xf32>,
        %get3A_241 = arith.index_cast %scan3A_153 : i32 to index
        %get3A_242 = arith.constant 80 : index
        %get3A_243 = tpu.vector_load %arg12[%get3A_241, %get3A_242] {strides = array<i32>} : memref<64x128xf32, #tpu.memory_space<vmem>>, vector<16xf32>,
        %mul3A_244 = arith.mulf %get3A_243, %get3A_240 : vector<16xf32>
        %swap3A_245 = arith.index_cast %scan3A_153 : i32 to index
        %swap3A_246 = arith.constant 80 : index
        %swap3A_247 = tpu.vector_load %arg12[%swap3A_245, %swap3A_246] {strides = array<i32>} : memref<64x128xf32, #tpu.memory_space<vmem>>, vector<16xf32>,
        tpu.vector_store %arg12[%swap3A_245, %swap3A_246], %mul3A_244 {strides = array<i32>} : memref<64x128xf32, #tpu.memory_space<vmem>>, vector<16xf32>,
        %get3A_248 = arith.index_cast %scan3A_153 : i32 to index
        %get3A_249 = arith.constant 80 : index
        %get3A_250 = tpu.vector_load %arg14[%get3A_248, %get3A_249] {strides = array<i32>} : memref<64x128xf32, #tpu.memory_space<vmem>>, vector<16xf32>,
        %mul3A_251 = arith.mulf %get3A_250, %get3A_240 : vector<16xf32>
        %swap3A_252 = arith.index_cast %scan3A_153 : i32 to index
        %swap3A_253 = arith.constant 80 : index
        %swap3A_254 = tpu.vector_load %arg14[%swap3A_252, %swap3A_253] {strides = array<i32>} : memref<64x128xf32, #tpu.memory_space<vmem>>, vector<16xf32>,
        tpu.vector_store %arg14[%swap3A_252, %swap3A_253], %mul3A_251 {strides = array<i32>} : memref<64x128xf32, #tpu.memory_space<vmem>>, vector<16xf32>,
        %get3A_255 = arith.index_cast %scan3A_153 : i32 to index
        %get3A_256 = arith.constant 96 : index
        %get3A_257 = tpu.vector_load %arg16[%get3A_255, %get3A_256] {strides = array<i32>} : memref<64x128xf32, #tpu.memory_space<vmem>>, vector<16xf32>,
        %get3A_258 = arith.index_cast %scan3A_153 : i32 to index
        %get3A_259 = arith.constant 96 : index
        %get3A_260 = tpu.vector_load %arg12[%get3A_258, %get3A_259] {strides = array<i32>} : memref<64x128xf32, #tpu.memory_space<vmem>>, vector<16xf32>,
        %mul3A_261 = arith.mulf %get3A_260, %get3A_257 : vector<16xf32>
        %swap3A_262 = arith.index_cast %scan3A_153 : i32 to index
        %swap3A_263 = arith.constant 96 : index
        %swap3A_264 = tpu.vector_load %arg12[%swap3A_262, %swap3A_263] {strides = array<i32>} : memref<64x128xf32, #tpu.memory_space<vmem>>, vector<16xf32>,
        tpu.vector_store %arg12[%swap3A_262, %swap3A_263], %mul3A_261 {strides = array<i32>} : memref<64x128xf32, #tpu.memory_space<vmem>>, vector<16xf32>,
        %get3A_265 = arith.index_cast %scan3A_153 : i32 to index
        %get3A_266 = arith.constant 96 : index
        %get3A_267 = tpu.vector_load %arg14[%get3A_265, %get3A_266] {strides = array<i32>} : memref<64x128xf32, #tpu.memory_space<vmem>>, vector<16xf32>,
        %mul3A_268 = arith.mulf %get3A_267, %get3A_257 : vector<16xf32>
        %swap3A_269 = arith.index_cast %scan3A_153 : i32 to index
        %swap3A_270 = arith.constant 96 : index
        %swap3A_271 = tpu.vector_load %arg14[%swap3A_269, %swap3A_270] {strides = array<i32>} : memref<64x128xf32, #tpu.memory_space<vmem>>, vector<16xf32>,
        tpu.vector_store %arg14[%swap3A_269, %swap3A_270], %mul3A_268 {strides = array<i32>} : memref<64x128xf32, #tpu.memory_space<vmem>>, vector<16xf32>,
        %get3A_272 = arith.index_cast %scan3A_153 : i32 to index
        %get3A_273 = arith.constant 112 : index
        %get3A_274 = tpu.vector_load %arg16[%get3A_272, %get3A_273] {strides = array<i32>} : memref<64x128xf32, #tpu.memory_space<vmem>>, vector<16xf32>,
        %get3A_275 = arith.index_cast %scan3A_153 : i32 to index
        %get3A_276 = arith.constant 112 : index
        %get3A_277 = tpu.vector_load %arg12[%get3A_275, %get3A_276] {strides = array<i32>} : memref<64x128xf32, #tpu.memory_space<vmem>>, vector<16xf32>,
        %mul3A_278 = arith.mulf %get3A_277, %get3A_274 : vector<16xf32>
        %swap3A_279 = arith.index_cast %scan3A_153 : i32 to index
        %swap3A_280 = arith.constant 112 : index
        %swap3A_281 = tpu.vector_load %arg12[%swap3A_279, %swap3A_280] {strides = array<i32>} : memref<64x128xf32, #tpu.memory_space<vmem>>, vector<16xf32>,
        tpu.vector_store %arg12[%swap3A_279, %swap3A_280], %mul3A_278 {strides = array<i32>} : memref<64x128xf32, #tpu.memory_space<vmem>>, vector<16xf32>,
        %get3A_282 = arith.index_cast %scan3A_153 : i32 to index
        %get3A_283 = arith.constant 112 : index
        %get3A_284 = tpu.vector_load %arg14[%get3A_282, %get3A_283] {strides = array<i32>} : memref<64x128xf32, #tpu.memory_space<vmem>>, vector<16xf32>,
        %mul3A_285 = arith.mulf %get3A_284, %get3A_274 : vector<16xf32>
        %swap3A_286 = arith.index_cast %scan3A_153 : i32 to index
        %swap3A_287 = arith.constant 112 : index
        %swap3A_288 = tpu.vector_load %arg14[%swap3A_286, %swap3A_287] {strides = array<i32>} : memref<64x128xf32, #tpu.memory_space<vmem>>, vector<16xf32>,
        tpu.vector_store %arg14[%swap3A_286, %swap3A_287], %mul3A_285 {strides = array<i32>} : memref<64x128xf32, #tpu.memory_space<vmem>>, vector<16xf32>,
        %scan3A_289 = arith.constant 0 : i32
        scf.yield %scan3A_289 : i32
      }
      %scan3A_97 = arith.constant 64 : i32
      "tpu.region"() ({
        %run_scoped3A = tpu.sem_alloc : memref<!tpu.dma_semaphore, #tpu.memory_space<semaphore_mem>>
        %dma_start3A_153 = arith.constant 0 : i32
        %dma_start3A_154 = arith.constant 0 : i32
        %dma_start3A_155 = tpu.memref_slice %arg18[%dma_start3A_153, %dma_start3A_154] : memref<10112x128xf32, #tpu.memory_space<vmem_shared>> -> memref<10112x128xf32, #tpu.memory_space<vmem_shared>>
        tpu.enqueue_indirect_dma source(%arg12 : memref<64x128xf32, #tpu.memory_space<vmem>>) target(%dma_start3A_155 : memref<10112x128xf32, #tpu.memory_space<vmem_shared>>) offsets(%arg10 : memref<64xi32, #tpu.memory_space<vmem>>) semaphore(%run_scoped3A : memref<!tpu.dma_semaphore, #tpu.memory_space<semaphore_mem>>) {add = true}
        %dma_wait3A_156 = arith.constant 0 : i32
        %dma_wait3A_157 = arith.constant 0 : i32
        %dma_wait3A_158 = tpu.memref_slice %arg18[%dma_wait3A_156, %dma_wait3A_157] : memref<10112x128xf32, #tpu.memory_space<vmem_shared>> -> memref<10112x128xf32, #tpu.memory_space<vmem_shared>>
        tpu.wait_indirect_dma semaphore(%run_scoped3A : memref<!tpu.dma_semaphore, #tpu.memory_space<semaphore_mem>>) src(%arg12 : memref<64x128xf32, #tpu.memory_space<vmem>>) dst(%dma_wait3A_158 : memref<10112x128xf32, #tpu.memory_space<vmem_shared>>)
        tpu.yield
      }) : () -> ()
      "tpu.region"() ({
        %run_scoped3A = tpu.sem_alloc : memref<!tpu.dma_semaphore, #tpu.memory_space<semaphore_mem>>
        %dma_start3A_153 = arith.constant 0 : i32
        %dma_start3A_154 = arith.constant 0 : i32
        %dma_start3A_155 = tpu.memref_slice %arg18[%dma_start3A_153, %dma_start3A_154] : memref<10112x128xf32, #tpu.memory_space<vmem_shared>> -> memref<10112x128xf32, #tpu.memory_space<vmem_shared>>
        tpu.enqueue_indirect_dma source(%arg14 : memref<64x128xf32, #tpu.memory_space<vmem>>) target(%dma_start3A_155 : memref<10112x128xf32, #tpu.memory_space<vmem_shared>>) offsets(%arg8 : memref<64xi32, #tpu.memory_space<vmem>>) semaphore(%run_scoped3A : memref<!tpu.dma_semaphore, #tpu.memory_space<semaphore_mem>>) {add = true}
        %dma_wait3A_156 = arith.constant 0 : i32
        %dma_wait3A_157 = arith.constant 0 : i32
        %dma_wait3A_158 = tpu.memref_slice %arg18[%dma_wait3A_156, %dma_wait3A_157] : memref<10112x128xf32, #tpu.memory_space<vmem_shared>> -> memref<10112x128xf32, #tpu.memory_space<vmem_shared>>
        tpu.wait_indirect_dma semaphore(%run_scoped3A : memref<!tpu.dma_semaphore, #tpu.memory_space<semaphore_mem>>) src(%arg14 : memref<64x128xf32, #tpu.memory_space<vmem>>) dst(%dma_wait3A_158 : memref<10112x128xf32, #tpu.memory_space<vmem_shared>>)
        tpu.yield
      }) : () -> ()
      %mul3A_98 = arith.constant 2 : i32
      %mul3A_99 = arith.muli %mul3A_98, %while3A_45 : i32
      %add3A_100 = arith.constant 1 : i32
      %add3A_101 = arith.addi %mul3A_99, %add3A_100 : i32
      %add3A_102 = arith.addi %select_n3A_8, %add3A_101 : i32
      %mul3A_103 = arith.constant 64 : i32
      %mul3A_104 = arith.muli %add3A_102, %mul3A_103 : i32
      %dma_start3A_105 = tpu.memref_slice %arg4[%mul3A_104] : memref<163840xi32, #tpu.memory_space<hbm>> -> memref<64xi32, #tpu.memory_space<hbm>>
      %dma_start3A_106 = tpu.memref_slice %arg4[%mul3A_104] : memref<163840xi32, #tpu.memory_space<hbm>> -> memref<64xi32, #tpu.memory_space<hbm>>
      tpu.enqueue_dma source(%dma_start3A_106 : memref<64xi32, #tpu.memory_space<hbm>>) target(%arg9 : memref<64xi32, #tpu.memory_space<vmem>>) target_semaphore(%arg20 : memref<!tpu.dma_semaphore, #tpu.memory_space<semaphore_mem>>)
      %add3A_107 = arith.addi %select_n3A_8, %add3A_101 : i32
      %mul3A_108 = arith.constant 64 : i32
      %mul3A_109 = arith.muli %add3A_107, %mul3A_108 : i32
      %dma_start3A_110 = tpu.memref_slice %arg5[%mul3A_109] : memref<163840xi32, #tpu.memory_space<hbm>> -> memref<64xi32, #tpu.memory_space<hbm>>
      %dma_start3A_111 = tpu.memref_slice %arg5[%mul3A_109] : memref<163840xi32, #tpu.memory_space<hbm>> -> memref<64xi32, #tpu.memory_space<hbm>>
      tpu.enqueue_dma source(%dma_start3A_111 : memref<64xi32, #tpu.memory_space<hbm>>) target(%arg11 : memref<64xi32, #tpu.memory_space<vmem>>) target_semaphore(%arg20 : memref<!tpu.dma_semaphore, #tpu.memory_space<semaphore_mem>>)
      %dma_wait3A_112 = arith.constant 0 : i32
      %dma_wait3A_113 = tpu.memref_slice %arg4[%dma_wait3A_112] : memref<163840xi32, #tpu.memory_space<hbm>> -> memref<64xi32, #tpu.memory_space<hbm>>
      %dma_wait3A_114 = arith.constant 0 : i32
      %dma_wait3A_115 = tpu.memref_slice %arg4[%dma_wait3A_114] : memref<163840xi32, #tpu.memory_space<hbm>> -> memref<64xi32, #tpu.memory_space<hbm>>
      tpu.wait_dma2 semaphore(%arg20 : memref<!tpu.dma_semaphore, #tpu.memory_space<semaphore_mem>>) src(%dma_wait3A_115 : memref<64xi32, #tpu.memory_space<hbm>>) dst(%arg9 : memref<64xi32, #tpu.memory_space<vmem>>)
      %dma_wait3A_116 = arith.constant 0 : i32
      %dma_wait3A_117 = tpu.memref_slice %arg5[%dma_wait3A_116] : memref<163840xi32, #tpu.memory_space<hbm>> -> memref<64xi32, #tpu.memory_space<hbm>>
      %dma_wait3A_118 = arith.constant 0 : i32
      %dma_wait3A_119 = tpu.memref_slice %arg5[%dma_wait3A_118] : memref<163840xi32, #tpu.memory_space<hbm>> -> memref<64xi32, #tpu.memory_space<hbm>>
      tpu.wait_dma2 semaphore(%arg20 : memref<!tpu.dma_semaphore, #tpu.memory_space<semaphore_mem>>) src(%dma_wait3A_119 : memref<64xi32, #tpu.memory_space<hbm>>) dst(%arg11 : memref<64xi32, #tpu.memory_space<vmem>>)
      %dma_start3A_120 = arith.constant 0 : i32
      %dma_start3A_121 = arith.constant 0 : i32
      %dma_start3A_122 = tpu.memref_slice %arg2[%dma_start3A_120, %dma_start3A_121] : memref<10000x128xf32, #tpu.memory_space<hbm>> -> memref<10000x128xf32, #tpu.memory_space<hbm>>
      tpu.enqueue_indirect_dma source(%dma_start3A_122 : memref<10000x128xf32, #tpu.memory_space<hbm>>) target(%arg13 : memref<64x128xf32, #tpu.memory_space<vmem>>) offsets(%arg9 : memref<64xi32, #tpu.memory_space<vmem>>) semaphore(%arg22 : memref<!tpu.dma_semaphore, #tpu.memory_space<semaphore_mem>>)
      %dma_start3A_123 = arith.constant 0 : i32
      %dma_start3A_124 = arith.constant 0 : i32
      %dma_start3A_125 = tpu.memref_slice %arg2[%dma_start3A_123, %dma_start3A_124] : memref<10000x128xf32, #tpu.memory_space<hbm>> -> memref<10000x128xf32, #tpu.memory_space<hbm>>
      tpu.enqueue_indirect_dma source(%dma_start3A_125 : memref<10000x128xf32, #tpu.memory_space<hbm>>) target(%arg15 : memref<64x128xf32, #tpu.memory_space<vmem>>) offsets(%arg11 : memref<64xi32, #tpu.memory_space<vmem>>) semaphore(%arg24 : memref<!tpu.dma_semaphore, #tpu.memory_space<semaphore_mem>>)
      %add3A_126 = arith.addi %select_n3A_8, %add3A_101 : i32
      %mul3A_127 = arith.constant 64 : i32
      %mul3A_128 = arith.muli %add3A_126, %mul3A_127 : i32
      %dma_start3A_129 = arith.constant 0 : i32
      %dma_start3A_130 = tpu.memref_slice %arg3[%mul3A_128, %dma_start3A_129] : memref<163840x128xf32, #tpu.memory_space<hbm>> -> memref<64x128xf32, #tpu.memory_space<hbm>>
      %dma_start3A_131 = arith.constant 0 : i32
      %dma_start3A_132 = tpu.memref_slice %arg3[%mul3A_128, %dma_start3A_131] : memref<163840x128xf32, #tpu.memory_space<hbm>> -> memref<64x128xf32, #tpu.memory_space<hbm>>
      tpu.enqueue_dma source(%dma_start3A_132 : memref<64x128xf32, #tpu.memory_space<hbm>>) target(%arg17 : memref<64x128xf32, #tpu.memory_space<vmem>>) target_semaphore(%arg26 : memref<!tpu.dma_semaphore, #tpu.memory_space<semaphore_mem>>)
      %dma_wait3A_133 = arith.constant 0 : i32
      %dma_wait3A_134 = arith.constant 0 : i32
      %dma_wait3A_135 = tpu.memref_slice %arg2[%dma_wait3A_133, %dma_wait3A_134] : memref<10000x128xf32, #tpu.memory_space<hbm>> -> memref<10000x128xf32, #tpu.memory_space<hbm>>
      tpu.wait_indirect_dma semaphore(%arg22 : memref<!tpu.dma_semaphore, #tpu.memory_space<semaphore_mem>>) src(%dma_wait3A_135 : memref<10000x128xf32, #tpu.memory_space<hbm>>) dst(%arg13 : memref<64x128xf32, #tpu.memory_space<vmem>>)
      %dma_wait3A_136 = arith.constant 0 : i32
      %dma_wait3A_137 = arith.constant 0 : i32
      %dma_wait3A_138 = tpu.memref_slice %arg2[%dma_wait3A_136, %dma_wait3A_137] : memref<10000x128xf32, #tpu.memory_space<hbm>> -> memref<10000x128xf32, #tpu.memory_space<hbm>>
      tpu.wait_indirect_dma semaphore(%arg24 : memref<!tpu.dma_semaphore, #tpu.memory_space<semaphore_mem>>) src(%dma_wait3A_138 : memref<10000x128xf32, #tpu.memory_space<hbm>>) dst(%arg15 : memref<64x128xf32, #tpu.memory_space<vmem>>)
      %dma_wait3A_139 = arith.constant 0 : i32
      %dma_wait3A_140 = arith.constant 0 : i32
      %dma_wait3A_141 = tpu.memref_slice %arg3[%dma_wait3A_139, %dma_wait3A_140] : memref<163840x128xf32, #tpu.memory_space<hbm>> -> memref<64x128xf32, #tpu.memory_space<hbm>>
      %dma_wait3A_142 = arith.constant 0 : i32
      %dma_wait3A_143 = arith.constant 0 : i32
      %dma_wait3A_144 = tpu.memref_slice %arg3[%dma_wait3A_142, %dma_wait3A_143] : memref<163840x128xf32, #tpu.memory_space<hbm>> -> memref<64x128xf32, #tpu.memory_space<hbm>>
      tpu.wait_dma2 semaphore(%arg26 : memref<!tpu.dma_semaphore, #tpu.memory_space<semaphore_mem>>) src(%dma_wait3A_144 : memref<64x128xf32, #tpu.memory_space<hbm>>) dst(%arg17 : memref<64x128xf32, #tpu.memory_space<vmem>>)
      %scan3A_145 = arith.constant 0 : i32
      %scan3A_146 = arith.constant 0 : i32
      %scan3A_147 = arith.constant 64 : i32
      %scan3A_148 = arith.addi %scan3A_146, %scan3A_147 : i32
      %scan3A_149 = arith.constant 1 : i32
      %scan3A_150 = scf.for %scan3A_153 = %scan3A_146 to %scan3A_148 step %scan3A_149 iter_args(%scan3A_154 = %scan3A_145) -> (i32)  : i32 {
        %get3A = arith.index_cast %scan3A_153 : i32 to index
        %get3A_155 = arith.constant 0 : index
        %get3A_156 = tpu.vector_load %arg17[%get3A, %get3A_155] {strides = array<i32>} : memref<64x128xf32, #tpu.memory_space<vmem>>, vector<16xf32>,
        %get3A_157 = arith.index_cast %scan3A_153 : i32 to index
        %get3A_158 = arith.constant 0 : index
        %get3A_159 = tpu.vector_load %arg13[%get3A_157, %get3A_158] {strides = array<i32>} : memref<64x128xf32, #tpu.memory_space<vmem>>, vector<16xf32>,
        %mul3A_160 = arith.mulf %get3A_159, %get3A_156 : vector<16xf32>
        %swap3A = arith.index_cast %scan3A_153 : i32 to index
        %swap3A_161 = arith.constant 0 : index
        %swap3A_162 = tpu.vector_load %arg13[%swap3A, %swap3A_161] {strides = array<i32>} : memref<64x128xf32, #tpu.memory_space<vmem>>, vector<16xf32>,
        tpu.vector_store %arg13[%swap3A, %swap3A_161], %mul3A_160 {strides = array<i32>} : memref<64x128xf32, #tpu.memory_space<vmem>>, vector<16xf32>,
        %get3A_163 = arith.index_cast %scan3A_153 : i32 to index
        %get3A_164 = arith.constant 0 : index
        %get3A_165 = tpu.vector_load %arg15[%get3A_163, %get3A_164] {strides = array<i32>} : memref<64x128xf32, #tpu.memory_space<vmem>>, vector<16xf32>,
        %mul3A_166 = arith.mulf %get3A_165, %get3A_156 : vector<16xf32>
        %swap3A_167 = arith.index_cast %scan3A_153 : i32 to index
        %swap3A_168 = arith.constant 0 : index
        %swap3A_169 = tpu.vector_load %arg15[%swap3A_167, %swap3A_168] {strides = array<i32>} : memref<64x128xf32, #tpu.memory_space<vmem>>, vector<16xf32>,
        tpu.vector_store %arg15[%swap3A_167, %swap3A_168], %mul3A_166 {strides = array<i32>} : memref<64x128xf32, #tpu.memory_space<vmem>>, vector<16xf32>,
        %get3A_170 = arith.index_cast %scan3A_153 : i32 to index
        %get3A_171 = arith.constant 16 : index
        %get3A_172 = tpu.vector_load %arg17[%get3A_170, %get3A_171] {strides = array<i32>} : memref<64x128xf32, #tpu.memory_space<vmem>>, vector<16xf32>,
        %get3A_173 = arith.index_cast %scan3A_153 : i32 to index
        %get3A_174 = arith.constant 16 : index
        %get3A_175 = tpu.vector_load %arg13[%get3A_173, %get3A_174] {strides = array<i32>} : memref<64x128xf32, #tpu.memory_space<vmem>>, vector<16xf32>,
        %mul3A_176 = arith.mulf %get3A_175, %get3A_172 : vector<16xf32>
        %swap3A_177 = arith.index_cast %scan3A_153 : i32 to index
        %swap3A_178 = arith.constant 16 : index
        %swap3A_179 = tpu.vector_load %arg13[%swap3A_177, %swap3A_178] {strides = array<i32>} : memref<64x128xf32, #tpu.memory_space<vmem>>, vector<16xf32>,
        tpu.vector_store %arg13[%swap3A_177, %swap3A_178], %mul3A_176 {strides = array<i32>} : memref<64x128xf32, #tpu.memory_space<vmem>>, vector<16xf32>,
        %get3A_180 = arith.index_cast %scan3A_153 : i32 to index
        %get3A_181 = arith.constant 16 : index
        %get3A_182 = tpu.vector_load %arg15[%get3A_180, %get3A_181] {strides = array<i32>} : memref<64x128xf32, #tpu.memory_space<vmem>>, vector<16xf32>,
        %mul3A_183 = arith.mulf %get3A_182, %get3A_172 : vector<16xf32>
        %swap3A_184 = arith.index_cast %scan3A_153 : i32 to index
        %swap3A_185 = arith.constant 16 : index
        %swap3A_186 = tpu.vector_load %arg15[%swap3A_184, %swap3A_185] {strides = array<i32>} : memref<64x128xf32, #tpu.memory_space<vmem>>, vector<16xf32>,
        tpu.vector_store %arg15[%swap3A_184, %swap3A_185], %mul3A_183 {strides = array<i32>} : memref<64x128xf32, #tpu.memory_space<vmem>>, vector<16xf32>,
        %get3A_187 = arith.index_cast %scan3A_153 : i32 to index
        %get3A_188 = arith.constant 32 : index
        %get3A_189 = tpu.vector_load %arg17[%get3A_187, %get3A_188] {strides = array<i32>} : memref<64x128xf32, #tpu.memory_space<vmem>>, vector<16xf32>,
        %get3A_190 = arith.index_cast %scan3A_153 : i32 to index
        %get3A_191 = arith.constant 32 : index
        %get3A_192 = tpu.vector_load %arg13[%get3A_190, %get3A_191] {strides = array<i32>} : memref<64x128xf32, #tpu.memory_space<vmem>>, vector<16xf32>,
        %mul3A_193 = arith.mulf %get3A_192, %get3A_189 : vector<16xf32>
        %swap3A_194 = arith.index_cast %scan3A_153 : i32 to index
        %swap3A_195 = arith.constant 32 : index
        %swap3A_196 = tpu.vector_load %arg13[%swap3A_194, %swap3A_195] {strides = array<i32>} : memref<64x128xf32, #tpu.memory_space<vmem>>, vector<16xf32>,
        tpu.vector_store %arg13[%swap3A_194, %swap3A_195], %mul3A_193 {strides = array<i32>} : memref<64x128xf32, #tpu.memory_space<vmem>>, vector<16xf32>,
        %get3A_197 = arith.index_cast %scan3A_153 : i32 to index
        %get3A_198 = arith.constant 32 : index
        %get3A_199 = tpu.vector_load %arg15[%get3A_197, %get3A_198] {strides = array<i32>} : memref<64x128xf32, #tpu.memory_space<vmem>>, vector<16xf32>,
        %mul3A_200 = arith.mulf %get3A_199, %get3A_189 : vector<16xf32>
        %swap3A_201 = arith.index_cast %scan3A_153 : i32 to index
        %swap3A_202 = arith.constant 32 : index
        %swap3A_203 = tpu.vector_load %arg15[%swap3A_201, %swap3A_202] {strides = array<i32>} : memref<64x128xf32, #tpu.memory_space<vmem>>, vector<16xf32>,
        tpu.vector_store %arg15[%swap3A_201, %swap3A_202], %mul3A_200 {strides = array<i32>} : memref<64x128xf32, #tpu.memory_space<vmem>>, vector<16xf32>,
        %get3A_204 = arith.index_cast %scan3A_153 : i32 to index
        %get3A_205 = arith.constant 48 : index
        %get3A_206 = tpu.vector_load %arg17[%get3A_204, %get3A_205] {strides = array<i32>} : memref<64x128xf32, #tpu.memory_space<vmem>>, vector<16xf32>,
        %get3A_207 = arith.index_cast %scan3A_153 : i32 to index
        %get3A_208 = arith.constant 48 : index
        %get3A_209 = tpu.vector_load %arg13[%get3A_207, %get3A_208] {strides = array<i32>} : memref<64x128xf32, #tpu.memory_space<vmem>>, vector<16xf32>,
        %mul3A_210 = arith.mulf %get3A_209, %get3A_206 : vector<16xf32>
        %swap3A_211 = arith.index_cast %scan3A_153 : i32 to index
        %swap3A_212 = arith.constant 48 : index
        %swap3A_213 = tpu.vector_load %arg13[%swap3A_211, %swap3A_212] {strides = array<i32>} : memref<64x128xf32, #tpu.memory_space<vmem>>, vector<16xf32>,
        tpu.vector_store %arg13[%swap3A_211, %swap3A_212], %mul3A_210 {strides = array<i32>} : memref<64x128xf32, #tpu.memory_space<vmem>>, vector<16xf32>,
        %get3A_214 = arith.index_cast %scan3A_153 : i32 to index
        %get3A_215 = arith.constant 48 : index
        %get3A_216 = tpu.vector_load %arg15[%get3A_214, %get3A_215] {strides = array<i32>} : memref<64x128xf32, #tpu.memory_space<vmem>>, vector<16xf32>,
        %mul3A_217 = arith.mulf %get3A_216, %get3A_206 : vector<16xf32>
        %swap3A_218 = arith.index_cast %scan3A_153 : i32 to index
        %swap3A_219 = arith.constant 48 : index
        %swap3A_220 = tpu.vector_load %arg15[%swap3A_218, %swap3A_219] {strides = array<i32>} : memref<64x128xf32, #tpu.memory_space<vmem>>, vector<16xf32>,
        tpu.vector_store %arg15[%swap3A_218, %swap3A_219], %mul3A_217 {strides = array<i32>} : memref<64x128xf32, #tpu.memory_space<vmem>>, vector<16xf32>,
        %get3A_221 = arith.index_cast %scan3A_153 : i32 to index
        %get3A_222 = arith.constant 64 : index
        %get3A_223 = tpu.vector_load %arg17[%get3A_221, %get3A_222] {strides = array<i32>} : memref<64x128xf32, #tpu.memory_space<vmem>>, vector<16xf32>,
        %get3A_224 = arith.index_cast %scan3A_153 : i32 to index
        %get3A_225 = arith.constant 64 : index
        %get3A_226 = tpu.vector_load %arg13[%get3A_224, %get3A_225] {strides = array<i32>} : memref<64x128xf32, #tpu.memory_space<vmem>>, vector<16xf32>,
        %mul3A_227 = arith.mulf %get3A_226, %get3A_223 : vector<16xf32>
        %swap3A_228 = arith.index_cast %scan3A_153 : i32 to index
        %swap3A_229 = arith.constant 64 : index
        %swap3A_230 = tpu.vector_load %arg13[%swap3A_228, %swap3A_229] {strides = array<i32>} : memref<64x128xf32, #tpu.memory_space<vmem>>, vector<16xf32>,
        tpu.vector_store %arg13[%swap3A_228, %swap3A_229], %mul3A_227 {strides = array<i32>} : memref<64x128xf32, #tpu.memory_space<vmem>>, vector<16xf32>,
        %get3A_231 = arith.index_cast %scan3A_153 : i32 to index
        %get3A_232 = arith.constant 64 : index
        %get3A_233 = tpu.vector_load %arg15[%get3A_231, %get3A_232] {strides = array<i32>} : memref<64x128xf32, #tpu.memory_space<vmem>>, vector<16xf32>,
        %mul3A_234 = arith.mulf %get3A_233, %get3A_223 : vector<16xf32>
        %swap3A_235 = arith.index_cast %scan3A_153 : i32 to index
        %swap3A_236 = arith.constant 64 : index
        %swap3A_237 = tpu.vector_load %arg15[%swap3A_235, %swap3A_236] {strides = array<i32>} : memref<64x128xf32, #tpu.memory_space<vmem>>, vector<16xf32>,
        tpu.vector_store %arg15[%swap3A_235, %swap3A_236], %mul3A_234 {strides = array<i32>} : memref<64x128xf32, #tpu.memory_space<vmem>>, vector<16xf32>,
        %get3A_238 = arith.index_cast %scan3A_153 : i32 to index
        %get3A_239 = arith.constant 80 : index
        %get3A_240 = tpu.vector_load %arg17[%get3A_238, %get3A_239] {strides = array<i32>} : memref<64x128xf32, #tpu.memory_space<vmem>>, vector<16xf32>,
        %get3A_241 = arith.index_cast %scan3A_153 : i32 to index
        %get3A_242 = arith.constant 80 : index
        %get3A_243 = tpu.vector_load %arg13[%get3A_241, %get3A_242] {strides = array<i32>} : memref<64x128xf32, #tpu.memory_space<vmem>>, vector<16xf32>,
        %mul3A_244 = arith.mulf %get3A_243, %get3A_240 : vector<16xf32>
        %swap3A_245 = arith.index_cast %scan3A_153 : i32 to index
        %swap3A_246 = arith.constant 80 : index
        %swap3A_247 = tpu.vector_load %arg13[%swap3A_245, %swap3A_246] {strides = array<i32>} : memref<64x128xf32, #tpu.memory_space<vmem>>, vector<16xf32>,
        tpu.vector_store %arg13[%swap3A_245, %swap3A_246], %mul3A_244 {strides = array<i32>} : memref<64x128xf32, #tpu.memory_space<vmem>>, vector<16xf32>,
        %get3A_248 = arith.index_cast %scan3A_153 : i32 to index
        %get3A_249 = arith.constant 80 : index
        %get3A_250 = tpu.vector_load %arg15[%get3A_248, %get3A_249] {strides = array<i32>} : memref<64x128xf32, #tpu.memory_space<vmem>>, vector<16xf32>,
        %mul3A_251 = arith.mulf %get3A_250, %get3A_240 : vector<16xf32>
        %swap3A_252 = arith.index_cast %scan3A_153 : i32 to index
        %swap3A_253 = arith.constant 80 : index
        %swap3A_254 = tpu.vector_load %arg15[%swap3A_252, %swap3A_253] {strides = array<i32>} : memref<64x128xf32, #tpu.memory_space<vmem>>, vector<16xf32>,
        tpu.vector_store %arg15[%swap3A_252, %swap3A_253], %mul3A_251 {strides = array<i32>} : memref<64x128xf32, #tpu.memory_space<vmem>>, vector<16xf32>,
        %get3A_255 = arith.index_cast %scan3A_153 : i32 to index
        %get3A_256 = arith.constant 96 : index
        %get3A_257 = tpu.vector_load %arg17[%get3A_255, %get3A_256] {strides = array<i32>} : memref<64x128xf32, #tpu.memory_space<vmem>>, vector<16xf32>,
        %get3A_258 = arith.index_cast %scan3A_153 : i32 to index
        %get3A_259 = arith.constant 96 : index
        %get3A_260 = tpu.vector_load %arg13[%get3A_258, %get3A_259] {strides = array<i32>} : memref<64x128xf32, #tpu.memory_space<vmem>>, vector<16xf32>,
        %mul3A_261 = arith.mulf %get3A_260, %get3A_257 : vector<16xf32>
        %swap3A_262 = arith.index_cast %scan3A_153 : i32 to index
        %swap3A_263 = arith.constant 96 : index
        %swap3A_264 = tpu.vector_load %arg13[%swap3A_262, %swap3A_263] {strides = array<i32>} : memref<64x128xf32, #tpu.memory_space<vmem>>, vector<16xf32>,
        tpu.vector_store %arg13[%swap3A_262, %swap3A_263], %mul3A_261 {strides = array<i32>} : memref<64x128xf32, #tpu.memory_space<vmem>>, vector<16xf32>,
        %get3A_265 = arith.index_cast %scan3A_153 : i32 to index
        %get3A_266 = arith.constant 96 : index
        %get3A_267 = tpu.vector_load %arg15[%get3A_265, %get3A_266] {strides = array<i32>} : memref<64x128xf32, #tpu.memory_space<vmem>>, vector<16xf32>,
        %mul3A_268 = arith.mulf %get3A_267, %get3A_257 : vector<16xf32>
        %swap3A_269 = arith.index_cast %scan3A_153 : i32 to index
        %swap3A_270 = arith.constant 96 : index
        %swap3A_271 = tpu.vector_load %arg15[%swap3A_269, %swap3A_270] {strides = array<i32>} : memref<64x128xf32, #tpu.memory_space<vmem>>, vector<16xf32>,
        tpu.vector_store %arg15[%swap3A_269, %swap3A_270], %mul3A_268 {strides = array<i32>} : memref<64x128xf32, #tpu.memory_space<vmem>>, vector<16xf32>,
        %get3A_272 = arith.index_cast %scan3A_153 : i32 to index
        %get3A_273 = arith.constant 112 : index
        %get3A_274 = tpu.vector_load %arg17[%get3A_272, %get3A_273] {strides = array<i32>} : memref<64x128xf32, #tpu.memory_space<vmem>>, vector<16xf32>,
        %get3A_275 = arith.index_cast %scan3A_153 : i32 to index
        %get3A_276 = arith.constant 112 : index
        %get3A_277 = tpu.vector_load %arg13[%get3A_275, %get3A_276] {strides = array<i32>} : memref<64x128xf32, #tpu.memory_space<vmem>>, vector<16xf32>,
        %mul3A_278 = arith.mulf %get3A_277, %get3A_274 : vector<16xf32>
        %swap3A_279 = arith.index_cast %scan3A_153 : i32 to index
        %swap3A_280 = arith.constant 112 : index
        %swap3A_281 = tpu.vector_load %arg13[%swap3A_279, %swap3A_280] {strides = array<i32>} : memref<64x128xf32, #tpu.memory_space<vmem>>, vector<16xf32>,
        tpu.vector_store %arg13[%swap3A_279, %swap3A_280], %mul3A_278 {strides = array<i32>} : memref<64x128xf32, #tpu.memory_space<vmem>>, vector<16xf32>,
        %get3A_282 = arith.index_cast %scan3A_153 : i32 to index
        %get3A_283 = arith.constant 112 : index
        %get3A_284 = tpu.vector_load %arg15[%get3A_282, %get3A_283] {strides = array<i32>} : memref<64x128xf32, #tpu.memory_space<vmem>>, vector<16xf32>,
        %mul3A_285 = arith.mulf %get3A_284, %get3A_274 : vector<16xf32>
        %swap3A_286 = arith.index_cast %scan3A_153 : i32 to index
        %swap3A_287 = arith.constant 112 : index
        %swap3A_288 = tpu.vector_load %arg15[%swap3A_286, %swap3A_287] {strides = array<i32>} : memref<64x128xf32, #tpu.memory_space<vmem>>, vector<16xf32>,
        tpu.vector_store %arg15[%swap3A_286, %swap3A_287], %mul3A_285 {strides = array<i32>} : memref<64x128xf32, #tpu.memory_space<vmem>>, vector<16xf32>,
        %scan3A_289 = arith.constant 0 : i32
        scf.yield %scan3A_289 : i32
      }
      %scan3A_151 = arith.constant 64 : i32
      "tpu.region"() ({
        %run_scoped3A = tpu.sem_alloc : memref<!tpu.dma_semaphore, #tpu.memory_space<semaphore_mem>>
        %dma_start3A_153 = arith.constant 0 : i32
        %dma_start3A_154 = arith.constant 0 : i32
        %dma_start3A_155 = tpu.memref_slice %arg18[%dma_start3A_153, %dma_start3A_154] : memref<10112x128xf32, #tpu.memory_space<vmem_shared>> -> memref<10112x128xf32, #tpu.memory_space<vmem_shared>>
        tpu.enqueue_indirect_dma source(%arg13 : memref<64x128xf32, #tpu.memory_space<vmem>>) target(%dma_start3A_155 : memref<10112x128xf32, #tpu.memory_space<vmem_shared>>) offsets(%arg11 : memref<64xi32, #tpu.memory_space<vmem>>) semaphore(%run_scoped3A : memref<!tpu.dma_semaphore, #tpu.memory_space<semaphore_mem>>) {add = true}
        %dma_wait3A_156 = arith.constant 0 : i32
        %dma_wait3A_157 = arith.constant 0 : i32
        %dma_wait3A_158 = tpu.memref_slice %arg18[%dma_wait3A_156, %dma_wait3A_157] : memref<10112x128xf32, #tpu.memory_space<vmem_shared>> -> memref<10112x128xf32, #tpu.memory_space<vmem_shared>>
        tpu.wait_indirect_dma semaphore(%run_scoped3A : memref<!tpu.dma_semaphore, #tpu.memory_space<semaphore_mem>>) src(%arg13 : memref<64x128xf32, #tpu.memory_space<vmem>>) dst(%dma_wait3A_158 : memref<10112x128xf32, #tpu.memory_space<vmem_shared>>)
        tpu.yield
      }) : () -> ()
      "tpu.region"() ({
        %run_scoped3A = tpu.sem_alloc : memref<!tpu.dma_semaphore, #tpu.memory_space<semaphore_mem>>
        %dma_start3A_153 = arith.constant 0 : i32
        %dma_start3A_154 = arith.constant 0 : i32
        %dma_start3A_155 = tpu.memref_slice %arg18[%dma_start3A_153, %dma_start3A_154] : memref<10112x128xf32, #tpu.memory_space<vmem_shared>> -> memref<10112x128xf32, #tpu.memory_space<vmem_shared>>
        tpu.enqueue_indirect_dma source(%arg15 : memref<64x128xf32, #tpu.memory_space<vmem>>) target(%dma_start3A_155 : memref<10112x128xf32, #tpu.memory_space<vmem_shared>>) offsets(%arg9 : memref<64xi32, #tpu.memory_space<vmem>>) semaphore(%run_scoped3A : memref<!tpu.dma_semaphore, #tpu.memory_space<semaphore_mem>>) {add = true}
        %dma_wait3A_156 = arith.constant 0 : i32
        %dma_wait3A_157 = arith.constant 0 : i32
        %dma_wait3A_158 = tpu.memref_slice %arg18[%dma_wait3A_156, %dma_wait3A_157] : memref<10112x128xf32, #tpu.memory_space<vmem_shared>> -> memref<10112x128xf32, #tpu.memory_space<vmem_shared>>
        tpu.wait_indirect_dma semaphore(%run_scoped3A : memref<!tpu.dma_semaphore, #tpu.memory_space<semaphore_mem>>) src(%arg15 : memref<64x128xf32, #tpu.memory_space<vmem>>) dst(%dma_wait3A_158 : memref<10112x128xf32, #tpu.memory_space<vmem_shared>>)
        tpu.yield
      }) : () -> ()
      %while3A_152 = arith.constant 0 : i32
      scf.yield %while3A_152 : i32
    }
    %barrier3A_40 = arith.constant 0 : index
    tpu.barrier barrier_id(%barrier3A_40)
    %mul3A_41 = arith.constant 632 : i32
    %mul3A_42 = arith.muli %arg1, %mul3A_41 : i32
    %mul3A_43 = arith.constant 632 : i32
    %mul3A_44 = arith.muli %arg1, %mul3A_43 : i32
    "tpu.region"() ({
      %run_scoped3A = tpu.sem_alloc : memref<!tpu.dma_semaphore, #tpu.memory_space<semaphore_mem>>
      %dma_start3A = arith.constant 0 : i32
      %dma_start3A_45 = tpu.memref_slice %arg7[%arg0, %mul3A_44, %dma_start3A] : memref<2x10112x128xf32, #tpu.memory_space<hbm>> -> memref<1x632x128xf32, #tpu.memory_space<hbm>>
      %dma_start3A_46 = tpu.memref_squeeze %dma_start3A_45 : memref<1x632x128xf32, #tpu.memory_space<hbm>> -> memref<632x128xf32, #tpu.memory_space<hbm>>
      %dma_start3A_47 = arith.constant 0 : i32
      %dma_start3A_48 = tpu.memref_slice %arg18[%mul3A_42, %dma_start3A_47] : memref<10112x128xf32, #tpu.memory_space<vmem_shared>> -> memref<632x128xf32, #tpu.memory_space<vmem_shared>>
      tpu.enqueue_dma source(%dma_start3A_48 : memref<632x128xf32, #tpu.memory_space<vmem_shared>>) target(%dma_start3A_46 : memref<632x128xf32, #tpu.memory_space<hbm>>) target_semaphore(%run_scoped3A : memref<!tpu.dma_semaphore, #tpu.memory_space<semaphore_mem>>)
      %dma_wait3A = arith.constant 0 : i32
      %dma_wait3A_49 = tpu.memref_slice %arg7[%arg0, %mul3A_44, %dma_wait3A] : memref<2x10112x128xf32, #tpu.memory_space<hbm>> -> memref<1x632x128xf32, #tpu.memory_space<hbm>>
      %dma_wait3A_50 = tpu.memref_squeeze %dma_wait3A_49 : memref<1x632x128xf32, #tpu.memory_space<hbm>> -> memref<632x128xf32, #tpu.memory_space<hbm>>
      %dma_wait3A_51 = arith.constant 0 : i32
      %dma_wait3A_52 = tpu.memref_slice %arg18[%mul3A_42, %dma_wait3A_51] : memref<10112x128xf32, #tpu.memory_space<vmem_shared>> -> memref<632x128xf32, #tpu.memory_space<vmem_shared>>
      tpu.wait_dma2 semaphore(%run_scoped3A : memref<!tpu.dma_semaphore, #tpu.memory_space<semaphore_mem>>) src(%dma_wait3A_52 : memref<632x128xf32, #tpu.memory_space<vmem_shared>>) dst(%dma_wait3A_50 : memref<632x128xf32, #tpu.memory_space<hbm>>)
      tpu.yield
    }) : () -> ()
    return
  }
}

#map = affine_map<(d0, d1) -> (0)>
#map1 = affine_map<(d0, d1) -> (0, 0)>
module attributes {stable_mosaic.version = 14 : i64} {
  func.func @_sc_d2_body(%arg0: i32, %arg1: i32, %arg2: memref<10000xf32, #tpu.memory_space<hbm>>, %arg3: memref<10000xf32, #tpu.memory_space<hbm>>, %arg4: memref<10000xf32, #tpu.memory_space<hbm>>, %arg5: memref<163840xi32, #tpu.memory_space<hbm>>, %arg6: memref<163840xi32, #tpu.memory_space<hbm>>, %arg7: memref<32x5120xf32, #tpu.memory_space<hbm>>, %arg8: memref<10000xf32, #tpu.memory_space<vmem>>, %arg9: memref<10000xf32, #tpu.memory_space<vmem>>, %arg10: memref<10000xf32, #tpu.memory_space<vmem>>, %arg11: memref<5120xi32, #tpu.memory_space<vmem>>, %arg12: memref<5120xi32, #tpu.memory_space<vmem>>, %arg13: memref<5120xf32, #tpu.memory_space<vmem>>) attributes {dimension_semantics = [#tpu.dimension_semantics<core_parallel>, #tpu.dimension_semantics<subcore_parallel>], iteration_bounds = array<i64: 2, 16>, scalar_prefetch = 0 : i64, scratch_operands = 6 : i64, tpu.core_type = #tpu.core_type<sc_vector_subcore>, window_params = [{transform_indices = #map}, {transform_indices = #map}, {transform_indices = #map}, {transform_indices = #map}, {transform_indices = #map}, {transform_indices = #map1}]} {
    %mul3A = arith.constant 16 : i32
    %mul3A_0 = arith.muli %arg0, %mul3A : i32
    %add3A = arith.addi %mul3A_0, %arg1 : i32
    "tpu.region"() ({
      %run_scoped3A = tpu.sem_alloc : memref<!tpu.dma_semaphore, #tpu.memory_space<semaphore_mem>>
      tpu.enqueue_dma source(%arg2 : memref<10000xf32, #tpu.memory_space<hbm>>) target(%arg8 : memref<10000xf32, #tpu.memory_space<vmem>>) target_semaphore(%run_scoped3A : memref<!tpu.dma_semaphore, #tpu.memory_space<semaphore_mem>>)
      tpu.wait_dma2 semaphore(%run_scoped3A : memref<!tpu.dma_semaphore, #tpu.memory_space<semaphore_mem>>) src(%arg2 : memref<10000xf32, #tpu.memory_space<hbm>>) dst(%arg8 : memref<10000xf32, #tpu.memory_space<vmem>>)
      tpu.yield
    }) : () -> ()
    "tpu.region"() ({
      %run_scoped3A = tpu.sem_alloc : memref<!tpu.dma_semaphore, #tpu.memory_space<semaphore_mem>>
      tpu.enqueue_dma source(%arg3 : memref<10000xf32, #tpu.memory_space<hbm>>) target(%arg9 : memref<10000xf32, #tpu.memory_space<vmem>>) target_semaphore(%run_scoped3A : memref<!tpu.dma_semaphore, #tpu.memory_space<semaphore_mem>>)
      tpu.wait_dma2 semaphore(%run_scoped3A : memref<!tpu.dma_semaphore, #tpu.memory_space<semaphore_mem>>) src(%arg3 : memref<10000xf32, #tpu.memory_space<hbm>>) dst(%arg9 : memref<10000xf32, #tpu.memory_space<vmem>>)
      tpu.yield
    }) : () -> ()
    "tpu.region"() ({
      %run_scoped3A = tpu.sem_alloc : memref<!tpu.dma_semaphore, #tpu.memory_space<semaphore_mem>>
      tpu.enqueue_dma source(%arg4 : memref<10000xf32, #tpu.memory_space<hbm>>) target(%arg10 : memref<10000xf32, #tpu.memory_space<vmem>>) target_semaphore(%run_scoped3A : memref<!tpu.dma_semaphore, #tpu.memory_space<semaphore_mem>>)
      tpu.wait_dma2 semaphore(%run_scoped3A : memref<!tpu.dma_semaphore, #tpu.memory_space<semaphore_mem>>) src(%arg4 : memref<10000xf32, #tpu.memory_space<hbm>>) dst(%arg10 : memref<10000xf32, #tpu.memory_space<vmem>>)
      tpu.yield
    }) : () -> ()
    %mul3A_1 = arith.constant 5120 : i32
    %mul3A_2 = arith.muli %add3A, %mul3A_1 : i32
    "tpu.region"() ({
      %run_scoped3A = tpu.sem_alloc : memref<!tpu.dma_semaphore, #tpu.memory_space<semaphore_mem>>
      %dma_start3A = tpu.memref_slice %arg5[%mul3A_2] : memref<163840xi32, #tpu.memory_space<hbm>> -> memref<5120xi32, #tpu.memory_space<hbm>>
      %dma_start3A_9 = tpu.memref_slice %arg5[%mul3A_2] : memref<163840xi32, #tpu.memory_space<hbm>> -> memref<5120xi32, #tpu.memory_space<hbm>>
      tpu.enqueue_dma source(%dma_start3A_9 : memref<5120xi32, #tpu.memory_space<hbm>>) target(%arg11 : memref<5120xi32, #tpu.memory_space<vmem>>) target_semaphore(%run_scoped3A : memref<!tpu.dma_semaphore, #tpu.memory_space<semaphore_mem>>)
      %dma_wait3A = tpu.memref_slice %arg5[%mul3A_2] : memref<163840xi32, #tpu.memory_space<hbm>> -> memref<5120xi32, #tpu.memory_space<hbm>>
      %dma_wait3A_10 = tpu.memref_slice %arg5[%mul3A_2] : memref<163840xi32, #tpu.memory_space<hbm>> -> memref<5120xi32, #tpu.memory_space<hbm>>
      tpu.wait_dma2 semaphore(%run_scoped3A : memref<!tpu.dma_semaphore, #tpu.memory_space<semaphore_mem>>) src(%dma_wait3A_10 : memref<5120xi32, #tpu.memory_space<hbm>>) dst(%arg11 : memref<5120xi32, #tpu.memory_space<vmem>>)
      tpu.yield
    }) : () -> ()
    "tpu.region"() ({
      %run_scoped3A = tpu.sem_alloc : memref<!tpu.dma_semaphore, #tpu.memory_space<semaphore_mem>>
      %dma_start3A = tpu.memref_slice %arg6[%mul3A_2] : memref<163840xi32, #tpu.memory_space<hbm>> -> memref<5120xi32, #tpu.memory_space<hbm>>
      %dma_start3A_9 = tpu.memref_slice %arg6[%mul3A_2] : memref<163840xi32, #tpu.memory_space<hbm>> -> memref<5120xi32, #tpu.memory_space<hbm>>
      tpu.enqueue_dma source(%dma_start3A_9 : memref<5120xi32, #tpu.memory_space<hbm>>) target(%arg12 : memref<5120xi32, #tpu.memory_space<vmem>>) target_semaphore(%run_scoped3A : memref<!tpu.dma_semaphore, #tpu.memory_space<semaphore_mem>>)
      %dma_wait3A = tpu.memref_slice %arg6[%mul3A_2] : memref<163840xi32, #tpu.memory_space<hbm>> -> memref<5120xi32, #tpu.memory_space<hbm>>
      %dma_wait3A_10 = tpu.memref_slice %arg6[%mul3A_2] : memref<163840xi32, #tpu.memory_space<hbm>> -> memref<5120xi32, #tpu.memory_space<hbm>>
      tpu.wait_dma2 semaphore(%run_scoped3A : memref<!tpu.dma_semaphore, #tpu.memory_space<semaphore_mem>>) src(%dma_wait3A_10 : memref<5120xi32, #tpu.memory_space<hbm>>) dst(%arg12 : memref<5120xi32, #tpu.memory_space<vmem>>)
      tpu.yield
    }) : () -> ()
    %scan3A = arith.constant 0 : i32
    %scan3A_3 = arith.constant 0 : i32
    %scan3A_4 = arith.constant 320 : i32
    %scan3A_5 = arith.addi %scan3A_3, %scan3A_4 : i32
    %scan3A_6 = arith.constant 1 : i32
    %scan3A_7 = scf.for %scan3A_9 = %scan3A_3 to %scan3A_5 step %scan3A_6 iter_args(%scan3A_10 = %scan3A) -> (i32)  : i32 {
      %mul3A_11 = arith.constant 16 : i32
      %mul3A_12 = arith.muli %scan3A_9, %mul3A_11 : i32
      %get3A = arith.index_cast %mul3A_12 : i32 to index
      %get3A_13 = tpu.vector_load %arg11[%get3A] {strides = array<i32>} : memref<5120xi32, #tpu.memory_space<vmem>>, vector<16xi32>,
      %mul3A_14 = arith.constant 16 : i32
      %mul3A_15 = arith.muli %scan3A_9, %mul3A_14 : i32
      %get3A_16 = arith.index_cast %mul3A_15 : i32 to index
      %get3A_17 = tpu.vector_load %arg12[%get3A_16] {strides = array<i32>} : memref<5120xi32, #tpu.memory_space<vmem>>, vector<16xi32>,
      %gather3A = tpu.vector_load_idx %arg8[%get3A_13] : memref<10000xf32, #tpu.memory_space<vmem>>[vector<16xi32>], vector<16xf32>,
      %gather3A_18 = tpu.vector_load_idx %arg8[%get3A_17] : memref<10000xf32, #tpu.memory_space<vmem>>[vector<16xi32>], vector<16xf32>,
      %sub3A = arith.subf %gather3A, %gather3A_18 : vector<16xf32>
      %gather3A_19 = tpu.vector_load_idx %arg9[%get3A_13] : memref<10000xf32, #tpu.memory_space<vmem>>[vector<16xi32>], vector<16xf32>,
      %gather3A_20 = tpu.vector_load_idx %arg9[%get3A_17] : memref<10000xf32, #tpu.memory_space<vmem>>[vector<16xi32>], vector<16xf32>,
      %sub3A_21 = arith.subf %gather3A_19, %gather3A_20 : vector<16xf32>
      %gather3A_22 = tpu.vector_load_idx %arg10[%get3A_13] : memref<10000xf32, #tpu.memory_space<vmem>>[vector<16xi32>], vector<16xf32>,
      %gather3A_23 = tpu.vector_load_idx %arg10[%get3A_17] : memref<10000xf32, #tpu.memory_space<vmem>>[vector<16xi32>], vector<16xf32>,
      %sub3A_24 = arith.subf %gather3A_22, %gather3A_23 : vector<16xf32>
      %mul3A_25 = arith.mulf %sub3A, %sub3A : vector<16xf32>
      %mul3A_26 = arith.mulf %sub3A_21, %sub3A_21 : vector<16xf32>
      %add3A_27 = arith.addf %mul3A_25, %mul3A_26 : vector<16xf32>
      %mul3A_28 = arith.mulf %sub3A_24, %sub3A_24 : vector<16xf32>
      %add3A_29 = arith.addf %add3A_27, %mul3A_28 : vector<16xf32>
      %mul3A_30 = arith.constant 16 : i32
      %mul3A_31 = arith.muli %scan3A_9, %mul3A_30 : i32
      %swap3A = arith.index_cast %mul3A_31 : i32 to index
      %swap3A_32 = tpu.vector_load %arg13[%swap3A] {strides = array<i32>} : memref<5120xf32, #tpu.memory_space<vmem>>, vector<16xf32>,
      tpu.vector_store %arg13[%swap3A], %add3A_29 {strides = array<i32>} : memref<5120xf32, #tpu.memory_space<vmem>>, vector<16xf32>,
      %scan3A_33 = arith.constant 0 : i32
      scf.yield %scan3A_33 : i32
    }
    %scan3A_8 = arith.constant 320 : i32
    "tpu.region"() ({
      %run_scoped3A = tpu.sem_alloc : memref<!tpu.dma_semaphore, #tpu.memory_space<semaphore_mem>>
      %dma_start3A = arith.constant 0 : i32
      %dma_start3A_9 = tpu.memref_slice %arg7[%add3A, %dma_start3A] : memref<32x5120xf32, #tpu.memory_space<hbm>> -> memref<1x5120xf32, #tpu.memory_space<hbm>>
      %dma_start3A_10 = tpu.memref_squeeze %dma_start3A_9 : memref<1x5120xf32, #tpu.memory_space<hbm>> -> memref<5120xf32, #tpu.memory_space<hbm>>
      %dma_start3A_11 = arith.constant 0 : i32
      %dma_start3A_12 = tpu.memref_slice %arg7[%add3A, %dma_start3A_11] : memref<32x5120xf32, #tpu.memory_space<hbm>> -> memref<1x5120xf32, #tpu.memory_space<hbm>>
      %dma_start3A_13 = tpu.memref_squeeze %dma_start3A_12 : memref<1x5120xf32, #tpu.memory_space<hbm>> -> memref<5120xf32, #tpu.memory_space<hbm>>
      tpu.enqueue_dma source(%arg13 : memref<5120xf32, #tpu.memory_space<vmem>>) target(%dma_start3A_13 : memref<5120xf32, #tpu.memory_space<hbm>>) target_semaphore(%run_scoped3A : memref<!tpu.dma_semaphore, #tpu.memory_space<semaphore_mem>>)
      %dma_wait3A = arith.constant 0 : i32
      %dma_wait3A_14 = tpu.memref_slice %arg7[%add3A, %dma_wait3A] : memref<32x5120xf32, #tpu.memory_space<hbm>> -> memref<1x5120xf32, #tpu.memory_space<hbm>>
      %dma_wait3A_15 = tpu.memref_squeeze %dma_wait3A_14 : memref<1x5120xf32, #tpu.memory_space<hbm>> -> memref<5120xf32, #tpu.memory_space<hbm>>
      %dma_wait3A_16 = arith.constant 0 : i32
      %dma_wait3A_17 = tpu.memref_slice %arg7[%add3A, %dma_wait3A_16] : memref<32x5120xf32, #tpu.memory_space<hbm>> -> memref<1x5120xf32, #tpu.memory_space<hbm>>
      %dma_wait3A_18 = tpu.memref_squeeze %dma_wait3A_17 : memref<1x5120xf32, #tpu.memory_space<hbm>> -> memref<5120xf32, #tpu.memory_space<hbm>>
      tpu.wait_dma2 semaphore(%run_scoped3A : memref<!tpu.dma_semaphore, #tpu.memory_space<semaphore_mem>>) src(%arg13 : memref<5120xf32, #tpu.memory_space<vmem>>) dst(%dma_wait3A_18 : memref<5120xf32, #tpu.memory_space<hbm>>)
      tpu.yield
    }) : () -> ()
    return
  }
}

#map = affine_map<(d0, d1) -> (0, 0)>
#map1 = affine_map<(d0, d1) -> (0)>
#map2 = affine_map<(d0, d1) -> (0, 0, 0)>
module attributes {stable_mosaic.version = 14 : i64} {
  func.func @_sc_msg_body(%arg0: i32, %arg1: i32, %arg2: memref<10000x128xf32, #tpu.memory_space<hbm>>, %arg3: memref<163840x128xf32, #tpu.memory_space<hbm>>, %arg4: memref<163840xi32, #tpu.memory_space<hbm>>, %arg5: memref<163840xi32, #tpu.memory_space<hbm>>, %arg6: memref<632x128xf32, #tpu.memory_space<hbm>>, %arg7: memref<2x10112x128xf32, #tpu.memory_space<hbm>>, %arg8: memref<64xi32, #tpu.memory_space<vmem>>, %arg9: memref<64xi32, #tpu.memory_space<vmem>>, %arg10: memref<64xi32, #tpu.memory_space<vmem>>, %arg11: memref<64xi32, #tpu.memory_space<vmem>>, %arg12: memref<64x128xf32, #tpu.memory_space<vmem>>, %arg13: memref<64x128xf32, #tpu.memory_space<vmem>>, %arg14: memref<64x128xf32, #tpu.memory_space<vmem>>, %arg15: memref<64x128xf32, #tpu.memory_space<vmem>>, %arg16: memref<64x128xf32, #tpu.memory_space<vmem>>, %arg17: memref<64x128xf32, #tpu.memory_space<vmem>>, %arg18: memref<10112x128xf32, #tpu.memory_space<vmem_shared>>, %arg19: memref<!tpu.dma_semaphore, #tpu.memory_space<semaphore_mem>>, %arg20: memref<!tpu.dma_semaphore, #tpu.memory_space<semaphore_mem>>, %arg21: memref<!tpu.dma_semaphore, #tpu.memory_space<semaphore_mem>>, %arg22: memref<!tpu.dma_semaphore, #tpu.memory_space<semaphore_mem>>, %arg23: memref<!tpu.dma_semaphore, #tpu.memory_space<semaphore_mem>>, %arg24: memref<!tpu.dma_semaphore, #tpu.memory_space<semaphore_mem>>, %arg25: memref<!tpu.dma_semaphore, #tpu.memory_space<semaphore_mem>>, %arg26: memref<!tpu.dma_semaphore, #tpu.memory_space<semaphore_mem>>) attributes {dimension_semantics = [#tpu.dimension_semantics<core_parallel>, #tpu.dimension_semantics<subcore_parallel>], iteration_bounds = array<i64: 2, 16>, scalar_prefetch = 0 : i64, scratch_operands = 19 : i64, tpu.core_type = #tpu.core_type<sc_vector_subcore>, window_params = [{transform_indices = #map}, {transform_indices = #map}, {transform_indices = #map1}, {transform_indices = #map1}, {transform_indices = #map}, {transform_indices = #map2}]} {
    %eq3A = arith.constant 0 : i32
    %eq3A_0 = arith.cmpi eq, %arg0, %eq3A : i32
    %jit3A = arith.constant 102 : i32
    %jit3A_1 = arith.constant 58 : i32
    %select_n3A = arith.select %eq3A_0, %jit3A, %jit3A_1 : i32
    %eq3A_2 = arith.constant 0 : i32
    %eq3A_3 = arith.cmpi eq, %arg0, %eq3A_2 : i32
    %mul3A = arith.constant 102 : i32
    %mul3A_4 = arith.muli %arg1, %mul3A : i32
    %mul3A_5 = arith.constant 58 : i32
    %mul3A_6 = arith.muli %arg1, %mul3A_5 : i32
    %add3A = arith.constant 1632 : i32
    %add3A_7 = arith.addi %add3A, %mul3A_6 : i32
    %select_n3A_8 = arith.select %eq3A_3, %mul3A_4, %add3A_7 : i32
    %mul3A_9 = arith.constant 632 : i32
    %mul3A_10 = arith.muli %arg1, %mul3A_9 : i32
    "tpu.region"() ({
      %run_scoped3A = tpu.sem_alloc : memref<!tpu.dma_semaphore, #tpu.memory_space<semaphore_mem>>
      %dma_start3A = arith.constant 0 : i32
      %dma_start3A_45 = tpu.memref_slice %arg18[%mul3A_10, %dma_start3A] : memref<10112x128xf32, #tpu.memory_space<vmem_shared>> -> memref<632x128xf32, #tpu.memory_space<vmem_shared>>
      tpu.enqueue_dma source(%arg6 : memref<632x128xf32, #tpu.memory_space<hbm>>) target(%dma_start3A_45 : memref<632x128xf32, #tpu.memory_space<vmem_shared>>) target_semaphore(%run_scoped3A : memref<!tpu.dma_semaphore, #tpu.memory_space<semaphore_mem>>)
      %dma_wait3A = arith.constant 0 : i32
      %dma_wait3A_46 = tpu.memref_slice %arg18[%mul3A_10, %dma_wait3A] : memref<10112x128xf32, #tpu.memory_space<vmem_shared>> -> memref<632x128xf32, #tpu.memory_space<vmem_shared>>
      tpu.wait_dma2 semaphore(%run_scoped3A : memref<!tpu.dma_semaphore, #tpu.memory_space<semaphore_mem>>) src(%arg6 : memref<632x128xf32, #tpu.memory_space<hbm>>) dst(%dma_wait3A_46 : memref<632x128xf32, #tpu.memory_space<vmem_shared>>)
      tpu.yield
    }) : () -> ()
    %barrier3A = arith.constant 0 : index
    tpu.barrier barrier_id(%barrier3A)
    %jit3A_11 = arith.constant 2 : i32
    %div3A = arith.divsi %select_n3A, %jit3A_11 : i32
    %sign3A = arith.constant 0 : i32
    %sign3A_12 = arith.cmpi sgt, %select_n3A, %sign3A : i32
    %sign3A_13 = arith.extui %sign3A_12 : i1 to i32
    %sign3A_14 = arith.constant 0 : i32
    %sign3A_15 = arith.cmpi slt, %select_n3A, %sign3A_14 : i32
    %sign3A_16 = arith.extui %sign3A_15 : i1 to i32
    %sign3A_17 = arith.subi %sign3A_13, %sign3A_16 : i32
    %sign3A_18 = arith.constant 0 : i32
    %sign3A_19 = arith.cmpi sgt, %jit3A_11, %sign3A_18 : i32
    %sign3A_20 = arith.extui %sign3A_19 : i1 to i32
    %sign3A_21 = arith.constant 0 : i32
    %sign3A_22 = arith.cmpi slt, %jit3A_11, %sign3A_21 : i32
    %sign3A_23 = arith.extui %sign3A_22 : i1 to i32
    %sign3A_24 = arith.subi %sign3A_20, %sign3A_23 : i32
    %ne3A = arith.cmpi ne, %sign3A_17, %sign3A_24 : i32
    %rem3A = arith.remsi %select_n3A, %jit3A_11 : i32
    %ne3A_25 = arith.constant 0 : i32
    %ne3A_26 = arith.cmpi ne, %rem3A, %ne3A_25 : i32
    %and3A = arith.andi %ne3A, %ne3A_26 : i1
    %sub3A = arith.constant 1 : i32
    %sub3A_27 = arith.subi %div3A, %sub3A : i32
    %select_n3A_28 = arith.select %and3A, %sub3A_27, %div3A : i32
    %while3A = arith.constant 0 : i32
    %while3A_29 = arith.constant 0 : i32
    %while3A_30 = arith.subi %select_n3A_28, %while3A : i32
    %while3A_31 = arith.addi %while3A, %while3A_30 : i32
    %while3A_32 = arith.constant 1 : i32
    %while3A_33 = arith.divsi %while3A_30, %while3A_32 : i32
    %while3A_34 = arith.muli %while3A_33, %while3A_32 : i32
    %while3A_35 = arith.addi %while3A, %while3A_34 : i32
    %while3A_36 = arith.constant 1 : i32
    %while3A_37 = scf.for %while3A_45 = %while3A to %while3A_35 step %while3A_36 iter_args(%while3A_46 = %while3A_29) -> (i32)  : i32 {
      %mul3A_47 = arith.constant 2 : i32
      %mul3A_48 = arith.muli %mul3A_47, %while3A_45 : i32
      %add3A_49 = arith.constant 0 : i32
      %add3A_50 = arith.addi %mul3A_48, %add3A_49 : i32
      %add3A_51 = arith.addi %select_n3A_8, %add3A_50 : i32
      %mul3A_52 = arith.constant 64 : i32
      %mul3A_53 = arith.muli %add3A_51, %mul3A_52 : i32
      %dma_start3A = tpu.memref_slice %arg4[%mul3A_53] : memref<163840xi32, #tpu.memory_space<hbm>> -> memref<64xi32, #tpu.memory_space<hbm>>
      %dma_start3A_54 = tpu.memref_slice %arg4[%mul3A_53] : memref<163840xi32, #tpu.memory_space<hbm>> -> memref<64xi32, #tpu.memory_space<hbm>>
      tpu.enqueue_dma source(%dma_start3A_54 : memref<64xi32, #tpu.memory_space<hbm>>) target(%arg8 : memref<64xi32, #tpu.memory_space<vmem>>) target_semaphore(%arg19 : memref<!tpu.dma_semaphore, #tpu.memory_space<semaphore_mem>>)
      %add3A_55 = arith.addi %select_n3A_8, %add3A_50 : i32
      %mul3A_56 = arith.constant 64 : i32
      %mul3A_57 = arith.muli %add3A_55, %mul3A_56 : i32
      %dma_start3A_58 = tpu.memref_slice %arg5[%mul3A_57] : memref<163840xi32, #tpu.memory_space<hbm>> -> memref<64xi32, #tpu.memory_space<hbm>>
      %dma_start3A_59 = tpu.memref_slice %arg5[%mul3A_57] : memref<163840xi32, #tpu.memory_space<hbm>> -> memref<64xi32, #tpu.memory_space<hbm>>
      tpu.enqueue_dma source(%dma_start3A_59 : memref<64xi32, #tpu.memory_space<hbm>>) target(%arg10 : memref<64xi32, #tpu.memory_space<vmem>>) target_semaphore(%arg19 : memref<!tpu.dma_semaphore, #tpu.memory_space<semaphore_mem>>)
      %dma_wait3A = arith.constant 0 : i32
      %dma_wait3A_60 = tpu.memref_slice %arg4[%dma_wait3A] : memref<163840xi32, #tpu.memory_space<hbm>> -> memref<64xi32, #tpu.memory_space<hbm>>
      %dma_wait3A_61 = arith.constant 0 : i32
      %dma_wait3A_62 = tpu.memref_slice %arg4[%dma_wait3A_61] : memref<163840xi32, #tpu.memory_space<hbm>> -> memref<64xi32, #tpu.memory_space<hbm>>
      tpu.wait_dma2 semaphore(%arg19 : memref<!tpu.dma_semaphore, #tpu.memory_space<semaphore_mem>>) src(%dma_wait3A_62 : memref<64xi32, #tpu.memory_space<hbm>>) dst(%arg8 : memref<64xi32, #tpu.memory_space<vmem>>)
      %dma_wait3A_63 = arith.constant 0 : i32
      %dma_wait3A_64 = tpu.memref_slice %arg5[%dma_wait3A_63] : memref<163840xi32, #tpu.memory_space<hbm>> -> memref<64xi32, #tpu.memory_space<hbm>>
      %dma_wait3A_65 = arith.constant 0 : i32
      %dma_wait3A_66 = tpu.memref_slice %arg5[%dma_wait3A_65] : memref<163840xi32, #tpu.memory_space<hbm>> -> memref<64xi32, #tpu.memory_space<hbm>>
      tpu.wait_dma2 semaphore(%arg19 : memref<!tpu.dma_semaphore, #tpu.memory_space<semaphore_mem>>) src(%dma_wait3A_66 : memref<64xi32, #tpu.memory_space<hbm>>) dst(%arg10 : memref<64xi32, #tpu.memory_space<vmem>>)
      %dma_start3A_67 = arith.constant 0 : i32
      %dma_start3A_68 = arith.constant 0 : i32
      %dma_start3A_69 = tpu.memref_slice %arg2[%dma_start3A_67, %dma_start3A_68] : memref<10000x128xf32, #tpu.memory_space<hbm>> -> memref<10000x128xf32, #tpu.memory_space<hbm>>
      tpu.enqueue_indirect_dma source(%dma_start3A_69 : memref<10000x128xf32, #tpu.memory_space<hbm>>) target(%arg12 : memref<64x128xf32, #tpu.memory_space<vmem>>) offsets(%arg8 : memref<64xi32, #tpu.memory_space<vmem>>) semaphore(%arg21 : memref<!tpu.dma_semaphore, #tpu.memory_space<semaphore_mem>>)
      %dma_start3A_70 = arith.constant 0 : i32
      %dma_start3A_71 = arith.constant 0 : i32
      %dma_start3A_72 = tpu.memref_slice %arg2[%dma_start3A_70, %dma_start3A_71] : memref<10000x128xf32, #tpu.memory_space<hbm>> -> memref<10000x128xf32, #tpu.memory_space<hbm>>
      tpu.enqueue_indirect_dma source(%dma_start3A_72 : memref<10000x128xf32, #tpu.memory_space<hbm>>) target(%arg14 : memref<64x128xf32, #tpu.memory_space<vmem>>) offsets(%arg10 : memref<64xi32, #tpu.memory_space<vmem>>) semaphore(%arg23 : memref<!tpu.dma_semaphore, #tpu.memory_space<semaphore_mem>>)
      %add3A_73 = arith.addi %select_n3A_8, %add3A_50 : i32
      %mul3A_74 = arith.constant 64 : i32
      %mul3A_75 = arith.muli %add3A_73, %mul3A_74 : i32
      %dma_start3A_76 = arith.constant 0 : i32
      %dma_start3A_77 = tpu.memref_slice %arg3[%mul3A_75, %dma_start3A_76] : memref<163840x128xf32, #tpu.memory_space<hbm>> -> memref<64x128xf32, #tpu.memory_space<hbm>>
      %dma_start3A_78 = arith.constant 0 : i32
      %dma_start3A_79 = tpu.memref_slice %arg3[%mul3A_75, %dma_start3A_78] : memref<163840x128xf32, #tpu.memory_space<hbm>> -> memref<64x128xf32, #tpu.memory_space<hbm>>
      tpu.enqueue_dma source(%dma_start3A_79 : memref<64x128xf32, #tpu.memory_space<hbm>>) target(%arg16 : memref<64x128xf32, #tpu.memory_space<vmem>>) target_semaphore(%arg25 : memref<!tpu.dma_semaphore, #tpu.memory_space<semaphore_mem>>)
      %dma_wait3A_80 = arith.constant 0 : i32
      %dma_wait3A_81 = arith.constant 0 : i32
      %dma_wait3A_82 = tpu.memref_slice %arg2[%dma_wait3A_80, %dma_wait3A_81] : memref<10000x128xf32, #tpu.memory_space<hbm>> -> memref<10000x128xf32, #tpu.memory_space<hbm>>
      tpu.wait_indirect_dma semaphore(%arg21 : memref<!tpu.dma_semaphore, #tpu.memory_space<semaphore_mem>>) src(%dma_wait3A_82 : memref<10000x128xf32, #tpu.memory_space<hbm>>) dst(%arg12 : memref<64x128xf32, #tpu.memory_space<vmem>>)
      %dma_wait3A_83 = arith.constant 0 : i32
      %dma_wait3A_84 = arith.constant 0 : i32
      %dma_wait3A_85 = tpu.memref_slice %arg2[%dma_wait3A_83, %dma_wait3A_84] : memref<10000x128xf32, #tpu.memory_space<hbm>> -> memref<10000x128xf32, #tpu.memory_space<hbm>>
      tpu.wait_indirect_dma semaphore(%arg23 : memref<!tpu.dma_semaphore, #tpu.memory_space<semaphore_mem>>) src(%dma_wait3A_85 : memref<10000x128xf32, #tpu.memory_space<hbm>>) dst(%arg14 : memref<64x128xf32, #tpu.memory_space<vmem>>)
      %dma_wait3A_86 = arith.constant 0 : i32
      %dma_wait3A_87 = arith.constant 0 : i32
      %dma_wait3A_88 = tpu.memref_slice %arg3[%dma_wait3A_86, %dma_wait3A_87] : memref<163840x128xf32, #tpu.memory_space<hbm>> -> memref<64x128xf32, #tpu.memory_space<hbm>>
      %dma_wait3A_89 = arith.constant 0 : i32
      %dma_wait3A_90 = arith.constant 0 : i32
      %dma_wait3A_91 = tpu.memref_slice %arg3[%dma_wait3A_89, %dma_wait3A_90] : memref<163840x128xf32, #tpu.memory_space<hbm>> -> memref<64x128xf32, #tpu.memory_space<hbm>>
      tpu.wait_dma2 semaphore(%arg25 : memref<!tpu.dma_semaphore, #tpu.memory_space<semaphore_mem>>) src(%dma_wait3A_91 : memref<64x128xf32, #tpu.memory_space<hbm>>) dst(%arg16 : memref<64x128xf32, #tpu.memory_space<vmem>>)
      %scan3A = arith.constant 0 : i32
      %scan3A_92 = arith.constant 0 : i32
      %scan3A_93 = arith.constant 64 : i32
      %scan3A_94 = arith.addi %scan3A_92, %scan3A_93 : i32
      %scan3A_95 = arith.constant 1 : i32
      %scan3A_96 = scf.for %scan3A_153 = %scan3A_92 to %scan3A_94 step %scan3A_95 iter_args(%scan3A_154 = %scan3A) -> (i32)  : i32 {
        %get3A = arith.index_cast %scan3A_153 : i32 to index
        %get3A_155 = arith.constant 0 : index
        %get3A_156 = tpu.vector_load %arg16[%get3A, %get3A_155] {strides = array<i32>} : memref<64x128xf32, #tpu.memory_space<vmem>>, vector<16xf32>,
        %get3A_157 = arith.index_cast %scan3A_153 : i32 to index
        %get3A_158 = arith.constant 0 : index
        %get3A_159 = tpu.vector_load %arg12[%get3A_157, %get3A_158] {strides = array<i32>} : memref<64x128xf32, #tpu.memory_space<vmem>>, vector<16xf32>,
        %mul3A_160 = arith.mulf %get3A_159, %get3A_156 : vector<16xf32>
        %swap3A = arith.index_cast %scan3A_153 : i32 to index
        %swap3A_161 = arith.constant 0 : index
        %swap3A_162 = tpu.vector_load %arg12[%swap3A, %swap3A_161] {strides = array<i32>} : memref<64x128xf32, #tpu.memory_space<vmem>>, vector<16xf32>,
        tpu.vector_store %arg12[%swap3A, %swap3A_161], %mul3A_160 {strides = array<i32>} : memref<64x128xf32, #tpu.memory_space<vmem>>, vector<16xf32>,
        %get3A_163 = arith.index_cast %scan3A_153 : i32 to index
        %get3A_164 = arith.constant 0 : index
        %get3A_165 = tpu.vector_load %arg14[%get3A_163, %get3A_164] {strides = array<i32>} : memref<64x128xf32, #tpu.memory_space<vmem>>, vector<16xf32>,
        %mul3A_166 = arith.mulf %get3A_165, %get3A_156 : vector<16xf32>
        %swap3A_167 = arith.index_cast %scan3A_153 : i32 to index
        %swap3A_168 = arith.constant 0 : index
        %swap3A_169 = tpu.vector_load %arg14[%swap3A_167, %swap3A_168] {strides = array<i32>} : memref<64x128xf32, #tpu.memory_space<vmem>>, vector<16xf32>,
        tpu.vector_store %arg14[%swap3A_167, %swap3A_168], %mul3A_166 {strides = array<i32>} : memref<64x128xf32, #tpu.memory_space<vmem>>, vector<16xf32>,
        %get3A_170 = arith.index_cast %scan3A_153 : i32 to index
        %get3A_171 = arith.constant 16 : index
        %get3A_172 = tpu.vector_load %arg16[%get3A_170, %get3A_171] {strides = array<i32>} : memref<64x128xf32, #tpu.memory_space<vmem>>, vector<16xf32>,
        %get3A_173 = arith.index_cast %scan3A_153 : i32 to index
        %get3A_174 = arith.constant 16 : index
        %get3A_175 = tpu.vector_load %arg12[%get3A_173, %get3A_174] {strides = array<i32>} : memref<64x128xf32, #tpu.memory_space<vmem>>, vector<16xf32>,
        %mul3A_176 = arith.mulf %get3A_175, %get3A_172 : vector<16xf32>
        %swap3A_177 = arith.index_cast %scan3A_153 : i32 to index
        %swap3A_178 = arith.constant 16 : index
        %swap3A_179 = tpu.vector_load %arg12[%swap3A_177, %swap3A_178] {strides = array<i32>} : memref<64x128xf32, #tpu.memory_space<vmem>>, vector<16xf32>,
        tpu.vector_store %arg12[%swap3A_177, %swap3A_178], %mul3A_176 {strides = array<i32>} : memref<64x128xf32, #tpu.memory_space<vmem>>, vector<16xf32>,
        %get3A_180 = arith.index_cast %scan3A_153 : i32 to index
        %get3A_181 = arith.constant 16 : index
        %get3A_182 = tpu.vector_load %arg14[%get3A_180, %get3A_181] {strides = array<i32>} : memref<64x128xf32, #tpu.memory_space<vmem>>, vector<16xf32>,
        %mul3A_183 = arith.mulf %get3A_182, %get3A_172 : vector<16xf32>
        %swap3A_184 = arith.index_cast %scan3A_153 : i32 to index
        %swap3A_185 = arith.constant 16 : index
        %swap3A_186 = tpu.vector_load %arg14[%swap3A_184, %swap3A_185] {strides = array<i32>} : memref<64x128xf32, #tpu.memory_space<vmem>>, vector<16xf32>,
        tpu.vector_store %arg14[%swap3A_184, %swap3A_185], %mul3A_183 {strides = array<i32>} : memref<64x128xf32, #tpu.memory_space<vmem>>, vector<16xf32>,
        %get3A_187 = arith.index_cast %scan3A_153 : i32 to index
        %get3A_188 = arith.constant 32 : index
        %get3A_189 = tpu.vector_load %arg16[%get3A_187, %get3A_188] {strides = array<i32>} : memref<64x128xf32, #tpu.memory_space<vmem>>, vector<16xf32>,
        %get3A_190 = arith.index_cast %scan3A_153 : i32 to index
        %get3A_191 = arith.constant 32 : index
        %get3A_192 = tpu.vector_load %arg12[%get3A_190, %get3A_191] {strides = array<i32>} : memref<64x128xf32, #tpu.memory_space<vmem>>, vector<16xf32>,
        %mul3A_193 = arith.mulf %get3A_192, %get3A_189 : vector<16xf32>
        %swap3A_194 = arith.index_cast %scan3A_153 : i32 to index
        %swap3A_195 = arith.constant 32 : index
        %swap3A_196 = tpu.vector_load %arg12[%swap3A_194, %swap3A_195] {strides = array<i32>} : memref<64x128xf32, #tpu.memory_space<vmem>>, vector<16xf32>,
        tpu.vector_store %arg12[%swap3A_194, %swap3A_195], %mul3A_193 {strides = array<i32>} : memref<64x128xf32, #tpu.memory_space<vmem>>, vector<16xf32>,
        %get3A_197 = arith.index_cast %scan3A_153 : i32 to index
        %get3A_198 = arith.constant 32 : index
        %get3A_199 = tpu.vector_load %arg14[%get3A_197, %get3A_198] {strides = array<i32>} : memref<64x128xf32, #tpu.memory_space<vmem>>, vector<16xf32>,
        %mul3A_200 = arith.mulf %get3A_199, %get3A_189 : vector<16xf32>
        %swap3A_201 = arith.index_cast %scan3A_153 : i32 to index
        %swap3A_202 = arith.constant 32 : index
        %swap3A_203 = tpu.vector_load %arg14[%swap3A_201, %swap3A_202] {strides = array<i32>} : memref<64x128xf32, #tpu.memory_space<vmem>>, vector<16xf32>,
        tpu.vector_store %arg14[%swap3A_201, %swap3A_202], %mul3A_200 {strides = array<i32>} : memref<64x128xf32, #tpu.memory_space<vmem>>, vector<16xf32>,
        %get3A_204 = arith.index_cast %scan3A_153 : i32 to index
        %get3A_205 = arith.constant 48 : index
        %get3A_206 = tpu.vector_load %arg16[%get3A_204, %get3A_205] {strides = array<i32>} : memref<64x128xf32, #tpu.memory_space<vmem>>, vector<16xf32>,
        %get3A_207 = arith.index_cast %scan3A_153 : i32 to index
        %get3A_208 = arith.constant 48 : index
        %get3A_209 = tpu.vector_load %arg12[%get3A_207, %get3A_208] {strides = array<i32>} : memref<64x128xf32, #tpu.memory_space<vmem>>, vector<16xf32>,
        %mul3A_210 = arith.mulf %get3A_209, %get3A_206 : vector<16xf32>
        %swap3A_211 = arith.index_cast %scan3A_153 : i32 to index
        %swap3A_212 = arith.constant 48 : index
        %swap3A_213 = tpu.vector_load %arg12[%swap3A_211, %swap3A_212] {strides = array<i32>} : memref<64x128xf32, #tpu.memory_space<vmem>>, vector<16xf32>,
        tpu.vector_store %arg12[%swap3A_211, %swap3A_212], %mul3A_210 {strides = array<i32>} : memref<64x128xf32, #tpu.memory_space<vmem>>, vector<16xf32>,
        %get3A_214 = arith.index_cast %scan3A_153 : i32 to index
        %get3A_215 = arith.constant 48 : index
        %get3A_216 = tpu.vector_load %arg14[%get3A_214, %get3A_215] {strides = array<i32>} : memref<64x128xf32, #tpu.memory_space<vmem>>, vector<16xf32>,
        %mul3A_217 = arith.mulf %get3A_216, %get3A_206 : vector<16xf32>
        %swap3A_218 = arith.index_cast %scan3A_153 : i32 to index
        %swap3A_219 = arith.constant 48 : index
        %swap3A_220 = tpu.vector_load %arg14[%swap3A_218, %swap3A_219] {strides = array<i32>} : memref<64x128xf32, #tpu.memory_space<vmem>>, vector<16xf32>,
        tpu.vector_store %arg14[%swap3A_218, %swap3A_219], %mul3A_217 {strides = array<i32>} : memref<64x128xf32, #tpu.memory_space<vmem>>, vector<16xf32>,
        %get3A_221 = arith.index_cast %scan3A_153 : i32 to index
        %get3A_222 = arith.constant 64 : index
        %get3A_223 = tpu.vector_load %arg16[%get3A_221, %get3A_222] {strides = array<i32>} : memref<64x128xf32, #tpu.memory_space<vmem>>, vector<16xf32>,
        %get3A_224 = arith.index_cast %scan3A_153 : i32 to index
        %get3A_225 = arith.constant 64 : index
        %get3A_226 = tpu.vector_load %arg12[%get3A_224, %get3A_225] {strides = array<i32>} : memref<64x128xf32, #tpu.memory_space<vmem>>, vector<16xf32>,
        %mul3A_227 = arith.mulf %get3A_226, %get3A_223 : vector<16xf32>
        %swap3A_228 = arith.index_cast %scan3A_153 : i32 to index
        %swap3A_229 = arith.constant 64 : index
        %swap3A_230 = tpu.vector_load %arg12[%swap3A_228, %swap3A_229] {strides = array<i32>} : memref<64x128xf32, #tpu.memory_space<vmem>>, vector<16xf32>,
        tpu.vector_store %arg12[%swap3A_228, %swap3A_229], %mul3A_227 {strides = array<i32>} : memref<64x128xf32, #tpu.memory_space<vmem>>, vector<16xf32>,
        %get3A_231 = arith.index_cast %scan3A_153 : i32 to index
        %get3A_232 = arith.constant 64 : index
        %get3A_233 = tpu.vector_load %arg14[%get3A_231, %get3A_232] {strides = array<i32>} : memref<64x128xf32, #tpu.memory_space<vmem>>, vector<16xf32>,
        %mul3A_234 = arith.mulf %get3A_233, %get3A_223 : vector<16xf32>
        %swap3A_235 = arith.index_cast %scan3A_153 : i32 to index
        %swap3A_236 = arith.constant 64 : index
        %swap3A_237 = tpu.vector_load %arg14[%swap3A_235, %swap3A_236] {strides = array<i32>} : memref<64x128xf32, #tpu.memory_space<vmem>>, vector<16xf32>,
        tpu.vector_store %arg14[%swap3A_235, %swap3A_236], %mul3A_234 {strides = array<i32>} : memref<64x128xf32, #tpu.memory_space<vmem>>, vector<16xf32>,
        %get3A_238 = arith.index_cast %scan3A_153 : i32 to index
        %get3A_239 = arith.constant 80 : index
        %get3A_240 = tpu.vector_load %arg16[%get3A_238, %get3A_239] {strides = array<i32>} : memref<64x128xf32, #tpu.memory_space<vmem>>, vector<16xf32>,
        %get3A_241 = arith.index_cast %scan3A_153 : i32 to index
        %get3A_242 = arith.constant 80 : index
        %get3A_243 = tpu.vector_load %arg12[%get3A_241, %get3A_242] {strides = array<i32>} : memref<64x128xf32, #tpu.memory_space<vmem>>, vector<16xf32>,
        %mul3A_244 = arith.mulf %get3A_243, %get3A_240 : vector<16xf32>
        %swap3A_245 = arith.index_cast %scan3A_153 : i32 to index
        %swap3A_246 = arith.constant 80 : index
        %swap3A_247 = tpu.vector_load %arg12[%swap3A_245, %swap3A_246] {strides = array<i32>} : memref<64x128xf32, #tpu.memory_space<vmem>>, vector<16xf32>,
        tpu.vector_store %arg12[%swap3A_245, %swap3A_246], %mul3A_244 {strides = array<i32>} : memref<64x128xf32, #tpu.memory_space<vmem>>, vector<16xf32>,
        %get3A_248 = arith.index_cast %scan3A_153 : i32 to index
        %get3A_249 = arith.constant 80 : index
        %get3A_250 = tpu.vector_load %arg14[%get3A_248, %get3A_249] {strides = array<i32>} : memref<64x128xf32, #tpu.memory_space<vmem>>, vector<16xf32>,
        %mul3A_251 = arith.mulf %get3A_250, %get3A_240 : vector<16xf32>
        %swap3A_252 = arith.index_cast %scan3A_153 : i32 to index
        %swap3A_253 = arith.constant 80 : index
        %swap3A_254 = tpu.vector_load %arg14[%swap3A_252, %swap3A_253] {strides = array<i32>} : memref<64x128xf32, #tpu.memory_space<vmem>>, vector<16xf32>,
        tpu.vector_store %arg14[%swap3A_252, %swap3A_253], %mul3A_251 {strides = array<i32>} : memref<64x128xf32, #tpu.memory_space<vmem>>, vector<16xf32>,
        %get3A_255 = arith.index_cast %scan3A_153 : i32 to index
        %get3A_256 = arith.constant 96 : index
        %get3A_257 = tpu.vector_load %arg16[%get3A_255, %get3A_256] {strides = array<i32>} : memref<64x128xf32, #tpu.memory_space<vmem>>, vector<16xf32>,
        %get3A_258 = arith.index_cast %scan3A_153 : i32 to index
        %get3A_259 = arith.constant 96 : index
        %get3A_260 = tpu.vector_load %arg12[%get3A_258, %get3A_259] {strides = array<i32>} : memref<64x128xf32, #tpu.memory_space<vmem>>, vector<16xf32>,
        %mul3A_261 = arith.mulf %get3A_260, %get3A_257 : vector<16xf32>
        %swap3A_262 = arith.index_cast %scan3A_153 : i32 to index
        %swap3A_263 = arith.constant 96 : index
        %swap3A_264 = tpu.vector_load %arg12[%swap3A_262, %swap3A_263] {strides = array<i32>} : memref<64x128xf32, #tpu.memory_space<vmem>>, vector<16xf32>,
        tpu.vector_store %arg12[%swap3A_262, %swap3A_263], %mul3A_261 {strides = array<i32>} : memref<64x128xf32, #tpu.memory_space<vmem>>, vector<16xf32>,
        %get3A_265 = arith.index_cast %scan3A_153 : i32 to index
        %get3A_266 = arith.constant 96 : index
        %get3A_267 = tpu.vector_load %arg14[%get3A_265, %get3A_266] {strides = array<i32>} : memref<64x128xf32, #tpu.memory_space<vmem>>, vector<16xf32>,
        %mul3A_268 = arith.mulf %get3A_267, %get3A_257 : vector<16xf32>
        %swap3A_269 = arith.index_cast %scan3A_153 : i32 to index
        %swap3A_270 = arith.constant 96 : index
        %swap3A_271 = tpu.vector_load %arg14[%swap3A_269, %swap3A_270] {strides = array<i32>} : memref<64x128xf32, #tpu.memory_space<vmem>>, vector<16xf32>,
        tpu.vector_store %arg14[%swap3A_269, %swap3A_270], %mul3A_268 {strides = array<i32>} : memref<64x128xf32, #tpu.memory_space<vmem>>, vector<16xf32>,
        %get3A_272 = arith.index_cast %scan3A_153 : i32 to index
        %get3A_273 = arith.constant 112 : index
        %get3A_274 = tpu.vector_load %arg16[%get3A_272, %get3A_273] {strides = array<i32>} : memref<64x128xf32, #tpu.memory_space<vmem>>, vector<16xf32>,
        %get3A_275 = arith.index_cast %scan3A_153 : i32 to index
        %get3A_276 = arith.constant 112 : index
        %get3A_277 = tpu.vector_load %arg12[%get3A_275, %get3A_276] {strides = array<i32>} : memref<64x128xf32, #tpu.memory_space<vmem>>, vector<16xf32>,
        %mul3A_278 = arith.mulf %get3A_277, %get3A_274 : vector<16xf32>
        %swap3A_279 = arith.index_cast %scan3A_153 : i32 to index
        %swap3A_280 = arith.constant 112 : index
        %swap3A_281 = tpu.vector_load %arg12[%swap3A_279, %swap3A_280] {strides = array<i32>} : memref<64x128xf32, #tpu.memory_space<vmem>>, vector<16xf32>,
        tpu.vector_store %arg12[%swap3A_279, %swap3A_280], %mul3A_278 {strides = array<i32>} : memref<64x128xf32, #tpu.memory_space<vmem>>, vector<16xf32>,
        %get3A_282 = arith.index_cast %scan3A_153 : i32 to index
        %get3A_283 = arith.constant 112 : index
        %get3A_284 = tpu.vector_load %arg14[%get3A_282, %get3A_283] {strides = array<i32>} : memref<64x128xf32, #tpu.memory_space<vmem>>, vector<16xf32>,
        %mul3A_285 = arith.mulf %get3A_284, %get3A_274 : vector<16xf32>
        %swap3A_286 = arith.index_cast %scan3A_153 : i32 to index
        %swap3A_287 = arith.constant 112 : index
        %swap3A_288 = tpu.vector_load %arg14[%swap3A_286, %swap3A_287] {strides = array<i32>} : memref<64x128xf32, #tpu.memory_space<vmem>>, vector<16xf32>,
        tpu.vector_store %arg14[%swap3A_286, %swap3A_287], %mul3A_285 {strides = array<i32>} : memref<64x128xf32, #tpu.memory_space<vmem>>, vector<16xf32>,
        %scan3A_289 = arith.constant 0 : i32
        scf.yield %scan3A_289 : i32
      }
      %scan3A_97 = arith.constant 64 : i32
      "tpu.region"() ({
        %run_scoped3A = tpu.sem_alloc : memref<!tpu.dma_semaphore, #tpu.memory_space<semaphore_mem>>
        %dma_start3A_153 = arith.constant 0 : i32
        %dma_start3A_154 = arith.constant 0 : i32
        %dma_start3A_155 = tpu.memref_slice %arg18[%dma_start3A_153, %dma_start3A_154] : memref<10112x128xf32, #tpu.memory_space<vmem_shared>> -> memref<10112x128xf32, #tpu.memory_space<vmem_shared>>
        tpu.enqueue_indirect_dma source(%arg12 : memref<64x128xf32, #tpu.memory_space<vmem>>) target(%dma_start3A_155 : memref<10112x128xf32, #tpu.memory_space<vmem_shared>>) offsets(%arg10 : memref<64xi32, #tpu.memory_space<vmem>>) semaphore(%run_scoped3A : memref<!tpu.dma_semaphore, #tpu.memory_space<semaphore_mem>>) {add = true}
        %dma_wait3A_156 = arith.constant 0 : i32
        %dma_wait3A_157 = arith.constant 0 : i32
        %dma_wait3A_158 = tpu.memref_slice %arg18[%dma_wait3A_156, %dma_wait3A_157] : memref<10112x128xf32, #tpu.memory_space<vmem_shared>> -> memref<10112x128xf32, #tpu.memory_space<vmem_shared>>
        tpu.wait_indirect_dma semaphore(%run_scoped3A : memref<!tpu.dma_semaphore, #tpu.memory_space<semaphore_mem>>) src(%arg12 : memref<64x128xf32, #tpu.memory_space<vmem>>) dst(%dma_wait3A_158 : memref<10112x128xf32, #tpu.memory_space<vmem_shared>>)
        tpu.yield
      }) : () -> ()
      "tpu.region"() ({
        %run_scoped3A = tpu.sem_alloc : memref<!tpu.dma_semaphore, #tpu.memory_space<semaphore_mem>>
        %dma_start3A_153 = arith.constant 0 : i32
        %dma_start3A_154 = arith.constant 0 : i32
        %dma_start3A_155 = tpu.memref_slice %arg18[%dma_start3A_153, %dma_start3A_154] : memref<10112x128xf32, #tpu.memory_space<vmem_shared>> -> memref<10112x128xf32, #tpu.memory_space<vmem_shared>>
        tpu.enqueue_indirect_dma source(%arg14 : memref<64x128xf32, #tpu.memory_space<vmem>>) target(%dma_start3A_155 : memref<10112x128xf32, #tpu.memory_space<vmem_shared>>) offsets(%arg8 : memref<64xi32, #tpu.memory_space<vmem>>) semaphore(%run_scoped3A : memref<!tpu.dma_semaphore, #tpu.memory_space<semaphore_mem>>) {add = true}
        %dma_wait3A_156 = arith.constant 0 : i32
        %dma_wait3A_157 = arith.constant 0 : i32
        %dma_wait3A_158 = tpu.memref_slice %arg18[%dma_wait3A_156, %dma_wait3A_157] : memref<10112x128xf32, #tpu.memory_space<vmem_shared>> -> memref<10112x128xf32, #tpu.memory_space<vmem_shared>>
        tpu.wait_indirect_dma semaphore(%run_scoped3A : memref<!tpu.dma_semaphore, #tpu.memory_space<semaphore_mem>>) src(%arg14 : memref<64x128xf32, #tpu.memory_space<vmem>>) dst(%dma_wait3A_158 : memref<10112x128xf32, #tpu.memory_space<vmem_shared>>)
        tpu.yield
      }) : () -> ()
      %mul3A_98 = arith.constant 2 : i32
      %mul3A_99 = arith.muli %mul3A_98, %while3A_45 : i32
      %add3A_100 = arith.constant 1 : i32
      %add3A_101 = arith.addi %mul3A_99, %add3A_100 : i32
      %add3A_102 = arith.addi %select_n3A_8, %add3A_101 : i32
      %mul3A_103 = arith.constant 64 : i32
      %mul3A_104 = arith.muli %add3A_102, %mul3A_103 : i32
      %dma_start3A_105 = tpu.memref_slice %arg4[%mul3A_104] : memref<163840xi32, #tpu.memory_space<hbm>> -> memref<64xi32, #tpu.memory_space<hbm>>
      %dma_start3A_106 = tpu.memref_slice %arg4[%mul3A_104] : memref<163840xi32, #tpu.memory_space<hbm>> -> memref<64xi32, #tpu.memory_space<hbm>>
      tpu.enqueue_dma source(%dma_start3A_106 : memref<64xi32, #tpu.memory_space<hbm>>) target(%arg9 : memref<64xi32, #tpu.memory_space<vmem>>) target_semaphore(%arg20 : memref<!tpu.dma_semaphore, #tpu.memory_space<semaphore_mem>>)
      %add3A_107 = arith.addi %select_n3A_8, %add3A_101 : i32
      %mul3A_108 = arith.constant 64 : i32
      %mul3A_109 = arith.muli %add3A_107, %mul3A_108 : i32
      %dma_start3A_110 = tpu.memref_slice %arg5[%mul3A_109] : memref<163840xi32, #tpu.memory_space<hbm>> -> memref<64xi32, #tpu.memory_space<hbm>>
      %dma_start3A_111 = tpu.memref_slice %arg5[%mul3A_109] : memref<163840xi32, #tpu.memory_space<hbm>> -> memref<64xi32, #tpu.memory_space<hbm>>
      tpu.enqueue_dma source(%dma_start3A_111 : memref<64xi32, #tpu.memory_space<hbm>>) target(%arg11 : memref<64xi32, #tpu.memory_space<vmem>>) target_semaphore(%arg20 : memref<!tpu.dma_semaphore, #tpu.memory_space<semaphore_mem>>)
      %dma_wait3A_112 = arith.constant 0 : i32
      %dma_wait3A_113 = tpu.memref_slice %arg4[%dma_wait3A_112] : memref<163840xi32, #tpu.memory_space<hbm>> -> memref<64xi32, #tpu.memory_space<hbm>>
      %dma_wait3A_114 = arith.constant 0 : i32
      %dma_wait3A_115 = tpu.memref_slice %arg4[%dma_wait3A_114] : memref<163840xi32, #tpu.memory_space<hbm>> -> memref<64xi32, #tpu.memory_space<hbm>>
      tpu.wait_dma2 semaphore(%arg20 : memref<!tpu.dma_semaphore, #tpu.memory_space<semaphore_mem>>) src(%dma_wait3A_115 : memref<64xi32, #tpu.memory_space<hbm>>) dst(%arg9 : memref<64xi32, #tpu.memory_space<vmem>>)
      %dma_wait3A_116 = arith.constant 0 : i32
      %dma_wait3A_117 = tpu.memref_slice %arg5[%dma_wait3A_116] : memref<163840xi32, #tpu.memory_space<hbm>> -> memref<64xi32, #tpu.memory_space<hbm>>
      %dma_wait3A_118 = arith.constant 0 : i32
      %dma_wait3A_119 = tpu.memref_slice %arg5[%dma_wait3A_118] : memref<163840xi32, #tpu.memory_space<hbm>> -> memref<64xi32, #tpu.memory_space<hbm>>
      tpu.wait_dma2 semaphore(%arg20 : memref<!tpu.dma_semaphore, #tpu.memory_space<semaphore_mem>>) src(%dma_wait3A_119 : memref<64xi32, #tpu.memory_space<hbm>>) dst(%arg11 : memref<64xi32, #tpu.memory_space<vmem>>)
      %dma_start3A_120 = arith.constant 0 : i32
      %dma_start3A_121 = arith.constant 0 : i32
      %dma_start3A_122 = tpu.memref_slice %arg2[%dma_start3A_120, %dma_start3A_121] : memref<10000x128xf32, #tpu.memory_space<hbm>> -> memref<10000x128xf32, #tpu.memory_space<hbm>>
      tpu.enqueue_indirect_dma source(%dma_start3A_122 : memref<10000x128xf32, #tpu.memory_space<hbm>>) target(%arg13 : memref<64x128xf32, #tpu.memory_space<vmem>>) offsets(%arg9 : memref<64xi32, #tpu.memory_space<vmem>>) semaphore(%arg22 : memref<!tpu.dma_semaphore, #tpu.memory_space<semaphore_mem>>)
      %dma_start3A_123 = arith.constant 0 : i32
      %dma_start3A_124 = arith.constant 0 : i32
      %dma_start3A_125 = tpu.memref_slice %arg2[%dma_start3A_123, %dma_start3A_124] : memref<10000x128xf32, #tpu.memory_space<hbm>> -> memref<10000x128xf32, #tpu.memory_space<hbm>>
      tpu.enqueue_indirect_dma source(%dma_start3A_125 : memref<10000x128xf32, #tpu.memory_space<hbm>>) target(%arg15 : memref<64x128xf32, #tpu.memory_space<vmem>>) offsets(%arg11 : memref<64xi32, #tpu.memory_space<vmem>>) semaphore(%arg24 : memref<!tpu.dma_semaphore, #tpu.memory_space<semaphore_mem>>)
      %add3A_126 = arith.addi %select_n3A_8, %add3A_101 : i32
      %mul3A_127 = arith.constant 64 : i32
      %mul3A_128 = arith.muli %add3A_126, %mul3A_127 : i32
      %dma_start3A_129 = arith.constant 0 : i32
      %dma_start3A_130 = tpu.memref_slice %arg3[%mul3A_128, %dma_start3A_129] : memref<163840x128xf32, #tpu.memory_space<hbm>> -> memref<64x128xf32, #tpu.memory_space<hbm>>
      %dma_start3A_131 = arith.constant 0 : i32
      %dma_start3A_132 = tpu.memref_slice %arg3[%mul3A_128, %dma_start3A_131] : memref<163840x128xf32, #tpu.memory_space<hbm>> -> memref<64x128xf32, #tpu.memory_space<hbm>>
      tpu.enqueue_dma source(%dma_start3A_132 : memref<64x128xf32, #tpu.memory_space<hbm>>) target(%arg17 : memref<64x128xf32, #tpu.memory_space<vmem>>) target_semaphore(%arg26 : memref<!tpu.dma_semaphore, #tpu.memory_space<semaphore_mem>>)
      %dma_wait3A_133 = arith.constant 0 : i32
      %dma_wait3A_134 = arith.constant 0 : i32
      %dma_wait3A_135 = tpu.memref_slice %arg2[%dma_wait3A_133, %dma_wait3A_134] : memref<10000x128xf32, #tpu.memory_space<hbm>> -> memref<10000x128xf32, #tpu.memory_space<hbm>>
      tpu.wait_indirect_dma semaphore(%arg22 : memref<!tpu.dma_semaphore, #tpu.memory_space<semaphore_mem>>) src(%dma_wait3A_135 : memref<10000x128xf32, #tpu.memory_space<hbm>>) dst(%arg13 : memref<64x128xf32, #tpu.memory_space<vmem>>)
      %dma_wait3A_136 = arith.constant 0 : i32
      %dma_wait3A_137 = arith.constant 0 : i32
      %dma_wait3A_138 = tpu.memref_slice %arg2[%dma_wait3A_136, %dma_wait3A_137] : memref<10000x128xf32, #tpu.memory_space<hbm>> -> memref<10000x128xf32, #tpu.memory_space<hbm>>
      tpu.wait_indirect_dma semaphore(%arg24 : memref<!tpu.dma_semaphore, #tpu.memory_space<semaphore_mem>>) src(%dma_wait3A_138 : memref<10000x128xf32, #tpu.memory_space<hbm>>) dst(%arg15 : memref<64x128xf32, #tpu.memory_space<vmem>>)
      %dma_wait3A_139 = arith.constant 0 : i32
      %dma_wait3A_140 = arith.constant 0 : i32
      %dma_wait3A_141 = tpu.memref_slice %arg3[%dma_wait3A_139, %dma_wait3A_140] : memref<163840x128xf32, #tpu.memory_space<hbm>> -> memref<64x128xf32, #tpu.memory_space<hbm>>
      %dma_wait3A_142 = arith.constant 0 : i32
      %dma_wait3A_143 = arith.constant 0 : i32
      %dma_wait3A_144 = tpu.memref_slice %arg3[%dma_wait3A_142, %dma_wait3A_143] : memref<163840x128xf32, #tpu.memory_space<hbm>> -> memref<64x128xf32, #tpu.memory_space<hbm>>
      tpu.wait_dma2 semaphore(%arg26 : memref<!tpu.dma_semaphore, #tpu.memory_space<semaphore_mem>>) src(%dma_wait3A_144 : memref<64x128xf32, #tpu.memory_space<hbm>>) dst(%arg17 : memref<64x128xf32, #tpu.memory_space<vmem>>)
      %scan3A_145 = arith.constant 0 : i32
      %scan3A_146 = arith.constant 0 : i32
      %scan3A_147 = arith.constant 64 : i32
      %scan3A_148 = arith.addi %scan3A_146, %scan3A_147 : i32
      %scan3A_149 = arith.constant 1 : i32
      %scan3A_150 = scf.for %scan3A_153 = %scan3A_146 to %scan3A_148 step %scan3A_149 iter_args(%scan3A_154 = %scan3A_145) -> (i32)  : i32 {
        %get3A = arith.index_cast %scan3A_153 : i32 to index
        %get3A_155 = arith.constant 0 : index
        %get3A_156 = tpu.vector_load %arg17[%get3A, %get3A_155] {strides = array<i32>} : memref<64x128xf32, #tpu.memory_space<vmem>>, vector<16xf32>,
        %get3A_157 = arith.index_cast %scan3A_153 : i32 to index
        %get3A_158 = arith.constant 0 : index
        %get3A_159 = tpu.vector_load %arg13[%get3A_157, %get3A_158] {strides = array<i32>} : memref<64x128xf32, #tpu.memory_space<vmem>>, vector<16xf32>,
        %mul3A_160 = arith.mulf %get3A_159, %get3A_156 : vector<16xf32>
        %swap3A = arith.index_cast %scan3A_153 : i32 to index
        %swap3A_161 = arith.constant 0 : index
        %swap3A_162 = tpu.vector_load %arg13[%swap3A, %swap3A_161] {strides = array<i32>} : memref<64x128xf32, #tpu.memory_space<vmem>>, vector<16xf32>,
        tpu.vector_store %arg13[%swap3A, %swap3A_161], %mul3A_160 {strides = array<i32>} : memref<64x128xf32, #tpu.memory_space<vmem>>, vector<16xf32>,
        %get3A_163 = arith.index_cast %scan3A_153 : i32 to index
        %get3A_164 = arith.constant 0 : index
        %get3A_165 = tpu.vector_load %arg15[%get3A_163, %get3A_164] {strides = array<i32>} : memref<64x128xf32, #tpu.memory_space<vmem>>, vector<16xf32>,
        %mul3A_166 = arith.mulf %get3A_165, %get3A_156 : vector<16xf32>
        %swap3A_167 = arith.index_cast %scan3A_153 : i32 to index
        %swap3A_168 = arith.constant 0 : index
        %swap3A_169 = tpu.vector_load %arg15[%swap3A_167, %swap3A_168] {strides = array<i32>} : memref<64x128xf32, #tpu.memory_space<vmem>>, vector<16xf32>,
        tpu.vector_store %arg15[%swap3A_167, %swap3A_168], %mul3A_166 {strides = array<i32>} : memref<64x128xf32, #tpu.memory_space<vmem>>, vector<16xf32>,
        %get3A_170 = arith.index_cast %scan3A_153 : i32 to index
        %get3A_171 = arith.constant 16 : index
        %get3A_172 = tpu.vector_load %arg17[%get3A_170, %get3A_171] {strides = array<i32>} : memref<64x128xf32, #tpu.memory_space<vmem>>, vector<16xf32>,
        %get3A_173 = arith.index_cast %scan3A_153 : i32 to index
        %get3A_174 = arith.constant 16 : index
        %get3A_175 = tpu.vector_load %arg13[%get3A_173, %get3A_174] {strides = array<i32>} : memref<64x128xf32, #tpu.memory_space<vmem>>, vector<16xf32>,
        %mul3A_176 = arith.mulf %get3A_175, %get3A_172 : vector<16xf32>
        %swap3A_177 = arith.index_cast %scan3A_153 : i32 to index
        %swap3A_178 = arith.constant 16 : index
        %swap3A_179 = tpu.vector_load %arg13[%swap3A_177, %swap3A_178] {strides = array<i32>} : memref<64x128xf32, #tpu.memory_space<vmem>>, vector<16xf32>,
        tpu.vector_store %arg13[%swap3A_177, %swap3A_178], %mul3A_176 {strides = array<i32>} : memref<64x128xf32, #tpu.memory_space<vmem>>, vector<16xf32>,
        %get3A_180 = arith.index_cast %scan3A_153 : i32 to index
        %get3A_181 = arith.constant 16 : index
        %get3A_182 = tpu.vector_load %arg15[%get3A_180, %get3A_181] {strides = array<i32>} : memref<64x128xf32, #tpu.memory_space<vmem>>, vector<16xf32>,
        %mul3A_183 = arith.mulf %get3A_182, %get3A_172 : vector<16xf32>
        %swap3A_184 = arith.index_cast %scan3A_153 : i32 to index
        %swap3A_185 = arith.constant 16 : index
        %swap3A_186 = tpu.vector_load %arg15[%swap3A_184, %swap3A_185] {strides = array<i32>} : memref<64x128xf32, #tpu.memory_space<vmem>>, vector<16xf32>,
        tpu.vector_store %arg15[%swap3A_184, %swap3A_185], %mul3A_183 {strides = array<i32>} : memref<64x128xf32, #tpu.memory_space<vmem>>, vector<16xf32>,
        %get3A_187 = arith.index_cast %scan3A_153 : i32 to index
        %get3A_188 = arith.constant 32 : index
        %get3A_189 = tpu.vector_load %arg17[%get3A_187, %get3A_188] {strides = array<i32>} : memref<64x128xf32, #tpu.memory_space<vmem>>, vector<16xf32>,
        %get3A_190 = arith.index_cast %scan3A_153 : i32 to index
        %get3A_191 = arith.constant 32 : index
        %get3A_192 = tpu.vector_load %arg13[%get3A_190, %get3A_191] {strides = array<i32>} : memref<64x128xf32, #tpu.memory_space<vmem>>, vector<16xf32>,
        %mul3A_193 = arith.mulf %get3A_192, %get3A_189 : vector<16xf32>
        %swap3A_194 = arith.index_cast %scan3A_153 : i32 to index
        %swap3A_195 = arith.constant 32 : index
        %swap3A_196 = tpu.vector_load %arg13[%swap3A_194, %swap3A_195] {strides = array<i32>} : memref<64x128xf32, #tpu.memory_space<vmem>>, vector<16xf32>,
        tpu.vector_store %arg13[%swap3A_194, %swap3A_195], %mul3A_193 {strides = array<i32>} : memref<64x128xf32, #tpu.memory_space<vmem>>, vector<16xf32>,
        %get3A_197 = arith.index_cast %scan3A_153 : i32 to index
        %get3A_198 = arith.constant 32 : index
        %get3A_199 = tpu.vector_load %arg15[%get3A_197, %get3A_198] {strides = array<i32>} : memref<64x128xf32, #tpu.memory_space<vmem>>, vector<16xf32>,
        %mul3A_200 = arith.mulf %get3A_199, %get3A_189 : vector<16xf32>
        %swap3A_201 = arith.index_cast %scan3A_153 : i32 to index
        %swap3A_202 = arith.constant 32 : index
        %swap3A_203 = tpu.vector_load %arg15[%swap3A_201, %swap3A_202] {strides = array<i32>} : memref<64x128xf32, #tpu.memory_space<vmem>>, vector<16xf32>,
        tpu.vector_store %arg15[%swap3A_201, %swap3A_202], %mul3A_200 {strides = array<i32>} : memref<64x128xf32, #tpu.memory_space<vmem>>, vector<16xf32>,
        %get3A_204 = arith.index_cast %scan3A_153 : i32 to index
        %get3A_205 = arith.constant 48 : index
        %get3A_206 = tpu.vector_load %arg17[%get3A_204, %get3A_205] {strides = array<i32>} : memref<64x128xf32, #tpu.memory_space<vmem>>, vector<16xf32>,
        %get3A_207 = arith.index_cast %scan3A_153 : i32 to index
        %get3A_208 = arith.constant 48 : index
        %get3A_209 = tpu.vector_load %arg13[%get3A_207, %get3A_208] {strides = array<i32>} : memref<64x128xf32, #tpu.memory_space<vmem>>, vector<16xf32>,
        %mul3A_210 = arith.mulf %get3A_209, %get3A_206 : vector<16xf32>
        %swap3A_211 = arith.index_cast %scan3A_153 : i32 to index
        %swap3A_212 = arith.constant 48 : index
        %swap3A_213 = tpu.vector_load %arg13[%swap3A_211, %swap3A_212] {strides = array<i32>} : memref<64x128xf32, #tpu.memory_space<vmem>>, vector<16xf32>,
        tpu.vector_store %arg13[%swap3A_211, %swap3A_212], %mul3A_210 {strides = array<i32>} : memref<64x128xf32, #tpu.memory_space<vmem>>, vector<16xf32>,
        %get3A_214 = arith.index_cast %scan3A_153 : i32 to index
        %get3A_215 = arith.constant 48 : index
        %get3A_216 = tpu.vector_load %arg15[%get3A_214, %get3A_215] {strides = array<i32>} : memref<64x128xf32, #tpu.memory_space<vmem>>, vector<16xf32>,
        %mul3A_217 = arith.mulf %get3A_216, %get3A_206 : vector<16xf32>
        %swap3A_218 = arith.index_cast %scan3A_153 : i32 to index
        %swap3A_219 = arith.constant 48 : index
        %swap3A_220 = tpu.vector_load %arg15[%swap3A_218, %swap3A_219] {strides = array<i32>} : memref<64x128xf32, #tpu.memory_space<vmem>>, vector<16xf32>,
        tpu.vector_store %arg15[%swap3A_218, %swap3A_219], %mul3A_217 {strides = array<i32>} : memref<64x128xf32, #tpu.memory_space<vmem>>, vector<16xf32>,
        %get3A_221 = arith.index_cast %scan3A_153 : i32 to index
        %get3A_222 = arith.constant 64 : index
        %get3A_223 = tpu.vector_load %arg17[%get3A_221, %get3A_222] {strides = array<i32>} : memref<64x128xf32, #tpu.memory_space<vmem>>, vector<16xf32>,
        %get3A_224 = arith.index_cast %scan3A_153 : i32 to index
        %get3A_225 = arith.constant 64 : index
        %get3A_226 = tpu.vector_load %arg13[%get3A_224, %get3A_225] {strides = array<i32>} : memref<64x128xf32, #tpu.memory_space<vmem>>, vector<16xf32>,
        %mul3A_227 = arith.mulf %get3A_226, %get3A_223 : vector<16xf32>
        %swap3A_228 = arith.index_cast %scan3A_153 : i32 to index
        %swap3A_229 = arith.constant 64 : index
        %swap3A_230 = tpu.vector_load %arg13[%swap3A_228, %swap3A_229] {strides = array<i32>} : memref<64x128xf32, #tpu.memory_space<vmem>>, vector<16xf32>,
        tpu.vector_store %arg13[%swap3A_228, %swap3A_229], %mul3A_227 {strides = array<i32>} : memref<64x128xf32, #tpu.memory_space<vmem>>, vector<16xf32>,
        %get3A_231 = arith.index_cast %scan3A_153 : i32 to index
        %get3A_232 = arith.constant 64 : index
        %get3A_233 = tpu.vector_load %arg15[%get3A_231, %get3A_232] {strides = array<i32>} : memref<64x128xf32, #tpu.memory_space<vmem>>, vector<16xf32>,
        %mul3A_234 = arith.mulf %get3A_233, %get3A_223 : vector<16xf32>
        %swap3A_235 = arith.index_cast %scan3A_153 : i32 to index
        %swap3A_236 = arith.constant 64 : index
        %swap3A_237 = tpu.vector_load %arg15[%swap3A_235, %swap3A_236] {strides = array<i32>} : memref<64x128xf32, #tpu.memory_space<vmem>>, vector<16xf32>,
        tpu.vector_store %arg15[%swap3A_235, %swap3A_236], %mul3A_234 {strides = array<i32>} : memref<64x128xf32, #tpu.memory_space<vmem>>, vector<16xf32>,
        %get3A_238 = arith.index_cast %scan3A_153 : i32 to index
        %get3A_239 = arith.constant 80 : index
        %get3A_240 = tpu.vector_load %arg17[%get3A_238, %get3A_239] {strides = array<i32>} : memref<64x128xf32, #tpu.memory_space<vmem>>, vector<16xf32>,
        %get3A_241 = arith.index_cast %scan3A_153 : i32 to index
        %get3A_242 = arith.constant 80 : index
        %get3A_243 = tpu.vector_load %arg13[%get3A_241, %get3A_242] {strides = array<i32>} : memref<64x128xf32, #tpu.memory_space<vmem>>, vector<16xf32>,
        %mul3A_244 = arith.mulf %get3A_243, %get3A_240 : vector<16xf32>
        %swap3A_245 = arith.index_cast %scan3A_153 : i32 to index
        %swap3A_246 = arith.constant 80 : index
        %swap3A_247 = tpu.vector_load %arg13[%swap3A_245, %swap3A_246] {strides = array<i32>} : memref<64x128xf32, #tpu.memory_space<vmem>>, vector<16xf32>,
        tpu.vector_store %arg13[%swap3A_245, %swap3A_246], %mul3A_244 {strides = array<i32>} : memref<64x128xf32, #tpu.memory_space<vmem>>, vector<16xf32>,
        %get3A_248 = arith.index_cast %scan3A_153 : i32 to index
        %get3A_249 = arith.constant 80 : index
        %get3A_250 = tpu.vector_load %arg15[%get3A_248, %get3A_249] {strides = array<i32>} : memref<64x128xf32, #tpu.memory_space<vmem>>, vector<16xf32>,
        %mul3A_251 = arith.mulf %get3A_250, %get3A_240 : vector<16xf32>
        %swap3A_252 = arith.index_cast %scan3A_153 : i32 to index
        %swap3A_253 = arith.constant 80 : index
        %swap3A_254 = tpu.vector_load %arg15[%swap3A_252, %swap3A_253] {strides = array<i32>} : memref<64x128xf32, #tpu.memory_space<vmem>>, vector<16xf32>,
        tpu.vector_store %arg15[%swap3A_252, %swap3A_253], %mul3A_251 {strides = array<i32>} : memref<64x128xf32, #tpu.memory_space<vmem>>, vector<16xf32>,
        %get3A_255 = arith.index_cast %scan3A_153 : i32 to index
        %get3A_256 = arith.constant 96 : index
        %get3A_257 = tpu.vector_load %arg17[%get3A_255, %get3A_256] {strides = array<i32>} : memref<64x128xf32, #tpu.memory_space<vmem>>, vector<16xf32>,
        %get3A_258 = arith.index_cast %scan3A_153 : i32 to index
        %get3A_259 = arith.constant 96 : index
        %get3A_260 = tpu.vector_load %arg13[%get3A_258, %get3A_259] {strides = array<i32>} : memref<64x128xf32, #tpu.memory_space<vmem>>, vector<16xf32>,
        %mul3A_261 = arith.mulf %get3A_260, %get3A_257 : vector<16xf32>
        %swap3A_262 = arith.index_cast %scan3A_153 : i32 to index
        %swap3A_263 = arith.constant 96 : index
        %swap3A_264 = tpu.vector_load %arg13[%swap3A_262, %swap3A_263] {strides = array<i32>} : memref<64x128xf32, #tpu.memory_space<vmem>>, vector<16xf32>,
        tpu.vector_store %arg13[%swap3A_262, %swap3A_263], %mul3A_261 {strides = array<i32>} : memref<64x128xf32, #tpu.memory_space<vmem>>, vector<16xf32>,
        %get3A_265 = arith.index_cast %scan3A_153 : i32 to index
        %get3A_266 = arith.constant 96 : index
        %get3A_267 = tpu.vector_load %arg15[%get3A_265, %get3A_266] {strides = array<i32>} : memref<64x128xf32, #tpu.memory_space<vmem>>, vector<16xf32>,
        %mul3A_268 = arith.mulf %get3A_267, %get3A_257 : vector<16xf32>
        %swap3A_269 = arith.index_cast %scan3A_153 : i32 to index
        %swap3A_270 = arith.constant 96 : index
        %swap3A_271 = tpu.vector_load %arg15[%swap3A_269, %swap3A_270] {strides = array<i32>} : memref<64x128xf32, #tpu.memory_space<vmem>>, vector<16xf32>,
        tpu.vector_store %arg15[%swap3A_269, %swap3A_270], %mul3A_268 {strides = array<i32>} : memref<64x128xf32, #tpu.memory_space<vmem>>, vector<16xf32>,
        %get3A_272 = arith.index_cast %scan3A_153 : i32 to index
        %get3A_273 = arith.constant 112 : index
        %get3A_274 = tpu.vector_load %arg17[%get3A_272, %get3A_273] {strides = array<i32>} : memref<64x128xf32, #tpu.memory_space<vmem>>, vector<16xf32>,
        %get3A_275 = arith.index_cast %scan3A_153 : i32 to index
        %get3A_276 = arith.constant 112 : index
        %get3A_277 = tpu.vector_load %arg13[%get3A_275, %get3A_276] {strides = array<i32>} : memref<64x128xf32, #tpu.memory_space<vmem>>, vector<16xf32>,
        %mul3A_278 = arith.mulf %get3A_277, %get3A_274 : vector<16xf32>
        %swap3A_279 = arith.index_cast %scan3A_153 : i32 to index
        %swap3A_280 = arith.constant 112 : index
        %swap3A_281 = tpu.vector_load %arg13[%swap3A_279, %swap3A_280] {strides = array<i32>} : memref<64x128xf32, #tpu.memory_space<vmem>>, vector<16xf32>,
        tpu.vector_store %arg13[%swap3A_279, %swap3A_280], %mul3A_278 {strides = array<i32>} : memref<64x128xf32, #tpu.memory_space<vmem>>, vector<16xf32>,
        %get3A_282 = arith.index_cast %scan3A_153 : i32 to index
        %get3A_283 = arith.constant 112 : index
        %get3A_284 = tpu.vector_load %arg15[%get3A_282, %get3A_283] {strides = array<i32>} : memref<64x128xf32, #tpu.memory_space<vmem>>, vector<16xf32>,
        %mul3A_285 = arith.mulf %get3A_284, %get3A_274 : vector<16xf32>
        %swap3A_286 = arith.index_cast %scan3A_153 : i32 to index
        %swap3A_287 = arith.constant 112 : index
        %swap3A_288 = tpu.vector_load %arg15[%swap3A_286, %swap3A_287] {strides = array<i32>} : memref<64x128xf32, #tpu.memory_space<vmem>>, vector<16xf32>,
        tpu.vector_store %arg15[%swap3A_286, %swap3A_287], %mul3A_285 {strides = array<i32>} : memref<64x128xf32, #tpu.memory_space<vmem>>, vector<16xf32>,
        %scan3A_289 = arith.constant 0 : i32
        scf.yield %scan3A_289 : i32
      }
      %scan3A_151 = arith.constant 64 : i32
      "tpu.region"() ({
        %run_scoped3A = tpu.sem_alloc : memref<!tpu.dma_semaphore, #tpu.memory_space<semaphore_mem>>
        %dma_start3A_153 = arith.constant 0 : i32
        %dma_start3A_154 = arith.constant 0 : i32
        %dma_start3A_155 = tpu.memref_slice %arg18[%dma_start3A_153, %dma_start3A_154] : memref<10112x128xf32, #tpu.memory_space<vmem_shared>> -> memref<10112x128xf32, #tpu.memory_space<vmem_shared>>
        tpu.enqueue_indirect_dma source(%arg13 : memref<64x128xf32, #tpu.memory_space<vmem>>) target(%dma_start3A_155 : memref<10112x128xf32, #tpu.memory_space<vmem_shared>>) offsets(%arg11 : memref<64xi32, #tpu.memory_space<vmem>>) semaphore(%run_scoped3A : memref<!tpu.dma_semaphore, #tpu.memory_space<semaphore_mem>>) {add = true}
        %dma_wait3A_156 = arith.constant 0 : i32
        %dma_wait3A_157 = arith.constant 0 : i32
        %dma_wait3A_158 = tpu.memref_slice %arg18[%dma_wait3A_156, %dma_wait3A_157] : memref<10112x128xf32, #tpu.memory_space<vmem_shared>> -> memref<10112x128xf32, #tpu.memory_space<vmem_shared>>
        tpu.wait_indirect_dma semaphore(%run_scoped3A : memref<!tpu.dma_semaphore, #tpu.memory_space<semaphore_mem>>) src(%arg13 : memref<64x128xf32, #tpu.memory_space<vmem>>) dst(%dma_wait3A_158 : memref<10112x128xf32, #tpu.memory_space<vmem_shared>>)
        tpu.yield
      }) : () -> ()
      "tpu.region"() ({
        %run_scoped3A = tpu.sem_alloc : memref<!tpu.dma_semaphore, #tpu.memory_space<semaphore_mem>>
        %dma_start3A_153 = arith.constant 0 : i32
        %dma_start3A_154 = arith.constant 0 : i32
        %dma_start3A_155 = tpu.memref_slice %arg18[%dma_start3A_153, %dma_start3A_154] : memref<10112x128xf32, #tpu.memory_space<vmem_shared>> -> memref<10112x128xf32, #tpu.memory_space<vmem_shared>>
        tpu.enqueue_indirect_dma source(%arg15 : memref<64x128xf32, #tpu.memory_space<vmem>>) target(%dma_start3A_155 : memref<10112x128xf32, #tpu.memory_space<vmem_shared>>) offsets(%arg9 : memref<64xi32, #tpu.memory_space<vmem>>) semaphore(%run_scoped3A : memref<!tpu.dma_semaphore, #tpu.memory_space<semaphore_mem>>) {add = true}
        %dma_wait3A_156 = arith.constant 0 : i32
        %dma_wait3A_157 = arith.constant 0 : i32
        %dma_wait3A_158 = tpu.memref_slice %arg18[%dma_wait3A_156, %dma_wait3A_157] : memref<10112x128xf32, #tpu.memory_space<vmem_shared>> -> memref<10112x128xf32, #tpu.memory_space<vmem_shared>>
        tpu.wait_indirect_dma semaphore(%run_scoped3A : memref<!tpu.dma_semaphore, #tpu.memory_space<semaphore_mem>>) src(%arg15 : memref<64x128xf32, #tpu.memory_space<vmem>>) dst(%dma_wait3A_158 : memref<10112x128xf32, #tpu.memory_space<vmem_shared>>)
        tpu.yield
      }) : () -> ()
      %while3A_152 = arith.constant 0 : i32
      scf.yield %while3A_152 : i32
    }
    %while3A_38 = arith.constant 1 : i32
    %while3A_39 = scf.for %while3A_45 = %while3A_35 to %while3A_31 step %while3A_38 iter_args(%while3A_46 = %while3A_37) -> (i32)  : i32 {
      %mul3A_47 = arith.constant 2 : i32
      %mul3A_48 = arith.muli %mul3A_47, %while3A_45 : i32
      %add3A_49 = arith.constant 0 : i32
      %add3A_50 = arith.addi %mul3A_48, %add3A_49 : i32
      %add3A_51 = arith.addi %select_n3A_8, %add3A_50 : i32
      %mul3A_52 = arith.constant 64 : i32
      %mul3A_53 = arith.muli %add3A_51, %mul3A_52 : i32
      %dma_start3A = tpu.memref_slice %arg4[%mul3A_53] : memref<163840xi32, #tpu.memory_space<hbm>> -> memref<64xi32, #tpu.memory_space<hbm>>
      %dma_start3A_54 = tpu.memref_slice %arg4[%mul3A_53] : memref<163840xi32, #tpu.memory_space<hbm>> -> memref<64xi32, #tpu.memory_space<hbm>>
      tpu.enqueue_dma source(%dma_start3A_54 : memref<64xi32, #tpu.memory_space<hbm>>) target(%arg8 : memref<64xi32, #tpu.memory_space<vmem>>) target_semaphore(%arg19 : memref<!tpu.dma_semaphore, #tpu.memory_space<semaphore_mem>>)
      %add3A_55 = arith.addi %select_n3A_8, %add3A_50 : i32
      %mul3A_56 = arith.constant 64 : i32
      %mul3A_57 = arith.muli %add3A_55, %mul3A_56 : i32
      %dma_start3A_58 = tpu.memref_slice %arg5[%mul3A_57] : memref<163840xi32, #tpu.memory_space<hbm>> -> memref<64xi32, #tpu.memory_space<hbm>>
      %dma_start3A_59 = tpu.memref_slice %arg5[%mul3A_57] : memref<163840xi32, #tpu.memory_space<hbm>> -> memref<64xi32, #tpu.memory_space<hbm>>
      tpu.enqueue_dma source(%dma_start3A_59 : memref<64xi32, #tpu.memory_space<hbm>>) target(%arg10 : memref<64xi32, #tpu.memory_space<vmem>>) target_semaphore(%arg19 : memref<!tpu.dma_semaphore, #tpu.memory_space<semaphore_mem>>)
      %dma_wait3A = arith.constant 0 : i32
      %dma_wait3A_60 = tpu.memref_slice %arg4[%dma_wait3A] : memref<163840xi32, #tpu.memory_space<hbm>> -> memref<64xi32, #tpu.memory_space<hbm>>
      %dma_wait3A_61 = arith.constant 0 : i32
      %dma_wait3A_62 = tpu.memref_slice %arg4[%dma_wait3A_61] : memref<163840xi32, #tpu.memory_space<hbm>> -> memref<64xi32, #tpu.memory_space<hbm>>
      tpu.wait_dma2 semaphore(%arg19 : memref<!tpu.dma_semaphore, #tpu.memory_space<semaphore_mem>>) src(%dma_wait3A_62 : memref<64xi32, #tpu.memory_space<hbm>>) dst(%arg8 : memref<64xi32, #tpu.memory_space<vmem>>)
      %dma_wait3A_63 = arith.constant 0 : i32
      %dma_wait3A_64 = tpu.memref_slice %arg5[%dma_wait3A_63] : memref<163840xi32, #tpu.memory_space<hbm>> -> memref<64xi32, #tpu.memory_space<hbm>>
      %dma_wait3A_65 = arith.constant 0 : i32
      %dma_wait3A_66 = tpu.memref_slice %arg5[%dma_wait3A_65] : memref<163840xi32, #tpu.memory_space<hbm>> -> memref<64xi32, #tpu.memory_space<hbm>>
      tpu.wait_dma2 semaphore(%arg19 : memref<!tpu.dma_semaphore, #tpu.memory_space<semaphore_mem>>) src(%dma_wait3A_66 : memref<64xi32, #tpu.memory_space<hbm>>) dst(%arg10 : memref<64xi32, #tpu.memory_space<vmem>>)
      %dma_start3A_67 = arith.constant 0 : i32
      %dma_start3A_68 = arith.constant 0 : i32
      %dma_start3A_69 = tpu.memref_slice %arg2[%dma_start3A_67, %dma_start3A_68] : memref<10000x128xf32, #tpu.memory_space<hbm>> -> memref<10000x128xf32, #tpu.memory_space<hbm>>
      tpu.enqueue_indirect_dma source(%dma_start3A_69 : memref<10000x128xf32, #tpu.memory_space<hbm>>) target(%arg12 : memref<64x128xf32, #tpu.memory_space<vmem>>) offsets(%arg8 : memref<64xi32, #tpu.memory_space<vmem>>) semaphore(%arg21 : memref<!tpu.dma_semaphore, #tpu.memory_space<semaphore_mem>>)
      %dma_start3A_70 = arith.constant 0 : i32
      %dma_start3A_71 = arith.constant 0 : i32
      %dma_start3A_72 = tpu.memref_slice %arg2[%dma_start3A_70, %dma_start3A_71] : memref<10000x128xf32, #tpu.memory_space<hbm>> -> memref<10000x128xf32, #tpu.memory_space<hbm>>
      tpu.enqueue_indirect_dma source(%dma_start3A_72 : memref<10000x128xf32, #tpu.memory_space<hbm>>) target(%arg14 : memref<64x128xf32, #tpu.memory_space<vmem>>) offsets(%arg10 : memref<64xi32, #tpu.memory_space<vmem>>) semaphore(%arg23 : memref<!tpu.dma_semaphore, #tpu.memory_space<semaphore_mem>>)
      %add3A_73 = arith.addi %select_n3A_8, %add3A_50 : i32
      %mul3A_74 = arith.constant 64 : i32
      %mul3A_75 = arith.muli %add3A_73, %mul3A_74 : i32
      %dma_start3A_76 = arith.constant 0 : i32
      %dma_start3A_77 = tpu.memref_slice %arg3[%mul3A_75, %dma_start3A_76] : memref<163840x128xf32, #tpu.memory_space<hbm>> -> memref<64x128xf32, #tpu.memory_space<hbm>>
      %dma_start3A_78 = arith.constant 0 : i32
      %dma_start3A_79 = tpu.memref_slice %arg3[%mul3A_75, %dma_start3A_78] : memref<163840x128xf32, #tpu.memory_space<hbm>> -> memref<64x128xf32, #tpu.memory_space<hbm>>
      tpu.enqueue_dma source(%dma_start3A_79 : memref<64x128xf32, #tpu.memory_space<hbm>>) target(%arg16 : memref<64x128xf32, #tpu.memory_space<vmem>>) target_semaphore(%arg25 : memref<!tpu.dma_semaphore, #tpu.memory_space<semaphore_mem>>)
      %dma_wait3A_80 = arith.constant 0 : i32
      %dma_wait3A_81 = arith.constant 0 : i32
      %dma_wait3A_82 = tpu.memref_slice %arg2[%dma_wait3A_80, %dma_wait3A_81] : memref<10000x128xf32, #tpu.memory_space<hbm>> -> memref<10000x128xf32, #tpu.memory_space<hbm>>
      tpu.wait_indirect_dma semaphore(%arg21 : memref<!tpu.dma_semaphore, #tpu.memory_space<semaphore_mem>>) src(%dma_wait3A_82 : memref<10000x128xf32, #tpu.memory_space<hbm>>) dst(%arg12 : memref<64x128xf32, #tpu.memory_space<vmem>>)
      %dma_wait3A_83 = arith.constant 0 : i32
      %dma_wait3A_84 = arith.constant 0 : i32
      %dma_wait3A_85 = tpu.memref_slice %arg2[%dma_wait3A_83, %dma_wait3A_84] : memref<10000x128xf32, #tpu.memory_space<hbm>> -> memref<10000x128xf32, #tpu.memory_space<hbm>>
      tpu.wait_indirect_dma semaphore(%arg23 : memref<!tpu.dma_semaphore, #tpu.memory_space<semaphore_mem>>) src(%dma_wait3A_85 : memref<10000x128xf32, #tpu.memory_space<hbm>>) dst(%arg14 : memref<64x128xf32, #tpu.memory_space<vmem>>)
      %dma_wait3A_86 = arith.constant 0 : i32
      %dma_wait3A_87 = arith.constant 0 : i32
      %dma_wait3A_88 = tpu.memref_slice %arg3[%dma_wait3A_86, %dma_wait3A_87] : memref<163840x128xf32, #tpu.memory_space<hbm>> -> memref<64x128xf32, #tpu.memory_space<hbm>>
      %dma_wait3A_89 = arith.constant 0 : i32
      %dma_wait3A_90 = arith.constant 0 : i32
      %dma_wait3A_91 = tpu.memref_slice %arg3[%dma_wait3A_89, %dma_wait3A_90] : memref<163840x128xf32, #tpu.memory_space<hbm>> -> memref<64x128xf32, #tpu.memory_space<hbm>>
      tpu.wait_dma2 semaphore(%arg25 : memref<!tpu.dma_semaphore, #tpu.memory_space<semaphore_mem>>) src(%dma_wait3A_91 : memref<64x128xf32, #tpu.memory_space<hbm>>) dst(%arg16 : memref<64x128xf32, #tpu.memory_space<vmem>>)
      %scan3A = arith.constant 0 : i32
      %scan3A_92 = arith.constant 0 : i32
      %scan3A_93 = arith.constant 64 : i32
      %scan3A_94 = arith.addi %scan3A_92, %scan3A_93 : i32
      %scan3A_95 = arith.constant 1 : i32
      %scan3A_96 = scf.for %scan3A_153 = %scan3A_92 to %scan3A_94 step %scan3A_95 iter_args(%scan3A_154 = %scan3A) -> (i32)  : i32 {
        %get3A = arith.index_cast %scan3A_153 : i32 to index
        %get3A_155 = arith.constant 0 : index
        %get3A_156 = tpu.vector_load %arg16[%get3A, %get3A_155] {strides = array<i32>} : memref<64x128xf32, #tpu.memory_space<vmem>>, vector<16xf32>,
        %get3A_157 = arith.index_cast %scan3A_153 : i32 to index
        %get3A_158 = arith.constant 0 : index
        %get3A_159 = tpu.vector_load %arg12[%get3A_157, %get3A_158] {strides = array<i32>} : memref<64x128xf32, #tpu.memory_space<vmem>>, vector<16xf32>,
        %mul3A_160 = arith.mulf %get3A_159, %get3A_156 : vector<16xf32>
        %swap3A = arith.index_cast %scan3A_153 : i32 to index
        %swap3A_161 = arith.constant 0 : index
        %swap3A_162 = tpu.vector_load %arg12[%swap3A, %swap3A_161] {strides = array<i32>} : memref<64x128xf32, #tpu.memory_space<vmem>>, vector<16xf32>,
        tpu.vector_store %arg12[%swap3A, %swap3A_161], %mul3A_160 {strides = array<i32>} : memref<64x128xf32, #tpu.memory_space<vmem>>, vector<16xf32>,
        %get3A_163 = arith.index_cast %scan3A_153 : i32 to index
        %get3A_164 = arith.constant 0 : index
        %get3A_165 = tpu.vector_load %arg14[%get3A_163, %get3A_164] {strides = array<i32>} : memref<64x128xf32, #tpu.memory_space<vmem>>, vector<16xf32>,
        %mul3A_166 = arith.mulf %get3A_165, %get3A_156 : vector<16xf32>
        %swap3A_167 = arith.index_cast %scan3A_153 : i32 to index
        %swap3A_168 = arith.constant 0 : index
        %swap3A_169 = tpu.vector_load %arg14[%swap3A_167, %swap3A_168] {strides = array<i32>} : memref<64x128xf32, #tpu.memory_space<vmem>>, vector<16xf32>,
        tpu.vector_store %arg14[%swap3A_167, %swap3A_168], %mul3A_166 {strides = array<i32>} : memref<64x128xf32, #tpu.memory_space<vmem>>, vector<16xf32>,
        %get3A_170 = arith.index_cast %scan3A_153 : i32 to index
        %get3A_171 = arith.constant 16 : index
        %get3A_172 = tpu.vector_load %arg16[%get3A_170, %get3A_171] {strides = array<i32>} : memref<64x128xf32, #tpu.memory_space<vmem>>, vector<16xf32>,
        %get3A_173 = arith.index_cast %scan3A_153 : i32 to index
        %get3A_174 = arith.constant 16 : index
        %get3A_175 = tpu.vector_load %arg12[%get3A_173, %get3A_174] {strides = array<i32>} : memref<64x128xf32, #tpu.memory_space<vmem>>, vector<16xf32>,
        %mul3A_176 = arith.mulf %get3A_175, %get3A_172 : vector<16xf32>
        %swap3A_177 = arith.index_cast %scan3A_153 : i32 to index
        %swap3A_178 = arith.constant 16 : index
        %swap3A_179 = tpu.vector_load %arg12[%swap3A_177, %swap3A_178] {strides = array<i32>} : memref<64x128xf32, #tpu.memory_space<vmem>>, vector<16xf32>,
        tpu.vector_store %arg12[%swap3A_177, %swap3A_178], %mul3A_176 {strides = array<i32>} : memref<64x128xf32, #tpu.memory_space<vmem>>, vector<16xf32>,
        %get3A_180 = arith.index_cast %scan3A_153 : i32 to index
        %get3A_181 = arith.constant 16 : index
        %get3A_182 = tpu.vector_load %arg14[%get3A_180, %get3A_181] {strides = array<i32>} : memref<64x128xf32, #tpu.memory_space<vmem>>, vector<16xf32>,
        %mul3A_183 = arith.mulf %get3A_182, %get3A_172 : vector<16xf32>
        %swap3A_184 = arith.index_cast %scan3A_153 : i32 to index
        %swap3A_185 = arith.constant 16 : index
        %swap3A_186 = tpu.vector_load %arg14[%swap3A_184, %swap3A_185] {strides = array<i32>} : memref<64x128xf32, #tpu.memory_space<vmem>>, vector<16xf32>,
        tpu.vector_store %arg14[%swap3A_184, %swap3A_185], %mul3A_183 {strides = array<i32>} : memref<64x128xf32, #tpu.memory_space<vmem>>, vector<16xf32>,
        %get3A_187 = arith.index_cast %scan3A_153 : i32 to index
        %get3A_188 = arith.constant 32 : index
        %get3A_189 = tpu.vector_load %arg16[%get3A_187, %get3A_188] {strides = array<i32>} : memref<64x128xf32, #tpu.memory_space<vmem>>, vector<16xf32>,
        %get3A_190 = arith.index_cast %scan3A_153 : i32 to index
        %get3A_191 = arith.constant 32 : index
        %get3A_192 = tpu.vector_load %arg12[%get3A_190, %get3A_191] {strides = array<i32>} : memref<64x128xf32, #tpu.memory_space<vmem>>, vector<16xf32>,
        %mul3A_193 = arith.mulf %get3A_192, %get3A_189 : vector<16xf32>
        %swap3A_194 = arith.index_cast %scan3A_153 : i32 to index
        %swap3A_195 = arith.constant 32 : index
        %swap3A_196 = tpu.vector_load %arg12[%swap3A_194, %swap3A_195] {strides = array<i32>} : memref<64x128xf32, #tpu.memory_space<vmem>>, vector<16xf32>,
        tpu.vector_store %arg12[%swap3A_194, %swap3A_195], %mul3A_193 {strides = array<i32>} : memref<64x128xf32, #tpu.memory_space<vmem>>, vector<16xf32>,
        %get3A_197 = arith.index_cast %scan3A_153 : i32 to index
        %get3A_198 = arith.constant 32 : index
        %get3A_199 = tpu.vector_load %arg14[%get3A_197, %get3A_198] {strides = array<i32>} : memref<64x128xf32, #tpu.memory_space<vmem>>, vector<16xf32>,
        %mul3A_200 = arith.mulf %get3A_199, %get3A_189 : vector<16xf32>
        %swap3A_201 = arith.index_cast %scan3A_153 : i32 to index
        %swap3A_202 = arith.constant 32 : index
        %swap3A_203 = tpu.vector_load %arg14[%swap3A_201, %swap3A_202] {strides = array<i32>} : memref<64x128xf32, #tpu.memory_space<vmem>>, vector<16xf32>,
        tpu.vector_store %arg14[%swap3A_201, %swap3A_202], %mul3A_200 {strides = array<i32>} : memref<64x128xf32, #tpu.memory_space<vmem>>, vector<16xf32>,
        %get3A_204 = arith.index_cast %scan3A_153 : i32 to index
        %get3A_205 = arith.constant 48 : index
        %get3A_206 = tpu.vector_load %arg16[%get3A_204, %get3A_205] {strides = array<i32>} : memref<64x128xf32, #tpu.memory_space<vmem>>, vector<16xf32>,
        %get3A_207 = arith.index_cast %scan3A_153 : i32 to index
        %get3A_208 = arith.constant 48 : index
        %get3A_209 = tpu.vector_load %arg12[%get3A_207, %get3A_208] {strides = array<i32>} : memref<64x128xf32, #tpu.memory_space<vmem>>, vector<16xf32>,
        %mul3A_210 = arith.mulf %get3A_209, %get3A_206 : vector<16xf32>
        %swap3A_211 = arith.index_cast %scan3A_153 : i32 to index
        %swap3A_212 = arith.constant 48 : index
        %swap3A_213 = tpu.vector_load %arg12[%swap3A_211, %swap3A_212] {strides = array<i32>} : memref<64x128xf32, #tpu.memory_space<vmem>>, vector<16xf32>,
        tpu.vector_store %arg12[%swap3A_211, %swap3A_212], %mul3A_210 {strides = array<i32>} : memref<64x128xf32, #tpu.memory_space<vmem>>, vector<16xf32>,
        %get3A_214 = arith.index_cast %scan3A_153 : i32 to index
        %get3A_215 = arith.constant 48 : index
        %get3A_216 = tpu.vector_load %arg14[%get3A_214, %get3A_215] {strides = array<i32>} : memref<64x128xf32, #tpu.memory_space<vmem>>, vector<16xf32>,
        %mul3A_217 = arith.mulf %get3A_216, %get3A_206 : vector<16xf32>
        %swap3A_218 = arith.index_cast %scan3A_153 : i32 to index
        %swap3A_219 = arith.constant 48 : index
        %swap3A_220 = tpu.vector_load %arg14[%swap3A_218, %swap3A_219] {strides = array<i32>} : memref<64x128xf32, #tpu.memory_space<vmem>>, vector<16xf32>,
        tpu.vector_store %arg14[%swap3A_218, %swap3A_219], %mul3A_217 {strides = array<i32>} : memref<64x128xf32, #tpu.memory_space<vmem>>, vector<16xf32>,
        %get3A_221 = arith.index_cast %scan3A_153 : i32 to index
        %get3A_222 = arith.constant 64 : index
        %get3A_223 = tpu.vector_load %arg16[%get3A_221, %get3A_222] {strides = array<i32>} : memref<64x128xf32, #tpu.memory_space<vmem>>, vector<16xf32>,
        %get3A_224 = arith.index_cast %scan3A_153 : i32 to index
        %get3A_225 = arith.constant 64 : index
        %get3A_226 = tpu.vector_load %arg12[%get3A_224, %get3A_225] {strides = array<i32>} : memref<64x128xf32, #tpu.memory_space<vmem>>, vector<16xf32>,
        %mul3A_227 = arith.mulf %get3A_226, %get3A_223 : vector<16xf32>
        %swap3A_228 = arith.index_cast %scan3A_153 : i32 to index
        %swap3A_229 = arith.constant 64 : index
        %swap3A_230 = tpu.vector_load %arg12[%swap3A_228, %swap3A_229] {strides = array<i32>} : memref<64x128xf32, #tpu.memory_space<vmem>>, vector<16xf32>,
        tpu.vector_store %arg12[%swap3A_228, %swap3A_229], %mul3A_227 {strides = array<i32>} : memref<64x128xf32, #tpu.memory_space<vmem>>, vector<16xf32>,
        %get3A_231 = arith.index_cast %scan3A_153 : i32 to index
        %get3A_232 = arith.constant 64 : index
        %get3A_233 = tpu.vector_load %arg14[%get3A_231, %get3A_232] {strides = array<i32>} : memref<64x128xf32, #tpu.memory_space<vmem>>, vector<16xf32>,
        %mul3A_234 = arith.mulf %get3A_233, %get3A_223 : vector<16xf32>
        %swap3A_235 = arith.index_cast %scan3A_153 : i32 to index
        %swap3A_236 = arith.constant 64 : index
        %swap3A_237 = tpu.vector_load %arg14[%swap3A_235, %swap3A_236] {strides = array<i32>} : memref<64x128xf32, #tpu.memory_space<vmem>>, vector<16xf32>,
        tpu.vector_store %arg14[%swap3A_235, %swap3A_236], %mul3A_234 {strides = array<i32>} : memref<64x128xf32, #tpu.memory_space<vmem>>, vector<16xf32>,
        %get3A_238 = arith.index_cast %scan3A_153 : i32 to index
        %get3A_239 = arith.constant 80 : index
        %get3A_240 = tpu.vector_load %arg16[%get3A_238, %get3A_239] {strides = array<i32>} : memref<64x128xf32, #tpu.memory_space<vmem>>, vector<16xf32>,
        %get3A_241 = arith.index_cast %scan3A_153 : i32 to index
        %get3A_242 = arith.constant 80 : index
        %get3A_243 = tpu.vector_load %arg12[%get3A_241, %get3A_242] {strides = array<i32>} : memref<64x128xf32, #tpu.memory_space<vmem>>, vector<16xf32>,
        %mul3A_244 = arith.mulf %get3A_243, %get3A_240 : vector<16xf32>
        %swap3A_245 = arith.index_cast %scan3A_153 : i32 to index
        %swap3A_246 = arith.constant 80 : index
        %swap3A_247 = tpu.vector_load %arg12[%swap3A_245, %swap3A_246] {strides = array<i32>} : memref<64x128xf32, #tpu.memory_space<vmem>>, vector<16xf32>,
        tpu.vector_store %arg12[%swap3A_245, %swap3A_246], %mul3A_244 {strides = array<i32>} : memref<64x128xf32, #tpu.memory_space<vmem>>, vector<16xf32>,
        %get3A_248 = arith.index_cast %scan3A_153 : i32 to index
        %get3A_249 = arith.constant 80 : index
        %get3A_250 = tpu.vector_load %arg14[%get3A_248, %get3A_249] {strides = array<i32>} : memref<64x128xf32, #tpu.memory_space<vmem>>, vector<16xf32>,
        %mul3A_251 = arith.mulf %get3A_250, %get3A_240 : vector<16xf32>
        %swap3A_252 = arith.index_cast %scan3A_153 : i32 to index
        %swap3A_253 = arith.constant 80 : index
        %swap3A_254 = tpu.vector_load %arg14[%swap3A_252, %swap3A_253] {strides = array<i32>} : memref<64x128xf32, #tpu.memory_space<vmem>>, vector<16xf32>,
        tpu.vector_store %arg14[%swap3A_252, %swap3A_253], %mul3A_251 {strides = array<i32>} : memref<64x128xf32, #tpu.memory_space<vmem>>, vector<16xf32>,
        %get3A_255 = arith.index_cast %scan3A_153 : i32 to index
        %get3A_256 = arith.constant 96 : index
        %get3A_257 = tpu.vector_load %arg16[%get3A_255, %get3A_256] {strides = array<i32>} : memref<64x128xf32, #tpu.memory_space<vmem>>, vector<16xf32>,
        %get3A_258 = arith.index_cast %scan3A_153 : i32 to index
        %get3A_259 = arith.constant 96 : index
        %get3A_260 = tpu.vector_load %arg12[%get3A_258, %get3A_259] {strides = array<i32>} : memref<64x128xf32, #tpu.memory_space<vmem>>, vector<16xf32>,
        %mul3A_261 = arith.mulf %get3A_260, %get3A_257 : vector<16xf32>
        %swap3A_262 = arith.index_cast %scan3A_153 : i32 to index
        %swap3A_263 = arith.constant 96 : index
        %swap3A_264 = tpu.vector_load %arg12[%swap3A_262, %swap3A_263] {strides = array<i32>} : memref<64x128xf32, #tpu.memory_space<vmem>>, vector<16xf32>,
        tpu.vector_store %arg12[%swap3A_262, %swap3A_263], %mul3A_261 {strides = array<i32>} : memref<64x128xf32, #tpu.memory_space<vmem>>, vector<16xf32>,
        %get3A_265 = arith.index_cast %scan3A_153 : i32 to index
        %get3A_266 = arith.constant 96 : index
        %get3A_267 = tpu.vector_load %arg14[%get3A_265, %get3A_266] {strides = array<i32>} : memref<64x128xf32, #tpu.memory_space<vmem>>, vector<16xf32>,
        %mul3A_268 = arith.mulf %get3A_267, %get3A_257 : vector<16xf32>
        %swap3A_269 = arith.index_cast %scan3A_153 : i32 to index
        %swap3A_270 = arith.constant 96 : index
        %swap3A_271 = tpu.vector_load %arg14[%swap3A_269, %swap3A_270] {strides = array<i32>} : memref<64x128xf32, #tpu.memory_space<vmem>>, vector<16xf32>,
        tpu.vector_store %arg14[%swap3A_269, %swap3A_270], %mul3A_268 {strides = array<i32>} : memref<64x128xf32, #tpu.memory_space<vmem>>, vector<16xf32>,
        %get3A_272 = arith.index_cast %scan3A_153 : i32 to index
        %get3A_273 = arith.constant 112 : index
        %get3A_274 = tpu.vector_load %arg16[%get3A_272, %get3A_273] {strides = array<i32>} : memref<64x128xf32, #tpu.memory_space<vmem>>, vector<16xf32>,
        %get3A_275 = arith.index_cast %scan3A_153 : i32 to index
        %get3A_276 = arith.constant 112 : index
        %get3A_277 = tpu.vector_load %arg12[%get3A_275, %get3A_276] {strides = array<i32>} : memref<64x128xf32, #tpu.memory_space<vmem>>, vector<16xf32>,
        %mul3A_278 = arith.mulf %get3A_277, %get3A_274 : vector<16xf32>
        %swap3A_279 = arith.index_cast %scan3A_153 : i32 to index
        %swap3A_280 = arith.constant 112 : index
        %swap3A_281 = tpu.vector_load %arg12[%swap3A_279, %swap3A_280] {strides = array<i32>} : memref<64x128xf32, #tpu.memory_space<vmem>>, vector<16xf32>,
        tpu.vector_store %arg12[%swap3A_279, %swap3A_280], %mul3A_278 {strides = array<i32>} : memref<64x128xf32, #tpu.memory_space<vmem>>, vector<16xf32>,
        %get3A_282 = arith.index_cast %scan3A_153 : i32 to index
        %get3A_283 = arith.constant 112 : index
        %get3A_284 = tpu.vector_load %arg14[%get3A_282, %get3A_283] {strides = array<i32>} : memref<64x128xf32, #tpu.memory_space<vmem>>, vector<16xf32>,
        %mul3A_285 = arith.mulf %get3A_284, %get3A_274 : vector<16xf32>
        %swap3A_286 = arith.index_cast %scan3A_153 : i32 to index
        %swap3A_287 = arith.constant 112 : index
        %swap3A_288 = tpu.vector_load %arg14[%swap3A_286, %swap3A_287] {strides = array<i32>} : memref<64x128xf32, #tpu.memory_space<vmem>>, vector<16xf32>,
        tpu.vector_store %arg14[%swap3A_286, %swap3A_287], %mul3A_285 {strides = array<i32>} : memref<64x128xf32, #tpu.memory_space<vmem>>, vector<16xf32>,
        %scan3A_289 = arith.constant 0 : i32
        scf.yield %scan3A_289 : i32
      }
      %scan3A_97 = arith.constant 64 : i32
      "tpu.region"() ({
        %run_scoped3A = tpu.sem_alloc : memref<!tpu.dma_semaphore, #tpu.memory_space<semaphore_mem>>
        %dma_start3A_153 = arith.constant 0 : i32
        %dma_start3A_154 = arith.constant 0 : i32
        %dma_start3A_155 = tpu.memref_slice %arg18[%dma_start3A_153, %dma_start3A_154] : memref<10112x128xf32, #tpu.memory_space<vmem_shared>> -> memref<10112x128xf32, #tpu.memory_space<vmem_shared>>
        tpu.enqueue_indirect_dma source(%arg12 : memref<64x128xf32, #tpu.memory_space<vmem>>) target(%dma_start3A_155 : memref<10112x128xf32, #tpu.memory_space<vmem_shared>>) offsets(%arg10 : memref<64xi32, #tpu.memory_space<vmem>>) semaphore(%run_scoped3A : memref<!tpu.dma_semaphore, #tpu.memory_space<semaphore_mem>>) {add = true}
        %dma_wait3A_156 = arith.constant 0 : i32
        %dma_wait3A_157 = arith.constant 0 : i32
        %dma_wait3A_158 = tpu.memref_slice %arg18[%dma_wait3A_156, %dma_wait3A_157] : memref<10112x128xf32, #tpu.memory_space<vmem_shared>> -> memref<10112x128xf32, #tpu.memory_space<vmem_shared>>
        tpu.wait_indirect_dma semaphore(%run_scoped3A : memref<!tpu.dma_semaphore, #tpu.memory_space<semaphore_mem>>) src(%arg12 : memref<64x128xf32, #tpu.memory_space<vmem>>) dst(%dma_wait3A_158 : memref<10112x128xf32, #tpu.memory_space<vmem_shared>>)
        tpu.yield
      }) : () -> ()
      "tpu.region"() ({
        %run_scoped3A = tpu.sem_alloc : memref<!tpu.dma_semaphore, #tpu.memory_space<semaphore_mem>>
        %dma_start3A_153 = arith.constant 0 : i32
        %dma_start3A_154 = arith.constant 0 : i32
        %dma_start3A_155 = tpu.memref_slice %arg18[%dma_start3A_153, %dma_start3A_154] : memref<10112x128xf32, #tpu.memory_space<vmem_shared>> -> memref<10112x128xf32, #tpu.memory_space<vmem_shared>>
        tpu.enqueue_indirect_dma source(%arg14 : memref<64x128xf32, #tpu.memory_space<vmem>>) target(%dma_start3A_155 : memref<10112x128xf32, #tpu.memory_space<vmem_shared>>) offsets(%arg8 : memref<64xi32, #tpu.memory_space<vmem>>) semaphore(%run_scoped3A : memref<!tpu.dma_semaphore, #tpu.memory_space<semaphore_mem>>) {add = true}
        %dma_wait3A_156 = arith.constant 0 : i32
        %dma_wait3A_157 = arith.constant 0 : i32
        %dma_wait3A_158 = tpu.memref_slice %arg18[%dma_wait3A_156, %dma_wait3A_157] : memref<10112x128xf32, #tpu.memory_space<vmem_shared>> -> memref<10112x128xf32, #tpu.memory_space<vmem_shared>>
        tpu.wait_indirect_dma semaphore(%run_scoped3A : memref<!tpu.dma_semaphore, #tpu.memory_space<semaphore_mem>>) src(%arg14 : memref<64x128xf32, #tpu.memory_space<vmem>>) dst(%dma_wait3A_158 : memref<10112x128xf32, #tpu.memory_space<vmem_shared>>)
        tpu.yield
      }) : () -> ()
      %mul3A_98 = arith.constant 2 : i32
      %mul3A_99 = arith.muli %mul3A_98, %while3A_45 : i32
      %add3A_100 = arith.constant 1 : i32
      %add3A_101 = arith.addi %mul3A_99, %add3A_100 : i32
      %add3A_102 = arith.addi %select_n3A_8, %add3A_101 : i32
      %mul3A_103 = arith.constant 64 : i32
      %mul3A_104 = arith.muli %add3A_102, %mul3A_103 : i32
      %dma_start3A_105 = tpu.memref_slice %arg4[%mul3A_104] : memref<163840xi32, #tpu.memory_space<hbm>> -> memref<64xi32, #tpu.memory_space<hbm>>
      %dma_start3A_106 = tpu.memref_slice %arg4[%mul3A_104] : memref<163840xi32, #tpu.memory_space<hbm>> -> memref<64xi32, #tpu.memory_space<hbm>>
      tpu.enqueue_dma source(%dma_start3A_106 : memref<64xi32, #tpu.memory_space<hbm>>) target(%arg9 : memref<64xi32, #tpu.memory_space<vmem>>) target_semaphore(%arg20 : memref<!tpu.dma_semaphore, #tpu.memory_space<semaphore_mem>>)
      %add3A_107 = arith.addi %select_n3A_8, %add3A_101 : i32
      %mul3A_108 = arith.constant 64 : i32
      %mul3A_109 = arith.muli %add3A_107, %mul3A_108 : i32
      %dma_start3A_110 = tpu.memref_slice %arg5[%mul3A_109] : memref<163840xi32, #tpu.memory_space<hbm>> -> memref<64xi32, #tpu.memory_space<hbm>>
      %dma_start3A_111 = tpu.memref_slice %arg5[%mul3A_109] : memref<163840xi32, #tpu.memory_space<hbm>> -> memref<64xi32, #tpu.memory_space<hbm>>
      tpu.enqueue_dma source(%dma_start3A_111 : memref<64xi32, #tpu.memory_space<hbm>>) target(%arg11 : memref<64xi32, #tpu.memory_space<vmem>>) target_semaphore(%arg20 : memref<!tpu.dma_semaphore, #tpu.memory_space<semaphore_mem>>)
      %dma_wait3A_112 = arith.constant 0 : i32
      %dma_wait3A_113 = tpu.memref_slice %arg4[%dma_wait3A_112] : memref<163840xi32, #tpu.memory_space<hbm>> -> memref<64xi32, #tpu.memory_space<hbm>>
      %dma_wait3A_114 = arith.constant 0 : i32
      %dma_wait3A_115 = tpu.memref_slice %arg4[%dma_wait3A_114] : memref<163840xi32, #tpu.memory_space<hbm>> -> memref<64xi32, #tpu.memory_space<hbm>>
      tpu.wait_dma2 semaphore(%arg20 : memref<!tpu.dma_semaphore, #tpu.memory_space<semaphore_mem>>) src(%dma_wait3A_115 : memref<64xi32, #tpu.memory_space<hbm>>) dst(%arg9 : memref<64xi32, #tpu.memory_space<vmem>>)
      %dma_wait3A_116 = arith.constant 0 : i32
      %dma_wait3A_117 = tpu.memref_slice %arg5[%dma_wait3A_116] : memref<163840xi32, #tpu.memory_space<hbm>> -> memref<64xi32, #tpu.memory_space<hbm>>
      %dma_wait3A_118 = arith.constant 0 : i32
      %dma_wait3A_119 = tpu.memref_slice %arg5[%dma_wait3A_118] : memref<163840xi32, #tpu.memory_space<hbm>> -> memref<64xi32, #tpu.memory_space<hbm>>
      tpu.wait_dma2 semaphore(%arg20 : memref<!tpu.dma_semaphore, #tpu.memory_space<semaphore_mem>>) src(%dma_wait3A_119 : memref<64xi32, #tpu.memory_space<hbm>>) dst(%arg11 : memref<64xi32, #tpu.memory_space<vmem>>)
      %dma_start3A_120 = arith.constant 0 : i32
      %dma_start3A_121 = arith.constant 0 : i32
      %dma_start3A_122 = tpu.memref_slice %arg2[%dma_start3A_120, %dma_start3A_121] : memref<10000x128xf32, #tpu.memory_space<hbm>> -> memref<10000x128xf32, #tpu.memory_space<hbm>>
      tpu.enqueue_indirect_dma source(%dma_start3A_122 : memref<10000x128xf32, #tpu.memory_space<hbm>>) target(%arg13 : memref<64x128xf32, #tpu.memory_space<vmem>>) offsets(%arg9 : memref<64xi32, #tpu.memory_space<vmem>>) semaphore(%arg22 : memref<!tpu.dma_semaphore, #tpu.memory_space<semaphore_mem>>)
      %dma_start3A_123 = arith.constant 0 : i32
      %dma_start3A_124 = arith.constant 0 : i32
      %dma_start3A_125 = tpu.memref_slice %arg2[%dma_start3A_123, %dma_start3A_124] : memref<10000x128xf32, #tpu.memory_space<hbm>> -> memref<10000x128xf32, #tpu.memory_space<hbm>>
      tpu.enqueue_indirect_dma source(%dma_start3A_125 : memref<10000x128xf32, #tpu.memory_space<hbm>>) target(%arg15 : memref<64x128xf32, #tpu.memory_space<vmem>>) offsets(%arg11 : memref<64xi32, #tpu.memory_space<vmem>>) semaphore(%arg24 : memref<!tpu.dma_semaphore, #tpu.memory_space<semaphore_mem>>)
      %add3A_126 = arith.addi %select_n3A_8, %add3A_101 : i32
      %mul3A_127 = arith.constant 64 : i32
      %mul3A_128 = arith.muli %add3A_126, %mul3A_127 : i32
      %dma_start3A_129 = arith.constant 0 : i32
      %dma_start3A_130 = tpu.memref_slice %arg3[%mul3A_128, %dma_start3A_129] : memref<163840x128xf32, #tpu.memory_space<hbm>> -> memref<64x128xf32, #tpu.memory_space<hbm>>
      %dma_start3A_131 = arith.constant 0 : i32
      %dma_start3A_132 = tpu.memref_slice %arg3[%mul3A_128, %dma_start3A_131] : memref<163840x128xf32, #tpu.memory_space<hbm>> -> memref<64x128xf32, #tpu.memory_space<hbm>>
      tpu.enqueue_dma source(%dma_start3A_132 : memref<64x128xf32, #tpu.memory_space<hbm>>) target(%arg17 : memref<64x128xf32, #tpu.memory_space<vmem>>) target_semaphore(%arg26 : memref<!tpu.dma_semaphore, #tpu.memory_space<semaphore_mem>>)
      %dma_wait3A_133 = arith.constant 0 : i32
      %dma_wait3A_134 = arith.constant 0 : i32
      %dma_wait3A_135 = tpu.memref_slice %arg2[%dma_wait3A_133, %dma_wait3A_134] : memref<10000x128xf32, #tpu.memory_space<hbm>> -> memref<10000x128xf32, #tpu.memory_space<hbm>>
      tpu.wait_indirect_dma semaphore(%arg22 : memref<!tpu.dma_semaphore, #tpu.memory_space<semaphore_mem>>) src(%dma_wait3A_135 : memref<10000x128xf32, #tpu.memory_space<hbm>>) dst(%arg13 : memref<64x128xf32, #tpu.memory_space<vmem>>)
      %dma_wait3A_136 = arith.constant 0 : i32
      %dma_wait3A_137 = arith.constant 0 : i32
      %dma_wait3A_138 = tpu.memref_slice %arg2[%dma_wait3A_136, %dma_wait3A_137] : memref<10000x128xf32, #tpu.memory_space<hbm>> -> memref<10000x128xf32, #tpu.memory_space<hbm>>
      tpu.wait_indirect_dma semaphore(%arg24 : memref<!tpu.dma_semaphore, #tpu.memory_space<semaphore_mem>>) src(%dma_wait3A_138 : memref<10000x128xf32, #tpu.memory_space<hbm>>) dst(%arg15 : memref<64x128xf32, #tpu.memory_space<vmem>>)
      %dma_wait3A_139 = arith.constant 0 : i32
      %dma_wait3A_140 = arith.constant 0 : i32
      %dma_wait3A_141 = tpu.memref_slice %arg3[%dma_wait3A_139, %dma_wait3A_140] : memref<163840x128xf32, #tpu.memory_space<hbm>> -> memref<64x128xf32, #tpu.memory_space<hbm>>
      %dma_wait3A_142 = arith.constant 0 : i32
      %dma_wait3A_143 = arith.constant 0 : i32
      %dma_wait3A_144 = tpu.memref_slice %arg3[%dma_wait3A_142, %dma_wait3A_143] : memref<163840x128xf32, #tpu.memory_space<hbm>> -> memref<64x128xf32, #tpu.memory_space<hbm>>
      tpu.wait_dma2 semaphore(%arg26 : memref<!tpu.dma_semaphore, #tpu.memory_space<semaphore_mem>>) src(%dma_wait3A_144 : memref<64x128xf32, #tpu.memory_space<hbm>>) dst(%arg17 : memref<64x128xf32, #tpu.memory_space<vmem>>)
      %scan3A_145 = arith.constant 0 : i32
      %scan3A_146 = arith.constant 0 : i32
      %scan3A_147 = arith.constant 64 : i32
      %scan3A_148 = arith.addi %scan3A_146, %scan3A_147 : i32
      %scan3A_149 = arith.constant 1 : i32
      %scan3A_150 = scf.for %scan3A_153 = %scan3A_146 to %scan3A_148 step %scan3A_149 iter_args(%scan3A_154 = %scan3A_145) -> (i32)  : i32 {
        %get3A = arith.index_cast %scan3A_153 : i32 to index
        %get3A_155 = arith.constant 0 : index
        %get3A_156 = tpu.vector_load %arg17[%get3A, %get3A_155] {strides = array<i32>} : memref<64x128xf32, #tpu.memory_space<vmem>>, vector<16xf32>,
        %get3A_157 = arith.index_cast %scan3A_153 : i32 to index
        %get3A_158 = arith.constant 0 : index
        %get3A_159 = tpu.vector_load %arg13[%get3A_157, %get3A_158] {strides = array<i32>} : memref<64x128xf32, #tpu.memory_space<vmem>>, vector<16xf32>,
        %mul3A_160 = arith.mulf %get3A_159, %get3A_156 : vector<16xf32>
        %swap3A = arith.index_cast %scan3A_153 : i32 to index
        %swap3A_161 = arith.constant 0 : index
        %swap3A_162 = tpu.vector_load %arg13[%swap3A, %swap3A_161] {strides = array<i32>} : memref<64x128xf32, #tpu.memory_space<vmem>>, vector<16xf32>,
        tpu.vector_store %arg13[%swap3A, %swap3A_161], %mul3A_160 {strides = array<i32>} : memref<64x128xf32, #tpu.memory_space<vmem>>, vector<16xf32>,
        %get3A_163 = arith.index_cast %scan3A_153 : i32 to index
        %get3A_164 = arith.constant 0 : index
        %get3A_165 = tpu.vector_load %arg15[%get3A_163, %get3A_164] {strides = array<i32>} : memref<64x128xf32, #tpu.memory_space<vmem>>, vector<16xf32>,
        %mul3A_166 = arith.mulf %get3A_165, %get3A_156 : vector<16xf32>
        %swap3A_167 = arith.index_cast %scan3A_153 : i32 to index
        %swap3A_168 = arith.constant 0 : index
        %swap3A_169 = tpu.vector_load %arg15[%swap3A_167, %swap3A_168] {strides = array<i32>} : memref<64x128xf32, #tpu.memory_space<vmem>>, vector<16xf32>,
        tpu.vector_store %arg15[%swap3A_167, %swap3A_168], %mul3A_166 {strides = array<i32>} : memref<64x128xf32, #tpu.memory_space<vmem>>, vector<16xf32>,
        %get3A_170 = arith.index_cast %scan3A_153 : i32 to index
        %get3A_171 = arith.constant 16 : index
        %get3A_172 = tpu.vector_load %arg17[%get3A_170, %get3A_171] {strides = array<i32>} : memref<64x128xf32, #tpu.memory_space<vmem>>, vector<16xf32>,
        %get3A_173 = arith.index_cast %scan3A_153 : i32 to index
        %get3A_174 = arith.constant 16 : index
        %get3A_175 = tpu.vector_load %arg13[%get3A_173, %get3A_174] {strides = array<i32>} : memref<64x128xf32, #tpu.memory_space<vmem>>, vector<16xf32>,
        %mul3A_176 = arith.mulf %get3A_175, %get3A_172 : vector<16xf32>
        %swap3A_177 = arith.index_cast %scan3A_153 : i32 to index
        %swap3A_178 = arith.constant 16 : index
        %swap3A_179 = tpu.vector_load %arg13[%swap3A_177, %swap3A_178] {strides = array<i32>} : memref<64x128xf32, #tpu.memory_space<vmem>>, vector<16xf32>,
        tpu.vector_store %arg13[%swap3A_177, %swap3A_178], %mul3A_176 {strides = array<i32>} : memref<64x128xf32, #tpu.memory_space<vmem>>, vector<16xf32>,
        %get3A_180 = arith.index_cast %scan3A_153 : i32 to index
        %get3A_181 = arith.constant 16 : index
        %get3A_182 = tpu.vector_load %arg15[%get3A_180, %get3A_181] {strides = array<i32>} : memref<64x128xf32, #tpu.memory_space<vmem>>, vector<16xf32>,
        %mul3A_183 = arith.mulf %get3A_182, %get3A_172 : vector<16xf32>
        %swap3A_184 = arith.index_cast %scan3A_153 : i32 to index
        %swap3A_185 = arith.constant 16 : index
        %swap3A_186 = tpu.vector_load %arg15[%swap3A_184, %swap3A_185] {strides = array<i32>} : memref<64x128xf32, #tpu.memory_space<vmem>>, vector<16xf32>,
        tpu.vector_store %arg15[%swap3A_184, %swap3A_185], %mul3A_183 {strides = array<i32>} : memref<64x128xf32, #tpu.memory_space<vmem>>, vector<16xf32>,
        %get3A_187 = arith.index_cast %scan3A_153 : i32 to index
        %get3A_188 = arith.constant 32 : index
        %get3A_189 = tpu.vector_load %arg17[%get3A_187, %get3A_188] {strides = array<i32>} : memref<64x128xf32, #tpu.memory_space<vmem>>, vector<16xf32>,
        %get3A_190 = arith.index_cast %scan3A_153 : i32 to index
        %get3A_191 = arith.constant 32 : index
        %get3A_192 = tpu.vector_load %arg13[%get3A_190, %get3A_191] {strides = array<i32>} : memref<64x128xf32, #tpu.memory_space<vmem>>, vector<16xf32>,
        %mul3A_193 = arith.mulf %get3A_192, %get3A_189 : vector<16xf32>
        %swap3A_194 = arith.index_cast %scan3A_153 : i32 to index
        %swap3A_195 = arith.constant 32 : index
        %swap3A_196 = tpu.vector_load %arg13[%swap3A_194, %swap3A_195] {strides = array<i32>} : memref<64x128xf32, #tpu.memory_space<vmem>>, vector<16xf32>,
        tpu.vector_store %arg13[%swap3A_194, %swap3A_195], %mul3A_193 {strides = array<i32>} : memref<64x128xf32, #tpu.memory_space<vmem>>, vector<16xf32>,
        %get3A_197 = arith.index_cast %scan3A_153 : i32 to index
        %get3A_198 = arith.constant 32 : index
        %get3A_199 = tpu.vector_load %arg15[%get3A_197, %get3A_198] {strides = array<i32>} : memref<64x128xf32, #tpu.memory_space<vmem>>, vector<16xf32>,
        %mul3A_200 = arith.mulf %get3A_199, %get3A_189 : vector<16xf32>
        %swap3A_201 = arith.index_cast %scan3A_153 : i32 to index
        %swap3A_202 = arith.constant 32 : index
        %swap3A_203 = tpu.vector_load %arg15[%swap3A_201, %swap3A_202] {strides = array<i32>} : memref<64x128xf32, #tpu.memory_space<vmem>>, vector<16xf32>,
        tpu.vector_store %arg15[%swap3A_201, %swap3A_202], %mul3A_200 {strides = array<i32>} : memref<64x128xf32, #tpu.memory_space<vmem>>, vector<16xf32>,
        %get3A_204 = arith.index_cast %scan3A_153 : i32 to index
        %get3A_205 = arith.constant 48 : index
        %get3A_206 = tpu.vector_load %arg17[%get3A_204, %get3A_205] {strides = array<i32>} : memref<64x128xf32, #tpu.memory_space<vmem>>, vector<16xf32>,
        %get3A_207 = arith.index_cast %scan3A_153 : i32 to index
        %get3A_208 = arith.constant 48 : index
        %get3A_209 = tpu.vector_load %arg13[%get3A_207, %get3A_208] {strides = array<i32>} : memref<64x128xf32, #tpu.memory_space<vmem>>, vector<16xf32>,
        %mul3A_210 = arith.mulf %get3A_209, %get3A_206 : vector<16xf32>
        %swap3A_211 = arith.index_cast %scan3A_153 : i32 to index
        %swap3A_212 = arith.constant 48 : index
        %swap3A_213 = tpu.vector_load %arg13[%swap3A_211, %swap3A_212] {strides = array<i32>} : memref<64x128xf32, #tpu.memory_space<vmem>>, vector<16xf32>,
        tpu.vector_store %arg13[%swap3A_211, %swap3A_212], %mul3A_210 {strides = array<i32>} : memref<64x128xf32, #tpu.memory_space<vmem>>, vector<16xf32>,
        %get3A_214 = arith.index_cast %scan3A_153 : i32 to index
        %get3A_215 = arith.constant 48 : index
        %get3A_216 = tpu.vector_load %arg15[%get3A_214, %get3A_215] {strides = array<i32>} : memref<64x128xf32, #tpu.memory_space<vmem>>, vector<16xf32>,
        %mul3A_217 = arith.mulf %get3A_216, %get3A_206 : vector<16xf32>
        %swap3A_218 = arith.index_cast %scan3A_153 : i32 to index
        %swap3A_219 = arith.constant 48 : index
        %swap3A_220 = tpu.vector_load %arg15[%swap3A_218, %swap3A_219] {strides = array<i32>} : memref<64x128xf32, #tpu.memory_space<vmem>>, vector<16xf32>,
        tpu.vector_store %arg15[%swap3A_218, %swap3A_219], %mul3A_217 {strides = array<i32>} : memref<64x128xf32, #tpu.memory_space<vmem>>, vector<16xf32>,
        %get3A_221 = arith.index_cast %scan3A_153 : i32 to index
        %get3A_222 = arith.constant 64 : index
        %get3A_223 = tpu.vector_load %arg17[%get3A_221, %get3A_222] {strides = array<i32>} : memref<64x128xf32, #tpu.memory_space<vmem>>, vector<16xf32>,
        %get3A_224 = arith.index_cast %scan3A_153 : i32 to index
        %get3A_225 = arith.constant 64 : index
        %get3A_226 = tpu.vector_load %arg13[%get3A_224, %get3A_225] {strides = array<i32>} : memref<64x128xf32, #tpu.memory_space<vmem>>, vector<16xf32>,
        %mul3A_227 = arith.mulf %get3A_226, %get3A_223 : vector<16xf32>
        %swap3A_228 = arith.index_cast %scan3A_153 : i32 to index
        %swap3A_229 = arith.constant 64 : index
        %swap3A_230 = tpu.vector_load %arg13[%swap3A_228, %swap3A_229] {strides = array<i32>} : memref<64x128xf32, #tpu.memory_space<vmem>>, vector<16xf32>,
        tpu.vector_store %arg13[%swap3A_228, %swap3A_229], %mul3A_227 {strides = array<i32>} : memref<64x128xf32, #tpu.memory_space<vmem>>, vector<16xf32>,
        %get3A_231 = arith.index_cast %scan3A_153 : i32 to index
        %get3A_232 = arith.constant 64 : index
        %get3A_233 = tpu.vector_load %arg15[%get3A_231, %get3A_232] {strides = array<i32>} : memref<64x128xf32, #tpu.memory_space<vmem>>, vector<16xf32>,
        %mul3A_234 = arith.mulf %get3A_233, %get3A_223 : vector<16xf32>
        %swap3A_235 = arith.index_cast %scan3A_153 : i32 to index
        %swap3A_236 = arith.constant 64 : index
        %swap3A_237 = tpu.vector_load %arg15[%swap3A_235, %swap3A_236] {strides = array<i32>} : memref<64x128xf32, #tpu.memory_space<vmem>>, vector<16xf32>,
        tpu.vector_store %arg15[%swap3A_235, %swap3A_236], %mul3A_234 {strides = array<i32>} : memref<64x128xf32, #tpu.memory_space<vmem>>, vector<16xf32>,
        %get3A_238 = arith.index_cast %scan3A_153 : i32 to index
        %get3A_239 = arith.constant 80 : index
        %get3A_240 = tpu.vector_load %arg17[%get3A_238, %get3A_239] {strides = array<i32>} : memref<64x128xf32, #tpu.memory_space<vmem>>, vector<16xf32>,
        %get3A_241 = arith.index_cast %scan3A_153 : i32 to index
        %get3A_242 = arith.constant 80 : index
        %get3A_243 = tpu.vector_load %arg13[%get3A_241, %get3A_242] {strides = array<i32>} : memref<64x128xf32, #tpu.memory_space<vmem>>, vector<16xf32>,
        %mul3A_244 = arith.mulf %get3A_243, %get3A_240 : vector<16xf32>
        %swap3A_245 = arith.index_cast %scan3A_153 : i32 to index
        %swap3A_246 = arith.constant 80 : index
        %swap3A_247 = tpu.vector_load %arg13[%swap3A_245, %swap3A_246] {strides = array<i32>} : memref<64x128xf32, #tpu.memory_space<vmem>>, vector<16xf32>,
        tpu.vector_store %arg13[%swap3A_245, %swap3A_246], %mul3A_244 {strides = array<i32>} : memref<64x128xf32, #tpu.memory_space<vmem>>, vector<16xf32>,
        %get3A_248 = arith.index_cast %scan3A_153 : i32 to index
        %get3A_249 = arith.constant 80 : index
        %get3A_250 = tpu.vector_load %arg15[%get3A_248, %get3A_249] {strides = array<i32>} : memref<64x128xf32, #tpu.memory_space<vmem>>, vector<16xf32>,
        %mul3A_251 = arith.mulf %get3A_250, %get3A_240 : vector<16xf32>
        %swap3A_252 = arith.index_cast %scan3A_153 : i32 to index
        %swap3A_253 = arith.constant 80 : index
        %swap3A_254 = tpu.vector_load %arg15[%swap3A_252, %swap3A_253] {strides = array<i32>} : memref<64x128xf32, #tpu.memory_space<vmem>>, vector<16xf32>,
        tpu.vector_store %arg15[%swap3A_252, %swap3A_253], %mul3A_251 {strides = array<i32>} : memref<64x128xf32, #tpu.memory_space<vmem>>, vector<16xf32>,
        %get3A_255 = arith.index_cast %scan3A_153 : i32 to index
        %get3A_256 = arith.constant 96 : index
        %get3A_257 = tpu.vector_load %arg17[%get3A_255, %get3A_256] {strides = array<i32>} : memref<64x128xf32, #tpu.memory_space<vmem>>, vector<16xf32>,
        %get3A_258 = arith.index_cast %scan3A_153 : i32 to index
        %get3A_259 = arith.constant 96 : index
        %get3A_260 = tpu.vector_load %arg13[%get3A_258, %get3A_259] {strides = array<i32>} : memref<64x128xf32, #tpu.memory_space<vmem>>, vector<16xf32>,
        %mul3A_261 = arith.mulf %get3A_260, %get3A_257 : vector<16xf32>
        %swap3A_262 = arith.index_cast %scan3A_153 : i32 to index
        %swap3A_263 = arith.constant 96 : index
        %swap3A_264 = tpu.vector_load %arg13[%swap3A_262, %swap3A_263] {strides = array<i32>} : memref<64x128xf32, #tpu.memory_space<vmem>>, vector<16xf32>,
        tpu.vector_store %arg13[%swap3A_262, %swap3A_263], %mul3A_261 {strides = array<i32>} : memref<64x128xf32, #tpu.memory_space<vmem>>, vector<16xf32>,
        %get3A_265 = arith.index_cast %scan3A_153 : i32 to index
        %get3A_266 = arith.constant 96 : index
        %get3A_267 = tpu.vector_load %arg15[%get3A_265, %get3A_266] {strides = array<i32>} : memref<64x128xf32, #tpu.memory_space<vmem>>, vector<16xf32>,
        %mul3A_268 = arith.mulf %get3A_267, %get3A_257 : vector<16xf32>
        %swap3A_269 = arith.index_cast %scan3A_153 : i32 to index
        %swap3A_270 = arith.constant 96 : index
        %swap3A_271 = tpu.vector_load %arg15[%swap3A_269, %swap3A_270] {strides = array<i32>} : memref<64x128xf32, #tpu.memory_space<vmem>>, vector<16xf32>,
        tpu.vector_store %arg15[%swap3A_269, %swap3A_270], %mul3A_268 {strides = array<i32>} : memref<64x128xf32, #tpu.memory_space<vmem>>, vector<16xf32>,
        %get3A_272 = arith.index_cast %scan3A_153 : i32 to index
        %get3A_273 = arith.constant 112 : index
        %get3A_274 = tpu.vector_load %arg17[%get3A_272, %get3A_273] {strides = array<i32>} : memref<64x128xf32, #tpu.memory_space<vmem>>, vector<16xf32>,
        %get3A_275 = arith.index_cast %scan3A_153 : i32 to index
        %get3A_276 = arith.constant 112 : index
        %get3A_277 = tpu.vector_load %arg13[%get3A_275, %get3A_276] {strides = array<i32>} : memref<64x128xf32, #tpu.memory_space<vmem>>, vector<16xf32>,
        %mul3A_278 = arith.mulf %get3A_277, %get3A_274 : vector<16xf32>
        %swap3A_279 = arith.index_cast %scan3A_153 : i32 to index
        %swap3A_280 = arith.constant 112 : index
        %swap3A_281 = tpu.vector_load %arg13[%swap3A_279, %swap3A_280] {strides = array<i32>} : memref<64x128xf32, #tpu.memory_space<vmem>>, vector<16xf32>,
        tpu.vector_store %arg13[%swap3A_279, %swap3A_280], %mul3A_278 {strides = array<i32>} : memref<64x128xf32, #tpu.memory_space<vmem>>, vector<16xf32>,
        %get3A_282 = arith.index_cast %scan3A_153 : i32 to index
        %get3A_283 = arith.constant 112 : index
        %get3A_284 = tpu.vector_load %arg15[%get3A_282, %get3A_283] {strides = array<i32>} : memref<64x128xf32, #tpu.memory_space<vmem>>, vector<16xf32>,
        %mul3A_285 = arith.mulf %get3A_284, %get3A_274 : vector<16xf32>
        %swap3A_286 = arith.index_cast %scan3A_153 : i32 to index
        %swap3A_287 = arith.constant 112 : index
        %swap3A_288 = tpu.vector_load %arg15[%swap3A_286, %swap3A_287] {strides = array<i32>} : memref<64x128xf32, #tpu.memory_space<vmem>>, vector<16xf32>,
        tpu.vector_store %arg15[%swap3A_286, %swap3A_287], %mul3A_285 {strides = array<i32>} : memref<64x128xf32, #tpu.memory_space<vmem>>, vector<16xf32>,
        %scan3A_289 = arith.constant 0 : i32
        scf.yield %scan3A_289 : i32
      }
      %scan3A_151 = arith.constant 64 : i32
      "tpu.region"() ({
        %run_scoped3A = tpu.sem_alloc : memref<!tpu.dma_semaphore, #tpu.memory_space<semaphore_mem>>
        %dma_start3A_153 = arith.constant 0 : i32
        %dma_start3A_154 = arith.constant 0 : i32
        %dma_start3A_155 = tpu.memref_slice %arg18[%dma_start3A_153, %dma_start3A_154] : memref<10112x128xf32, #tpu.memory_space<vmem_shared>> -> memref<10112x128xf32, #tpu.memory_space<vmem_shared>>
        tpu.enqueue_indirect_dma source(%arg13 : memref<64x128xf32, #tpu.memory_space<vmem>>) target(%dma_start3A_155 : memref<10112x128xf32, #tpu.memory_space<vmem_shared>>) offsets(%arg11 : memref<64xi32, #tpu.memory_space<vmem>>) semaphore(%run_scoped3A : memref<!tpu.dma_semaphore, #tpu.memory_space<semaphore_mem>>) {add = true}
        %dma_wait3A_156 = arith.constant 0 : i32
        %dma_wait3A_157 = arith.constant 0 : i32
        %dma_wait3A_158 = tpu.memref_slice %arg18[%dma_wait3A_156, %dma_wait3A_157] : memref<10112x128xf32, #tpu.memory_space<vmem_shared>> -> memref<10112x128xf32, #tpu.memory_space<vmem_shared>>
        tpu.wait_indirect_dma semaphore(%run_scoped3A : memref<!tpu.dma_semaphore, #tpu.memory_space<semaphore_mem>>) src(%arg13 : memref<64x128xf32, #tpu.memory_space<vmem>>) dst(%dma_wait3A_158 : memref<10112x128xf32, #tpu.memory_space<vmem_shared>>)
        tpu.yield
      }) : () -> ()
      "tpu.region"() ({
        %run_scoped3A = tpu.sem_alloc : memref<!tpu.dma_semaphore, #tpu.memory_space<semaphore_mem>>
        %dma_start3A_153 = arith.constant 0 : i32
        %dma_start3A_154 = arith.constant 0 : i32
        %dma_start3A_155 = tpu.memref_slice %arg18[%dma_start3A_153, %dma_start3A_154] : memref<10112x128xf32, #tpu.memory_space<vmem_shared>> -> memref<10112x128xf32, #tpu.memory_space<vmem_shared>>
        tpu.enqueue_indirect_dma source(%arg15 : memref<64x128xf32, #tpu.memory_space<vmem>>) target(%dma_start3A_155 : memref<10112x128xf32, #tpu.memory_space<vmem_shared>>) offsets(%arg9 : memref<64xi32, #tpu.memory_space<vmem>>) semaphore(%run_scoped3A : memref<!tpu.dma_semaphore, #tpu.memory_space<semaphore_mem>>) {add = true}
        %dma_wait3A_156 = arith.constant 0 : i32
        %dma_wait3A_157 = arith.constant 0 : i32
        %dma_wait3A_158 = tpu.memref_slice %arg18[%dma_wait3A_156, %dma_wait3A_157] : memref<10112x128xf32, #tpu.memory_space<vmem_shared>> -> memref<10112x128xf32, #tpu.memory_space<vmem_shared>>
        tpu.wait_indirect_dma semaphore(%run_scoped3A : memref<!tpu.dma_semaphore, #tpu.memory_space<semaphore_mem>>) src(%arg15 : memref<64x128xf32, #tpu.memory_space<vmem>>) dst(%dma_wait3A_158 : memref<10112x128xf32, #tpu.memory_space<vmem_shared>>)
        tpu.yield
      }) : () -> ()
      %while3A_152 = arith.constant 0 : i32
      scf.yield %while3A_152 : i32
    }
    %barrier3A_40 = arith.constant 0 : index
    tpu.barrier barrier_id(%barrier3A_40)
    %mul3A_41 = arith.constant 632 : i32
    %mul3A_42 = arith.muli %arg1, %mul3A_41 : i32
    %mul3A_43 = arith.constant 632 : i32
    %mul3A_44 = arith.muli %arg1, %mul3A_43 : i32
    "tpu.region"() ({
      %run_scoped3A = tpu.sem_alloc : memref<!tpu.dma_semaphore, #tpu.memory_space<semaphore_mem>>
      %dma_start3A = arith.constant 0 : i32
      %dma_start3A_45 = tpu.memref_slice %arg7[%arg0, %mul3A_44, %dma_start3A] : memref<2x10112x128xf32, #tpu.memory_space<hbm>> -> memref<1x632x128xf32, #tpu.memory_space<hbm>>
      %dma_start3A_46 = tpu.memref_squeeze %dma_start3A_45 : memref<1x632x128xf32, #tpu.memory_space<hbm>> -> memref<632x128xf32, #tpu.memory_space<hbm>>
      %dma_start3A_47 = arith.constant 0 : i32
      %dma_start3A_48 = tpu.memref_slice %arg18[%mul3A_42, %dma_start3A_47] : memref<10112x128xf32, #tpu.memory_space<vmem_shared>> -> memref<632x128xf32, #tpu.memory_space<vmem_shared>>
      tpu.enqueue_dma source(%dma_start3A_48 : memref<632x128xf32, #tpu.memory_space<vmem_shared>>) target(%dma_start3A_46 : memref<632x128xf32, #tpu.memory_space<hbm>>) target_semaphore(%run_scoped3A : memref<!tpu.dma_semaphore, #tpu.memory_space<semaphore_mem>>)
      %dma_wait3A = arith.constant 0 : i32
      %dma_wait3A_49 = tpu.memref_slice %arg7[%arg0, %mul3A_44, %dma_wait3A] : memref<2x10112x128xf32, #tpu.memory_space<hbm>> -> memref<1x632x128xf32, #tpu.memory_space<hbm>>
      %dma_wait3A_50 = tpu.memref_squeeze %dma_wait3A_49 : memref<1x632x128xf32, #tpu.memory_space<hbm>> -> memref<632x128xf32, #tpu.memory_space<hbm>>
      %dma_wait3A_51 = arith.constant 0 : i32
      %dma_wait3A_52 = tpu.memref_slice %arg18[%mul3A_42, %dma_wait3A_51] : memref<10112x128xf32, #tpu.memory_space<vmem_shared>> -> memref<632x128xf32, #tpu.memory_space<vmem_shared>>
      tpu.wait_dma2 semaphore(%run_scoped3A : memref<!tpu.dma_semaphore, #tpu.memory_space<semaphore_mem>>) src(%dma_wait3A_52 : memref<632x128xf32, #tpu.memory_space<vmem_shared>>) dst(%dma_wait3A_50 : memref<632x128xf32, #tpu.memory_space<hbm>>)
      tpu.yield
    }) : () -> ()
    return
  }
}

#map = affine_map<(d0, d1) -> (0, 0)>
#map1 = affine_map<(d0, d1) -> (0)>
#map2 = affine_map<(d0, d1) -> (0, 0, 0)>
module attributes {stable_mosaic.version = 14 : i64} {
  func.func @_sc_msg_body(%arg0: i32, %arg1: i32, %arg2: memref<10000x128xf32, #tpu.memory_space<hbm>>, %arg3: memref<163840x128xf32, #tpu.memory_space<hbm>>, %arg4: memref<163840xi32, #tpu.memory_space<hbm>>, %arg5: memref<163840xi32, #tpu.memory_space<hbm>>, %arg6: memref<632x128xf32, #tpu.memory_space<hbm>>, %arg7: memref<2x10112x128xf32, #tpu.memory_space<hbm>>, %arg8: memref<64xi32, #tpu.memory_space<vmem>>, %arg9: memref<64xi32, #tpu.memory_space<vmem>>, %arg10: memref<64xi32, #tpu.memory_space<vmem>>, %arg11: memref<64xi32, #tpu.memory_space<vmem>>, %arg12: memref<64x128xf32, #tpu.memory_space<vmem>>, %arg13: memref<64x128xf32, #tpu.memory_space<vmem>>, %arg14: memref<64x128xf32, #tpu.memory_space<vmem>>, %arg15: memref<64x128xf32, #tpu.memory_space<vmem>>, %arg16: memref<64x128xf32, #tpu.memory_space<vmem>>, %arg17: memref<64x128xf32, #tpu.memory_space<vmem>>, %arg18: memref<10112x128xf32, #tpu.memory_space<vmem_shared>>, %arg19: memref<!tpu.dma_semaphore, #tpu.memory_space<semaphore_mem>>, %arg20: memref<!tpu.dma_semaphore, #tpu.memory_space<semaphore_mem>>, %arg21: memref<!tpu.dma_semaphore, #tpu.memory_space<semaphore_mem>>, %arg22: memref<!tpu.dma_semaphore, #tpu.memory_space<semaphore_mem>>, %arg23: memref<!tpu.dma_semaphore, #tpu.memory_space<semaphore_mem>>, %arg24: memref<!tpu.dma_semaphore, #tpu.memory_space<semaphore_mem>>, %arg25: memref<!tpu.dma_semaphore, #tpu.memory_space<semaphore_mem>>, %arg26: memref<!tpu.dma_semaphore, #tpu.memory_space<semaphore_mem>>) attributes {dimension_semantics = [#tpu.dimension_semantics<core_parallel>, #tpu.dimension_semantics<subcore_parallel>], iteration_bounds = array<i64: 2, 16>, scalar_prefetch = 0 : i64, scratch_operands = 19 : i64, tpu.core_type = #tpu.core_type<sc_vector_subcore>, window_params = [{transform_indices = #map}, {transform_indices = #map}, {transform_indices = #map1}, {transform_indices = #map1}, {transform_indices = #map}, {transform_indices = #map2}]} {
    %eq3A = arith.constant 0 : i32
    %eq3A_0 = arith.cmpi eq, %arg0, %eq3A : i32
    %jit3A = arith.constant 102 : i32
    %jit3A_1 = arith.constant 58 : i32
    %select_n3A = arith.select %eq3A_0, %jit3A, %jit3A_1 : i32
    %eq3A_2 = arith.constant 0 : i32
    %eq3A_3 = arith.cmpi eq, %arg0, %eq3A_2 : i32
    %mul3A = arith.constant 102 : i32
    %mul3A_4 = arith.muli %arg1, %mul3A : i32
    %mul3A_5 = arith.constant 58 : i32
    %mul3A_6 = arith.muli %arg1, %mul3A_5 : i32
    %add3A = arith.constant 1632 : i32
    %add3A_7 = arith.addi %add3A, %mul3A_6 : i32
    %select_n3A_8 = arith.select %eq3A_3, %mul3A_4, %add3A_7 : i32
    %mul3A_9 = arith.constant 632 : i32
    %mul3A_10 = arith.muli %arg1, %mul3A_9 : i32
    "tpu.region"() ({
      %run_scoped3A = tpu.sem_alloc : memref<!tpu.dma_semaphore, #tpu.memory_space<semaphore_mem>>
      %dma_start3A = arith.constant 0 : i32
      %dma_start3A_45 = tpu.memref_slice %arg18[%mul3A_10, %dma_start3A] : memref<10112x128xf32, #tpu.memory_space<vmem_shared>> -> memref<632x128xf32, #tpu.memory_space<vmem_shared>>
      tpu.enqueue_dma source(%arg6 : memref<632x128xf32, #tpu.memory_space<hbm>>) target(%dma_start3A_45 : memref<632x128xf32, #tpu.memory_space<vmem_shared>>) target_semaphore(%run_scoped3A : memref<!tpu.dma_semaphore, #tpu.memory_space<semaphore_mem>>)
      %dma_wait3A = arith.constant 0 : i32
      %dma_wait3A_46 = tpu.memref_slice %arg18[%mul3A_10, %dma_wait3A] : memref<10112x128xf32, #tpu.memory_space<vmem_shared>> -> memref<632x128xf32, #tpu.memory_space<vmem_shared>>
      tpu.wait_dma2 semaphore(%run_scoped3A : memref<!tpu.dma_semaphore, #tpu.memory_space<semaphore_mem>>) src(%arg6 : memref<632x128xf32, #tpu.memory_space<hbm>>) dst(%dma_wait3A_46 : memref<632x128xf32, #tpu.memory_space<vmem_shared>>)
      tpu.yield
    }) : () -> ()
    %barrier3A = arith.constant 0 : index
    tpu.barrier barrier_id(%barrier3A)
    %jit3A_11 = arith.constant 2 : i32
    %div3A = arith.divsi %select_n3A, %jit3A_11 : i32
    %sign3A = arith.constant 0 : i32
    %sign3A_12 = arith.cmpi sgt, %select_n3A, %sign3A : i32
    %sign3A_13 = arith.extui %sign3A_12 : i1 to i32
    %sign3A_14 = arith.constant 0 : i32
    %sign3A_15 = arith.cmpi slt, %select_n3A, %sign3A_14 : i32
    %sign3A_16 = arith.extui %sign3A_15 : i1 to i32
    %sign3A_17 = arith.subi %sign3A_13, %sign3A_16 : i32
    %sign3A_18 = arith.constant 0 : i32
    %sign3A_19 = arith.cmpi sgt, %jit3A_11, %sign3A_18 : i32
    %sign3A_20 = arith.extui %sign3A_19 : i1 to i32
    %sign3A_21 = arith.constant 0 : i32
    %sign3A_22 = arith.cmpi slt, %jit3A_11, %sign3A_21 : i32
    %sign3A_23 = arith.extui %sign3A_22 : i1 to i32
    %sign3A_24 = arith.subi %sign3A_20, %sign3A_23 : i32
    %ne3A = arith.cmpi ne, %sign3A_17, %sign3A_24 : i32
    %rem3A = arith.remsi %select_n3A, %jit3A_11 : i32
    %ne3A_25 = arith.constant 0 : i32
    %ne3A_26 = arith.cmpi ne, %rem3A, %ne3A_25 : i32
    %and3A = arith.andi %ne3A, %ne3A_26 : i1
    %sub3A = arith.constant 1 : i32
    %sub3A_27 = arith.subi %div3A, %sub3A : i32
    %select_n3A_28 = arith.select %and3A, %sub3A_27, %div3A : i32
    %while3A = arith.constant 0 : i32
    %while3A_29 = arith.constant 0 : i32
    %while3A_30 = arith.subi %select_n3A_28, %while3A : i32
    %while3A_31 = arith.addi %while3A, %while3A_30 : i32
    %while3A_32 = arith.constant 1 : i32
    %while3A_33 = arith.divsi %while3A_30, %while3A_32 : i32
    %while3A_34 = arith.muli %while3A_33, %while3A_32 : i32
    %while3A_35 = arith.addi %while3A, %while3A_34 : i32
    %while3A_36 = arith.constant 1 : i32
    %while3A_37 = scf.for %while3A_45 = %while3A to %while3A_35 step %while3A_36 iter_args(%while3A_46 = %while3A_29) -> (i32)  : i32 {
      %mul3A_47 = arith.constant 2 : i32
      %mul3A_48 = arith.muli %mul3A_47, %while3A_45 : i32
      %add3A_49 = arith.constant 0 : i32
      %add3A_50 = arith.addi %mul3A_48, %add3A_49 : i32
      %add3A_51 = arith.addi %select_n3A_8, %add3A_50 : i32
      %mul3A_52 = arith.constant 64 : i32
      %mul3A_53 = arith.muli %add3A_51, %mul3A_52 : i32
      %dma_start3A = tpu.memref_slice %arg4[%mul3A_53] : memref<163840xi32, #tpu.memory_space<hbm>> -> memref<64xi32, #tpu.memory_space<hbm>>
      %dma_start3A_54 = tpu.memref_slice %arg4[%mul3A_53] : memref<163840xi32, #tpu.memory_space<hbm>> -> memref<64xi32, #tpu.memory_space<hbm>>
      tpu.enqueue_dma source(%dma_start3A_54 : memref<64xi32, #tpu.memory_space<hbm>>) target(%arg8 : memref<64xi32, #tpu.memory_space<vmem>>) target_semaphore(%arg19 : memref<!tpu.dma_semaphore, #tpu.memory_space<semaphore_mem>>)
      %add3A_55 = arith.addi %select_n3A_8, %add3A_50 : i32
      %mul3A_56 = arith.constant 64 : i32
      %mul3A_57 = arith.muli %add3A_55, %mul3A_56 : i32
      %dma_start3A_58 = tpu.memref_slice %arg5[%mul3A_57] : memref<163840xi32, #tpu.memory_space<hbm>> -> memref<64xi32, #tpu.memory_space<hbm>>
      %dma_start3A_59 = tpu.memref_slice %arg5[%mul3A_57] : memref<163840xi32, #tpu.memory_space<hbm>> -> memref<64xi32, #tpu.memory_space<hbm>>
      tpu.enqueue_dma source(%dma_start3A_59 : memref<64xi32, #tpu.memory_space<hbm>>) target(%arg10 : memref<64xi32, #tpu.memory_space<vmem>>) target_semaphore(%arg19 : memref<!tpu.dma_semaphore, #tpu.memory_space<semaphore_mem>>)
      %dma_wait3A = arith.constant 0 : i32
      %dma_wait3A_60 = tpu.memref_slice %arg4[%dma_wait3A] : memref<163840xi32, #tpu.memory_space<hbm>> -> memref<64xi32, #tpu.memory_space<hbm>>
      %dma_wait3A_61 = arith.constant 0 : i32
      %dma_wait3A_62 = tpu.memref_slice %arg4[%dma_wait3A_61] : memref<163840xi32, #tpu.memory_space<hbm>> -> memref<64xi32, #tpu.memory_space<hbm>>
      tpu.wait_dma2 semaphore(%arg19 : memref<!tpu.dma_semaphore, #tpu.memory_space<semaphore_mem>>) src(%dma_wait3A_62 : memref<64xi32, #tpu.memory_space<hbm>>) dst(%arg8 : memref<64xi32, #tpu.memory_space<vmem>>)
      %dma_wait3A_63 = arith.constant 0 : i32
      %dma_wait3A_64 = tpu.memref_slice %arg5[%dma_wait3A_63] : memref<163840xi32, #tpu.memory_space<hbm>> -> memref<64xi32, #tpu.memory_space<hbm>>
      %dma_wait3A_65 = arith.constant 0 : i32
      %dma_wait3A_66 = tpu.memref_slice %arg5[%dma_wait3A_65] : memref<163840xi32, #tpu.memory_space<hbm>> -> memref<64xi32, #tpu.memory_space<hbm>>
      tpu.wait_dma2 semaphore(%arg19 : memref<!tpu.dma_semaphore, #tpu.memory_space<semaphore_mem>>) src(%dma_wait3A_66 : memref<64xi32, #tpu.memory_space<hbm>>) dst(%arg10 : memref<64xi32, #tpu.memory_space<vmem>>)
      %dma_start3A_67 = arith.constant 0 : i32
      %dma_start3A_68 = arith.constant 0 : i32
      %dma_start3A_69 = tpu.memref_slice %arg2[%dma_start3A_67, %dma_start3A_68] : memref<10000x128xf32, #tpu.memory_space<hbm>> -> memref<10000x128xf32, #tpu.memory_space<hbm>>
      tpu.enqueue_indirect_dma source(%dma_start3A_69 : memref<10000x128xf32, #tpu.memory_space<hbm>>) target(%arg12 : memref<64x128xf32, #tpu.memory_space<vmem>>) offsets(%arg8 : memref<64xi32, #tpu.memory_space<vmem>>) semaphore(%arg21 : memref<!tpu.dma_semaphore, #tpu.memory_space<semaphore_mem>>)
      %dma_start3A_70 = arith.constant 0 : i32
      %dma_start3A_71 = arith.constant 0 : i32
      %dma_start3A_72 = tpu.memref_slice %arg2[%dma_start3A_70, %dma_start3A_71] : memref<10000x128xf32, #tpu.memory_space<hbm>> -> memref<10000x128xf32, #tpu.memory_space<hbm>>
      tpu.enqueue_indirect_dma source(%dma_start3A_72 : memref<10000x128xf32, #tpu.memory_space<hbm>>) target(%arg14 : memref<64x128xf32, #tpu.memory_space<vmem>>) offsets(%arg10 : memref<64xi32, #tpu.memory_space<vmem>>) semaphore(%arg23 : memref<!tpu.dma_semaphore, #tpu.memory_space<semaphore_mem>>)
      %add3A_73 = arith.addi %select_n3A_8, %add3A_50 : i32
      %mul3A_74 = arith.constant 64 : i32
      %mul3A_75 = arith.muli %add3A_73, %mul3A_74 : i32
      %dma_start3A_76 = arith.constant 0 : i32
      %dma_start3A_77 = tpu.memref_slice %arg3[%mul3A_75, %dma_start3A_76] : memref<163840x128xf32, #tpu.memory_space<hbm>> -> memref<64x128xf32, #tpu.memory_space<hbm>>
      %dma_start3A_78 = arith.constant 0 : i32
      %dma_start3A_79 = tpu.memref_slice %arg3[%mul3A_75, %dma_start3A_78] : memref<163840x128xf32, #tpu.memory_space<hbm>> -> memref<64x128xf32, #tpu.memory_space<hbm>>
      tpu.enqueue_dma source(%dma_start3A_79 : memref<64x128xf32, #tpu.memory_space<hbm>>) target(%arg16 : memref<64x128xf32, #tpu.memory_space<vmem>>) target_semaphore(%arg25 : memref<!tpu.dma_semaphore, #tpu.memory_space<semaphore_mem>>)
      %dma_wait3A_80 = arith.constant 0 : i32
      %dma_wait3A_81 = arith.constant 0 : i32
      %dma_wait3A_82 = tpu.memref_slice %arg2[%dma_wait3A_80, %dma_wait3A_81] : memref<10000x128xf32, #tpu.memory_space<hbm>> -> memref<10000x128xf32, #tpu.memory_space<hbm>>
      tpu.wait_indirect_dma semaphore(%arg21 : memref<!tpu.dma_semaphore, #tpu.memory_space<semaphore_mem>>) src(%dma_wait3A_82 : memref<10000x128xf32, #tpu.memory_space<hbm>>) dst(%arg12 : memref<64x128xf32, #tpu.memory_space<vmem>>)
      %dma_wait3A_83 = arith.constant 0 : i32
      %dma_wait3A_84 = arith.constant 0 : i32
      %dma_wait3A_85 = tpu.memref_slice %arg2[%dma_wait3A_83, %dma_wait3A_84] : memref<10000x128xf32, #tpu.memory_space<hbm>> -> memref<10000x128xf32, #tpu.memory_space<hbm>>
      tpu.wait_indirect_dma semaphore(%arg23 : memref<!tpu.dma_semaphore, #tpu.memory_space<semaphore_mem>>) src(%dma_wait3A_85 : memref<10000x128xf32, #tpu.memory_space<hbm>>) dst(%arg14 : memref<64x128xf32, #tpu.memory_space<vmem>>)
      %dma_wait3A_86 = arith.constant 0 : i32
      %dma_wait3A_87 = arith.constant 0 : i32
      %dma_wait3A_88 = tpu.memref_slice %arg3[%dma_wait3A_86, %dma_wait3A_87] : memref<163840x128xf32, #tpu.memory_space<hbm>> -> memref<64x128xf32, #tpu.memory_space<hbm>>
      %dma_wait3A_89 = arith.constant 0 : i32
      %dma_wait3A_90 = arith.constant 0 : i32
      %dma_wait3A_91 = tpu.memref_slice %arg3[%dma_wait3A_89, %dma_wait3A_90] : memref<163840x128xf32, #tpu.memory_space<hbm>> -> memref<64x128xf32, #tpu.memory_space<hbm>>
      tpu.wait_dma2 semaphore(%arg25 : memref<!tpu.dma_semaphore, #tpu.memory_space<semaphore_mem>>) src(%dma_wait3A_91 : memref<64x128xf32, #tpu.memory_space<hbm>>) dst(%arg16 : memref<64x128xf32, #tpu.memory_space<vmem>>)
      %scan3A = arith.constant 0 : i32
      %scan3A_92 = arith.constant 0 : i32
      %scan3A_93 = arith.constant 64 : i32
      %scan3A_94 = arith.addi %scan3A_92, %scan3A_93 : i32
      %scan3A_95 = arith.constant 1 : i32
      %scan3A_96 = scf.for %scan3A_153 = %scan3A_92 to %scan3A_94 step %scan3A_95 iter_args(%scan3A_154 = %scan3A) -> (i32)  : i32 {
        %get3A = arith.index_cast %scan3A_153 : i32 to index
        %get3A_155 = arith.constant 0 : index
        %get3A_156 = tpu.vector_load %arg16[%get3A, %get3A_155] {strides = array<i32>} : memref<64x128xf32, #tpu.memory_space<vmem>>, vector<16xf32>,
        %get3A_157 = arith.index_cast %scan3A_153 : i32 to index
        %get3A_158 = arith.constant 0 : index
        %get3A_159 = tpu.vector_load %arg12[%get3A_157, %get3A_158] {strides = array<i32>} : memref<64x128xf32, #tpu.memory_space<vmem>>, vector<16xf32>,
        %mul3A_160 = arith.mulf %get3A_159, %get3A_156 : vector<16xf32>
        %swap3A = arith.index_cast %scan3A_153 : i32 to index
        %swap3A_161 = arith.constant 0 : index
        %swap3A_162 = tpu.vector_load %arg12[%swap3A, %swap3A_161] {strides = array<i32>} : memref<64x128xf32, #tpu.memory_space<vmem>>, vector<16xf32>,
        tpu.vector_store %arg12[%swap3A, %swap3A_161], %mul3A_160 {strides = array<i32>} : memref<64x128xf32, #tpu.memory_space<vmem>>, vector<16xf32>,
        %get3A_163 = arith.index_cast %scan3A_153 : i32 to index
        %get3A_164 = arith.constant 0 : index
        %get3A_165 = tpu.vector_load %arg14[%get3A_163, %get3A_164] {strides = array<i32>} : memref<64x128xf32, #tpu.memory_space<vmem>>, vector<16xf32>,
        %mul3A_166 = arith.mulf %get3A_165, %get3A_156 : vector<16xf32>
        %swap3A_167 = arith.index_cast %scan3A_153 : i32 to index
        %swap3A_168 = arith.constant 0 : index
        %swap3A_169 = tpu.vector_load %arg14[%swap3A_167, %swap3A_168] {strides = array<i32>} : memref<64x128xf32, #tpu.memory_space<vmem>>, vector<16xf32>,
        tpu.vector_store %arg14[%swap3A_167, %swap3A_168], %mul3A_166 {strides = array<i32>} : memref<64x128xf32, #tpu.memory_space<vmem>>, vector<16xf32>,
        %get3A_170 = arith.index_cast %scan3A_153 : i32 to index
        %get3A_171 = arith.constant 16 : index
        %get3A_172 = tpu.vector_load %arg16[%get3A_170, %get3A_171] {strides = array<i32>} : memref<64x128xf32, #tpu.memory_space<vmem>>, vector<16xf32>,
        %get3A_173 = arith.index_cast %scan3A_153 : i32 to index
        %get3A_174 = arith.constant 16 : index
        %get3A_175 = tpu.vector_load %arg12[%get3A_173, %get3A_174] {strides = array<i32>} : memref<64x128xf32, #tpu.memory_space<vmem>>, vector<16xf32>,
        %mul3A_176 = arith.mulf %get3A_175, %get3A_172 : vector<16xf32>
        %swap3A_177 = arith.index_cast %scan3A_153 : i32 to index
        %swap3A_178 = arith.constant 16 : index
        %swap3A_179 = tpu.vector_load %arg12[%swap3A_177, %swap3A_178] {strides = array<i32>} : memref<64x128xf32, #tpu.memory_space<vmem>>, vector<16xf32>,
        tpu.vector_store %arg12[%swap3A_177, %swap3A_178], %mul3A_176 {strides = array<i32>} : memref<64x128xf32, #tpu.memory_space<vmem>>, vector<16xf32>,
        %get3A_180 = arith.index_cast %scan3A_153 : i32 to index
        %get3A_181 = arith.constant 16 : index
        %get3A_182 = tpu.vector_load %arg14[%get3A_180, %get3A_181] {strides = array<i32>} : memref<64x128xf32, #tpu.memory_space<vmem>>, vector<16xf32>,
        %mul3A_183 = arith.mulf %get3A_182, %get3A_172 : vector<16xf32>
        %swap3A_184 = arith.index_cast %scan3A_153 : i32 to index
        %swap3A_185 = arith.constant 16 : index
        %swap3A_186 = tpu.vector_load %arg14[%swap3A_184, %swap3A_185] {strides = array<i32>} : memref<64x128xf32, #tpu.memory_space<vmem>>, vector<16xf32>,
        tpu.vector_store %arg14[%swap3A_184, %swap3A_185], %mul3A_183 {strides = array<i32>} : memref<64x128xf32, #tpu.memory_space<vmem>>, vector<16xf32>,
        %get3A_187 = arith.index_cast %scan3A_153 : i32 to index
        %get3A_188 = arith.constant 32 : index
        %get3A_189 = tpu.vector_load %arg16[%get3A_187, %get3A_188] {strides = array<i32>} : memref<64x128xf32, #tpu.memory_space<vmem>>, vector<16xf32>,
        %get3A_190 = arith.index_cast %scan3A_153 : i32 to index
        %get3A_191 = arith.constant 32 : index
        %get3A_192 = tpu.vector_load %arg12[%get3A_190, %get3A_191] {strides = array<i32>} : memref<64x128xf32, #tpu.memory_space<vmem>>, vector<16xf32>,
        %mul3A_193 = arith.mulf %get3A_192, %get3A_189 : vector<16xf32>
        %swap3A_194 = arith.index_cast %scan3A_153 : i32 to index
        %swap3A_195 = arith.constant 32 : index
        %swap3A_196 = tpu.vector_load %arg12[%swap3A_194, %swap3A_195] {strides = array<i32>} : memref<64x128xf32, #tpu.memory_space<vmem>>, vector<16xf32>,
        tpu.vector_store %arg12[%swap3A_194, %swap3A_195], %mul3A_193 {strides = array<i32>} : memref<64x128xf32, #tpu.memory_space<vmem>>, vector<16xf32>,
        %get3A_197 = arith.index_cast %scan3A_153 : i32 to index
        %get3A_198 = arith.constant 32 : index
        %get3A_199 = tpu.vector_load %arg14[%get3A_197, %get3A_198] {strides = array<i32>} : memref<64x128xf32, #tpu.memory_space<vmem>>, vector<16xf32>,
        %mul3A_200 = arith.mulf %get3A_199, %get3A_189 : vector<16xf32>
        %swap3A_201 = arith.index_cast %scan3A_153 : i32 to index
        %swap3A_202 = arith.constant 32 : index
        %swap3A_203 = tpu.vector_load %arg14[%swap3A_201, %swap3A_202] {strides = array<i32>} : memref<64x128xf32, #tpu.memory_space<vmem>>, vector<16xf32>,
        tpu.vector_store %arg14[%swap3A_201, %swap3A_202], %mul3A_200 {strides = array<i32>} : memref<64x128xf32, #tpu.memory_space<vmem>>, vector<16xf32>,
        %get3A_204 = arith.index_cast %scan3A_153 : i32 to index
        %get3A_205 = arith.constant 48 : index
        %get3A_206 = tpu.vector_load %arg16[%get3A_204, %get3A_205] {strides = array<i32>} : memref<64x128xf32, #tpu.memory_space<vmem>>, vector<16xf32>,
        %get3A_207 = arith.index_cast %scan3A_153 : i32 to index
        %get3A_208 = arith.constant 48 : index
        %get3A_209 = tpu.vector_load %arg12[%get3A_207, %get3A_208] {strides = array<i32>} : memref<64x128xf32, #tpu.memory_space<vmem>>, vector<16xf32>,
        %mul3A_210 = arith.mulf %get3A_209, %get3A_206 : vector<16xf32>
        %swap3A_211 = arith.index_cast %scan3A_153 : i32 to index
        %swap3A_212 = arith.constant 48 : index
        %swap3A_213 = tpu.vector_load %arg12[%swap3A_211, %swap3A_212] {strides = array<i32>} : memref<64x128xf32, #tpu.memory_space<vmem>>, vector<16xf32>,
        tpu.vector_store %arg12[%swap3A_211, %swap3A_212], %mul3A_210 {strides = array<i32>} : memref<64x128xf32, #tpu.memory_space<vmem>>, vector<16xf32>,
        %get3A_214 = arith.index_cast %scan3A_153 : i32 to index
        %get3A_215 = arith.constant 48 : index
        %get3A_216 = tpu.vector_load %arg14[%get3A_214, %get3A_215] {strides = array<i32>} : memref<64x128xf32, #tpu.memory_space<vmem>>, vector<16xf32>,
        %mul3A_217 = arith.mulf %get3A_216, %get3A_206 : vector<16xf32>
        %swap3A_218 = arith.index_cast %scan3A_153 : i32 to index
        %swap3A_219 = arith.constant 48 : index
        %swap3A_220 = tpu.vector_load %arg14[%swap3A_218, %swap3A_219] {strides = array<i32>} : memref<64x128xf32, #tpu.memory_space<vmem>>, vector<16xf32>,
        tpu.vector_store %arg14[%swap3A_218, %swap3A_219], %mul3A_217 {strides = array<i32>} : memref<64x128xf32, #tpu.memory_space<vmem>>, vector<16xf32>,
        %get3A_221 = arith.index_cast %scan3A_153 : i32 to index
        %get3A_222 = arith.constant 64 : index
        %get3A_223 = tpu.vector_load %arg16[%get3A_221, %get3A_222] {strides = array<i32>} : memref<64x128xf32, #tpu.memory_space<vmem>>, vector<16xf32>,
        %get3A_224 = arith.index_cast %scan3A_153 : i32 to index
        %get3A_225 = arith.constant 64 : index
        %get3A_226 = tpu.vector_load %arg12[%get3A_224, %get3A_225] {strides = array<i32>} : memref<64x128xf32, #tpu.memory_space<vmem>>, vector<16xf32>,
        %mul3A_227 = arith.mulf %get3A_226, %get3A_223 : vector<16xf32>
        %swap3A_228 = arith.index_cast %scan3A_153 : i32 to index
        %swap3A_229 = arith.constant 64 : index
        %swap3A_230 = tpu.vector_load %arg12[%swap3A_228, %swap3A_229] {strides = array<i32>} : memref<64x128xf32, #tpu.memory_space<vmem>>, vector<16xf32>,
        tpu.vector_store %arg12[%swap3A_228, %swap3A_229], %mul3A_227 {strides = array<i32>} : memref<64x128xf32, #tpu.memory_space<vmem>>, vector<16xf32>,
        %get3A_231 = arith.index_cast %scan3A_153 : i32 to index
        %get3A_232 = arith.constant 64 : index
        %get3A_233 = tpu.vector_load %arg14[%get3A_231, %get3A_232] {strides = array<i32>} : memref<64x128xf32, #tpu.memory_space<vmem>>, vector<16xf32>,
        %mul3A_234 = arith.mulf %get3A_233, %get3A_223 : vector<16xf32>
        %swap3A_235 = arith.index_cast %scan3A_153 : i32 to index
        %swap3A_236 = arith.constant 64 : index
        %swap3A_237 = tpu.vector_load %arg14[%swap3A_235, %swap3A_236] {strides = array<i32>} : memref<64x128xf32, #tpu.memory_space<vmem>>, vector<16xf32>,
        tpu.vector_store %arg14[%swap3A_235, %swap3A_236], %mul3A_234 {strides = array<i32>} : memref<64x128xf32, #tpu.memory_space<vmem>>, vector<16xf32>,
        %get3A_238 = arith.index_cast %scan3A_153 : i32 to index
        %get3A_239 = arith.constant 80 : index
        %get3A_240 = tpu.vector_load %arg16[%get3A_238, %get3A_239] {strides = array<i32>} : memref<64x128xf32, #tpu.memory_space<vmem>>, vector<16xf32>,
        %get3A_241 = arith.index_cast %scan3A_153 : i32 to index
        %get3A_242 = arith.constant 80 : index
        %get3A_243 = tpu.vector_load %arg12[%get3A_241, %get3A_242] {strides = array<i32>} : memref<64x128xf32, #tpu.memory_space<vmem>>, vector<16xf32>,
        %mul3A_244 = arith.mulf %get3A_243, %get3A_240 : vector<16xf32>
        %swap3A_245 = arith.index_cast %scan3A_153 : i32 to index
        %swap3A_246 = arith.constant 80 : index
        %swap3A_247 = tpu.vector_load %arg12[%swap3A_245, %swap3A_246] {strides = array<i32>} : memref<64x128xf32, #tpu.memory_space<vmem>>, vector<16xf32>,
        tpu.vector_store %arg12[%swap3A_245, %swap3A_246], %mul3A_244 {strides = array<i32>} : memref<64x128xf32, #tpu.memory_space<vmem>>, vector<16xf32>,
        %get3A_248 = arith.index_cast %scan3A_153 : i32 to index
        %get3A_249 = arith.constant 80 : index
        %get3A_250 = tpu.vector_load %arg14[%get3A_248, %get3A_249] {strides = array<i32>} : memref<64x128xf32, #tpu.memory_space<vmem>>, vector<16xf32>,
        %mul3A_251 = arith.mulf %get3A_250, %get3A_240 : vector<16xf32>
        %swap3A_252 = arith.index_cast %scan3A_153 : i32 to index
        %swap3A_253 = arith.constant 80 : index
        %swap3A_254 = tpu.vector_load %arg14[%swap3A_252, %swap3A_253] {strides = array<i32>} : memref<64x128xf32, #tpu.memory_space<vmem>>, vector<16xf32>,
        tpu.vector_store %arg14[%swap3A_252, %swap3A_253], %mul3A_251 {strides = array<i32>} : memref<64x128xf32, #tpu.memory_space<vmem>>, vector<16xf32>,
        %get3A_255 = arith.index_cast %scan3A_153 : i32 to index
        %get3A_256 = arith.constant 96 : index
        %get3A_257 = tpu.vector_load %arg16[%get3A_255, %get3A_256] {strides = array<i32>} : memref<64x128xf32, #tpu.memory_space<vmem>>, vector<16xf32>,
        %get3A_258 = arith.index_cast %scan3A_153 : i32 to index
        %get3A_259 = arith.constant 96 : index
        %get3A_260 = tpu.vector_load %arg12[%get3A_258, %get3A_259] {strides = array<i32>} : memref<64x128xf32, #tpu.memory_space<vmem>>, vector<16xf32>,
        %mul3A_261 = arith.mulf %get3A_260, %get3A_257 : vector<16xf32>
        %swap3A_262 = arith.index_cast %scan3A_153 : i32 to index
        %swap3A_263 = arith.constant 96 : index
        %swap3A_264 = tpu.vector_load %arg12[%swap3A_262, %swap3A_263] {strides = array<i32>} : memref<64x128xf32, #tpu.memory_space<vmem>>, vector<16xf32>,
        tpu.vector_store %arg12[%swap3A_262, %swap3A_263], %mul3A_261 {strides = array<i32>} : memref<64x128xf32, #tpu.memory_space<vmem>>, vector<16xf32>,
        %get3A_265 = arith.index_cast %scan3A_153 : i32 to index
        %get3A_266 = arith.constant 96 : index
        %get3A_267 = tpu.vector_load %arg14[%get3A_265, %get3A_266] {strides = array<i32>} : memref<64x128xf32, #tpu.memory_space<vmem>>, vector<16xf32>,
        %mul3A_268 = arith.mulf %get3A_267, %get3A_257 : vector<16xf32>
        %swap3A_269 = arith.index_cast %scan3A_153 : i32 to index
        %swap3A_270 = arith.constant 96 : index
        %swap3A_271 = tpu.vector_load %arg14[%swap3A_269, %swap3A_270] {strides = array<i32>} : memref<64x128xf32, #tpu.memory_space<vmem>>, vector<16xf32>,
        tpu.vector_store %arg14[%swap3A_269, %swap3A_270], %mul3A_268 {strides = array<i32>} : memref<64x128xf32, #tpu.memory_space<vmem>>, vector<16xf32>,
        %get3A_272 = arith.index_cast %scan3A_153 : i32 to index
        %get3A_273 = arith.constant 112 : index
        %get3A_274 = tpu.vector_load %arg16[%get3A_272, %get3A_273] {strides = array<i32>} : memref<64x128xf32, #tpu.memory_space<vmem>>, vector<16xf32>,
        %get3A_275 = arith.index_cast %scan3A_153 : i32 to index
        %get3A_276 = arith.constant 112 : index
        %get3A_277 = tpu.vector_load %arg12[%get3A_275, %get3A_276] {strides = array<i32>} : memref<64x128xf32, #tpu.memory_space<vmem>>, vector<16xf32>,
        %mul3A_278 = arith.mulf %get3A_277, %get3A_274 : vector<16xf32>
        %swap3A_279 = arith.index_cast %scan3A_153 : i32 to index
        %swap3A_280 = arith.constant 112 : index
        %swap3A_281 = tpu.vector_load %arg12[%swap3A_279, %swap3A_280] {strides = array<i32>} : memref<64x128xf32, #tpu.memory_space<vmem>>, vector<16xf32>,
        tpu.vector_store %arg12[%swap3A_279, %swap3A_280], %mul3A_278 {strides = array<i32>} : memref<64x128xf32, #tpu.memory_space<vmem>>, vector<16xf32>,
        %get3A_282 = arith.index_cast %scan3A_153 : i32 to index
        %get3A_283 = arith.constant 112 : index
        %get3A_284 = tpu.vector_load %arg14[%get3A_282, %get3A_283] {strides = array<i32>} : memref<64x128xf32, #tpu.memory_space<vmem>>, vector<16xf32>,
        %mul3A_285 = arith.mulf %get3A_284, %get3A_274 : vector<16xf32>
        %swap3A_286 = arith.index_cast %scan3A_153 : i32 to index
        %swap3A_287 = arith.constant 112 : index
        %swap3A_288 = tpu.vector_load %arg14[%swap3A_286, %swap3A_287] {strides = array<i32>} : memref<64x128xf32, #tpu.memory_space<vmem>>, vector<16xf32>,
        tpu.vector_store %arg14[%swap3A_286, %swap3A_287], %mul3A_285 {strides = array<i32>} : memref<64x128xf32, #tpu.memory_space<vmem>>, vector<16xf32>,
        %scan3A_289 = arith.constant 0 : i32
        scf.yield %scan3A_289 : i32
      }
      %scan3A_97 = arith.constant 64 : i32
      "tpu.region"() ({
        %run_scoped3A = tpu.sem_alloc : memref<!tpu.dma_semaphore, #tpu.memory_space<semaphore_mem>>
        %dma_start3A_153 = arith.constant 0 : i32
        %dma_start3A_154 = arith.constant 0 : i32
        %dma_start3A_155 = tpu.memref_slice %arg18[%dma_start3A_153, %dma_start3A_154] : memref<10112x128xf32, #tpu.memory_space<vmem_shared>> -> memref<10112x128xf32, #tpu.memory_space<vmem_shared>>
        tpu.enqueue_indirect_dma source(%arg12 : memref<64x128xf32, #tpu.memory_space<vmem>>) target(%dma_start3A_155 : memref<10112x128xf32, #tpu.memory_space<vmem_shared>>) offsets(%arg10 : memref<64xi32, #tpu.memory_space<vmem>>) semaphore(%run_scoped3A : memref<!tpu.dma_semaphore, #tpu.memory_space<semaphore_mem>>) {add = true}
        %dma_wait3A_156 = arith.constant 0 : i32
        %dma_wait3A_157 = arith.constant 0 : i32
        %dma_wait3A_158 = tpu.memref_slice %arg18[%dma_wait3A_156, %dma_wait3A_157] : memref<10112x128xf32, #tpu.memory_space<vmem_shared>> -> memref<10112x128xf32, #tpu.memory_space<vmem_shared>>
        tpu.wait_indirect_dma semaphore(%run_scoped3A : memref<!tpu.dma_semaphore, #tpu.memory_space<semaphore_mem>>) src(%arg12 : memref<64x128xf32, #tpu.memory_space<vmem>>) dst(%dma_wait3A_158 : memref<10112x128xf32, #tpu.memory_space<vmem_shared>>)
        tpu.yield
      }) : () -> ()
      "tpu.region"() ({
        %run_scoped3A = tpu.sem_alloc : memref<!tpu.dma_semaphore, #tpu.memory_space<semaphore_mem>>
        %dma_start3A_153 = arith.constant 0 : i32
        %dma_start3A_154 = arith.constant 0 : i32
        %dma_start3A_155 = tpu.memref_slice %arg18[%dma_start3A_153, %dma_start3A_154] : memref<10112x128xf32, #tpu.memory_space<vmem_shared>> -> memref<10112x128xf32, #tpu.memory_space<vmem_shared>>
        tpu.enqueue_indirect_dma source(%arg14 : memref<64x128xf32, #tpu.memory_space<vmem>>) target(%dma_start3A_155 : memref<10112x128xf32, #tpu.memory_space<vmem_shared>>) offsets(%arg8 : memref<64xi32, #tpu.memory_space<vmem>>) semaphore(%run_scoped3A : memref<!tpu.dma_semaphore, #tpu.memory_space<semaphore_mem>>) {add = true}
        %dma_wait3A_156 = arith.constant 0 : i32
        %dma_wait3A_157 = arith.constant 0 : i32
        %dma_wait3A_158 = tpu.memref_slice %arg18[%dma_wait3A_156, %dma_wait3A_157] : memref<10112x128xf32, #tpu.memory_space<vmem_shared>> -> memref<10112x128xf32, #tpu.memory_space<vmem_shared>>
        tpu.wait_indirect_dma semaphore(%run_scoped3A : memref<!tpu.dma_semaphore, #tpu.memory_space<semaphore_mem>>) src(%arg14 : memref<64x128xf32, #tpu.memory_space<vmem>>) dst(%dma_wait3A_158 : memref<10112x128xf32, #tpu.memory_space<vmem_shared>>)
        tpu.yield
      }) : () -> ()
      %mul3A_98 = arith.constant 2 : i32
      %mul3A_99 = arith.muli %mul3A_98, %while3A_45 : i32
      %add3A_100 = arith.constant 1 : i32
      %add3A_101 = arith.addi %mul3A_99, %add3A_100 : i32
      %add3A_102 = arith.addi %select_n3A_8, %add3A_101 : i32
      %mul3A_103 = arith.constant 64 : i32
      %mul3A_104 = arith.muli %add3A_102, %mul3A_103 : i32
      %dma_start3A_105 = tpu.memref_slice %arg4[%mul3A_104] : memref<163840xi32, #tpu.memory_space<hbm>> -> memref<64xi32, #tpu.memory_space<hbm>>
      %dma_start3A_106 = tpu.memref_slice %arg4[%mul3A_104] : memref<163840xi32, #tpu.memory_space<hbm>> -> memref<64xi32, #tpu.memory_space<hbm>>
      tpu.enqueue_dma source(%dma_start3A_106 : memref<64xi32, #tpu.memory_space<hbm>>) target(%arg9 : memref<64xi32, #tpu.memory_space<vmem>>) target_semaphore(%arg20 : memref<!tpu.dma_semaphore, #tpu.memory_space<semaphore_mem>>)
      %add3A_107 = arith.addi %select_n3A_8, %add3A_101 : i32
      %mul3A_108 = arith.constant 64 : i32
      %mul3A_109 = arith.muli %add3A_107, %mul3A_108 : i32
      %dma_start3A_110 = tpu.memref_slice %arg5[%mul3A_109] : memref<163840xi32, #tpu.memory_space<hbm>> -> memref<64xi32, #tpu.memory_space<hbm>>
      %dma_start3A_111 = tpu.memref_slice %arg5[%mul3A_109] : memref<163840xi32, #tpu.memory_space<hbm>> -> memref<64xi32, #tpu.memory_space<hbm>>
      tpu.enqueue_dma source(%dma_start3A_111 : memref<64xi32, #tpu.memory_space<hbm>>) target(%arg11 : memref<64xi32, #tpu.memory_space<vmem>>) target_semaphore(%arg20 : memref<!tpu.dma_semaphore, #tpu.memory_space<semaphore_mem>>)
      %dma_wait3A_112 = arith.constant 0 : i32
      %dma_wait3A_113 = tpu.memref_slice %arg4[%dma_wait3A_112] : memref<163840xi32, #tpu.memory_space<hbm>> -> memref<64xi32, #tpu.memory_space<hbm>>
      %dma_wait3A_114 = arith.constant 0 : i32
      %dma_wait3A_115 = tpu.memref_slice %arg4[%dma_wait3A_114] : memref<163840xi32, #tpu.memory_space<hbm>> -> memref<64xi32, #tpu.memory_space<hbm>>
      tpu.wait_dma2 semaphore(%arg20 : memref<!tpu.dma_semaphore, #tpu.memory_space<semaphore_mem>>) src(%dma_wait3A_115 : memref<64xi32, #tpu.memory_space<hbm>>) dst(%arg9 : memref<64xi32, #tpu.memory_space<vmem>>)
      %dma_wait3A_116 = arith.constant 0 : i32
      %dma_wait3A_117 = tpu.memref_slice %arg5[%dma_wait3A_116] : memref<163840xi32, #tpu.memory_space<hbm>> -> memref<64xi32, #tpu.memory_space<hbm>>
      %dma_wait3A_118 = arith.constant 0 : i32
      %dma_wait3A_119 = tpu.memref_slice %arg5[%dma_wait3A_118] : memref<163840xi32, #tpu.memory_space<hbm>> -> memref<64xi32, #tpu.memory_space<hbm>>
      tpu.wait_dma2 semaphore(%arg20 : memref<!tpu.dma_semaphore, #tpu.memory_space<semaphore_mem>>) src(%dma_wait3A_119 : memref<64xi32, #tpu.memory_space<hbm>>) dst(%arg11 : memref<64xi32, #tpu.memory_space<vmem>>)
      %dma_start3A_120 = arith.constant 0 : i32
      %dma_start3A_121 = arith.constant 0 : i32
      %dma_start3A_122 = tpu.memref_slice %arg2[%dma_start3A_120, %dma_start3A_121] : memref<10000x128xf32, #tpu.memory_space<hbm>> -> memref<10000x128xf32, #tpu.memory_space<hbm>>
      tpu.enqueue_indirect_dma source(%dma_start3A_122 : memref<10000x128xf32, #tpu.memory_space<hbm>>) target(%arg13 : memref<64x128xf32, #tpu.memory_space<vmem>>) offsets(%arg9 : memref<64xi32, #tpu.memory_space<vmem>>) semaphore(%arg22 : memref<!tpu.dma_semaphore, #tpu.memory_space<semaphore_mem>>)
      %dma_start3A_123 = arith.constant 0 : i32
      %dma_start3A_124 = arith.constant 0 : i32
      %dma_start3A_125 = tpu.memref_slice %arg2[%dma_start3A_123, %dma_start3A_124] : memref<10000x128xf32, #tpu.memory_space<hbm>> -> memref<10000x128xf32, #tpu.memory_space<hbm>>
      tpu.enqueue_indirect_dma source(%dma_start3A_125 : memref<10000x128xf32, #tpu.memory_space<hbm>>) target(%arg15 : memref<64x128xf32, #tpu.memory_space<vmem>>) offsets(%arg11 : memref<64xi32, #tpu.memory_space<vmem>>) semaphore(%arg24 : memref<!tpu.dma_semaphore, #tpu.memory_space<semaphore_mem>>)
      %add3A_126 = arith.addi %select_n3A_8, %add3A_101 : i32
      %mul3A_127 = arith.constant 64 : i32
      %mul3A_128 = arith.muli %add3A_126, %mul3A_127 : i32
      %dma_start3A_129 = arith.constant 0 : i32
      %dma_start3A_130 = tpu.memref_slice %arg3[%mul3A_128, %dma_start3A_129] : memref<163840x128xf32, #tpu.memory_space<hbm>> -> memref<64x128xf32, #tpu.memory_space<hbm>>
      %dma_start3A_131 = arith.constant 0 : i32
      %dma_start3A_132 = tpu.memref_slice %arg3[%mul3A_128, %dma_start3A_131] : memref<163840x128xf32, #tpu.memory_space<hbm>> -> memref<64x128xf32, #tpu.memory_space<hbm>>
      tpu.enqueue_dma source(%dma_start3A_132 : memref<64x128xf32, #tpu.memory_space<hbm>>) target(%arg17 : memref<64x128xf32, #tpu.memory_space<vmem>>) target_semaphore(%arg26 : memref<!tpu.dma_semaphore, #tpu.memory_space<semaphore_mem>>)
      %dma_wait3A_133 = arith.constant 0 : i32
      %dma_wait3A_134 = arith.constant 0 : i32
      %dma_wait3A_135 = tpu.memref_slice %arg2[%dma_wait3A_133, %dma_wait3A_134] : memref<10000x128xf32, #tpu.memory_space<hbm>> -> memref<10000x128xf32, #tpu.memory_space<hbm>>
      tpu.wait_indirect_dma semaphore(%arg22 : memref<!tpu.dma_semaphore, #tpu.memory_space<semaphore_mem>>) src(%dma_wait3A_135 : memref<10000x128xf32, #tpu.memory_space<hbm>>) dst(%arg13 : memref<64x128xf32, #tpu.memory_space<vmem>>)
      %dma_wait3A_136 = arith.constant 0 : i32
      %dma_wait3A_137 = arith.constant 0 : i32
      %dma_wait3A_138 = tpu.memref_slice %arg2[%dma_wait3A_136, %dma_wait3A_137] : memref<10000x128xf32, #tpu.memory_space<hbm>> -> memref<10000x128xf32, #tpu.memory_space<hbm>>
      tpu.wait_indirect_dma semaphore(%arg24 : memref<!tpu.dma_semaphore, #tpu.memory_space<semaphore_mem>>) src(%dma_wait3A_138 : memref<10000x128xf32, #tpu.memory_space<hbm>>) dst(%arg15 : memref<64x128xf32, #tpu.memory_space<vmem>>)
      %dma_wait3A_139 = arith.constant 0 : i32
      %dma_wait3A_140 = arith.constant 0 : i32
      %dma_wait3A_141 = tpu.memref_slice %arg3[%dma_wait3A_139, %dma_wait3A_140] : memref<163840x128xf32, #tpu.memory_space<hbm>> -> memref<64x128xf32, #tpu.memory_space<hbm>>
      %dma_wait3A_142 = arith.constant 0 : i32
      %dma_wait3A_143 = arith.constant 0 : i32
      %dma_wait3A_144 = tpu.memref_slice %arg3[%dma_wait3A_142, %dma_wait3A_143] : memref<163840x128xf32, #tpu.memory_space<hbm>> -> memref<64x128xf32, #tpu.memory_space<hbm>>
      tpu.wait_dma2 semaphore(%arg26 : memref<!tpu.dma_semaphore, #tpu.memory_space<semaphore_mem>>) src(%dma_wait3A_144 : memref<64x128xf32, #tpu.memory_space<hbm>>) dst(%arg17 : memref<64x128xf32, #tpu.memory_space<vmem>>)
      %scan3A_145 = arith.constant 0 : i32
      %scan3A_146 = arith.constant 0 : i32
      %scan3A_147 = arith.constant 64 : i32
      %scan3A_148 = arith.addi %scan3A_146, %scan3A_147 : i32
      %scan3A_149 = arith.constant 1 : i32
      %scan3A_150 = scf.for %scan3A_153 = %scan3A_146 to %scan3A_148 step %scan3A_149 iter_args(%scan3A_154 = %scan3A_145) -> (i32)  : i32 {
        %get3A = arith.index_cast %scan3A_153 : i32 to index
        %get3A_155 = arith.constant 0 : index
        %get3A_156 = tpu.vector_load %arg17[%get3A, %get3A_155] {strides = array<i32>} : memref<64x128xf32, #tpu.memory_space<vmem>>, vector<16xf32>,
        %get3A_157 = arith.index_cast %scan3A_153 : i32 to index
        %get3A_158 = arith.constant 0 : index
        %get3A_159 = tpu.vector_load %arg13[%get3A_157, %get3A_158] {strides = array<i32>} : memref<64x128xf32, #tpu.memory_space<vmem>>, vector<16xf32>,
        %mul3A_160 = arith.mulf %get3A_159, %get3A_156 : vector<16xf32>
        %swap3A = arith.index_cast %scan3A_153 : i32 to index
        %swap3A_161 = arith.constant 0 : index
        %swap3A_162 = tpu.vector_load %arg13[%swap3A, %swap3A_161] {strides = array<i32>} : memref<64x128xf32, #tpu.memory_space<vmem>>, vector<16xf32>,
        tpu.vector_store %arg13[%swap3A, %swap3A_161], %mul3A_160 {strides = array<i32>} : memref<64x128xf32, #tpu.memory_space<vmem>>, vector<16xf32>,
        %get3A_163 = arith.index_cast %scan3A_153 : i32 to index
        %get3A_164 = arith.constant 0 : index
        %get3A_165 = tpu.vector_load %arg15[%get3A_163, %get3A_164] {strides = array<i32>} : memref<64x128xf32, #tpu.memory_space<vmem>>, vector<16xf32>,
        %mul3A_166 = arith.mulf %get3A_165, %get3A_156 : vector<16xf32>
        %swap3A_167 = arith.index_cast %scan3A_153 : i32 to index
        %swap3A_168 = arith.constant 0 : index
        %swap3A_169 = tpu.vector_load %arg15[%swap3A_167, %swap3A_168] {strides = array<i32>} : memref<64x128xf32, #tpu.memory_space<vmem>>, vector<16xf32>,
        tpu.vector_store %arg15[%swap3A_167, %swap3A_168], %mul3A_166 {strides = array<i32>} : memref<64x128xf32, #tpu.memory_space<vmem>>, vector<16xf32>,
        %get3A_170 = arith.index_cast %scan3A_153 : i32 to index
        %get3A_171 = arith.constant 16 : index
        %get3A_172 = tpu.vector_load %arg17[%get3A_170, %get3A_171] {strides = array<i32>} : memref<64x128xf32, #tpu.memory_space<vmem>>, vector<16xf32>,
        %get3A_173 = arith.index_cast %scan3A_153 : i32 to index
        %get3A_174 = arith.constant 16 : index
        %get3A_175 = tpu.vector_load %arg13[%get3A_173, %get3A_174] {strides = array<i32>} : memref<64x128xf32, #tpu.memory_space<vmem>>, vector<16xf32>,
        %mul3A_176 = arith.mulf %get3A_175, %get3A_172 : vector<16xf32>
        %swap3A_177 = arith.index_cast %scan3A_153 : i32 to index
        %swap3A_178 = arith.constant 16 : index
        %swap3A_179 = tpu.vector_load %arg13[%swap3A_177, %swap3A_178] {strides = array<i32>} : memref<64x128xf32, #tpu.memory_space<vmem>>, vector<16xf32>,
        tpu.vector_store %arg13[%swap3A_177, %swap3A_178], %mul3A_176 {strides = array<i32>} : memref<64x128xf32, #tpu.memory_space<vmem>>, vector<16xf32>,
        %get3A_180 = arith.index_cast %scan3A_153 : i32 to index
        %get3A_181 = arith.constant 16 : index
        %get3A_182 = tpu.vector_load %arg15[%get3A_180, %get3A_181] {strides = array<i32>} : memref<64x128xf32, #tpu.memory_space<vmem>>, vector<16xf32>,
        %mul3A_183 = arith.mulf %get3A_182, %get3A_172 : vector<16xf32>
        %swap3A_184 = arith.index_cast %scan3A_153 : i32 to index
        %swap3A_185 = arith.constant 16 : index
        %swap3A_186 = tpu.vector_load %arg15[%swap3A_184, %swap3A_185] {strides = array<i32>} : memref<64x128xf32, #tpu.memory_space<vmem>>, vector<16xf32>,
        tpu.vector_store %arg15[%swap3A_184, %swap3A_185], %mul3A_183 {strides = array<i32>} : memref<64x128xf32, #tpu.memory_space<vmem>>, vector<16xf32>,
        %get3A_187 = arith.index_cast %scan3A_153 : i32 to index
        %get3A_188 = arith.constant 32 : index
        %get3A_189 = tpu.vector_load %arg17[%get3A_187, %get3A_188] {strides = array<i32>} : memref<64x128xf32, #tpu.memory_space<vmem>>, vector<16xf32>,
        %get3A_190 = arith.index_cast %scan3A_153 : i32 to index
        %get3A_191 = arith.constant 32 : index
        %get3A_192 = tpu.vector_load %arg13[%get3A_190, %get3A_191] {strides = array<i32>} : memref<64x128xf32, #tpu.memory_space<vmem>>, vector<16xf32>,
        %mul3A_193 = arith.mulf %get3A_192, %get3A_189 : vector<16xf32>
        %swap3A_194 = arith.index_cast %scan3A_153 : i32 to index
        %swap3A_195 = arith.constant 32 : index
        %swap3A_196 = tpu.vector_load %arg13[%swap3A_194, %swap3A_195] {strides = array<i32>} : memref<64x128xf32, #tpu.memory_space<vmem>>, vector<16xf32>,
        tpu.vector_store %arg13[%swap3A_194, %swap3A_195], %mul3A_193 {strides = array<i32>} : memref<64x128xf32, #tpu.memory_space<vmem>>, vector<16xf32>,
        %get3A_197 = arith.index_cast %scan3A_153 : i32 to index
        %get3A_198 = arith.constant 32 : index
        %get3A_199 = tpu.vector_load %arg15[%get3A_197, %get3A_198] {strides = array<i32>} : memref<64x128xf32, #tpu.memory_space<vmem>>, vector<16xf32>,
        %mul3A_200 = arith.mulf %get3A_199, %get3A_189 : vector<16xf32>
        %swap3A_201 = arith.index_cast %scan3A_153 : i32 to index
        %swap3A_202 = arith.constant 32 : index
        %swap3A_203 = tpu.vector_load %arg15[%swap3A_201, %swap3A_202] {strides = array<i32>} : memref<64x128xf32, #tpu.memory_space<vmem>>, vector<16xf32>,
        tpu.vector_store %arg15[%swap3A_201, %swap3A_202], %mul3A_200 {strides = array<i32>} : memref<64x128xf32, #tpu.memory_space<vmem>>, vector<16xf32>,
        %get3A_204 = arith.index_cast %scan3A_153 : i32 to index
        %get3A_205 = arith.constant 48 : index
        %get3A_206 = tpu.vector_load %arg17[%get3A_204, %get3A_205] {strides = array<i32>} : memref<64x128xf32, #tpu.memory_space<vmem>>, vector<16xf32>,
        %get3A_207 = arith.index_cast %scan3A_153 : i32 to index
        %get3A_208 = arith.constant 48 : index
        %get3A_209 = tpu.vector_load %arg13[%get3A_207, %get3A_208] {strides = array<i32>} : memref<64x128xf32, #tpu.memory_space<vmem>>, vector<16xf32>,
        %mul3A_210 = arith.mulf %get3A_209, %get3A_206 : vector<16xf32>
        %swap3A_211 = arith.index_cast %scan3A_153 : i32 to index
        %swap3A_212 = arith.constant 48 : index
        %swap3A_213 = tpu.vector_load %arg13[%swap3A_211, %swap3A_212] {strides = array<i32>} : memref<64x128xf32, #tpu.memory_space<vmem>>, vector<16xf32>,
        tpu.vector_store %arg13[%swap3A_211, %swap3A_212], %mul3A_210 {strides = array<i32>} : memref<64x128xf32, #tpu.memory_space<vmem>>, vector<16xf32>,
        %get3A_214 = arith.index_cast %scan3A_153 : i32 to index
        %get3A_215 = arith.constant 48 : index
        %get3A_216 = tpu.vector_load %arg15[%get3A_214, %get3A_215] {strides = array<i32>} : memref<64x128xf32, #tpu.memory_space<vmem>>, vector<16xf32>,
        %mul3A_217 = arith.mulf %get3A_216, %get3A_206 : vector<16xf32>
        %swap3A_218 = arith.index_cast %scan3A_153 : i32 to index
        %swap3A_219 = arith.constant 48 : index
        %swap3A_220 = tpu.vector_load %arg15[%swap3A_218, %swap3A_219] {strides = array<i32>} : memref<64x128xf32, #tpu.memory_space<vmem>>, vector<16xf32>,
        tpu.vector_store %arg15[%swap3A_218, %swap3A_219], %mul3A_217 {strides = array<i32>} : memref<64x128xf32, #tpu.memory_space<vmem>>, vector<16xf32>,
        %get3A_221 = arith.index_cast %scan3A_153 : i32 to index
        %get3A_222 = arith.constant 64 : index
        %get3A_223 = tpu.vector_load %arg17[%get3A_221, %get3A_222] {strides = array<i32>} : memref<64x128xf32, #tpu.memory_space<vmem>>, vector<16xf32>,
        %get3A_224 = arith.index_cast %scan3A_153 : i32 to index
        %get3A_225 = arith.constant 64 : index
        %get3A_226 = tpu.vector_load %arg13[%get3A_224, %get3A_225] {strides = array<i32>} : memref<64x128xf32, #tpu.memory_space<vmem>>, vector<16xf32>,
        %mul3A_227 = arith.mulf %get3A_226, %get3A_223 : vector<16xf32>
        %swap3A_228 = arith.index_cast %scan3A_153 : i32 to index
        %swap3A_229 = arith.constant 64 : index
        %swap3A_230 = tpu.vector_load %arg13[%swap3A_228, %swap3A_229] {strides = array<i32>} : memref<64x128xf32, #tpu.memory_space<vmem>>, vector<16xf32>,
        tpu.vector_store %arg13[%swap3A_228, %swap3A_229], %mul3A_227 {strides = array<i32>} : memref<64x128xf32, #tpu.memory_space<vmem>>, vector<16xf32>,
        %get3A_231 = arith.index_cast %scan3A_153 : i32 to index
        %get3A_232 = arith.constant 64 : index
        %get3A_233 = tpu.vector_load %arg15[%get3A_231, %get3A_232] {strides = array<i32>} : memref<64x128xf32, #tpu.memory_space<vmem>>, vector<16xf32>,
        %mul3A_234 = arith.mulf %get3A_233, %get3A_223 : vector<16xf32>
        %swap3A_235 = arith.index_cast %scan3A_153 : i32 to index
        %swap3A_236 = arith.constant 64 : index
        %swap3A_237 = tpu.vector_load %arg15[%swap3A_235, %swap3A_236] {strides = array<i32>} : memref<64x128xf32, #tpu.memory_space<vmem>>, vector<16xf32>,
        tpu.vector_store %arg15[%swap3A_235, %swap3A_236], %mul3A_234 {strides = array<i32>} : memref<64x128xf32, #tpu.memory_space<vmem>>, vector<16xf32>,
        %get3A_238 = arith.index_cast %scan3A_153 : i32 to index
        %get3A_239 = arith.constant 80 : index
        %get3A_240 = tpu.vector_load %arg17[%get3A_238, %get3A_239] {strides = array<i32>} : memref<64x128xf32, #tpu.memory_space<vmem>>, vector<16xf32>,
        %get3A_241 = arith.index_cast %scan3A_153 : i32 to index
        %get3A_242 = arith.constant 80 : index
        %get3A_243 = tpu.vector_load %arg13[%get3A_241, %get3A_242] {strides = array<i32>} : memref<64x128xf32, #tpu.memory_space<vmem>>, vector<16xf32>,
        %mul3A_244 = arith.mulf %get3A_243, %get3A_240 : vector<16xf32>
        %swap3A_245 = arith.index_cast %scan3A_153 : i32 to index
        %swap3A_246 = arith.constant 80 : index
        %swap3A_247 = tpu.vector_load %arg13[%swap3A_245, %swap3A_246] {strides = array<i32>} : memref<64x128xf32, #tpu.memory_space<vmem>>, vector<16xf32>,
        tpu.vector_store %arg13[%swap3A_245, %swap3A_246], %mul3A_244 {strides = array<i32>} : memref<64x128xf32, #tpu.memory_space<vmem>>, vector<16xf32>,
        %get3A_248 = arith.index_cast %scan3A_153 : i32 to index
        %get3A_249 = arith.constant 80 : index
        %get3A_250 = tpu.vector_load %arg15[%get3A_248, %get3A_249] {strides = array<i32>} : memref<64x128xf32, #tpu.memory_space<vmem>>, vector<16xf32>,
        %mul3A_251 = arith.mulf %get3A_250, %get3A_240 : vector<16xf32>
        %swap3A_252 = arith.index_cast %scan3A_153 : i32 to index
        %swap3A_253 = arith.constant 80 : index
        %swap3A_254 = tpu.vector_load %arg15[%swap3A_252, %swap3A_253] {strides = array<i32>} : memref<64x128xf32, #tpu.memory_space<vmem>>, vector<16xf32>,
        tpu.vector_store %arg15[%swap3A_252, %swap3A_253], %mul3A_251 {strides = array<i32>} : memref<64x128xf32, #tpu.memory_space<vmem>>, vector<16xf32>,
        %get3A_255 = arith.index_cast %scan3A_153 : i32 to index
        %get3A_256 = arith.constant 96 : index
        %get3A_257 = tpu.vector_load %arg17[%get3A_255, %get3A_256] {strides = array<i32>} : memref<64x128xf32, #tpu.memory_space<vmem>>, vector<16xf32>,
        %get3A_258 = arith.index_cast %scan3A_153 : i32 to index
        %get3A_259 = arith.constant 96 : index
        %get3A_260 = tpu.vector_load %arg13[%get3A_258, %get3A_259] {strides = array<i32>} : memref<64x128xf32, #tpu.memory_space<vmem>>, vector<16xf32>,
        %mul3A_261 = arith.mulf %get3A_260, %get3A_257 : vector<16xf32>
        %swap3A_262 = arith.index_cast %scan3A_153 : i32 to index
        %swap3A_263 = arith.constant 96 : index
        %swap3A_264 = tpu.vector_load %arg13[%swap3A_262, %swap3A_263] {strides = array<i32>} : memref<64x128xf32, #tpu.memory_space<vmem>>, vector<16xf32>,
        tpu.vector_store %arg13[%swap3A_262, %swap3A_263], %mul3A_261 {strides = array<i32>} : memref<64x128xf32, #tpu.memory_space<vmem>>, vector<16xf32>,
        %get3A_265 = arith.index_cast %scan3A_153 : i32 to index
        %get3A_266 = arith.constant 96 : index
        %get3A_267 = tpu.vector_load %arg15[%get3A_265, %get3A_266] {strides = array<i32>} : memref<64x128xf32, #tpu.memory_space<vmem>>, vector<16xf32>,
        %mul3A_268 = arith.mulf %get3A_267, %get3A_257 : vector<16xf32>
        %swap3A_269 = arith.index_cast %scan3A_153 : i32 to index
        %swap3A_270 = arith.constant 96 : index
        %swap3A_271 = tpu.vector_load %arg15[%swap3A_269, %swap3A_270] {strides = array<i32>} : memref<64x128xf32, #tpu.memory_space<vmem>>, vector<16xf32>,
        tpu.vector_store %arg15[%swap3A_269, %swap3A_270], %mul3A_268 {strides = array<i32>} : memref<64x128xf32, #tpu.memory_space<vmem>>, vector<16xf32>,
        %get3A_272 = arith.index_cast %scan3A_153 : i32 to index
        %get3A_273 = arith.constant 112 : index
        %get3A_274 = tpu.vector_load %arg17[%get3A_272, %get3A_273] {strides = array<i32>} : memref<64x128xf32, #tpu.memory_space<vmem>>, vector<16xf32>,
        %get3A_275 = arith.index_cast %scan3A_153 : i32 to index
        %get3A_276 = arith.constant 112 : index
        %get3A_277 = tpu.vector_load %arg13[%get3A_275, %get3A_276] {strides = array<i32>} : memref<64x128xf32, #tpu.memory_space<vmem>>, vector<16xf32>,
        %mul3A_278 = arith.mulf %get3A_277, %get3A_274 : vector<16xf32>
        %swap3A_279 = arith.index_cast %scan3A_153 : i32 to index
        %swap3A_280 = arith.constant 112 : index
        %swap3A_281 = tpu.vector_load %arg13[%swap3A_279, %swap3A_280] {strides = array<i32>} : memref<64x128xf32, #tpu.memory_space<vmem>>, vector<16xf32>,
        tpu.vector_store %arg13[%swap3A_279, %swap3A_280], %mul3A_278 {strides = array<i32>} : memref<64x128xf32, #tpu.memory_space<vmem>>, vector<16xf32>,
        %get3A_282 = arith.index_cast %scan3A_153 : i32 to index
        %get3A_283 = arith.constant 112 : index
        %get3A_284 = tpu.vector_load %arg15[%get3A_282, %get3A_283] {strides = array<i32>} : memref<64x128xf32, #tpu.memory_space<vmem>>, vector<16xf32>,
        %mul3A_285 = arith.mulf %get3A_284, %get3A_274 : vector<16xf32>
        %swap3A_286 = arith.index_cast %scan3A_153 : i32 to index
        %swap3A_287 = arith.constant 112 : index
        %swap3A_288 = tpu.vector_load %arg15[%swap3A_286, %swap3A_287] {strides = array<i32>} : memref<64x128xf32, #tpu.memory_space<vmem>>, vector<16xf32>,
        tpu.vector_store %arg15[%swap3A_286, %swap3A_287], %mul3A_285 {strides = array<i32>} : memref<64x128xf32, #tpu.memory_space<vmem>>, vector<16xf32>,
        %scan3A_289 = arith.constant 0 : i32
        scf.yield %scan3A_289 : i32
      }
      %scan3A_151 = arith.constant 64 : i32
      "tpu.region"() ({
        %run_scoped3A = tpu.sem_alloc : memref<!tpu.dma_semaphore, #tpu.memory_space<semaphore_mem>>
        %dma_start3A_153 = arith.constant 0 : i32
        %dma_start3A_154 = arith.constant 0 : i32
        %dma_start3A_155 = tpu.memref_slice %arg18[%dma_start3A_153, %dma_start3A_154] : memref<10112x128xf32, #tpu.memory_space<vmem_shared>> -> memref<10112x128xf32, #tpu.memory_space<vmem_shared>>
        tpu.enqueue_indirect_dma source(%arg13 : memref<64x128xf32, #tpu.memory_space<vmem>>) target(%dma_start3A_155 : memref<10112x128xf32, #tpu.memory_space<vmem_shared>>) offsets(%arg11 : memref<64xi32, #tpu.memory_space<vmem>>) semaphore(%run_scoped3A : memref<!tpu.dma_semaphore, #tpu.memory_space<semaphore_mem>>) {add = true}
        %dma_wait3A_156 = arith.constant 0 : i32
        %dma_wait3A_157 = arith.constant 0 : i32
        %dma_wait3A_158 = tpu.memref_slice %arg18[%dma_wait3A_156, %dma_wait3A_157] : memref<10112x128xf32, #tpu.memory_space<vmem_shared>> -> memref<10112x128xf32, #tpu.memory_space<vmem_shared>>
        tpu.wait_indirect_dma semaphore(%run_scoped3A : memref<!tpu.dma_semaphore, #tpu.memory_space<semaphore_mem>>) src(%arg13 : memref<64x128xf32, #tpu.memory_space<vmem>>) dst(%dma_wait3A_158 : memref<10112x128xf32, #tpu.memory_space<vmem_shared>>)
        tpu.yield
      }) : () -> ()
      "tpu.region"() ({
        %run_scoped3A = tpu.sem_alloc : memref<!tpu.dma_semaphore, #tpu.memory_space<semaphore_mem>>
        %dma_start3A_153 = arith.constant 0 : i32
        %dma_start3A_154 = arith.constant 0 : i32
        %dma_start3A_155 = tpu.memref_slice %arg18[%dma_start3A_153, %dma_start3A_154] : memref<10112x128xf32, #tpu.memory_space<vmem_shared>> -> memref<10112x128xf32, #tpu.memory_space<vmem_shared>>
        tpu.enqueue_indirect_dma source(%arg15 : memref<64x128xf32, #tpu.memory_space<vmem>>) target(%dma_start3A_155 : memref<10112x128xf32, #tpu.memory_space<vmem_shared>>) offsets(%arg9 : memref<64xi32, #tpu.memory_space<vmem>>) semaphore(%run_scoped3A : memref<!tpu.dma_semaphore, #tpu.memory_space<semaphore_mem>>) {add = true}
        %dma_wait3A_156 = arith.constant 0 : i32
        %dma_wait3A_157 = arith.constant 0 : i32
        %dma_wait3A_158 = tpu.memref_slice %arg18[%dma_wait3A_156, %dma_wait3A_157] : memref<10112x128xf32, #tpu.memory_space<vmem_shared>> -> memref<10112x128xf32, #tpu.memory_space<vmem_shared>>
        tpu.wait_indirect_dma semaphore(%run_scoped3A : memref<!tpu.dma_semaphore, #tpu.memory_space<semaphore_mem>>) src(%arg15 : memref<64x128xf32, #tpu.memory_space<vmem>>) dst(%dma_wait3A_158 : memref<10112x128xf32, #tpu.memory_space<vmem_shared>>)
        tpu.yield
      }) : () -> ()
      %while3A_152 = arith.constant 0 : i32
      scf.yield %while3A_152 : i32
    }
    %while3A_38 = arith.constant 1 : i32
    %while3A_39 = scf.for %while3A_45 = %while3A_35 to %while3A_31 step %while3A_38 iter_args(%while3A_46 = %while3A_37) -> (i32)  : i32 {
      %mul3A_47 = arith.constant 2 : i32
      %mul3A_48 = arith.muli %mul3A_47, %while3A_45 : i32
      %add3A_49 = arith.constant 0 : i32
      %add3A_50 = arith.addi %mul3A_48, %add3A_49 : i32
      %add3A_51 = arith.addi %select_n3A_8, %add3A_50 : i32
      %mul3A_52 = arith.constant 64 : i32
      %mul3A_53 = arith.muli %add3A_51, %mul3A_52 : i32
      %dma_start3A = tpu.memref_slice %arg4[%mul3A_53] : memref<163840xi32, #tpu.memory_space<hbm>> -> memref<64xi32, #tpu.memory_space<hbm>>
      %dma_start3A_54 = tpu.memref_slice %arg4[%mul3A_53] : memref<163840xi32, #tpu.memory_space<hbm>> -> memref<64xi32, #tpu.memory_space<hbm>>
      tpu.enqueue_dma source(%dma_start3A_54 : memref<64xi32, #tpu.memory_space<hbm>>) target(%arg8 : memref<64xi32, #tpu.memory_space<vmem>>) target_semaphore(%arg19 : memref<!tpu.dma_semaphore, #tpu.memory_space<semaphore_mem>>)
      %add3A_55 = arith.addi %select_n3A_8, %add3A_50 : i32
      %mul3A_56 = arith.constant 64 : i32
      %mul3A_57 = arith.muli %add3A_55, %mul3A_56 : i32
      %dma_start3A_58 = tpu.memref_slice %arg5[%mul3A_57] : memref<163840xi32, #tpu.memory_space<hbm>> -> memref<64xi32, #tpu.memory_space<hbm>>
      %dma_start3A_59 = tpu.memref_slice %arg5[%mul3A_57] : memref<163840xi32, #tpu.memory_space<hbm>> -> memref<64xi32, #tpu.memory_space<hbm>>
      tpu.enqueue_dma source(%dma_start3A_59 : memref<64xi32, #tpu.memory_space<hbm>>) target(%arg10 : memref<64xi32, #tpu.memory_space<vmem>>) target_semaphore(%arg19 : memref<!tpu.dma_semaphore, #tpu.memory_space<semaphore_mem>>)
      %dma_wait3A = arith.constant 0 : i32
      %dma_wait3A_60 = tpu.memref_slice %arg4[%dma_wait3A] : memref<163840xi32, #tpu.memory_space<hbm>> -> memref<64xi32, #tpu.memory_space<hbm>>
      %dma_wait3A_61 = arith.constant 0 : i32
      %dma_wait3A_62 = tpu.memref_slice %arg4[%dma_wait3A_61] : memref<163840xi32, #tpu.memory_space<hbm>> -> memref<64xi32, #tpu.memory_space<hbm>>
      tpu.wait_dma2 semaphore(%arg19 : memref<!tpu.dma_semaphore, #tpu.memory_space<semaphore_mem>>) src(%dma_wait3A_62 : memref<64xi32, #tpu.memory_space<hbm>>) dst(%arg8 : memref<64xi32, #tpu.memory_space<vmem>>)
      %dma_wait3A_63 = arith.constant 0 : i32
      %dma_wait3A_64 = tpu.memref_slice %arg5[%dma_wait3A_63] : memref<163840xi32, #tpu.memory_space<hbm>> -> memref<64xi32, #tpu.memory_space<hbm>>
      %dma_wait3A_65 = arith.constant 0 : i32
      %dma_wait3A_66 = tpu.memref_slice %arg5[%dma_wait3A_65] : memref<163840xi32, #tpu.memory_space<hbm>> -> memref<64xi32, #tpu.memory_space<hbm>>
      tpu.wait_dma2 semaphore(%arg19 : memref<!tpu.dma_semaphore, #tpu.memory_space<semaphore_mem>>) src(%dma_wait3A_66 : memref<64xi32, #tpu.memory_space<hbm>>) dst(%arg10 : memref<64xi32, #tpu.memory_space<vmem>>)
      %dma_start3A_67 = arith.constant 0 : i32
      %dma_start3A_68 = arith.constant 0 : i32
      %dma_start3A_69 = tpu.memref_slice %arg2[%dma_start3A_67, %dma_start3A_68] : memref<10000x128xf32, #tpu.memory_space<hbm>> -> memref<10000x128xf32, #tpu.memory_space<hbm>>
      tpu.enqueue_indirect_dma source(%dma_start3A_69 : memref<10000x128xf32, #tpu.memory_space<hbm>>) target(%arg12 : memref<64x128xf32, #tpu.memory_space<vmem>>) offsets(%arg8 : memref<64xi32, #tpu.memory_space<vmem>>) semaphore(%arg21 : memref<!tpu.dma_semaphore, #tpu.memory_space<semaphore_mem>>)
      %dma_start3A_70 = arith.constant 0 : i32
      %dma_start3A_71 = arith.constant 0 : i32
      %dma_start3A_72 = tpu.memref_slice %arg2[%dma_start3A_70, %dma_start3A_71] : memref<10000x128xf32, #tpu.memory_space<hbm>> -> memref<10000x128xf32, #tpu.memory_space<hbm>>
      tpu.enqueue_indirect_dma source(%dma_start3A_72 : memref<10000x128xf32, #tpu.memory_space<hbm>>) target(%arg14 : memref<64x128xf32, #tpu.memory_space<vmem>>) offsets(%arg10 : memref<64xi32, #tpu.memory_space<vmem>>) semaphore(%arg23 : memref<!tpu.dma_semaphore, #tpu.memory_space<semaphore_mem>>)
      %add3A_73 = arith.addi %select_n3A_8, %add3A_50 : i32
      %mul3A_74 = arith.constant 64 : i32
      %mul3A_75 = arith.muli %add3A_73, %mul3A_74 : i32
      %dma_start3A_76 = arith.constant 0 : i32
      %dma_start3A_77 = tpu.memref_slice %arg3[%mul3A_75, %dma_start3A_76] : memref<163840x128xf32, #tpu.memory_space<hbm>> -> memref<64x128xf32, #tpu.memory_space<hbm>>
      %dma_start3A_78 = arith.constant 0 : i32
      %dma_start3A_79 = tpu.memref_slice %arg3[%mul3A_75, %dma_start3A_78] : memref<163840x128xf32, #tpu.memory_space<hbm>> -> memref<64x128xf32, #tpu.memory_space<hbm>>
      tpu.enqueue_dma source(%dma_start3A_79 : memref<64x128xf32, #tpu.memory_space<hbm>>) target(%arg16 : memref<64x128xf32, #tpu.memory_space<vmem>>) target_semaphore(%arg25 : memref<!tpu.dma_semaphore, #tpu.memory_space<semaphore_mem>>)
      %dma_wait3A_80 = arith.constant 0 : i32
      %dma_wait3A_81 = arith.constant 0 : i32
      %dma_wait3A_82 = tpu.memref_slice %arg2[%dma_wait3A_80, %dma_wait3A_81] : memref<10000x128xf32, #tpu.memory_space<hbm>> -> memref<10000x128xf32, #tpu.memory_space<hbm>>
      tpu.wait_indirect_dma semaphore(%arg21 : memref<!tpu.dma_semaphore, #tpu.memory_space<semaphore_mem>>) src(%dma_wait3A_82 : memref<10000x128xf32, #tpu.memory_space<hbm>>) dst(%arg12 : memref<64x128xf32, #tpu.memory_space<vmem>>)
      %dma_wait3A_83 = arith.constant 0 : i32
      %dma_wait3A_84 = arith.constant 0 : i32
      %dma_wait3A_85 = tpu.memref_slice %arg2[%dma_wait3A_83, %dma_wait3A_84] : memref<10000x128xf32, #tpu.memory_space<hbm>> -> memref<10000x128xf32, #tpu.memory_space<hbm>>
      tpu.wait_indirect_dma semaphore(%arg23 : memref<!tpu.dma_semaphore, #tpu.memory_space<semaphore_mem>>) src(%dma_wait3A_85 : memref<10000x128xf32, #tpu.memory_space<hbm>>) dst(%arg14 : memref<64x128xf32, #tpu.memory_space<vmem>>)
      %dma_wait3A_86 = arith.constant 0 : i32
      %dma_wait3A_87 = arith.constant 0 : i32
      %dma_wait3A_88 = tpu.memref_slice %arg3[%dma_wait3A_86, %dma_wait3A_87] : memref<163840x128xf32, #tpu.memory_space<hbm>> -> memref<64x128xf32, #tpu.memory_space<hbm>>
      %dma_wait3A_89 = arith.constant 0 : i32
      %dma_wait3A_90 = arith.constant 0 : i32
      %dma_wait3A_91 = tpu.memref_slice %arg3[%dma_wait3A_89, %dma_wait3A_90] : memref<163840x128xf32, #tpu.memory_space<hbm>> -> memref<64x128xf32, #tpu.memory_space<hbm>>
      tpu.wait_dma2 semaphore(%arg25 : memref<!tpu.dma_semaphore, #tpu.memory_space<semaphore_mem>>) src(%dma_wait3A_91 : memref<64x128xf32, #tpu.memory_space<hbm>>) dst(%arg16 : memref<64x128xf32, #tpu.memory_space<vmem>>)
      %scan3A = arith.constant 0 : i32
      %scan3A_92 = arith.constant 0 : i32
      %scan3A_93 = arith.constant 64 : i32
      %scan3A_94 = arith.addi %scan3A_92, %scan3A_93 : i32
      %scan3A_95 = arith.constant 1 : i32
      %scan3A_96 = scf.for %scan3A_153 = %scan3A_92 to %scan3A_94 step %scan3A_95 iter_args(%scan3A_154 = %scan3A) -> (i32)  : i32 {
        %get3A = arith.index_cast %scan3A_153 : i32 to index
        %get3A_155 = arith.constant 0 : index
        %get3A_156 = tpu.vector_load %arg16[%get3A, %get3A_155] {strides = array<i32>} : memref<64x128xf32, #tpu.memory_space<vmem>>, vector<16xf32>,
        %get3A_157 = arith.index_cast %scan3A_153 : i32 to index
        %get3A_158 = arith.constant 0 : index
        %get3A_159 = tpu.vector_load %arg12[%get3A_157, %get3A_158] {strides = array<i32>} : memref<64x128xf32, #tpu.memory_space<vmem>>, vector<16xf32>,
        %mul3A_160 = arith.mulf %get3A_159, %get3A_156 : vector<16xf32>
        %swap3A = arith.index_cast %scan3A_153 : i32 to index
        %swap3A_161 = arith.constant 0 : index
        %swap3A_162 = tpu.vector_load %arg12[%swap3A, %swap3A_161] {strides = array<i32>} : memref<64x128xf32, #tpu.memory_space<vmem>>, vector<16xf32>,
        tpu.vector_store %arg12[%swap3A, %swap3A_161], %mul3A_160 {strides = array<i32>} : memref<64x128xf32, #tpu.memory_space<vmem>>, vector<16xf32>,
        %get3A_163 = arith.index_cast %scan3A_153 : i32 to index
        %get3A_164 = arith.constant 0 : index
        %get3A_165 = tpu.vector_load %arg14[%get3A_163, %get3A_164] {strides = array<i32>} : memref<64x128xf32, #tpu.memory_space<vmem>>, vector<16xf32>,
        %mul3A_166 = arith.mulf %get3A_165, %get3A_156 : vector<16xf32>
        %swap3A_167 = arith.index_cast %scan3A_153 : i32 to index
        %swap3A_168 = arith.constant 0 : index
        %swap3A_169 = tpu.vector_load %arg14[%swap3A_167, %swap3A_168] {strides = array<i32>} : memref<64x128xf32, #tpu.memory_space<vmem>>, vector<16xf32>,
        tpu.vector_store %arg14[%swap3A_167, %swap3A_168], %mul3A_166 {strides = array<i32>} : memref<64x128xf32, #tpu.memory_space<vmem>>, vector<16xf32>,
        %get3A_170 = arith.index_cast %scan3A_153 : i32 to index
        %get3A_171 = arith.constant 16 : index
        %get3A_172 = tpu.vector_load %arg16[%get3A_170, %get3A_171] {strides = array<i32>} : memref<64x128xf32, #tpu.memory_space<vmem>>, vector<16xf32>,
        %get3A_173 = arith.index_cast %scan3A_153 : i32 to index
        %get3A_174 = arith.constant 16 : index
        %get3A_175 = tpu.vector_load %arg12[%get3A_173, %get3A_174] {strides = array<i32>} : memref<64x128xf32, #tpu.memory_space<vmem>>, vector<16xf32>,
        %mul3A_176 = arith.mulf %get3A_175, %get3A_172 : vector<16xf32>
        %swap3A_177 = arith.index_cast %scan3A_153 : i32 to index
        %swap3A_178 = arith.constant 16 : index
        %swap3A_179 = tpu.vector_load %arg12[%swap3A_177, %swap3A_178] {strides = array<i32>} : memref<64x128xf32, #tpu.memory_space<vmem>>, vector<16xf32>,
        tpu.vector_store %arg12[%swap3A_177, %swap3A_178], %mul3A_176 {strides = array<i32>} : memref<64x128xf32, #tpu.memory_space<vmem>>, vector<16xf32>,
        %get3A_180 = arith.index_cast %scan3A_153 : i32 to index
        %get3A_181 = arith.constant 16 : index
        %get3A_182 = tpu.vector_load %arg14[%get3A_180, %get3A_181] {strides = array<i32>} : memref<64x128xf32, #tpu.memory_space<vmem>>, vector<16xf32>,
        %mul3A_183 = arith.mulf %get3A_182, %get3A_172 : vector<16xf32>
        %swap3A_184 = arith.index_cast %scan3A_153 : i32 to index
        %swap3A_185 = arith.constant 16 : index
        %swap3A_186 = tpu.vector_load %arg14[%swap3A_184, %swap3A_185] {strides = array<i32>} : memref<64x128xf32, #tpu.memory_space<vmem>>, vector<16xf32>,
        tpu.vector_store %arg14[%swap3A_184, %swap3A_185], %mul3A_183 {strides = array<i32>} : memref<64x128xf32, #tpu.memory_space<vmem>>, vector<16xf32>,
        %get3A_187 = arith.index_cast %scan3A_153 : i32 to index
        %get3A_188 = arith.constant 32 : index
        %get3A_189 = tpu.vector_load %arg16[%get3A_187, %get3A_188] {strides = array<i32>} : memref<64x128xf32, #tpu.memory_space<vmem>>, vector<16xf32>,
        %get3A_190 = arith.index_cast %scan3A_153 : i32 to index
        %get3A_191 = arith.constant 32 : index
        %get3A_192 = tpu.vector_load %arg12[%get3A_190, %get3A_191] {strides = array<i32>} : memref<64x128xf32, #tpu.memory_space<vmem>>, vector<16xf32>,
        %mul3A_193 = arith.mulf %get3A_192, %get3A_189 : vector<16xf32>
        %swap3A_194 = arith.index_cast %scan3A_153 : i32 to index
        %swap3A_195 = arith.constant 32 : index
        %swap3A_196 = tpu.vector_load %arg12[%swap3A_194, %swap3A_195] {strides = array<i32>} : memref<64x128xf32, #tpu.memory_space<vmem>>, vector<16xf32>,
        tpu.vector_store %arg12[%swap3A_194, %swap3A_195], %mul3A_193 {strides = array<i32>} : memref<64x128xf32, #tpu.memory_space<vmem>>, vector<16xf32>,
        %get3A_197 = arith.index_cast %scan3A_153 : i32 to index
        %get3A_198 = arith.constant 32 : index
        %get3A_199 = tpu.vector_load %arg14[%get3A_197, %get3A_198] {strides = array<i32>} : memref<64x128xf32, #tpu.memory_space<vmem>>, vector<16xf32>,
        %mul3A_200 = arith.mulf %get3A_199, %get3A_189 : vector<16xf32>
        %swap3A_201 = arith.index_cast %scan3A_153 : i32 to index
        %swap3A_202 = arith.constant 32 : index
        %swap3A_203 = tpu.vector_load %arg14[%swap3A_201, %swap3A_202] {strides = array<i32>} : memref<64x128xf32, #tpu.memory_space<vmem>>, vector<16xf32>,
        tpu.vector_store %arg14[%swap3A_201, %swap3A_202], %mul3A_200 {strides = array<i32>} : memref<64x128xf32, #tpu.memory_space<vmem>>, vector<16xf32>,
        %get3A_204 = arith.index_cast %scan3A_153 : i32 to index
        %get3A_205 = arith.constant 48 : index
        %get3A_206 = tpu.vector_load %arg16[%get3A_204, %get3A_205] {strides = array<i32>} : memref<64x128xf32, #tpu.memory_space<vmem>>, vector<16xf32>,
        %get3A_207 = arith.index_cast %scan3A_153 : i32 to index
        %get3A_208 = arith.constant 48 : index
        %get3A_209 = tpu.vector_load %arg12[%get3A_207, %get3A_208] {strides = array<i32>} : memref<64x128xf32, #tpu.memory_space<vmem>>, vector<16xf32>,
        %mul3A_210 = arith.mulf %get3A_209, %get3A_206 : vector<16xf32>
        %swap3A_211 = arith.index_cast %scan3A_153 : i32 to index
        %swap3A_212 = arith.constant 48 : index
        %swap3A_213 = tpu.vector_load %arg12[%swap3A_211, %swap3A_212] {strides = array<i32>} : memref<64x128xf32, #tpu.memory_space<vmem>>, vector<16xf32>,
        tpu.vector_store %arg12[%swap3A_211, %swap3A_212], %mul3A_210 {strides = array<i32>} : memref<64x128xf32, #tpu.memory_space<vmem>>, vector<16xf32>,
        %get3A_214 = arith.index_cast %scan3A_153 : i32 to index
        %get3A_215 = arith.constant 48 : index
        %get3A_216 = tpu.vector_load %arg14[%get3A_214, %get3A_215] {strides = array<i32>} : memref<64x128xf32, #tpu.memory_space<vmem>>, vector<16xf32>,
        %mul3A_217 = arith.mulf %get3A_216, %get3A_206 : vector<16xf32>
        %swap3A_218 = arith.index_cast %scan3A_153 : i32 to index
        %swap3A_219 = arith.constant 48 : index
        %swap3A_220 = tpu.vector_load %arg14[%swap3A_218, %swap3A_219] {strides = array<i32>} : memref<64x128xf32, #tpu.memory_space<vmem>>, vector<16xf32>,
        tpu.vector_store %arg14[%swap3A_218, %swap3A_219], %mul3A_217 {strides = array<i32>} : memref<64x128xf32, #tpu.memory_space<vmem>>, vector<16xf32>,
        %get3A_221 = arith.index_cast %scan3A_153 : i32 to index
        %get3A_222 = arith.constant 64 : index
        %get3A_223 = tpu.vector_load %arg16[%get3A_221, %get3A_222] {strides = array<i32>} : memref<64x128xf32, #tpu.memory_space<vmem>>, vector<16xf32>,
        %get3A_224 = arith.index_cast %scan3A_153 : i32 to index
        %get3A_225 = arith.constant 64 : index
        %get3A_226 = tpu.vector_load %arg12[%get3A_224, %get3A_225] {strides = array<i32>} : memref<64x128xf32, #tpu.memory_space<vmem>>, vector<16xf32>,
        %mul3A_227 = arith.mulf %get3A_226, %get3A_223 : vector<16xf32>
        %swap3A_228 = arith.index_cast %scan3A_153 : i32 to index
        %swap3A_229 = arith.constant 64 : index
        %swap3A_230 = tpu.vector_load %arg12[%swap3A_228, %swap3A_229] {strides = array<i32>} : memref<64x128xf32, #tpu.memory_space<vmem>>, vector<16xf32>,
        tpu.vector_store %arg12[%swap3A_228, %swap3A_229], %mul3A_227 {strides = array<i32>} : memref<64x128xf32, #tpu.memory_space<vmem>>, vector<16xf32>,
        %get3A_231 = arith.index_cast %scan3A_153 : i32 to index
        %get3A_232 = arith.constant 64 : index
        %get3A_233 = tpu.vector_load %arg14[%get3A_231, %get3A_232] {strides = array<i32>} : memref<64x128xf32, #tpu.memory_space<vmem>>, vector<16xf32>,
        %mul3A_234 = arith.mulf %get3A_233, %get3A_223 : vector<16xf32>
        %swap3A_235 = arith.index_cast %scan3A_153 : i32 to index
        %swap3A_236 = arith.constant 64 : index
        %swap3A_237 = tpu.vector_load %arg14[%swap3A_235, %swap3A_236] {strides = array<i32>} : memref<64x128xf32, #tpu.memory_space<vmem>>, vector<16xf32>,
        tpu.vector_store %arg14[%swap3A_235, %swap3A_236], %mul3A_234 {strides = array<i32>} : memref<64x128xf32, #tpu.memory_space<vmem>>, vector<16xf32>,
        %get3A_238 = arith.index_cast %scan3A_153 : i32 to index
        %get3A_239 = arith.constant 80 : index
        %get3A_240 = tpu.vector_load %arg16[%get3A_238, %get3A_239] {strides = array<i32>} : memref<64x128xf32, #tpu.memory_space<vmem>>, vector<16xf32>,
        %get3A_241 = arith.index_cast %scan3A_153 : i32 to index
        %get3A_242 = arith.constant 80 : index
        %get3A_243 = tpu.vector_load %arg12[%get3A_241, %get3A_242] {strides = array<i32>} : memref<64x128xf32, #tpu.memory_space<vmem>>, vector<16xf32>,
        %mul3A_244 = arith.mulf %get3A_243, %get3A_240 : vector<16xf32>
        %swap3A_245 = arith.index_cast %scan3A_153 : i32 to index
        %swap3A_246 = arith.constant 80 : index
        %swap3A_247 = tpu.vector_load %arg12[%swap3A_245, %swap3A_246] {strides = array<i32>} : memref<64x128xf32, #tpu.memory_space<vmem>>, vector<16xf32>,
        tpu.vector_store %arg12[%swap3A_245, %swap3A_246], %mul3A_244 {strides = array<i32>} : memref<64x128xf32, #tpu.memory_space<vmem>>, vector<16xf32>,
        %get3A_248 = arith.index_cast %scan3A_153 : i32 to index
        %get3A_249 = arith.constant 80 : index
        %get3A_250 = tpu.vector_load %arg14[%get3A_248, %get3A_249] {strides = array<i32>} : memref<64x128xf32, #tpu.memory_space<vmem>>, vector<16xf32>,
        %mul3A_251 = arith.mulf %get3A_250, %get3A_240 : vector<16xf32>
        %swap3A_252 = arith.index_cast %scan3A_153 : i32 to index
        %swap3A_253 = arith.constant 80 : index
        %swap3A_254 = tpu.vector_load %arg14[%swap3A_252, %swap3A_253] {strides = array<i32>} : memref<64x128xf32, #tpu.memory_space<vmem>>, vector<16xf32>,
        tpu.vector_store %arg14[%swap3A_252, %swap3A_253], %mul3A_251 {strides = array<i32>} : memref<64x128xf32, #tpu.memory_space<vmem>>, vector<16xf32>,
        %get3A_255 = arith.index_cast %scan3A_153 : i32 to index
        %get3A_256 = arith.constant 96 : index
        %get3A_257 = tpu.vector_load %arg16[%get3A_255, %get3A_256] {strides = array<i32>} : memref<64x128xf32, #tpu.memory_space<vmem>>, vector<16xf32>,
        %get3A_258 = arith.index_cast %scan3A_153 : i32 to index
        %get3A_259 = arith.constant 96 : index
        %get3A_260 = tpu.vector_load %arg12[%get3A_258, %get3A_259] {strides = array<i32>} : memref<64x128xf32, #tpu.memory_space<vmem>>, vector<16xf32>,
        %mul3A_261 = arith.mulf %get3A_260, %get3A_257 : vector<16xf32>
        %swap3A_262 = arith.index_cast %scan3A_153 : i32 to index
        %swap3A_263 = arith.constant 96 : index
        %swap3A_264 = tpu.vector_load %arg12[%swap3A_262, %swap3A_263] {strides = array<i32>} : memref<64x128xf32, #tpu.memory_space<vmem>>, vector<16xf32>,
        tpu.vector_store %arg12[%swap3A_262, %swap3A_263], %mul3A_261 {strides = array<i32>} : memref<64x128xf32, #tpu.memory_space<vmem>>, vector<16xf32>,
        %get3A_265 = arith.index_cast %scan3A_153 : i32 to index
        %get3A_266 = arith.constant 96 : index
        %get3A_267 = tpu.vector_load %arg14[%get3A_265, %get3A_266] {strides = array<i32>} : memref<64x128xf32, #tpu.memory_space<vmem>>, vector<16xf32>,
        %mul3A_268 = arith.mulf %get3A_267, %get3A_257 : vector<16xf32>
        %swap3A_269 = arith.index_cast %scan3A_153 : i32 to index
        %swap3A_270 = arith.constant 96 : index
        %swap3A_271 = tpu.vector_load %arg14[%swap3A_269, %swap3A_270] {strides = array<i32>} : memref<64x128xf32, #tpu.memory_space<vmem>>, vector<16xf32>,
        tpu.vector_store %arg14[%swap3A_269, %swap3A_270], %mul3A_268 {strides = array<i32>} : memref<64x128xf32, #tpu.memory_space<vmem>>, vector<16xf32>,
        %get3A_272 = arith.index_cast %scan3A_153 : i32 to index
        %get3A_273 = arith.constant 112 : index
        %get3A_274 = tpu.vector_load %arg16[%get3A_272, %get3A_273] {strides = array<i32>} : memref<64x128xf32, #tpu.memory_space<vmem>>, vector<16xf32>,
        %get3A_275 = arith.index_cast %scan3A_153 : i32 to index
        %get3A_276 = arith.constant 112 : index
        %get3A_277 = tpu.vector_load %arg12[%get3A_275, %get3A_276] {strides = array<i32>} : memref<64x128xf32, #tpu.memory_space<vmem>>, vector<16xf32>,
        %mul3A_278 = arith.mulf %get3A_277, %get3A_274 : vector<16xf32>
        %swap3A_279 = arith.index_cast %scan3A_153 : i32 to index
        %swap3A_280 = arith.constant 112 : index
        %swap3A_281 = tpu.vector_load %arg12[%swap3A_279, %swap3A_280] {strides = array<i32>} : memref<64x128xf32, #tpu.memory_space<vmem>>, vector<16xf32>,
        tpu.vector_store %arg12[%swap3A_279, %swap3A_280], %mul3A_278 {strides = array<i32>} : memref<64x128xf32, #tpu.memory_space<vmem>>, vector<16xf32>,
        %get3A_282 = arith.index_cast %scan3A_153 : i32 to index
        %get3A_283 = arith.constant 112 : index
        %get3A_284 = tpu.vector_load %arg14[%get3A_282, %get3A_283] {strides = array<i32>} : memref<64x128xf32, #tpu.memory_space<vmem>>, vector<16xf32>,
        %mul3A_285 = arith.mulf %get3A_284, %get3A_274 : vector<16xf32>
        %swap3A_286 = arith.index_cast %scan3A_153 : i32 to index
        %swap3A_287 = arith.constant 112 : index
        %swap3A_288 = tpu.vector_load %arg14[%swap3A_286, %swap3A_287] {strides = array<i32>} : memref<64x128xf32, #tpu.memory_space<vmem>>, vector<16xf32>,
        tpu.vector_store %arg14[%swap3A_286, %swap3A_287], %mul3A_285 {strides = array<i32>} : memref<64x128xf32, #tpu.memory_space<vmem>>, vector<16xf32>,
        %scan3A_289 = arith.constant 0 : i32
        scf.yield %scan3A_289 : i32
      }
      %scan3A_97 = arith.constant 64 : i32
      "tpu.region"() ({
        %run_scoped3A = tpu.sem_alloc : memref<!tpu.dma_semaphore, #tpu.memory_space<semaphore_mem>>
        %dma_start3A_153 = arith.constant 0 : i32
        %dma_start3A_154 = arith.constant 0 : i32
        %dma_start3A_155 = tpu.memref_slice %arg18[%dma_start3A_153, %dma_start3A_154] : memref<10112x128xf32, #tpu.memory_space<vmem_shared>> -> memref<10112x128xf32, #tpu.memory_space<vmem_shared>>
        tpu.enqueue_indirect_dma source(%arg12 : memref<64x128xf32, #tpu.memory_space<vmem>>) target(%dma_start3A_155 : memref<10112x128xf32, #tpu.memory_space<vmem_shared>>) offsets(%arg10 : memref<64xi32, #tpu.memory_space<vmem>>) semaphore(%run_scoped3A : memref<!tpu.dma_semaphore, #tpu.memory_space<semaphore_mem>>) {add = true}
        %dma_wait3A_156 = arith.constant 0 : i32
        %dma_wait3A_157 = arith.constant 0 : i32
        %dma_wait3A_158 = tpu.memref_slice %arg18[%dma_wait3A_156, %dma_wait3A_157] : memref<10112x128xf32, #tpu.memory_space<vmem_shared>> -> memref<10112x128xf32, #tpu.memory_space<vmem_shared>>
        tpu.wait_indirect_dma semaphore(%run_scoped3A : memref<!tpu.dma_semaphore, #tpu.memory_space<semaphore_mem>>) src(%arg12 : memref<64x128xf32, #tpu.memory_space<vmem>>) dst(%dma_wait3A_158 : memref<10112x128xf32, #tpu.memory_space<vmem_shared>>)
        tpu.yield
      }) : () -> ()
      "tpu.region"() ({
        %run_scoped3A = tpu.sem_alloc : memref<!tpu.dma_semaphore, #tpu.memory_space<semaphore_mem>>
        %dma_start3A_153 = arith.constant 0 : i32
        %dma_start3A_154 = arith.constant 0 : i32
        %dma_start3A_155 = tpu.memref_slice %arg18[%dma_start3A_153, %dma_start3A_154] : memref<10112x128xf32, #tpu.memory_space<vmem_shared>> -> memref<10112x128xf32, #tpu.memory_space<vmem_shared>>
        tpu.enqueue_indirect_dma source(%arg14 : memref<64x128xf32, #tpu.memory_space<vmem>>) target(%dma_start3A_155 : memref<10112x128xf32, #tpu.memory_space<vmem_shared>>) offsets(%arg8 : memref<64xi32, #tpu.memory_space<vmem>>) semaphore(%run_scoped3A : memref<!tpu.dma_semaphore, #tpu.memory_space<semaphore_mem>>) {add = true}
        %dma_wait3A_156 = arith.constant 0 : i32
        %dma_wait3A_157 = arith.constant 0 : i32
        %dma_wait3A_158 = tpu.memref_slice %arg18[%dma_wait3A_156, %dma_wait3A_157] : memref<10112x128xf32, #tpu.memory_space<vmem_shared>> -> memref<10112x128xf32, #tpu.memory_space<vmem_shared>>
        tpu.wait_indirect_dma semaphore(%run_scoped3A : memref<!tpu.dma_semaphore, #tpu.memory_space<semaphore_mem>>) src(%arg14 : memref<64x128xf32, #tpu.memory_space<vmem>>) dst(%dma_wait3A_158 : memref<10112x128xf32, #tpu.memory_space<vmem_shared>>)
        tpu.yield
      }) : () -> ()
      %mul3A_98 = arith.constant 2 : i32
      %mul3A_99 = arith.muli %mul3A_98, %while3A_45 : i32
      %add3A_100 = arith.constant 1 : i32
      %add3A_101 = arith.addi %mul3A_99, %add3A_100 : i32
      %add3A_102 = arith.addi %select_n3A_8, %add3A_101 : i32
      %mul3A_103 = arith.constant 64 : i32
      %mul3A_104 = arith.muli %add3A_102, %mul3A_103 : i32
      %dma_start3A_105 = tpu.memref_slice %arg4[%mul3A_104] : memref<163840xi32, #tpu.memory_space<hbm>> -> memref<64xi32, #tpu.memory_space<hbm>>
      %dma_start3A_106 = tpu.memref_slice %arg4[%mul3A_104] : memref<163840xi32, #tpu.memory_space<hbm>> -> memref<64xi32, #tpu.memory_space<hbm>>
      tpu.enqueue_dma source(%dma_start3A_106 : memref<64xi32, #tpu.memory_space<hbm>>) target(%arg9 : memref<64xi32, #tpu.memory_space<vmem>>) target_semaphore(%arg20 : memref<!tpu.dma_semaphore, #tpu.memory_space<semaphore_mem>>)
      %add3A_107 = arith.addi %select_n3A_8, %add3A_101 : i32
      %mul3A_108 = arith.constant 64 : i32
      %mul3A_109 = arith.muli %add3A_107, %mul3A_108 : i32
      %dma_start3A_110 = tpu.memref_slice %arg5[%mul3A_109] : memref<163840xi32, #tpu.memory_space<hbm>> -> memref<64xi32, #tpu.memory_space<hbm>>
      %dma_start3A_111 = tpu.memref_slice %arg5[%mul3A_109] : memref<163840xi32, #tpu.memory_space<hbm>> -> memref<64xi32, #tpu.memory_space<hbm>>
      tpu.enqueue_dma source(%dma_start3A_111 : memref<64xi32, #tpu.memory_space<hbm>>) target(%arg11 : memref<64xi32, #tpu.memory_space<vmem>>) target_semaphore(%arg20 : memref<!tpu.dma_semaphore, #tpu.memory_space<semaphore_mem>>)
      %dma_wait3A_112 = arith.constant 0 : i32
      %dma_wait3A_113 = tpu.memref_slice %arg4[%dma_wait3A_112] : memref<163840xi32, #tpu.memory_space<hbm>> -> memref<64xi32, #tpu.memory_space<hbm>>
      %dma_wait3A_114 = arith.constant 0 : i32
      %dma_wait3A_115 = tpu.memref_slice %arg4[%dma_wait3A_114] : memref<163840xi32, #tpu.memory_space<hbm>> -> memref<64xi32, #tpu.memory_space<hbm>>
      tpu.wait_dma2 semaphore(%arg20 : memref<!tpu.dma_semaphore, #tpu.memory_space<semaphore_mem>>) src(%dma_wait3A_115 : memref<64xi32, #tpu.memory_space<hbm>>) dst(%arg9 : memref<64xi32, #tpu.memory_space<vmem>>)
      %dma_wait3A_116 = arith.constant 0 : i32
      %dma_wait3A_117 = tpu.memref_slice %arg5[%dma_wait3A_116] : memref<163840xi32, #tpu.memory_space<hbm>> -> memref<64xi32, #tpu.memory_space<hbm>>
      %dma_wait3A_118 = arith.constant 0 : i32
      %dma_wait3A_119 = tpu.memref_slice %arg5[%dma_wait3A_118] : memref<163840xi32, #tpu.memory_space<hbm>> -> memref<64xi32, #tpu.memory_space<hbm>>
      tpu.wait_dma2 semaphore(%arg20 : memref<!tpu.dma_semaphore, #tpu.memory_space<semaphore_mem>>) src(%dma_wait3A_119 : memref<64xi32, #tpu.memory_space<hbm>>) dst(%arg11 : memref<64xi32, #tpu.memory_space<vmem>>)
      %dma_start3A_120 = arith.constant 0 : i32
      %dma_start3A_121 = arith.constant 0 : i32
      %dma_start3A_122 = tpu.memref_slice %arg2[%dma_start3A_120, %dma_start3A_121] : memref<10000x128xf32, #tpu.memory_space<hbm>> -> memref<10000x128xf32, #tpu.memory_space<hbm>>
      tpu.enqueue_indirect_dma source(%dma_start3A_122 : memref<10000x128xf32, #tpu.memory_space<hbm>>) target(%arg13 : memref<64x128xf32, #tpu.memory_space<vmem>>) offsets(%arg9 : memref<64xi32, #tpu.memory_space<vmem>>) semaphore(%arg22 : memref<!tpu.dma_semaphore, #tpu.memory_space<semaphore_mem>>)
      %dma_start3A_123 = arith.constant 0 : i32
      %dma_start3A_124 = arith.constant 0 : i32
      %dma_start3A_125 = tpu.memref_slice %arg2[%dma_start3A_123, %dma_start3A_124] : memref<10000x128xf32, #tpu.memory_space<hbm>> -> memref<10000x128xf32, #tpu.memory_space<hbm>>
      tpu.enqueue_indirect_dma source(%dma_start3A_125 : memref<10000x128xf32, #tpu.memory_space<hbm>>) target(%arg15 : memref<64x128xf32, #tpu.memory_space<vmem>>) offsets(%arg11 : memref<64xi32, #tpu.memory_space<vmem>>) semaphore(%arg24 : memref<!tpu.dma_semaphore, #tpu.memory_space<semaphore_mem>>)
      %add3A_126 = arith.addi %select_n3A_8, %add3A_101 : i32
      %mul3A_127 = arith.constant 64 : i32
      %mul3A_128 = arith.muli %add3A_126, %mul3A_127 : i32
      %dma_start3A_129 = arith.constant 0 : i32
      %dma_start3A_130 = tpu.memref_slice %arg3[%mul3A_128, %dma_start3A_129] : memref<163840x128xf32, #tpu.memory_space<hbm>> -> memref<64x128xf32, #tpu.memory_space<hbm>>
      %dma_start3A_131 = arith.constant 0 : i32
      %dma_start3A_132 = tpu.memref_slice %arg3[%mul3A_128, %dma_start3A_131] : memref<163840x128xf32, #tpu.memory_space<hbm>> -> memref<64x128xf32, #tpu.memory_space<hbm>>
      tpu.enqueue_dma source(%dma_start3A_132 : memref<64x128xf32, #tpu.memory_space<hbm>>) target(%arg17 : memref<64x128xf32, #tpu.memory_space<vmem>>) target_semaphore(%arg26 : memref<!tpu.dma_semaphore, #tpu.memory_space<semaphore_mem>>)
      %dma_wait3A_133 = arith.constant 0 : i32
      %dma_wait3A_134 = arith.constant 0 : i32
      %dma_wait3A_135 = tpu.memref_slice %arg2[%dma_wait3A_133, %dma_wait3A_134] : memref<10000x128xf32, #tpu.memory_space<hbm>> -> memref<10000x128xf32, #tpu.memory_space<hbm>>
      tpu.wait_indirect_dma semaphore(%arg22 : memref<!tpu.dma_semaphore, #tpu.memory_space<semaphore_mem>>) src(%dma_wait3A_135 : memref<10000x128xf32, #tpu.memory_space<hbm>>) dst(%arg13 : memref<64x128xf32, #tpu.memory_space<vmem>>)
      %dma_wait3A_136 = arith.constant 0 : i32
      %dma_wait3A_137 = arith.constant 0 : i32
      %dma_wait3A_138 = tpu.memref_slice %arg2[%dma_wait3A_136, %dma_wait3A_137] : memref<10000x128xf32, #tpu.memory_space<hbm>> -> memref<10000x128xf32, #tpu.memory_space<hbm>>
      tpu.wait_indirect_dma semaphore(%arg24 : memref<!tpu.dma_semaphore, #tpu.memory_space<semaphore_mem>>) src(%dma_wait3A_138 : memref<10000x128xf32, #tpu.memory_space<hbm>>) dst(%arg15 : memref<64x128xf32, #tpu.memory_space<vmem>>)
      %dma_wait3A_139 = arith.constant 0 : i32
      %dma_wait3A_140 = arith.constant 0 : i32
      %dma_wait3A_141 = tpu.memref_slice %arg3[%dma_wait3A_139, %dma_wait3A_140] : memref<163840x128xf32, #tpu.memory_space<hbm>> -> memref<64x128xf32, #tpu.memory_space<hbm>>
      %dma_wait3A_142 = arith.constant 0 : i32
      %dma_wait3A_143 = arith.constant 0 : i32
      %dma_wait3A_144 = tpu.memref_slice %arg3[%dma_wait3A_142, %dma_wait3A_143] : memref<163840x128xf32, #tpu.memory_space<hbm>> -> memref<64x128xf32, #tpu.memory_space<hbm>>
      tpu.wait_dma2 semaphore(%arg26 : memref<!tpu.dma_semaphore, #tpu.memory_space<semaphore_mem>>) src(%dma_wait3A_144 : memref<64x128xf32, #tpu.memory_space<hbm>>) dst(%arg17 : memref<64x128xf32, #tpu.memory_space<vmem>>)
      %scan3A_145 = arith.constant 0 : i32
      %scan3A_146 = arith.constant 0 : i32
      %scan3A_147 = arith.constant 64 : i32
      %scan3A_148 = arith.addi %scan3A_146, %scan3A_147 : i32
      %scan3A_149 = arith.constant 1 : i32
      %scan3A_150 = scf.for %scan3A_153 = %scan3A_146 to %scan3A_148 step %scan3A_149 iter_args(%scan3A_154 = %scan3A_145) -> (i32)  : i32 {
        %get3A = arith.index_cast %scan3A_153 : i32 to index
        %get3A_155 = arith.constant 0 : index
        %get3A_156 = tpu.vector_load %arg17[%get3A, %get3A_155] {strides = array<i32>} : memref<64x128xf32, #tpu.memory_space<vmem>>, vector<16xf32>,
        %get3A_157 = arith.index_cast %scan3A_153 : i32 to index
        %get3A_158 = arith.constant 0 : index
        %get3A_159 = tpu.vector_load %arg13[%get3A_157, %get3A_158] {strides = array<i32>} : memref<64x128xf32, #tpu.memory_space<vmem>>, vector<16xf32>,
        %mul3A_160 = arith.mulf %get3A_159, %get3A_156 : vector<16xf32>
        %swap3A = arith.index_cast %scan3A_153 : i32 to index
        %swap3A_161 = arith.constant 0 : index
        %swap3A_162 = tpu.vector_load %arg13[%swap3A, %swap3A_161] {strides = array<i32>} : memref<64x128xf32, #tpu.memory_space<vmem>>, vector<16xf32>,
        tpu.vector_store %arg13[%swap3A, %swap3A_161], %mul3A_160 {strides = array<i32>} : memref<64x128xf32, #tpu.memory_space<vmem>>, vector<16xf32>,
        %get3A_163 = arith.index_cast %scan3A_153 : i32 to index
        %get3A_164 = arith.constant 0 : index
        %get3A_165 = tpu.vector_load %arg15[%get3A_163, %get3A_164] {strides = array<i32>} : memref<64x128xf32, #tpu.memory_space<vmem>>, vector<16xf32>,
        %mul3A_166 = arith.mulf %get3A_165, %get3A_156 : vector<16xf32>
        %swap3A_167 = arith.index_cast %scan3A_153 : i32 to index
        %swap3A_168 = arith.constant 0 : index
        %swap3A_169 = tpu.vector_load %arg15[%swap3A_167, %swap3A_168] {strides = array<i32>} : memref<64x128xf32, #tpu.memory_space<vmem>>, vector<16xf32>,
        tpu.vector_store %arg15[%swap3A_167, %swap3A_168], %mul3A_166 {strides = array<i32>} : memref<64x128xf32, #tpu.memory_space<vmem>>, vector<16xf32>,
        %get3A_170 = arith.index_cast %scan3A_153 : i32 to index
        %get3A_171 = arith.constant 16 : index
        %get3A_172 = tpu.vector_load %arg17[%get3A_170, %get3A_171] {strides = array<i32>} : memref<64x128xf32, #tpu.memory_space<vmem>>, vector<16xf32>,
        %get3A_173 = arith.index_cast %scan3A_153 : i32 to index
        %get3A_174 = arith.constant 16 : index
        %get3A_175 = tpu.vector_load %arg13[%get3A_173, %get3A_174] {strides = array<i32>} : memref<64x128xf32, #tpu.memory_space<vmem>>, vector<16xf32>,
        %mul3A_176 = arith.mulf %get3A_175, %get3A_172 : vector<16xf32>
        %swap3A_177 = arith.index_cast %scan3A_153 : i32 to index
        %swap3A_178 = arith.constant 16 : index
        %swap3A_179 = tpu.vector_load %arg13[%swap3A_177, %swap3A_178] {strides = array<i32>} : memref<64x128xf32, #tpu.memory_space<vmem>>, vector<16xf32>,
        tpu.vector_store %arg13[%swap3A_177, %swap3A_178], %mul3A_176 {strides = array<i32>} : memref<64x128xf32, #tpu.memory_space<vmem>>, vector<16xf32>,
        %get3A_180 = arith.index_cast %scan3A_153 : i32 to index
        %get3A_181 = arith.constant 16 : index
        %get3A_182 = tpu.vector_load %arg15[%get3A_180, %get3A_181] {strides = array<i32>} : memref<64x128xf32, #tpu.memory_space<vmem>>, vector<16xf32>,
        %mul3A_183 = arith.mulf %get3A_182, %get3A_172 : vector<16xf32>
        %swap3A_184 = arith.index_cast %scan3A_153 : i32 to index
        %swap3A_185 = arith.constant 16 : index
        %swap3A_186 = tpu.vector_load %arg15[%swap3A_184, %swap3A_185] {strides = array<i32>} : memref<64x128xf32, #tpu.memory_space<vmem>>, vector<16xf32>,
        tpu.vector_store %arg15[%swap3A_184, %swap3A_185], %mul3A_183 {strides = array<i32>} : memref<64x128xf32, #tpu.memory_space<vmem>>, vector<16xf32>,
        %get3A_187 = arith.index_cast %scan3A_153 : i32 to index
        %get3A_188 = arith.constant 32 : index
        %get3A_189 = tpu.vector_load %arg17[%get3A_187, %get3A_188] {strides = array<i32>} : memref<64x128xf32, #tpu.memory_space<vmem>>, vector<16xf32>,
        %get3A_190 = arith.index_cast %scan3A_153 : i32 to index
        %get3A_191 = arith.constant 32 : index
        %get3A_192 = tpu.vector_load %arg13[%get3A_190, %get3A_191] {strides = array<i32>} : memref<64x128xf32, #tpu.memory_space<vmem>>, vector<16xf32>,
        %mul3A_193 = arith.mulf %get3A_192, %get3A_189 : vector<16xf32>
        %swap3A_194 = arith.index_cast %scan3A_153 : i32 to index
        %swap3A_195 = arith.constant 32 : index
        %swap3A_196 = tpu.vector_load %arg13[%swap3A_194, %swap3A_195] {strides = array<i32>} : memref<64x128xf32, #tpu.memory_space<vmem>>, vector<16xf32>,
        tpu.vector_store %arg13[%swap3A_194, %swap3A_195], %mul3A_193 {strides = array<i32>} : memref<64x128xf32, #tpu.memory_space<vmem>>, vector<16xf32>,
        %get3A_197 = arith.index_cast %scan3A_153 : i32 to index
        %get3A_198 = arith.constant 32 : index
        %get3A_199 = tpu.vector_load %arg15[%get3A_197, %get3A_198] {strides = array<i32>} : memref<64x128xf32, #tpu.memory_space<vmem>>, vector<16xf32>,
        %mul3A_200 = arith.mulf %get3A_199, %get3A_189 : vector<16xf32>
        %swap3A_201 = arith.index_cast %scan3A_153 : i32 to index
        %swap3A_202 = arith.constant 32 : index
        %swap3A_203 = tpu.vector_load %arg15[%swap3A_201, %swap3A_202] {strides = array<i32>} : memref<64x128xf32, #tpu.memory_space<vmem>>, vector<16xf32>,
        tpu.vector_store %arg15[%swap3A_201, %swap3A_202], %mul3A_200 {strides = array<i32>} : memref<64x128xf32, #tpu.memory_space<vmem>>, vector<16xf32>,
        %get3A_204 = arith.index_cast %scan3A_153 : i32 to index
        %get3A_205 = arith.constant 48 : index
        %get3A_206 = tpu.vector_load %arg17[%get3A_204, %get3A_205] {strides = array<i32>} : memref<64x128xf32, #tpu.memory_space<vmem>>, vector<16xf32>,
        %get3A_207 = arith.index_cast %scan3A_153 : i32 to index
        %get3A_208 = arith.constant 48 : index
        %get3A_209 = tpu.vector_load %arg13[%get3A_207, %get3A_208] {strides = array<i32>} : memref<64x128xf32, #tpu.memory_space<vmem>>, vector<16xf32>,
        %mul3A_210 = arith.mulf %get3A_209, %get3A_206 : vector<16xf32>
        %swap3A_211 = arith.index_cast %scan3A_153 : i32 to index
        %swap3A_212 = arith.constant 48 : index
        %swap3A_213 = tpu.vector_load %arg13[%swap3A_211, %swap3A_212] {strides = array<i32>} : memref<64x128xf32, #tpu.memory_space<vmem>>, vector<16xf32>,
        tpu.vector_store %arg13[%swap3A_211, %swap3A_212], %mul3A_210 {strides = array<i32>} : memref<64x128xf32, #tpu.memory_space<vmem>>, vector<16xf32>,
        %get3A_214 = arith.index_cast %scan3A_153 : i32 to index
        %get3A_215 = arith.constant 48 : index
        %get3A_216 = tpu.vector_load %arg15[%get3A_214, %get3A_215] {strides = array<i32>} : memref<64x128xf32, #tpu.memory_space<vmem>>, vector<16xf32>,
        %mul3A_217 = arith.mulf %get3A_216, %get3A_206 : vector<16xf32>
        %swap3A_218 = arith.index_cast %scan3A_153 : i32 to index
        %swap3A_219 = arith.constant 48 : index
        %swap3A_220 = tpu.vector_load %arg15[%swap3A_218, %swap3A_219] {strides = array<i32>} : memref<64x128xf32, #tpu.memory_space<vmem>>, vector<16xf32>,
        tpu.vector_store %arg15[%swap3A_218, %swap3A_219], %mul3A_217 {strides = array<i32>} : memref<64x128xf32, #tpu.memory_space<vmem>>, vector<16xf32>,
        %get3A_221 = arith.index_cast %scan3A_153 : i32 to index
        %get3A_222 = arith.constant 64 : index
        %get3A_223 = tpu.vector_load %arg17[%get3A_221, %get3A_222] {strides = array<i32>} : memref<64x128xf32, #tpu.memory_space<vmem>>, vector<16xf32>,
        %get3A_224 = arith.index_cast %scan3A_153 : i32 to index
        %get3A_225 = arith.constant 64 : index
        %get3A_226 = tpu.vector_load %arg13[%get3A_224, %get3A_225] {strides = array<i32>} : memref<64x128xf32, #tpu.memory_space<vmem>>, vector<16xf32>,
        %mul3A_227 = arith.mulf %get3A_226, %get3A_223 : vector<16xf32>
        %swap3A_228 = arith.index_cast %scan3A_153 : i32 to index
        %swap3A_229 = arith.constant 64 : index
        %swap3A_230 = tpu.vector_load %arg13[%swap3A_228, %swap3A_229] {strides = array<i32>} : memref<64x128xf32, #tpu.memory_space<vmem>>, vector<16xf32>,
        tpu.vector_store %arg13[%swap3A_228, %swap3A_229], %mul3A_227 {strides = array<i32>} : memref<64x128xf32, #tpu.memory_space<vmem>>, vector<16xf32>,
        %get3A_231 = arith.index_cast %scan3A_153 : i32 to index
        %get3A_232 = arith.constant 64 : index
        %get3A_233 = tpu.vector_load %arg15[%get3A_231, %get3A_232] {strides = array<i32>} : memref<64x128xf32, #tpu.memory_space<vmem>>, vector<16xf32>,
        %mul3A_234 = arith.mulf %get3A_233, %get3A_223 : vector<16xf32>
        %swap3A_235 = arith.index_cast %scan3A_153 : i32 to index
        %swap3A_236 = arith.constant 64 : index
        %swap3A_237 = tpu.vector_load %arg15[%swap3A_235, %swap3A_236] {strides = array<i32>} : memref<64x128xf32, #tpu.memory_space<vmem>>, vector<16xf32>,
        tpu.vector_store %arg15[%swap3A_235, %swap3A_236], %mul3A_234 {strides = array<i32>} : memref<64x128xf32, #tpu.memory_space<vmem>>, vector<16xf32>,
        %get3A_238 = arith.index_cast %scan3A_153 : i32 to index
        %get3A_239 = arith.constant 80 : index
        %get3A_240 = tpu.vector_load %arg17[%get3A_238, %get3A_239] {strides = array<i32>} : memref<64x128xf32, #tpu.memory_space<vmem>>, vector<16xf32>,
        %get3A_241 = arith.index_cast %scan3A_153 : i32 to index
        %get3A_242 = arith.constant 80 : index
        %get3A_243 = tpu.vector_load %arg13[%get3A_241, %get3A_242] {strides = array<i32>} : memref<64x128xf32, #tpu.memory_space<vmem>>, vector<16xf32>,
        %mul3A_244 = arith.mulf %get3A_243, %get3A_240 : vector<16xf32>
        %swap3A_245 = arith.index_cast %scan3A_153 : i32 to index
        %swap3A_246 = arith.constant 80 : index
        %swap3A_247 = tpu.vector_load %arg13[%swap3A_245, %swap3A_246] {strides = array<i32>} : memref<64x128xf32, #tpu.memory_space<vmem>>, vector<16xf32>,
        tpu.vector_store %arg13[%swap3A_245, %swap3A_246], %mul3A_244 {strides = array<i32>} : memref<64x128xf32, #tpu.memory_space<vmem>>, vector<16xf32>,
        %get3A_248 = arith.index_cast %scan3A_153 : i32 to index
        %get3A_249 = arith.constant 80 : index
        %get3A_250 = tpu.vector_load %arg15[%get3A_248, %get3A_249] {strides = array<i32>} : memref<64x128xf32, #tpu.memory_space<vmem>>, vector<16xf32>,
        %mul3A_251 = arith.mulf %get3A_250, %get3A_240 : vector<16xf32>
        %swap3A_252 = arith.index_cast %scan3A_153 : i32 to index
        %swap3A_253 = arith.constant 80 : index
        %swap3A_254 = tpu.vector_load %arg15[%swap3A_252, %swap3A_253] {strides = array<i32>} : memref<64x128xf32, #tpu.memory_space<vmem>>, vector<16xf32>,
        tpu.vector_store %arg15[%swap3A_252, %swap3A_253], %mul3A_251 {strides = array<i32>} : memref<64x128xf32, #tpu.memory_space<vmem>>, vector<16xf32>,
        %get3A_255 = arith.index_cast %scan3A_153 : i32 to index
        %get3A_256 = arith.constant 96 : index
        %get3A_257 = tpu.vector_load %arg17[%get3A_255, %get3A_256] {strides = array<i32>} : memref<64x128xf32, #tpu.memory_space<vmem>>, vector<16xf32>,
        %get3A_258 = arith.index_cast %scan3A_153 : i32 to index
        %get3A_259 = arith.constant 96 : index
        %get3A_260 = tpu.vector_load %arg13[%get3A_258, %get3A_259] {strides = array<i32>} : memref<64x128xf32, #tpu.memory_space<vmem>>, vector<16xf32>,
        %mul3A_261 = arith.mulf %get3A_260, %get3A_257 : vector<16xf32>
        %swap3A_262 = arith.index_cast %scan3A_153 : i32 to index
        %swap3A_263 = arith.constant 96 : index
        %swap3A_264 = tpu.vector_load %arg13[%swap3A_262, %swap3A_263] {strides = array<i32>} : memref<64x128xf32, #tpu.memory_space<vmem>>, vector<16xf32>,
        tpu.vector_store %arg13[%swap3A_262, %swap3A_263], %mul3A_261 {strides = array<i32>} : memref<64x128xf32, #tpu.memory_space<vmem>>, vector<16xf32>,
        %get3A_265 = arith.index_cast %scan3A_153 : i32 to index
        %get3A_266 = arith.constant 96 : index
        %get3A_267 = tpu.vector_load %arg15[%get3A_265, %get3A_266] {strides = array<i32>} : memref<64x128xf32, #tpu.memory_space<vmem>>, vector<16xf32>,
        %mul3A_268 = arith.mulf %get3A_267, %get3A_257 : vector<16xf32>
        %swap3A_269 = arith.index_cast %scan3A_153 : i32 to index
        %swap3A_270 = arith.constant 96 : index
        %swap3A_271 = tpu.vector_load %arg15[%swap3A_269, %swap3A_270] {strides = array<i32>} : memref<64x128xf32, #tpu.memory_space<vmem>>, vector<16xf32>,
        tpu.vector_store %arg15[%swap3A_269, %swap3A_270], %mul3A_268 {strides = array<i32>} : memref<64x128xf32, #tpu.memory_space<vmem>>, vector<16xf32>,
        %get3A_272 = arith.index_cast %scan3A_153 : i32 to index
        %get3A_273 = arith.constant 112 : index
        %get3A_274 = tpu.vector_load %arg17[%get3A_272, %get3A_273] {strides = array<i32>} : memref<64x128xf32, #tpu.memory_space<vmem>>, vector<16xf32>,
        %get3A_275 = arith.index_cast %scan3A_153 : i32 to index
        %get3A_276 = arith.constant 112 : index
        %get3A_277 = tpu.vector_load %arg13[%get3A_275, %get3A_276] {strides = array<i32>} : memref<64x128xf32, #tpu.memory_space<vmem>>, vector<16xf32>,
        %mul3A_278 = arith.mulf %get3A_277, %get3A_274 : vector<16xf32>
        %swap3A_279 = arith.index_cast %scan3A_153 : i32 to index
        %swap3A_280 = arith.constant 112 : index
        %swap3A_281 = tpu.vector_load %arg13[%swap3A_279, %swap3A_280] {strides = array<i32>} : memref<64x128xf32, #tpu.memory_space<vmem>>, vector<16xf32>,
        tpu.vector_store %arg13[%swap3A_279, %swap3A_280], %mul3A_278 {strides = array<i32>} : memref<64x128xf32, #tpu.memory_space<vmem>>, vector<16xf32>,
        %get3A_282 = arith.index_cast %scan3A_153 : i32 to index
        %get3A_283 = arith.constant 112 : index
        %get3A_284 = tpu.vector_load %arg15[%get3A_282, %get3A_283] {strides = array<i32>} : memref<64x128xf32, #tpu.memory_space<vmem>>, vector<16xf32>,
        %mul3A_285 = arith.mulf %get3A_284, %get3A_274 : vector<16xf32>
        %swap3A_286 = arith.index_cast %scan3A_153 : i32 to index
        %swap3A_287 = arith.constant 112 : index
        %swap3A_288 = tpu.vector_load %arg15[%swap3A_286, %swap3A_287] {strides = array<i32>} : memref<64x128xf32, #tpu.memory_space<vmem>>, vector<16xf32>,
        tpu.vector_store %arg15[%swap3A_286, %swap3A_287], %mul3A_285 {strides = array<i32>} : memref<64x128xf32, #tpu.memory_space<vmem>>, vector<16xf32>,
        %scan3A_289 = arith.constant 0 : i32
        scf.yield %scan3A_289 : i32
      }
      %scan3A_151 = arith.constant 64 : i32
      "tpu.region"() ({
        %run_scoped3A = tpu.sem_alloc : memref<!tpu.dma_semaphore, #tpu.memory_space<semaphore_mem>>
        %dma_start3A_153 = arith.constant 0 : i32
        %dma_start3A_154 = arith.constant 0 : i32
        %dma_start3A_155 = tpu.memref_slice %arg18[%dma_start3A_153, %dma_start3A_154] : memref<10112x128xf32, #tpu.memory_space<vmem_shared>> -> memref<10112x128xf32, #tpu.memory_space<vmem_shared>>
        tpu.enqueue_indirect_dma source(%arg13 : memref<64x128xf32, #tpu.memory_space<vmem>>) target(%dma_start3A_155 : memref<10112x128xf32, #tpu.memory_space<vmem_shared>>) offsets(%arg11 : memref<64xi32, #tpu.memory_space<vmem>>) semaphore(%run_scoped3A : memref<!tpu.dma_semaphore, #tpu.memory_space<semaphore_mem>>) {add = true}
        %dma_wait3A_156 = arith.constant 0 : i32
        %dma_wait3A_157 = arith.constant 0 : i32
        %dma_wait3A_158 = tpu.memref_slice %arg18[%dma_wait3A_156, %dma_wait3A_157] : memref<10112x128xf32, #tpu.memory_space<vmem_shared>> -> memref<10112x128xf32, #tpu.memory_space<vmem_shared>>
        tpu.wait_indirect_dma semaphore(%run_scoped3A : memref<!tpu.dma_semaphore, #tpu.memory_space<semaphore_mem>>) src(%arg13 : memref<64x128xf32, #tpu.memory_space<vmem>>) dst(%dma_wait3A_158 : memref<10112x128xf32, #tpu.memory_space<vmem_shared>>)
        tpu.yield
      }) : () -> ()
      "tpu.region"() ({
        %run_scoped3A = tpu.sem_alloc : memref<!tpu.dma_semaphore, #tpu.memory_space<semaphore_mem>>
        %dma_start3A_153 = arith.constant 0 : i32
        %dma_start3A_154 = arith.constant 0 : i32
        %dma_start3A_155 = tpu.memref_slice %arg18[%dma_start3A_153, %dma_start3A_154] : memref<10112x128xf32, #tpu.memory_space<vmem_shared>> -> memref<10112x128xf32, #tpu.memory_space<vmem_shared>>
        tpu.enqueue_indirect_dma source(%arg15 : memref<64x128xf32, #tpu.memory_space<vmem>>) target(%dma_start3A_155 : memref<10112x128xf32, #tpu.memory_space<vmem_shared>>) offsets(%arg9 : memref<64xi32, #tpu.memory_space<vmem>>) semaphore(%run_scoped3A : memref<!tpu.dma_semaphore, #tpu.memory_space<semaphore_mem>>) {add = true}
        %dma_wait3A_156 = arith.constant 0 : i32
        %dma_wait3A_157 = arith.constant 0 : i32
        %dma_wait3A_158 = tpu.memref_slice %arg18[%dma_wait3A_156, %dma_wait3A_157] : memref<10112x128xf32, #tpu.memory_space<vmem_shared>> -> memref<10112x128xf32, #tpu.memory_space<vmem_shared>>
        tpu.wait_indirect_dma semaphore(%run_scoped3A : memref<!tpu.dma_semaphore, #tpu.memory_space<semaphore_mem>>) src(%arg15 : memref<64x128xf32, #tpu.memory_space<vmem>>) dst(%dma_wait3A_158 : memref<10112x128xf32, #tpu.memory_space<vmem_shared>>)
        tpu.yield
      }) : () -> ()
      %while3A_152 = arith.constant 0 : i32
      scf.yield %while3A_152 : i32
    }
    %barrier3A_40 = arith.constant 0 : index
    tpu.barrier barrier_id(%barrier3A_40)
    %mul3A_41 = arith.constant 632 : i32
    %mul3A_42 = arith.muli %arg1, %mul3A_41 : i32
    %mul3A_43 = arith.constant 632 : i32
    %mul3A_44 = arith.muli %arg1, %mul3A_43 : i32
    "tpu.region"() ({
      %run_scoped3A = tpu.sem_alloc : memref<!tpu.dma_semaphore, #tpu.memory_space<semaphore_mem>>
      %dma_start3A = arith.constant 0 : i32
      %dma_start3A_45 = tpu.memref_slice %arg7[%arg0, %mul3A_44, %dma_start3A] : memref<2x10112x128xf32, #tpu.memory_space<hbm>> -> memref<1x632x128xf32, #tpu.memory_space<hbm>>
      %dma_start3A_46 = tpu.memref_squeeze %dma_start3A_45 : memref<1x632x128xf32, #tpu.memory_space<hbm>> -> memref<632x128xf32, #tpu.memory_space<hbm>>
      %dma_start3A_47 = arith.constant 0 : i32
      %dma_start3A_48 = tpu.memref_slice %arg18[%mul3A_42, %dma_start3A_47] : memref<10112x128xf32, #tpu.memory_space<vmem_shared>> -> memref<632x128xf32, #tpu.memory_space<vmem_shared>>
      tpu.enqueue_dma source(%dma_start3A_48 : memref<632x128xf32, #tpu.memory_space<vmem_shared>>) target(%dma_start3A_46 : memref<632x128xf32, #tpu.memory_space<hbm>>) target_semaphore(%run_scoped3A : memref<!tpu.dma_semaphore, #tpu.memory_space<semaphore_mem>>)
      %dma_wait3A = arith.constant 0 : i32
      %dma_wait3A_49 = tpu.memref_slice %arg7[%arg0, %mul3A_44, %dma_wait3A] : memref<2x10112x128xf32, #tpu.memory_space<hbm>> -> memref<1x632x128xf32, #tpu.memory_space<hbm>>
      %dma_wait3A_50 = tpu.memref_squeeze %dma_wait3A_49 : memref<1x632x128xf32, #tpu.memory_space<hbm>> -> memref<632x128xf32, #tpu.memory_space<hbm>>
      %dma_wait3A_51 = arith.constant 0 : i32
      %dma_wait3A_52 = tpu.memref_slice %arg18[%mul3A_42, %dma_wait3A_51] : memref<10112x128xf32, #tpu.memory_space<vmem_shared>> -> memref<632x128xf32, #tpu.memory_space<vmem_shared>>
      tpu.wait_dma2 semaphore(%run_scoped3A : memref<!tpu.dma_semaphore, #tpu.memory_space<semaphore_mem>>) src(%dma_wait3A_52 : memref<632x128xf32, #tpu.memory_space<vmem_shared>>) dst(%dma_wait3A_50 : memref<632x128xf32, #tpu.memory_space<hbm>>)
      tpu.yield
    }) : () -> ()
    return
  }
}

module attributes {stable_mosaic.version = 14 : i64} {
  func.func @_tc_embed_body(%arg0: i32, %arg1: memref<1000x1xi32, #tpu.memory_space<vmem>>, %arg2: memref<128x128xf32, #tpu.memory_space<vmem>>, %arg3: memref<3x128x128xf32, #tpu.memory_space<vmem>>, %arg4: memref<3x1x128xf32, #tpu.memory_space<vmem>>, %arg5: memref<1000x128xf32, #tpu.memory_space<vmem>>, %arg6: memref<1000x128xf32, #tpu.memory_space<vmem>>) attributes {dimension_semantics = [#tpu.dimension_semantics<arbitrary>], iteration_bounds = array<i64: 10>, scalar_prefetch = 0 : i64, scratch_operands = 0 : i64, tpu.core_type = #tpu.core_type<tc>, window_params = [{transform_indices = @transform_0, window_bounds = array<i64: 1000, 1>}, {pipeline_mode = #tpu.pipeline_mode<synchronous>, transform_indices = @transform_1, window_bounds = array<i64: 128, 128>}, {pipeline_mode = #tpu.pipeline_mode<synchronous>, transform_indices = @transform_2, window_bounds = array<i64: 3, 128, 128>}, {pipeline_mode = #tpu.pipeline_mode<synchronous>, transform_indices = @transform_3, window_bounds = array<i64: 3, 1, 128>}, {transform_indices = @transform_4, window_bounds = array<i64: 1000, 128>}, {transform_indices = @transform_5, window_bounds = array<i64: 1000, 128>}]} {
    %get3A = arith.constant 0 : index
    %get3A_0 = arith.constant 0 : index
    %get3A_1 = vector.load %arg1[%get3A, %get3A_0] : memref<1000x1xi32, #tpu.memory_space<vmem>>, vector<1000x1xi32>
    %iota3A = tpu.iota {dimensions = array<i32: 1>} : vector<1000x128xi32>
    %eq3A = vector.broadcast %get3A_1 : vector<1000x1xi32> to vector<1000x128xi32>
    %eq3A_2 = arith.cmpi eq, %eq3A, %iota3A : vector<1000x128xi32>
    %convert_element_type3A = arith.extui %eq3A_2 : vector<1000x128xi1> to vector<1000x128xi32>
    %convert_element_type3A_3 = arith.sitofp %convert_element_type3A : vector<1000x128xi32> to vector<1000x128xf32>
    %get3A_4 = arith.constant 0 : index
    %get3A_5 = arith.constant 0 : index
    %get3A_6 = vector.load %arg2[%get3A_4, %get3A_5] : memref<128x128xf32, #tpu.memory_space<vmem>>, vector<128x128xf32>
    %dot_general3A = arith.constant dense<0.000000e+00> : vector<1000x128xf32>
    %dot_general3A_7 = tpu.matmul %convert_element_type3A_3, %get3A_6, %dot_general3A {dimension_numbers = #tpu.dot_dimension_numbers<[1], [0], [0], [1], [0, 0, 1, 1], [], []>, precision = #tpu.contract_precision<fp32>, transpose_lhs_hint = false} : vector<1000x128xf32>, vector<128x128xf32>, vector<1000x128xf32> -> vector<1000x128xf32>
    %swap3A = arith.constant 0 : index
    %swap3A_8 = arith.constant 0 : index
    %swap3A_9 = vector.load %arg5[%swap3A, %swap3A_8] : memref<1000x128xf32, #tpu.memory_space<vmem>>, vector<1000x128xf32>
    tpu.vector_store %arg5[%swap3A, %swap3A_8], %dot_general3A_7 {strides = array<i32>} : memref<1000x128xf32, #tpu.memory_space<vmem>>, vector<1000x128xf32>,
    %get3A_10 = arith.constant 0 : index
    %get3A_11 = arith.constant 0 : index
    %get3A_12 = arith.constant 0 : index
    %get3A_13 = vector.load %arg3[%get3A_10, %get3A_11, %get3A_12] : memref<3x128x128xf32, #tpu.memory_space<vmem>>, vector<1x128x128xf32>
    %get3A_14 = vector.shape_cast %get3A_13 : vector<1x128x128xf32> to vector<128x128xf32>
    %dot_general3A_15 = arith.constant dense<0.000000e+00> : vector<1000x128xf32>
    %dot_general3A_16 = tpu.matmul %dot_general3A_7, %get3A_14, %dot_general3A_15 {dimension_numbers = #tpu.dot_dimension_numbers<[1], [0], [0], [1], [0, 0, 1, 1], [], []>, transpose_lhs_hint = false} : vector<1000x128xf32>, vector<128x128xf32>, vector<1000x128xf32> -> vector<1000x128xf32>
    %get3A_17 = arith.constant 0 : index
    %get3A_18 = arith.constant 0 : index
    %get3A_19 = arith.constant 0 : index
    %get3A_20 = vector.load %arg4[%get3A_17, %get3A_18, %get3A_19] : memref<3x1x128xf32, #tpu.memory_space<vmem>>, vector<1x1x128xf32>
    %get3A_21 = vector.shape_cast %get3A_20 : vector<1x1x128xf32> to vector<1x128xf32>
    %add3A = vector.broadcast %get3A_21 : vector<1x128xf32> to vector<1000x128xf32>
    %add3A_22 = arith.addf %dot_general3A_16, %add3A : vector<1000x128xf32>
    %swap3A_23 = arith.constant 0 : index
    %swap3A_24 = arith.constant 0 : index
    %swap3A_25 = vector.load %arg6[%swap3A_23, %swap3A_24] : memref<1000x128xf32, #tpu.memory_space<vmem>>, vector<1000x128xf32>
    tpu.vector_store %arg6[%swap3A_23, %swap3A_24], %add3A_22 {strides = array<i32>} : memref<1000x128xf32, #tpu.memory_space<vmem>>, vector<1000x128xf32>,
    return
  }
  func.func @transform_0(%arg0: i32) -> (i32, i32) {
    %c0_i32 = arith.constant 0 : i32
    %c0_i32_0 = arith.constant 0 : i32
    return %arg0, %c0_i32 : i32, i32
  }
  func.func @transform_1(%arg0: i32) -> (i32, i32) {
    %c0_i32 = arith.constant 0 : i32
    %c0_i32_0 = arith.constant 0 : i32
    %c0_i32_1 = arith.constant 0 : i32
    return %c0_i32, %c0_i32_0 : i32, i32
  }
  func.func @transform_2(%arg0: i32) -> (i32, i32, i32) {
    %c0_i32 = arith.constant 0 : i32
    %c0_i32_0 = arith.constant 0 : i32
    %c0_i32_1 = arith.constant 0 : i32
    %c0_i32_2 = arith.constant 0 : i32
    return %c0_i32, %c0_i32_0, %c0_i32_1 : i32, i32, i32
  }
  func.func @transform_3(%arg0: i32) -> (i32, i32, i32) {
    %c0_i32 = arith.constant 0 : i32
    %c0_i32_0 = arith.constant 0 : i32
    %c0_i32_1 = arith.constant 0 : i32
    %c0_i32_2 = arith.constant 0 : i32
    return %c0_i32, %c0_i32_0, %c0_i32_1 : i32, i32, i32
  }
  func.func @transform_4(%arg0: i32) -> (i32, i32) {
    %c0_i32 = arith.constant 0 : i32
    %c0_i32_0 = arith.constant 0 : i32
    return %arg0, %c0_i32 : i32, i32
  }
  func.func @transform_5(%arg0: i32) -> (i32, i32) {
    %c0_i32 = arith.constant 0 : i32
    %c0_i32_0 = arith.constant 0 : i32
    return %arg0, %c0_i32 : i32, i32
  }
}

module attributes {stable_mosaic.version = 14 : i64} {
  func.func @_tc_we_body(%arg0: i32, %arg1: memref<1024x1xf32, #tpu.memory_space<vmem>>, %arg2: memref<1024x1xf32, #tpu.memory_space<vmem>>, %arg3: memref<1x32xf32, #tpu.memory_space<vmem>>, %arg4: memref<1x1xf32, #tpu.memory_space<vmem>>, %arg5: memref<3x32x128xf32, #tpu.memory_space<vmem>>, %arg6: memref<3x1x128xf32, #tpu.memory_space<vmem>>, %arg7: memref<3x128x128xf32, #tpu.memory_space<vmem>>, %arg8: memref<3x1x128xf32, #tpu.memory_space<vmem>>, %arg9: memref<1024x128xf32, #tpu.memory_space<vmem>>, %arg10: memref<1024x128xf32, #tpu.memory_space<vmem>>, %arg11: memref<1024x128xf32, #tpu.memory_space<vmem>>) attributes {dimension_semantics = [#tpu.dimension_semantics<arbitrary>], iteration_bounds = array<i64: 160>, scalar_prefetch = 0 : i64, scratch_operands = 0 : i64, tpu.core_type = #tpu.core_type<tc>, window_params = [{transform_indices = @transform_0, window_bounds = array<i64: 1024, 1>}, {transform_indices = @transform_1, window_bounds = array<i64: 1024, 1>}, {pipeline_mode = #tpu.pipeline_mode<synchronous>, transform_indices = @transform_2, window_bounds = array<i64: 1, 32>}, {pipeline_mode = #tpu.pipeline_mode<synchronous>, transform_indices = @transform_3, window_bounds = array<i64: 1, 1>}, {pipeline_mode = #tpu.pipeline_mode<synchronous>, transform_indices = @transform_4, window_bounds = array<i64: 3, 32, 128>}, {pipeline_mode = #tpu.pipeline_mode<synchronous>, transform_indices = @transform_5, window_bounds = array<i64: 3, 1, 128>}, {pipeline_mode = #tpu.pipeline_mode<synchronous>, transform_indices = @transform_6, window_bounds = array<i64: 3, 128, 128>}, {pipeline_mode = #tpu.pipeline_mode<synchronous>, transform_indices = @transform_7, window_bounds = array<i64: 3, 1, 128>}, {transform_indices = @transform_8, window_bounds = array<i64: 1024, 128>}, {transform_indices = @transform_9, window_bounds = array<i64: 1024, 128>}, {transform_indices = @transform_10, window_bounds = array<i64: 1024, 128>}]} {
    %get3A = arith.constant 0 : index
    %get3A_0 = arith.constant 0 : index
    %get3A_1 = vector.load %arg1[%get3A, %get3A_0] : memref<1024x1xf32, #tpu.memory_space<vmem>>, vector<1024x1xf32>
    %sqrt3A = math.sqrt %get3A_1 : vector<1024x1xf32>
    %get3A_2 = arith.constant 0 : index
    %get3A_3 = arith.constant 0 : index
    %get3A_4 = vector.load %arg4[%get3A_2, %get3A_3] : memref<1x1xf32, #tpu.memory_space<vmem>>, vector<1x1xf32>
    %get3A_5 = arith.constant 0 : index
    %get3A_6 = arith.constant 0 : index
    %get3A_7 = vector.load %arg3[%get3A_5, %get3A_6] : memref<1x32xf32, #tpu.memory_space<vmem>>, vector<1x32xf32>
    %sub3A = vector.broadcast %sqrt3A : vector<1024x1xf32> to vector<1024x32xf32>
    %sub3A_8 = vector.broadcast %get3A_7 : vector<1x32xf32> to vector<1024x32xf32>
    %sub3A_9 = arith.subf %sub3A, %sub3A_8 : vector<1024x32xf32>
    %integer_pow3A = arith.mulf %sub3A_9, %sub3A_9 : vector<1024x32xf32>
    %mul3A = vector.broadcast %get3A_4 : vector<1x1xf32> to vector<1024x32xf32>
    %mul3A_10 = arith.mulf %mul3A, %integer_pow3A : vector<1024x32xf32>
    %exp3A = math.exp %mul3A_10 : vector<1024x32xf32>
    %get3A_11 = arith.constant 0 : index
    %get3A_12 = arith.constant 0 : index
    %get3A_13 = vector.load %arg2[%get3A_11, %get3A_12] : memref<1024x1xf32, #tpu.memory_space<vmem>>, vector<1024x1xf32>
    %get3A_14 = arith.constant 0 : index
    %get3A_15 = arith.constant 0 : index
    %get3A_16 = arith.constant 0 : index
    %get3A_17 = vector.load %arg5[%get3A_14, %get3A_15, %get3A_16] : memref<3x32x128xf32, #tpu.memory_space<vmem>>, vector<1x32x128xf32>
    %get3A_18 = vector.shape_cast %get3A_17 : vector<1x32x128xf32> to vector<32x128xf32>
    %dot_general3A = arith.constant dense<0.000000e+00> : vector<1024x128xf32>
    %dot_general3A_19 = tpu.matmul %exp3A, %get3A_18, %dot_general3A {dimension_numbers = #tpu.dot_dimension_numbers<[1], [0], [0], [1], [0, 0, 1, 1], [], []>, transpose_lhs_hint = false} : vector<1024x32xf32>, vector<32x128xf32>, vector<1024x128xf32> -> vector<1024x128xf32>
    %get3A_20 = arith.constant 0 : index
    %get3A_21 = arith.constant 0 : index
    %get3A_22 = arith.constant 0 : index
    %get3A_23 = vector.load %arg6[%get3A_20, %get3A_21, %get3A_22] : memref<3x1x128xf32, #tpu.memory_space<vmem>>, vector<1x1x128xf32>
    %get3A_24 = vector.shape_cast %get3A_23 : vector<1x1x128xf32> to vector<1x128xf32>
    %add3A = vector.broadcast %get3A_24 : vector<1x128xf32> to vector<1024x128xf32>
    %add3A_25 = arith.addf %dot_general3A_19, %add3A : vector<1024x128xf32>
    %max3A = arith.constant 0.000000e+00 : f32
    %max3A_26 = vector.broadcast %max3A : f32 to vector<1024x128xf32>
    %max3A_27 = arith.maximumf %add3A_25, %max3A_26 : vector<1024x128xf32>
    %abs3A = math.absf %add3A_25 : vector<1024x128xf32>
    %neg3A = arith.constant 0.000000e+00 : f32
    %neg3A_28 = vector.broadcast %neg3A : f32 to vector<1024x128xf32>
    %neg3A_29 = arith.subf %neg3A_28, %abs3A : vector<1024x128xf32>
    %exp3A_30 = math.exp %neg3A_29 : vector<1024x128xf32>
    %log1p3A = math.log1p %exp3A_30 : vector<1024x128xf32>
    %add3A_31 = arith.addf %max3A_27, %log1p3A : vector<1024x128xf32>
    %sub3A_32 = arith.constant 0.693147182 : f32
    %sub3A_33 = vector.broadcast %sub3A_32 : f32 to vector<1024x128xf32>
    %sub3A_34 = arith.subf %add3A_31, %sub3A_33 : vector<1024x128xf32>
    %get3A_35 = arith.constant 0 : index
    %get3A_36 = arith.constant 0 : index
    %get3A_37 = arith.constant 0 : index
    %get3A_38 = vector.load %arg7[%get3A_35, %get3A_36, %get3A_37] : memref<3x128x128xf32, #tpu.memory_space<vmem>>, vector<1x128x128xf32>
    %get3A_39 = vector.shape_cast %get3A_38 : vector<1x128x128xf32> to vector<128x128xf32>
    %dot_general3A_40 = arith.constant dense<0.000000e+00> : vector<1024x128xf32>
    %dot_general3A_41 = tpu.matmul %sub3A_34, %get3A_39, %dot_general3A_40 {dimension_numbers = #tpu.dot_dimension_numbers<[1], [0], [0], [1], [0, 0, 1, 1], [], []>, transpose_lhs_hint = false} : vector<1024x128xf32>, vector<128x128xf32>, vector<1024x128xf32> -> vector<1024x128xf32>
    %get3A_42 = arith.constant 0 : index
    %get3A_43 = arith.constant 0 : index
    %get3A_44 = arith.constant 0 : index
    %get3A_45 = vector.load %arg8[%get3A_42, %get3A_43, %get3A_44] : memref<3x1x128xf32, #tpu.memory_space<vmem>>, vector<1x1x128xf32>
    %get3A_46 = vector.shape_cast %get3A_45 : vector<1x1x128xf32> to vector<1x128xf32>
    %add3A_47 = vector.broadcast %get3A_46 : vector<1x128xf32> to vector<1024x128xf32>
    %add3A_48 = arith.addf %dot_general3A_41, %add3A_47 : vector<1024x128xf32>
    %mul3A_49 = vector.broadcast %get3A_13 : vector<1024x1xf32> to vector<1024x128xf32>
    %mul3A_50 = arith.mulf %add3A_48, %mul3A_49 : vector<1024x128xf32>
    %swap3A = arith.constant 0 : index
    %swap3A_51 = arith.constant 0 : index
    %swap3A_52 = vector.load %arg9[%swap3A, %swap3A_51] : memref<1024x128xf32, #tpu.memory_space<vmem>>, vector<1024x128xf32>
    tpu.vector_store %arg9[%swap3A, %swap3A_51], %mul3A_50 {strides = array<i32>} : memref<1024x128xf32, #tpu.memory_space<vmem>>, vector<1024x128xf32>,
    %get3A_53 = arith.constant 1 : index
    %get3A_54 = arith.constant 0 : index
    %get3A_55 = arith.constant 0 : index
    %get3A_56 = vector.load %arg5[%get3A_53, %get3A_54, %get3A_55] : memref<3x32x128xf32, #tpu.memory_space<vmem>>, vector<1x32x128xf32>
    %get3A_57 = vector.shape_cast %get3A_56 : vector<1x32x128xf32> to vector<32x128xf32>
    %dot_general3A_58 = arith.constant dense<0.000000e+00> : vector<1024x128xf32>
    %dot_general3A_59 = tpu.matmul %exp3A, %get3A_57, %dot_general3A_58 {dimension_numbers = #tpu.dot_dimension_numbers<[1], [0], [0], [1], [0, 0, 1, 1], [], []>, transpose_lhs_hint = false} : vector<1024x32xf32>, vector<32x128xf32>, vector<1024x128xf32> -> vector<1024x128xf32>
    %get3A_60 = arith.constant 1 : index
    %get3A_61 = arith.constant 0 : index
    %get3A_62 = arith.constant 0 : index
    %get3A_63 = vector.load %arg6[%get3A_60, %get3A_61, %get3A_62] : memref<3x1x128xf32, #tpu.memory_space<vmem>>, vector<1x1x128xf32>
    %get3A_64 = vector.shape_cast %get3A_63 : vector<1x1x128xf32> to vector<1x128xf32>
    %add3A_65 = vector.broadcast %get3A_64 : vector<1x128xf32> to vector<1024x128xf32>
    %add3A_66 = arith.addf %dot_general3A_59, %add3A_65 : vector<1024x128xf32>
    %max3A_67 = arith.constant 0.000000e+00 : f32
    %max3A_68 = vector.broadcast %max3A_67 : f32 to vector<1024x128xf32>
    %max3A_69 = arith.maximumf %add3A_66, %max3A_68 : vector<1024x128xf32>
    %abs3A_70 = math.absf %add3A_66 : vector<1024x128xf32>
    %neg3A_71 = arith.constant 0.000000e+00 : f32
    %neg3A_72 = vector.broadcast %neg3A_71 : f32 to vector<1024x128xf32>
    %neg3A_73 = arith.subf %neg3A_72, %abs3A_70 : vector<1024x128xf32>
    %exp3A_74 = math.exp %neg3A_73 : vector<1024x128xf32>
    %log1p3A_75 = math.log1p %exp3A_74 : vector<1024x128xf32>
    %add3A_76 = arith.addf %max3A_69, %log1p3A_75 : vector<1024x128xf32>
    %sub3A_77 = arith.constant 0.693147182 : f32
    %sub3A_78 = vector.broadcast %sub3A_77 : f32 to vector<1024x128xf32>
    %sub3A_79 = arith.subf %add3A_76, %sub3A_78 : vector<1024x128xf32>
    %get3A_80 = arith.constant 1 : index
    %get3A_81 = arith.constant 0 : index
    %get3A_82 = arith.constant 0 : index
    %get3A_83 = vector.load %arg7[%get3A_80, %get3A_81, %get3A_82] : memref<3x128x128xf32, #tpu.memory_space<vmem>>, vector<1x128x128xf32>
    %get3A_84 = vector.shape_cast %get3A_83 : vector<1x128x128xf32> to vector<128x128xf32>
    %dot_general3A_85 = arith.constant dense<0.000000e+00> : vector<1024x128xf32>
    %dot_general3A_86 = tpu.matmul %sub3A_79, %get3A_84, %dot_general3A_85 {dimension_numbers = #tpu.dot_dimension_numbers<[1], [0], [0], [1], [0, 0, 1, 1], [], []>, transpose_lhs_hint = false} : vector<1024x128xf32>, vector<128x128xf32>, vector<1024x128xf32> -> vector<1024x128xf32>
    %get3A_87 = arith.constant 1 : index
    %get3A_88 = arith.constant 0 : index
    %get3A_89 = arith.constant 0 : index
    %get3A_90 = vector.load %arg8[%get3A_87, %get3A_88, %get3A_89] : memref<3x1x128xf32, #tpu.memory_space<vmem>>, vector<1x1x128xf32>
    %get3A_91 = vector.shape_cast %get3A_90 : vector<1x1x128xf32> to vector<1x128xf32>
    %add3A_92 = vector.broadcast %get3A_91 : vector<1x128xf32> to vector<1024x128xf32>
    %add3A_93 = arith.addf %dot_general3A_86, %add3A_92 : vector<1024x128xf32>
    %mul3A_94 = vector.broadcast %get3A_13 : vector<1024x1xf32> to vector<1024x128xf32>
    %mul3A_95 = arith.mulf %add3A_93, %mul3A_94 : vector<1024x128xf32>
    %swap3A_96 = arith.constant 0 : index
    %swap3A_97 = arith.constant 0 : index
    %swap3A_98 = vector.load %arg10[%swap3A_96, %swap3A_97] : memref<1024x128xf32, #tpu.memory_space<vmem>>, vector<1024x128xf32>
    tpu.vector_store %arg10[%swap3A_96, %swap3A_97], %mul3A_95 {strides = array<i32>} : memref<1024x128xf32, #tpu.memory_space<vmem>>, vector<1024x128xf32>,
    %get3A_99 = arith.constant 2 : index
    %get3A_100 = arith.constant 0 : index
    %get3A_101 = arith.constant 0 : index
    %get3A_102 = vector.load %arg5[%get3A_99, %get3A_100, %get3A_101] : memref<3x32x128xf32, #tpu.memory_space<vmem>>, vector<1x32x128xf32>
    %get3A_103 = vector.shape_cast %get3A_102 : vector<1x32x128xf32> to vector<32x128xf32>
    %dot_general3A_104 = arith.constant dense<0.000000e+00> : vector<1024x128xf32>
    %dot_general3A_105 = tpu.matmul %exp3A, %get3A_103, %dot_general3A_104 {dimension_numbers = #tpu.dot_dimension_numbers<[1], [0], [0], [1], [0, 0, 1, 1], [], []>, transpose_lhs_hint = false} : vector<1024x32xf32>, vector<32x128xf32>, vector<1024x128xf32> -> vector<1024x128xf32>
    %get3A_106 = arith.constant 2 : index
    %get3A_107 = arith.constant 0 : index
    %get3A_108 = arith.constant 0 : index
    %get3A_109 = vector.load %arg6[%get3A_106, %get3A_107, %get3A_108] : memref<3x1x128xf32, #tpu.memory_space<vmem>>, vector<1x1x128xf32>
    %get3A_110 = vector.shape_cast %get3A_109 : vector<1x1x128xf32> to vector<1x128xf32>
    %add3A_111 = vector.broadcast %get3A_110 : vector<1x128xf32> to vector<1024x128xf32>
    %add3A_112 = arith.addf %dot_general3A_105, %add3A_111 : vector<1024x128xf32>
    %max3A_113 = arith.constant 0.000000e+00 : f32
    %max3A_114 = vector.broadcast %max3A_113 : f32 to vector<1024x128xf32>
    %max3A_115 = arith.maximumf %add3A_112, %max3A_114 : vector<1024x128xf32>
    %abs3A_116 = math.absf %add3A_112 : vector<1024x128xf32>
    %neg3A_117 = arith.constant 0.000000e+00 : f32
    %neg3A_118 = vector.broadcast %neg3A_117 : f32 to vector<1024x128xf32>
    %neg3A_119 = arith.subf %neg3A_118, %abs3A_116 : vector<1024x128xf32>
    %exp3A_120 = math.exp %neg3A_119 : vector<1024x128xf32>
    %log1p3A_121 = math.log1p %exp3A_120 : vector<1024x128xf32>
    %add3A_122 = arith.addf %max3A_115, %log1p3A_121 : vector<1024x128xf32>
    %sub3A_123 = arith.constant 0.693147182 : f32
    %sub3A_124 = vector.broadcast %sub3A_123 : f32 to vector<1024x128xf32>
    %sub3A_125 = arith.subf %add3A_122, %sub3A_124 : vector<1024x128xf32>
    %get3A_126 = arith.constant 2 : index
    %get3A_127 = arith.constant 0 : index
    %get3A_128 = arith.constant 0 : index
    %get3A_129 = vector.load %arg7[%get3A_126, %get3A_127, %get3A_128] : memref<3x128x128xf32, #tpu.memory_space<vmem>>, vector<1x128x128xf32>
    %get3A_130 = vector.shape_cast %get3A_129 : vector<1x128x128xf32> to vector<128x128xf32>
    %dot_general3A_131 = arith.constant dense<0.000000e+00> : vector<1024x128xf32>
    %dot_general3A_132 = tpu.matmul %sub3A_125, %get3A_130, %dot_general3A_131 {dimension_numbers = #tpu.dot_dimension_numbers<[1], [0], [0], [1], [0, 0, 1, 1], [], []>, transpose_lhs_hint = false} : vector<1024x128xf32>, vector<128x128xf32>, vector<1024x128xf32> -> vector<1024x128xf32>
    %get3A_133 = arith.constant 2 : index
    %get3A_134 = arith.constant 0 : index
    %get3A_135 = arith.constant 0 : index
    %get3A_136 = vector.load %arg8[%get3A_133, %get3A_134, %get3A_135] : memref<3x1x128xf32, #tpu.memory_space<vmem>>, vector<1x1x128xf32>
    %get3A_137 = vector.shape_cast %get3A_136 : vector<1x1x128xf32> to vector<1x128xf32>
    %add3A_138 = vector.broadcast %get3A_137 : vector<1x128xf32> to vector<1024x128xf32>
    %add3A_139 = arith.addf %dot_general3A_132, %add3A_138 : vector<1024x128xf32>
    %mul3A_140 = vector.broadcast %get3A_13 : vector<1024x1xf32> to vector<1024x128xf32>
    %mul3A_141 = arith.mulf %add3A_139, %mul3A_140 : vector<1024x128xf32>
    %swap3A_142 = arith.constant 0 : index
    %swap3A_143 = arith.constant 0 : index
    %swap3A_144 = vector.load %arg11[%swap3A_142, %swap3A_143] : memref<1024x128xf32, #tpu.memory_space<vmem>>, vector<1024x128xf32>
    tpu.vector_store %arg11[%swap3A_142, %swap3A_143], %mul3A_141 {strides = array<i32>} : memref<1024x128xf32, #tpu.memory_space<vmem>>, vector<1024x128xf32>,
    return
  }
  func.func @transform_0(%arg0: i32) -> (i32, i32) {
    %c0_i32 = arith.constant 0 : i32
    %c0_i32_0 = arith.constant 0 : i32
    return %arg0, %c0_i32 : i32, i32
  }
  func.func @transform_1(%arg0: i32) -> (i32, i32) {
    %c0_i32 = arith.constant 0 : i32
    %c0_i32_0 = arith.constant 0 : i32
    return %arg0, %c0_i32 : i32, i32
  }
  func.func @transform_2(%arg0: i32) -> (i32, i32) {
    %c0_i32 = arith.constant 0 : i32
    %c0_i32_0 = arith.constant 0 : i32
    %c0_i32_1 = arith.constant 0 : i32
    return %c0_i32, %c0_i32_0 : i32, i32
  }
  func.func @transform_3(%arg0: i32) -> (i32, i32) {
    %c0_i32 = arith.constant 0 : i32
    %c0_i32_0 = arith.constant 0 : i32
    %c0_i32_1 = arith.constant 0 : i32
    return %c0_i32, %c0_i32_0 : i32, i32
  }
  func.func @transform_4(%arg0: i32) -> (i32, i32, i32) {
    %c0_i32 = arith.constant 0 : i32
    %c0_i32_0 = arith.constant 0 : i32
    %c0_i32_1 = arith.constant 0 : i32
    %c0_i32_2 = arith.constant 0 : i32
    return %c0_i32, %c0_i32_0, %c0_i32_1 : i32, i32, i32
  }
  func.func @transform_5(%arg0: i32) -> (i32, i32, i32) {
    %c0_i32 = arith.constant 0 : i32
    %c0_i32_0 = arith.constant 0 : i32
    %c0_i32_1 = arith.constant 0 : i32
    %c0_i32_2 = arith.constant 0 : i32
    return %c0_i32, %c0_i32_0, %c0_i32_1 : i32, i32, i32
  }
  func.func @transform_6(%arg0: i32) -> (i32, i32, i32) {
    %c0_i32 = arith.constant 0 : i32
    %c0_i32_0 = arith.constant 0 : i32
    %c0_i32_1 = arith.constant 0 : i32
    %c0_i32_2 = arith.constant 0 : i32
    return %c0_i32, %c0_i32_0, %c0_i32_1 : i32, i32, i32
  }
  func.func @transform_7(%arg0: i32) -> (i32, i32, i32) {
    %c0_i32 = arith.constant 0 : i32
    %c0_i32_0 = arith.constant 0 : i32
    %c0_i32_1 = arith.constant 0 : i32
    %c0_i32_2 = arith.constant 0 : i32
    return %c0_i32, %c0_i32_0, %c0_i32_1 : i32, i32, i32
  }
  func.func @transform_8(%arg0: i32) -> (i32, i32) {
    %c0_i32 = arith.constant 0 : i32
    %c0_i32_0 = arith.constant 0 : i32
    return %arg0, %c0_i32 : i32, i32
  }
  func.func @transform_9(%arg0: i32) -> (i32, i32) {
    %c0_i32 = arith.constant 0 : i32
    %c0_i32_0 = arith.constant 0 : i32
    return %arg0, %c0_i32 : i32, i32
  }
  func.func @transform_10(%arg0: i32) -> (i32, i32) {
    %c0_i32 = arith.constant 0 : i32
    %c0_i32_0 = arith.constant 0 : i32
    return %arg0, %c0_i32 : i32, i32
  }
}

module attributes {stable_mosaic.version = 14 : i64} {
  func.func @_tc_update_body(%arg0: i32, %arg1: memref<1000x128xf32, #tpu.memory_space<vmem>>, %arg2: memref<1000x128xf32, #tpu.memory_space<vmem>>, %arg3: memref<1000x128xf32, #tpu.memory_space<vmem>>, %arg4: memref<3x128x128xf32, #tpu.memory_space<vmem>>, %arg5: memref<3x1x128xf32, #tpu.memory_space<vmem>>, %arg6: memref<3x128x128xf32, #tpu.memory_space<vmem>>, %arg7: memref<3x1x128xf32, #tpu.memory_space<vmem>>, %arg8: memref<3x128x128xf32, #tpu.memory_space<vmem>>, %arg9: memref<3x1x128xf32, #tpu.memory_space<vmem>>, %arg10: memref<1000x128xf32, #tpu.memory_space<vmem>>, %arg11: memref<1000x128xf32, #tpu.memory_space<vmem>>) attributes {dimension_semantics = [#tpu.dimension_semantics<arbitrary>], iteration_bounds = array<i64: 10>, scalar_prefetch = 0 : i64, scratch_operands = 0 : i64, tpu.core_type = #tpu.core_type<tc>, window_params = [{transform_indices = @transform_0, window_bounds = array<i64: 1000, 128>}, {transform_indices = @transform_1, window_bounds = array<i64: 1000, 128>}, {transform_indices = @transform_2, window_bounds = array<i64: 1000, 128>}, {pipeline_mode = #tpu.pipeline_mode<synchronous>, transform_indices = @transform_3, window_bounds = array<i64: 3, 128, 128>}, {pipeline_mode = #tpu.pipeline_mode<synchronous>, transform_indices = @transform_4, window_bounds = array<i64: 3, 1, 128>}, {pipeline_mode = #tpu.pipeline_mode<synchronous>, transform_indices = @transform_5, window_bounds = array<i64: 3, 128, 128>}, {pipeline_mode = #tpu.pipeline_mode<synchronous>, transform_indices = @transform_6, window_bounds = array<i64: 3, 1, 128>}, {pipeline_mode = #tpu.pipeline_mode<synchronous>, transform_indices = @transform_7, window_bounds = array<i64: 3, 128, 128>}, {pipeline_mode = #tpu.pipeline_mode<synchronous>, transform_indices = @transform_8, window_bounds = array<i64: 3, 1, 128>}, {transform_indices = @transform_9, window_bounds = array<i64: 1000, 128>}, {transform_indices = @transform_10, window_bounds = array<i64: 1000, 128>}]} {
    %get3A = arith.constant 0 : index
    %get3A_0 = arith.constant 0 : index
    %get3A_1 = vector.load %arg2[%get3A, %get3A_0] : memref<1000x128xf32, #tpu.memory_space<vmem>>, vector<1000x128xf32>
    %get3A_2 = arith.constant 0 : index
    %get3A_3 = arith.constant 0 : index
    %get3A_4 = vector.load %arg3[%get3A_2, %get3A_3] : memref<1000x128xf32, #tpu.memory_space<vmem>>, vector<1000x128xf32>
    %add3A = arith.addf %get3A_1, %get3A_4 : vector<1000x128xf32>
    %get3A_5 = arith.constant 0 : index
    %get3A_6 = arith.constant 0 : index
    %get3A_7 = arith.constant 0 : index
    %get3A_8 = vector.load %arg4[%get3A_5, %get3A_6, %get3A_7] : memref<3x128x128xf32, #tpu.memory_space<vmem>>, vector<1x128x128xf32>
    %get3A_9 = vector.shape_cast %get3A_8 : vector<1x128x128xf32> to vector<128x128xf32>
    %dot_general3A = arith.constant dense<0.000000e+00> : vector<1000x128xf32>
    %dot_general3A_10 = tpu.matmul %add3A, %get3A_9, %dot_general3A {dimension_numbers = #tpu.dot_dimension_numbers<[1], [0], [0], [1], [0, 0, 1, 1], [], []>, transpose_lhs_hint = false} : vector<1000x128xf32>, vector<128x128xf32>, vector<1000x128xf32> -> vector<1000x128xf32>
    %get3A_11 = arith.constant 0 : index
    %get3A_12 = arith.constant 0 : index
    %get3A_13 = arith.constant 0 : index
    %get3A_14 = vector.load %arg5[%get3A_11, %get3A_12, %get3A_13] : memref<3x1x128xf32, #tpu.memory_space<vmem>>, vector<1x1x128xf32>
    %get3A_15 = vector.shape_cast %get3A_14 : vector<1x1x128xf32> to vector<1x128xf32>
    %add3A_16 = vector.broadcast %get3A_15 : vector<1x128xf32> to vector<1000x128xf32>
    %add3A_17 = arith.addf %dot_general3A_10, %add3A_16 : vector<1000x128xf32>
    %max3A = arith.constant 0.000000e+00 : f32
    %max3A_18 = vector.broadcast %max3A : f32 to vector<1000x128xf32>
    %max3A_19 = arith.maximumf %add3A_17, %max3A_18 : vector<1000x128xf32>
    %abs3A = math.absf %add3A_17 : vector<1000x128xf32>
    %neg3A = arith.constant 0.000000e+00 : f32
    %neg3A_20 = vector.broadcast %neg3A : f32 to vector<1000x128xf32>
    %neg3A_21 = arith.subf %neg3A_20, %abs3A : vector<1000x128xf32>
    %exp3A = math.exp %neg3A_21 : vector<1000x128xf32>
    %log1p3A = math.log1p %exp3A : vector<1000x128xf32>
    %add3A_22 = arith.addf %max3A_19, %log1p3A : vector<1000x128xf32>
    %sub3A = arith.constant 0.693147182 : f32
    %sub3A_23 = vector.broadcast %sub3A : f32 to vector<1000x128xf32>
    %sub3A_24 = arith.subf %add3A_22, %sub3A_23 : vector<1000x128xf32>
    %get3A_25 = arith.constant 0 : index
    %get3A_26 = arith.constant 0 : index
    %get3A_27 = arith.constant 0 : index
    %get3A_28 = vector.load %arg6[%get3A_25, %get3A_26, %get3A_27] : memref<3x128x128xf32, #tpu.memory_space<vmem>>, vector<1x128x128xf32>
    %get3A_29 = vector.shape_cast %get3A_28 : vector<1x128x128xf32> to vector<128x128xf32>
    %dot_general3A_30 = arith.constant dense<0.000000e+00> : vector<1000x128xf32>
    %dot_general3A_31 = tpu.matmul %sub3A_24, %get3A_29, %dot_general3A_30 {dimension_numbers = #tpu.dot_dimension_numbers<[1], [0], [0], [1], [0, 0, 1, 1], [], []>, transpose_lhs_hint = false} : vector<1000x128xf32>, vector<128x128xf32>, vector<1000x128xf32> -> vector<1000x128xf32>
    %get3A_32 = arith.constant 0 : index
    %get3A_33 = arith.constant 0 : index
    %get3A_34 = arith.constant 0 : index
    %get3A_35 = vector.load %arg7[%get3A_32, %get3A_33, %get3A_34] : memref<3x1x128xf32, #tpu.memory_space<vmem>>, vector<1x1x128xf32>
    %get3A_36 = vector.shape_cast %get3A_35 : vector<1x1x128xf32> to vector<1x128xf32>
    %add3A_37 = vector.broadcast %get3A_36 : vector<1x128xf32> to vector<1000x128xf32>
    %add3A_38 = arith.addf %dot_general3A_31, %add3A_37 : vector<1000x128xf32>
    %get3A_39 = arith.constant 0 : index
    %get3A_40 = arith.constant 0 : index
    %get3A_41 = vector.load %arg1[%get3A_39, %get3A_40] : memref<1000x128xf32, #tpu.memory_space<vmem>>, vector<1000x128xf32>
    %add3A_42 = arith.addf %get3A_41, %add3A_38 : vector<1000x128xf32>
    %swap3A = arith.constant 0 : index
    %swap3A_43 = arith.constant 0 : index
    %swap3A_44 = vector.load %arg10[%swap3A, %swap3A_43] : memref<1000x128xf32, #tpu.memory_space<vmem>>, vector<1000x128xf32>
    tpu.vector_store %arg10[%swap3A, %swap3A_43], %add3A_42 {strides = array<i32>} : memref<1000x128xf32, #tpu.memory_space<vmem>>, vector<1000x128xf32>,
    %get3A_45 = arith.constant 1 : index
    %get3A_46 = arith.constant 0 : index
    %get3A_47 = arith.constant 0 : index
    %get3A_48 = vector.load %arg8[%get3A_45, %get3A_46, %get3A_47] : memref<3x128x128xf32, #tpu.memory_space<vmem>>, vector<1x128x128xf32>
    %get3A_49 = vector.shape_cast %get3A_48 : vector<1x128x128xf32> to vector<128x128xf32>
    %dot_general3A_50 = arith.constant dense<0.000000e+00> : vector<1000x128xf32>
    %dot_general3A_51 = tpu.matmul %add3A_42, %get3A_49, %dot_general3A_50 {dimension_numbers = #tpu.dot_dimension_numbers<[1], [0], [0], [1], [0, 0, 1, 1], [], []>, transpose_lhs_hint = false} : vector<1000x128xf32>, vector<128x128xf32>, vector<1000x128xf32> -> vector<1000x128xf32>
    %get3A_52 = arith.constant 1 : index
    %get3A_53 = arith.constant 0 : index
    %get3A_54 = arith.constant 0 : index
    %get3A_55 = vector.load %arg9[%get3A_52, %get3A_53, %get3A_54] : memref<3x1x128xf32, #tpu.memory_space<vmem>>, vector<1x1x128xf32>
    %get3A_56 = vector.shape_cast %get3A_55 : vector<1x1x128xf32> to vector<1x128xf32>
    %add3A_57 = vector.broadcast %get3A_56 : vector<1x128xf32> to vector<1000x128xf32>
    %add3A_58 = arith.addf %dot_general3A_51, %add3A_57 : vector<1000x128xf32>
    %swap3A_59 = arith.constant 0 : index
    %swap3A_60 = arith.constant 0 : index
    %swap3A_61 = vector.load %arg11[%swap3A_59, %swap3A_60] : memref<1000x128xf32, #tpu.memory_space<vmem>>, vector<1000x128xf32>
    tpu.vector_store %arg11[%swap3A_59, %swap3A_60], %add3A_58 {strides = array<i32>} : memref<1000x128xf32, #tpu.memory_space<vmem>>, vector<1000x128xf32>,
    return
  }
  func.func @transform_0(%arg0: i32) -> (i32, i32) {
    %c0_i32 = arith.constant 0 : i32
    %c0_i32_0 = arith.constant 0 : i32
    return %arg0, %c0_i32 : i32, i32
  }
  func.func @transform_1(%arg0: i32) -> (i32, i32) {
    %c0_i32 = arith.constant 0 : i32
    %c0_i32_0 = arith.constant 0 : i32
    return %arg0, %c0_i32 : i32, i32
  }
  func.func @transform_2(%arg0: i32) -> (i32, i32) {
    %c0_i32 = arith.constant 0 : i32
    %c0_i32_0 = arith.constant 0 : i32
    return %arg0, %c0_i32 : i32, i32
  }
  func.func @transform_3(%arg0: i32) -> (i32, i32, i32) {
    %c0_i32 = arith.constant 0 : i32
    %c0_i32_0 = arith.constant 0 : i32
    %c0_i32_1 = arith.constant 0 : i32
    %c0_i32_2 = arith.constant 0 : i32
    return %c0_i32, %c0_i32_0, %c0_i32_1 : i32, i32, i32
  }
  func.func @transform_4(%arg0: i32) -> (i32, i32, i32) {
    %c0_i32 = arith.constant 0 : i32
    %c0_i32_0 = arith.constant 0 : i32
    %c0_i32_1 = arith.constant 0 : i32
    %c0_i32_2 = arith.constant 0 : i32
    return %c0_i32, %c0_i32_0, %c0_i32_1 : i32, i32, i32
  }
  func.func @transform_5(%arg0: i32) -> (i32, i32, i32) {
    %c0_i32 = arith.constant 0 : i32
    %c0_i32_0 = arith.constant 0 : i32
    %c0_i32_1 = arith.constant 0 : i32
    %c0_i32_2 = arith.constant 0 : i32
    return %c0_i32, %c0_i32_0, %c0_i32_1 : i32, i32, i32
  }
  func.func @transform_6(%arg0: i32) -> (i32, i32, i32) {
    %c0_i32 = arith.constant 0 : i32
    %c0_i32_0 = arith.constant 0 : i32
    %c0_i32_1 = arith.constant 0 : i32
    %c0_i32_2 = arith.constant 0 : i32
    return %c0_i32, %c0_i32_0, %c0_i32_1 : i32, i32, i32
  }
  func.func @transform_7(%arg0: i32) -> (i32, i32, i32) {
    %c0_i32 = arith.constant 0 : i32
    %c0_i32_0 = arith.constant 0 : i32
    %c0_i32_1 = arith.constant 0 : i32
    %c0_i32_2 = arith.constant 0 : i32
    return %c0_i32, %c0_i32_0, %c0_i32_1 : i32, i32, i32
  }
  func.func @transform_8(%arg0: i32) -> (i32, i32, i32) {
    %c0_i32 = arith.constant 0 : i32
    %c0_i32_0 = arith.constant 0 : i32
    %c0_i32_1 = arith.constant 0 : i32
    %c0_i32_2 = arith.constant 0 : i32
    return %c0_i32, %c0_i32_0, %c0_i32_1 : i32, i32, i32
  }
  func.func @transform_9(%arg0: i32) -> (i32, i32) {
    %c0_i32 = arith.constant 0 : i32
    %c0_i32_0 = arith.constant 0 : i32
    return %arg0, %c0_i32 : i32, i32
  }
  func.func @transform_10(%arg0: i32) -> (i32, i32) {
    %c0_i32 = arith.constant 0 : i32
    %c0_i32_0 = arith.constant 0 : i32
    return %arg0, %c0_i32 : i32, i32
  }
}

module attributes {stable_mosaic.version = 14 : i64} {
  func.func @_tc_update_body(%arg0: i32, %arg1: memref<1000x128xf32, #tpu.memory_space<vmem>>, %arg2: memref<1000x128xf32, #tpu.memory_space<vmem>>, %arg3: memref<1000x128xf32, #tpu.memory_space<vmem>>, %arg4: memref<3x128x128xf32, #tpu.memory_space<vmem>>, %arg5: memref<3x1x128xf32, #tpu.memory_space<vmem>>, %arg6: memref<3x128x128xf32, #tpu.memory_space<vmem>>, %arg7: memref<3x1x128xf32, #tpu.memory_space<vmem>>, %arg8: memref<3x128x128xf32, #tpu.memory_space<vmem>>, %arg9: memref<3x1x128xf32, #tpu.memory_space<vmem>>, %arg10: memref<1000x128xf32, #tpu.memory_space<vmem>>, %arg11: memref<1000x128xf32, #tpu.memory_space<vmem>>) attributes {dimension_semantics = [#tpu.dimension_semantics<arbitrary>], iteration_bounds = array<i64: 10>, scalar_prefetch = 0 : i64, scratch_operands = 0 : i64, tpu.core_type = #tpu.core_type<tc>, window_params = [{transform_indices = @transform_0, window_bounds = array<i64: 1000, 128>}, {transform_indices = @transform_1, window_bounds = array<i64: 1000, 128>}, {transform_indices = @transform_2, window_bounds = array<i64: 1000, 128>}, {pipeline_mode = #tpu.pipeline_mode<synchronous>, transform_indices = @transform_3, window_bounds = array<i64: 3, 128, 128>}, {pipeline_mode = #tpu.pipeline_mode<synchronous>, transform_indices = @transform_4, window_bounds = array<i64: 3, 1, 128>}, {pipeline_mode = #tpu.pipeline_mode<synchronous>, transform_indices = @transform_5, window_bounds = array<i64: 3, 128, 128>}, {pipeline_mode = #tpu.pipeline_mode<synchronous>, transform_indices = @transform_6, window_bounds = array<i64: 3, 1, 128>}, {pipeline_mode = #tpu.pipeline_mode<synchronous>, transform_indices = @transform_7, window_bounds = array<i64: 3, 128, 128>}, {pipeline_mode = #tpu.pipeline_mode<synchronous>, transform_indices = @transform_8, window_bounds = array<i64: 3, 1, 128>}, {transform_indices = @transform_9, window_bounds = array<i64: 1000, 128>}, {transform_indices = @transform_10, window_bounds = array<i64: 1000, 128>}]} {
    %get3A = arith.constant 0 : index
    %get3A_0 = arith.constant 0 : index
    %get3A_1 = vector.load %arg2[%get3A, %get3A_0] : memref<1000x128xf32, #tpu.memory_space<vmem>>, vector<1000x128xf32>
    %get3A_2 = arith.constant 0 : index
    %get3A_3 = arith.constant 0 : index
    %get3A_4 = vector.load %arg3[%get3A_2, %get3A_3] : memref<1000x128xf32, #tpu.memory_space<vmem>>, vector<1000x128xf32>
    %add3A = arith.addf %get3A_1, %get3A_4 : vector<1000x128xf32>
    %get3A_5 = arith.constant 1 : index
    %get3A_6 = arith.constant 0 : index
    %get3A_7 = arith.constant 0 : index
    %get3A_8 = vector.load %arg4[%get3A_5, %get3A_6, %get3A_7] : memref<3x128x128xf32, #tpu.memory_space<vmem>>, vector<1x128x128xf32>
    %get3A_9 = vector.shape_cast %get3A_8 : vector<1x128x128xf32> to vector<128x128xf32>
    %dot_general3A = arith.constant dense<0.000000e+00> : vector<1000x128xf32>
    %dot_general3A_10 = tpu.matmul %add3A, %get3A_9, %dot_general3A {dimension_numbers = #tpu.dot_dimension_numbers<[1], [0], [0], [1], [0, 0, 1, 1], [], []>, transpose_lhs_hint = false} : vector<1000x128xf32>, vector<128x128xf32>, vector<1000x128xf32> -> vector<1000x128xf32>
    %get3A_11 = arith.constant 1 : index
    %get3A_12 = arith.constant 0 : index
    %get3A_13 = arith.constant 0 : index
    %get3A_14 = vector.load %arg5[%get3A_11, %get3A_12, %get3A_13] : memref<3x1x128xf32, #tpu.memory_space<vmem>>, vector<1x1x128xf32>
    %get3A_15 = vector.shape_cast %get3A_14 : vector<1x1x128xf32> to vector<1x128xf32>
    %add3A_16 = vector.broadcast %get3A_15 : vector<1x128xf32> to vector<1000x128xf32>
    %add3A_17 = arith.addf %dot_general3A_10, %add3A_16 : vector<1000x128xf32>
    %max3A = arith.constant 0.000000e+00 : f32
    %max3A_18 = vector.broadcast %max3A : f32 to vector<1000x128xf32>
    %max3A_19 = arith.maximumf %add3A_17, %max3A_18 : vector<1000x128xf32>
    %abs3A = math.absf %add3A_17 : vector<1000x128xf32>
    %neg3A = arith.constant 0.000000e+00 : f32
    %neg3A_20 = vector.broadcast %neg3A : f32 to vector<1000x128xf32>
    %neg3A_21 = arith.subf %neg3A_20, %abs3A : vector<1000x128xf32>
    %exp3A = math.exp %neg3A_21 : vector<1000x128xf32>
    %log1p3A = math.log1p %exp3A : vector<1000x128xf32>
    %add3A_22 = arith.addf %max3A_19, %log1p3A : vector<1000x128xf32>
    %sub3A = arith.constant 0.693147182 : f32
    %sub3A_23 = vector.broadcast %sub3A : f32 to vector<1000x128xf32>
    %sub3A_24 = arith.subf %add3A_22, %sub3A_23 : vector<1000x128xf32>
    %get3A_25 = arith.constant 1 : index
    %get3A_26 = arith.constant 0 : index
    %get3A_27 = arith.constant 0 : index
    %get3A_28 = vector.load %arg6[%get3A_25, %get3A_26, %get3A_27] : memref<3x128x128xf32, #tpu.memory_space<vmem>>, vector<1x128x128xf32>
    %get3A_29 = vector.shape_cast %get3A_28 : vector<1x128x128xf32> to vector<128x128xf32>
    %dot_general3A_30 = arith.constant dense<0.000000e+00> : vector<1000x128xf32>
    %dot_general3A_31 = tpu.matmul %sub3A_24, %get3A_29, %dot_general3A_30 {dimension_numbers = #tpu.dot_dimension_numbers<[1], [0], [0], [1], [0, 0, 1, 1], [], []>, transpose_lhs_hint = false} : vector<1000x128xf32>, vector<128x128xf32>, vector<1000x128xf32> -> vector<1000x128xf32>
    %get3A_32 = arith.constant 1 : index
    %get3A_33 = arith.constant 0 : index
    %get3A_34 = arith.constant 0 : index
    %get3A_35 = vector.load %arg7[%get3A_32, %get3A_33, %get3A_34] : memref<3x1x128xf32, #tpu.memory_space<vmem>>, vector<1x1x128xf32>
    %get3A_36 = vector.shape_cast %get3A_35 : vector<1x1x128xf32> to vector<1x128xf32>
    %add3A_37 = vector.broadcast %get3A_36 : vector<1x128xf32> to vector<1000x128xf32>
    %add3A_38 = arith.addf %dot_general3A_31, %add3A_37 : vector<1000x128xf32>
    %get3A_39 = arith.constant 0 : index
    %get3A_40 = arith.constant 0 : index
    %get3A_41 = vector.load %arg1[%get3A_39, %get3A_40] : memref<1000x128xf32, #tpu.memory_space<vmem>>, vector<1000x128xf32>
    %add3A_42 = arith.addf %get3A_41, %add3A_38 : vector<1000x128xf32>
    %swap3A = arith.constant 0 : index
    %swap3A_43 = arith.constant 0 : index
    %swap3A_44 = vector.load %arg10[%swap3A, %swap3A_43] : memref<1000x128xf32, #tpu.memory_space<vmem>>, vector<1000x128xf32>
    tpu.vector_store %arg10[%swap3A, %swap3A_43], %add3A_42 {strides = array<i32>} : memref<1000x128xf32, #tpu.memory_space<vmem>>, vector<1000x128xf32>,
    %get3A_45 = arith.constant 2 : index
    %get3A_46 = arith.constant 0 : index
    %get3A_47 = arith.constant 0 : index
    %get3A_48 = vector.load %arg8[%get3A_45, %get3A_46, %get3A_47] : memref<3x128x128xf32, #tpu.memory_space<vmem>>, vector<1x128x128xf32>
    %get3A_49 = vector.shape_cast %get3A_48 : vector<1x128x128xf32> to vector<128x128xf32>
    %dot_general3A_50 = arith.constant dense<0.000000e+00> : vector<1000x128xf32>
    %dot_general3A_51 = tpu.matmul %add3A_42, %get3A_49, %dot_general3A_50 {dimension_numbers = #tpu.dot_dimension_numbers<[1], [0], [0], [1], [0, 0, 1, 1], [], []>, transpose_lhs_hint = false} : vector<1000x128xf32>, vector<128x128xf32>, vector<1000x128xf32> -> vector<1000x128xf32>
    %get3A_52 = arith.constant 2 : index
    %get3A_53 = arith.constant 0 : index
    %get3A_54 = arith.constant 0 : index
    %get3A_55 = vector.load %arg9[%get3A_52, %get3A_53, %get3A_54] : memref<3x1x128xf32, #tpu.memory_space<vmem>>, vector<1x1x128xf32>
    %get3A_56 = vector.shape_cast %get3A_55 : vector<1x1x128xf32> to vector<1x128xf32>
    %add3A_57 = vector.broadcast %get3A_56 : vector<1x128xf32> to vector<1000x128xf32>
    %add3A_58 = arith.addf %dot_general3A_51, %add3A_57 : vector<1000x128xf32>
    %swap3A_59 = arith.constant 0 : index
    %swap3A_60 = arith.constant 0 : index
    %swap3A_61 = vector.load %arg11[%swap3A_59, %swap3A_60] : memref<1000x128xf32, #tpu.memory_space<vmem>>, vector<1000x128xf32>
    tpu.vector_store %arg11[%swap3A_59, %swap3A_60], %add3A_58 {strides = array<i32>} : memref<1000x128xf32, #tpu.memory_space<vmem>>, vector<1000x128xf32>,
    return
  }
  func.func @transform_0(%arg0: i32) -> (i32, i32) {
    %c0_i32 = arith.constant 0 : i32
    %c0_i32_0 = arith.constant 0 : i32
    return %arg0, %c0_i32 : i32, i32
  }
  func.func @transform_1(%arg0: i32) -> (i32, i32) {
    %c0_i32 = arith.constant 0 : i32
    %c0_i32_0 = arith.constant 0 : i32
    return %arg0, %c0_i32 : i32, i32
  }
  func.func @transform_2(%arg0: i32) -> (i32, i32) {
    %c0_i32 = arith.constant 0 : i32
    %c0_i32_0 = arith.constant 0 : i32
    return %arg0, %c0_i32 : i32, i32
  }
  func.func @transform_3(%arg0: i32) -> (i32, i32, i32) {
    %c0_i32 = arith.constant 0 : i32
    %c0_i32_0 = arith.constant 0 : i32
    %c0_i32_1 = arith.constant 0 : i32
    %c0_i32_2 = arith.constant 0 : i32
    return %c0_i32, %c0_i32_0, %c0_i32_1 : i32, i32, i32
  }
  func.func @transform_4(%arg0: i32) -> (i32, i32, i32) {
    %c0_i32 = arith.constant 0 : i32
    %c0_i32_0 = arith.constant 0 : i32
    %c0_i32_1 = arith.constant 0 : i32
    %c0_i32_2 = arith.constant 0 : i32
    return %c0_i32, %c0_i32_0, %c0_i32_1 : i32, i32, i32
  }
  func.func @transform_5(%arg0: i32) -> (i32, i32, i32) {
    %c0_i32 = arith.constant 0 : i32
    %c0_i32_0 = arith.constant 0 : i32
    %c0_i32_1 = arith.constant 0 : i32
    %c0_i32_2 = arith.constant 0 : i32
    return %c0_i32, %c0_i32_0, %c0_i32_1 : i32, i32, i32
  }
  func.func @transform_6(%arg0: i32) -> (i32, i32, i32) {
    %c0_i32 = arith.constant 0 : i32
    %c0_i32_0 = arith.constant 0 : i32
    %c0_i32_1 = arith.constant 0 : i32
    %c0_i32_2 = arith.constant 0 : i32
    return %c0_i32, %c0_i32_0, %c0_i32_1 : i32, i32, i32
  }
  func.func @transform_7(%arg0: i32) -> (i32, i32, i32) {
    %c0_i32 = arith.constant 0 : i32
    %c0_i32_0 = arith.constant 0 : i32
    %c0_i32_1 = arith.constant 0 : i32
    %c0_i32_2 = arith.constant 0 : i32
    return %c0_i32, %c0_i32_0, %c0_i32_1 : i32, i32, i32
  }
  func.func @transform_8(%arg0: i32) -> (i32, i32, i32) {
    %c0_i32 = arith.constant 0 : i32
    %c0_i32_0 = arith.constant 0 : i32
    %c0_i32_1 = arith.constant 0 : i32
    %c0_i32_2 = arith.constant 0 : i32
    return %c0_i32, %c0_i32_0, %c0_i32_1 : i32, i32, i32
  }
  func.func @transform_9(%arg0: i32) -> (i32, i32) {
    %c0_i32 = arith.constant 0 : i32
    %c0_i32_0 = arith.constant 0 : i32
    return %arg0, %c0_i32 : i32, i32
  }
  func.func @transform_10(%arg0: i32) -> (i32, i32) {
    %c0_i32 = arith.constant 0 : i32
    %c0_i32_0 = arith.constant 0 : i32
    return %arg0, %c0_i32 : i32, i32
  }
}

module attributes {stable_mosaic.version = 14 : i64} {
  func.func @_tc_update_body(%arg0: i32, %arg1: memref<1000x128xf32, #tpu.memory_space<vmem>>, %arg2: memref<1000x128xf32, #tpu.memory_space<vmem>>, %arg3: memref<1000x128xf32, #tpu.memory_space<vmem>>, %arg4: memref<3x128x128xf32, #tpu.memory_space<vmem>>, %arg5: memref<3x1x128xf32, #tpu.memory_space<vmem>>, %arg6: memref<3x128x128xf32, #tpu.memory_space<vmem>>, %arg7: memref<3x1x128xf32, #tpu.memory_space<vmem>>, %arg8: memref<3x128x128xf32, #tpu.memory_space<vmem>>, %arg9: memref<3x1x128xf32, #tpu.memory_space<vmem>>, %arg10: memref<1000x128xf32, #tpu.memory_space<vmem>>) attributes {dimension_semantics = [#tpu.dimension_semantics<arbitrary>], iteration_bounds = array<i64: 10>, scalar_prefetch = 0 : i64, scratch_operands = 0 : i64, tpu.core_type = #tpu.core_type<tc>, window_params = [{transform_indices = @transform_0, window_bounds = array<i64: 1000, 128>}, {transform_indices = @transform_1, window_bounds = array<i64: 1000, 128>}, {transform_indices = @transform_2, window_bounds = array<i64: 1000, 128>}, {pipeline_mode = #tpu.pipeline_mode<synchronous>, transform_indices = @transform_3, window_bounds = array<i64: 3, 128, 128>}, {pipeline_mode = #tpu.pipeline_mode<synchronous>, transform_indices = @transform_4, window_bounds = array<i64: 3, 1, 128>}, {pipeline_mode = #tpu.pipeline_mode<synchronous>, transform_indices = @transform_5, window_bounds = array<i64: 3, 128, 128>}, {pipeline_mode = #tpu.pipeline_mode<synchronous>, transform_indices = @transform_6, window_bounds = array<i64: 3, 1, 128>}, {pipeline_mode = #tpu.pipeline_mode<synchronous>, transform_indices = @transform_7, window_bounds = array<i64: 3, 128, 128>}, {pipeline_mode = #tpu.pipeline_mode<synchronous>, transform_indices = @transform_8, window_bounds = array<i64: 3, 1, 128>}, {transform_indices = @transform_9, window_bounds = array<i64: 1000, 128>}]} {
    %get3A = arith.constant 0 : index
    %get3A_0 = arith.constant 0 : index
    %get3A_1 = vector.load %arg2[%get3A, %get3A_0] : memref<1000x128xf32, #tpu.memory_space<vmem>>, vector<1000x128xf32>
    %get3A_2 = arith.constant 0 : index
    %get3A_3 = arith.constant 0 : index
    %get3A_4 = vector.load %arg3[%get3A_2, %get3A_3] : memref<1000x128xf32, #tpu.memory_space<vmem>>, vector<1000x128xf32>
    %add3A = arith.addf %get3A_1, %get3A_4 : vector<1000x128xf32>
    %get3A_5 = arith.constant 2 : index
    %get3A_6 = arith.constant 0 : index
    %get3A_7 = arith.constant 0 : index
    %get3A_8 = vector.load %arg4[%get3A_5, %get3A_6, %get3A_7] : memref<3x128x128xf32, #tpu.memory_space<vmem>>, vector<1x128x128xf32>
    %get3A_9 = vector.shape_cast %get3A_8 : vector<1x128x128xf32> to vector<128x128xf32>
    %dot_general3A = arith.constant dense<0.000000e+00> : vector<1000x128xf32>
    %dot_general3A_10 = tpu.matmul %add3A, %get3A_9, %dot_general3A {dimension_numbers = #tpu.dot_dimension_numbers<[1], [0], [0], [1], [0, 0, 1, 1], [], []>, transpose_lhs_hint = false} : vector<1000x128xf32>, vector<128x128xf32>, vector<1000x128xf32> -> vector<1000x128xf32>
    %get3A_11 = arith.constant 2 : index
    %get3A_12 = arith.constant 0 : index
    %get3A_13 = arith.constant 0 : index
    %get3A_14 = vector.load %arg5[%get3A_11, %get3A_12, %get3A_13] : memref<3x1x128xf32, #tpu.memory_space<vmem>>, vector<1x1x128xf32>
    %get3A_15 = vector.shape_cast %get3A_14 : vector<1x1x128xf32> to vector<1x128xf32>
    %add3A_16 = vector.broadcast %get3A_15 : vector<1x128xf32> to vector<1000x128xf32>
    %add3A_17 = arith.addf %dot_general3A_10, %add3A_16 : vector<1000x128xf32>
    %max3A = arith.constant 0.000000e+00 : f32
    %max3A_18 = vector.broadcast %max3A : f32 to vector<1000x128xf32>
    %max3A_19 = arith.maximumf %add3A_17, %max3A_18 : vector<1000x128xf32>
    %abs3A = math.absf %add3A_17 : vector<1000x128xf32>
    %neg3A = arith.constant 0.000000e+00 : f32
    %neg3A_20 = vector.broadcast %neg3A : f32 to vector<1000x128xf32>
    %neg3A_21 = arith.subf %neg3A_20, %abs3A : vector<1000x128xf32>
    %exp3A = math.exp %neg3A_21 : vector<1000x128xf32>
    %log1p3A = math.log1p %exp3A : vector<1000x128xf32>
    %add3A_22 = arith.addf %max3A_19, %log1p3A : vector<1000x128xf32>
    %sub3A = arith.constant 0.693147182 : f32
    %sub3A_23 = vector.broadcast %sub3A : f32 to vector<1000x128xf32>
    %sub3A_24 = arith.subf %add3A_22, %sub3A_23 : vector<1000x128xf32>
    %get3A_25 = arith.constant 2 : index
    %get3A_26 = arith.constant 0 : index
    %get3A_27 = arith.constant 0 : index
    %get3A_28 = vector.load %arg6[%get3A_25, %get3A_26, %get3A_27] : memref<3x128x128xf32, #tpu.memory_space<vmem>>, vector<1x128x128xf32>
    %get3A_29 = vector.shape_cast %get3A_28 : vector<1x128x128xf32> to vector<128x128xf32>
    %dot_general3A_30 = arith.constant dense<0.000000e+00> : vector<1000x128xf32>
    %dot_general3A_31 = tpu.matmul %sub3A_24, %get3A_29, %dot_general3A_30 {dimension_numbers = #tpu.dot_dimension_numbers<[1], [0], [0], [1], [0, 0, 1, 1], [], []>, transpose_lhs_hint = false} : vector<1000x128xf32>, vector<128x128xf32>, vector<1000x128xf32> -> vector<1000x128xf32>
    %get3A_32 = arith.constant 2 : index
    %get3A_33 = arith.constant 0 : index
    %get3A_34 = arith.constant 0 : index
    %get3A_35 = vector.load %arg7[%get3A_32, %get3A_33, %get3A_34] : memref<3x1x128xf32, #tpu.memory_space<vmem>>, vector<1x1x128xf32>
    %get3A_36 = vector.shape_cast %get3A_35 : vector<1x1x128xf32> to vector<1x128xf32>
    %add3A_37 = vector.broadcast %get3A_36 : vector<1x128xf32> to vector<1000x128xf32>
    %add3A_38 = arith.addf %dot_general3A_31, %add3A_37 : vector<1000x128xf32>
    %get3A_39 = arith.constant 0 : index
    %get3A_40 = arith.constant 0 : index
    %get3A_41 = vector.load %arg1[%get3A_39, %get3A_40] : memref<1000x128xf32, #tpu.memory_space<vmem>>, vector<1000x128xf32>
    %add3A_42 = arith.addf %get3A_41, %add3A_38 : vector<1000x128xf32>
    %swap3A = arith.constant 0 : index
    %swap3A_43 = arith.constant 0 : index
    %swap3A_44 = vector.load %arg10[%swap3A, %swap3A_43] : memref<1000x128xf32, #tpu.memory_space<vmem>>, vector<1000x128xf32>
    tpu.vector_store %arg10[%swap3A, %swap3A_43], %add3A_42 {strides = array<i32>} : memref<1000x128xf32, #tpu.memory_space<vmem>>, vector<1000x128xf32>,
    return
  }
  func.func @transform_0(%arg0: i32) -> (i32, i32) {
    %c0_i32 = arith.constant 0 : i32
    %c0_i32_0 = arith.constant 0 : i32
    return %arg0, %c0_i32 : i32, i32
  }
  func.func @transform_1(%arg0: i32) -> (i32, i32) {
    %c0_i32 = arith.constant 0 : i32
    %c0_i32_0 = arith.constant 0 : i32
    return %arg0, %c0_i32 : i32, i32
  }
  func.func @transform_2(%arg0: i32) -> (i32, i32) {
    %c0_i32 = arith.constant 0 : i32
    %c0_i32_0 = arith.constant 0 : i32
    return %arg0, %c0_i32 : i32, i32
  }
  func.func @transform_3(%arg0: i32) -> (i32, i32, i32) {
    %c0_i32 = arith.constant 0 : i32
    %c0_i32_0 = arith.constant 0 : i32
    %c0_i32_1 = arith.constant 0 : i32
    %c0_i32_2 = arith.constant 0 : i32
    return %c0_i32, %c0_i32_0, %c0_i32_1 : i32, i32, i32
  }
  func.func @transform_4(%arg0: i32) -> (i32, i32, i32) {
    %c0_i32 = arith.constant 0 : i32
    %c0_i32_0 = arith.constant 0 : i32
    %c0_i32_1 = arith.constant 0 : i32
    %c0_i32_2 = arith.constant 0 : i32
    return %c0_i32, %c0_i32_0, %c0_i32_1 : i32, i32, i32
  }
  func.func @transform_5(%arg0: i32) -> (i32, i32, i32) {
    %c0_i32 = arith.constant 0 : i32
    %c0_i32_0 = arith.constant 0 : i32
    %c0_i32_1 = arith.constant 0 : i32
    %c0_i32_2 = arith.constant 0 : i32
    return %c0_i32, %c0_i32_0, %c0_i32_1 : i32, i32, i32
  }
  func.func @transform_6(%arg0: i32) -> (i32, i32, i32) {
    %c0_i32 = arith.constant 0 : i32
    %c0_i32_0 = arith.constant 0 : i32
    %c0_i32_1 = arith.constant 0 : i32
    %c0_i32_2 = arith.constant 0 : i32
    return %c0_i32, %c0_i32_0, %c0_i32_1 : i32, i32, i32
  }
  func.func @transform_7(%arg0: i32) -> (i32, i32, i32) {
    %c0_i32 = arith.constant 0 : i32
    %c0_i32_0 = arith.constant 0 : i32
    %c0_i32_1 = arith.constant 0 : i32
    %c0_i32_2 = arith.constant 0 : i32
    return %c0_i32, %c0_i32_0, %c0_i32_1 : i32, i32, i32
  }
  func.func @transform_8(%arg0: i32) -> (i32, i32, i32) {
    %c0_i32 = arith.constant 0 : i32
    %c0_i32_0 = arith.constant 0 : i32
    %c0_i32_1 = arith.constant 0 : i32
    %c0_i32_2 = arith.constant 0 : i32
    return %c0_i32, %c0_i32_0, %c0_i32_1 : i32, i32, i32
  }
  func.func @transform_9(%arg0: i32) -> (i32, i32) {
    %c0_i32 = arith.constant 0 : i32
    %c0_i32_0 = arith.constant 0 : i32
    return %arg0, %c0_i32 : i32, i32
  }
}

module attributes {stable_mosaic.version = 14 : i64} {
  func.func @_tc_readout_body(%arg0: memref<500x2560xf32, #tpu.memory_space<vmem>>, %arg1: memref<2560x128xf32, #tpu.memory_space<vmem>>, %arg2: memref<128x192xf32, #tpu.memory_space<vmem>>, %arg3: memref<1x192xf32, #tpu.memory_space<vmem>>, %arg4: memref<192x256xf32, #tpu.memory_space<vmem>>, %arg5: memref<1x256xf32, #tpu.memory_space<vmem>>, %arg6: memref<500x1xf32, #tpu.memory_space<vmem>>, %arg7: memref<50x500xf32, #tpu.memory_space<vmem>>, %arg8: memref<256x128xf32, #tpu.memory_space<vmem>>, %arg9: memref<1x128xf32, #tpu.memory_space<vmem>>, %arg10: memref<128x1xf32, #tpu.memory_space<vmem>>, %arg11: memref<1x1xf32, #tpu.memory_space<vmem>>, %arg12: memref<50x1xf32, #tpu.memory_space<vmem>>) attributes {dimension_semantics = [], scalar_prefetch = 0 : i64, scratch_operands = 0 : i64, tpu.core_type = #tpu.core_type<tc>} {
    %get3A = arith.constant 0 : index
    %get3A_0 = arith.constant 0 : index
    %get3A_1 = vector.load %arg0[%get3A, %get3A_0] : memref<500x2560xf32, #tpu.memory_space<vmem>>, vector<500x2560xf32>
    %get3A_2 = arith.constant 0 : index
    %get3A_3 = arith.constant 0 : index
    %get3A_4 = vector.load %arg1[%get3A_2, %get3A_3] : memref<2560x128xf32, #tpu.memory_space<vmem>>, vector<2560x128xf32>
    %dot_general3A = arith.constant dense<0.000000e+00> : vector<500x128xf32>
    %dot_general3A_5 = tpu.matmul %get3A_1, %get3A_4, %dot_general3A {dimension_numbers = #tpu.dot_dimension_numbers<[1], [0], [0], [1], [0, 0, 1, 1], [], []>, precision = #tpu.contract_precision<fp32>, transpose_lhs_hint = false} : vector<500x2560xf32>, vector<2560x128xf32>, vector<500x128xf32> -> vector<500x128xf32>
    %get3A_6 = arith.constant 0 : index
    %get3A_7 = arith.constant 0 : index
    %get3A_8 = vector.load %arg2[%get3A_6, %get3A_7] : memref<128x192xf32, #tpu.memory_space<vmem>>, vector<128x192xf32>
    %dot_general3A_9 = arith.constant dense<0.000000e+00> : vector<500x192xf32>
    %dot_general3A_10 = tpu.matmul %dot_general3A_5, %get3A_8, %dot_general3A_9 {dimension_numbers = #tpu.dot_dimension_numbers<[1], [0], [0], [1], [0, 0, 1, 1], [], []>, transpose_lhs_hint = false} : vector<500x128xf32>, vector<128x192xf32>, vector<500x192xf32> -> vector<500x192xf32>
    %get3A_11 = arith.constant 0 : index
    %get3A_12 = arith.constant 0 : index
    %get3A_13 = vector.load %arg3[%get3A_11, %get3A_12] : memref<1x192xf32, #tpu.memory_space<vmem>>, vector<1x192xf32>
    %add3A = vector.broadcast %get3A_13 : vector<1x192xf32> to vector<500x192xf32>
    %add3A_14 = arith.addf %dot_general3A_10, %add3A : vector<500x192xf32>
    %max3A = arith.constant 0.000000e+00 : f32
    %max3A_15 = vector.broadcast %max3A : f32 to vector<500x192xf32>
    %max3A_16 = arith.maximumf %add3A_14, %max3A_15 : vector<500x192xf32>
    %abs3A = math.absf %add3A_14 : vector<500x192xf32>
    %neg3A = arith.constant 0.000000e+00 : f32
    %neg3A_17 = vector.broadcast %neg3A : f32 to vector<500x192xf32>
    %neg3A_18 = arith.subf %neg3A_17, %abs3A : vector<500x192xf32>
    %exp3A = math.exp %neg3A_18 : vector<500x192xf32>
    %log1p3A = math.log1p %exp3A : vector<500x192xf32>
    %add3A_19 = arith.addf %max3A_16, %log1p3A : vector<500x192xf32>
    %sub3A = arith.constant 0.693147182 : f32
    %sub3A_20 = vector.broadcast %sub3A : f32 to vector<500x192xf32>
    %sub3A_21 = arith.subf %add3A_19, %sub3A_20 : vector<500x192xf32>
    %get3A_22 = arith.constant 0 : index
    %get3A_23 = arith.constant 0 : index
    %get3A_24 = vector.load %arg4[%get3A_22, %get3A_23] : memref<192x256xf32, #tpu.memory_space<vmem>>, vector<192x256xf32>
    %dot_general3A_25 = arith.constant dense<0.000000e+00> : vector<500x256xf32>
    %dot_general3A_26 = tpu.matmul %sub3A_21, %get3A_24, %dot_general3A_25 {dimension_numbers = #tpu.dot_dimension_numbers<[1], [0], [0], [1], [0, 0, 1, 1], [], []>, transpose_lhs_hint = false} : vector<500x192xf32>, vector<192x256xf32>, vector<500x256xf32> -> vector<500x256xf32>
    %get3A_27 = arith.constant 0 : index
    %get3A_28 = arith.constant 0 : index
    %get3A_29 = vector.load %arg5[%get3A_27, %get3A_28] : memref<1x256xf32, #tpu.memory_space<vmem>>, vector<1x256xf32>
    %add3A_30 = vector.broadcast %get3A_29 : vector<1x256xf32> to vector<500x256xf32>
    %add3A_31 = arith.addf %dot_general3A_26, %add3A_30 : vector<500x256xf32>
    %get3A_32 = arith.constant 0 : index
    %get3A_33 = arith.constant 0 : index
    %get3A_34 = vector.load %arg6[%get3A_32, %get3A_33] : memref<500x1xf32, #tpu.memory_space<vmem>>, vector<500x1xf32>
    %mul3A = vector.broadcast %get3A_34 : vector<500x1xf32> to vector<500x256xf32>
    %mul3A_35 = arith.mulf %add3A_31, %mul3A : vector<500x256xf32>
    %get3A_36 = arith.constant 0 : index
    %get3A_37 = arith.constant 0 : index
    %get3A_38 = vector.load %arg7[%get3A_36, %get3A_37] : memref<50x500xf32, #tpu.memory_space<vmem>>, vector<50x500xf32>
    %dot_general3A_39 = arith.constant dense<0.000000e+00> : vector<50x256xf32>
    %dot_general3A_40 = tpu.matmul %get3A_38, %mul3A_35, %dot_general3A_39 {dimension_numbers = #tpu.dot_dimension_numbers<[1], [0], [0], [1], [0, 0, 1, 1], [], []>, precision = #tpu.contract_precision<fp32>, transpose_lhs_hint = false} : vector<50x500xf32>, vector<500x256xf32>, vector<50x256xf32> -> vector<50x256xf32>
    %get3A_41 = arith.constant 0 : index
    %get3A_42 = arith.constant 0 : index
    %get3A_43 = vector.load %arg8[%get3A_41, %get3A_42] : memref<256x128xf32, #tpu.memory_space<vmem>>, vector<256x128xf32>
    %dot_general3A_44 = arith.constant dense<0.000000e+00> : vector<50x128xf32>
    %dot_general3A_45 = tpu.matmul %dot_general3A_40, %get3A_43, %dot_general3A_44 {dimension_numbers = #tpu.dot_dimension_numbers<[1], [0], [0], [1], [0, 0, 1, 1], [], []>, transpose_lhs_hint = false} : vector<50x256xf32>, vector<256x128xf32>, vector<50x128xf32> -> vector<50x128xf32>
    %get3A_46 = arith.constant 0 : index
    %get3A_47 = arith.constant 0 : index
    %get3A_48 = vector.load %arg9[%get3A_46, %get3A_47] : memref<1x128xf32, #tpu.memory_space<vmem>>, vector<1x128xf32>
    %add3A_49 = vector.broadcast %get3A_48 : vector<1x128xf32> to vector<50x128xf32>
    %add3A_50 = arith.addf %dot_general3A_45, %add3A_49 : vector<50x128xf32>
    %max3A_51 = arith.constant 0.000000e+00 : f32
    %max3A_52 = vector.broadcast %max3A_51 : f32 to vector<50x128xf32>
    %max3A_53 = arith.maximumf %add3A_50, %max3A_52 : vector<50x128xf32>
    %abs3A_54 = math.absf %add3A_50 : vector<50x128xf32>
    %neg3A_55 = arith.constant 0.000000e+00 : f32
    %neg3A_56 = vector.broadcast %neg3A_55 : f32 to vector<50x128xf32>
    %neg3A_57 = arith.subf %neg3A_56, %abs3A_54 : vector<50x128xf32>
    %exp3A_58 = math.exp %neg3A_57 : vector<50x128xf32>
    %log1p3A_59 = math.log1p %exp3A_58 : vector<50x128xf32>
    %add3A_60 = arith.addf %max3A_53, %log1p3A_59 : vector<50x128xf32>
    %sub3A_61 = arith.constant 0.693147182 : f32
    %sub3A_62 = vector.broadcast %sub3A_61 : f32 to vector<50x128xf32>
    %sub3A_63 = arith.subf %add3A_60, %sub3A_62 : vector<50x128xf32>
    %get3A_64 = arith.constant 0 : index
    %get3A_65 = arith.constant 0 : index
    %get3A_66 = vector.load %arg10[%get3A_64, %get3A_65] : memref<128x1xf32, #tpu.memory_space<vmem>>, vector<128x1xf32>
    %dot_general3A_67 = arith.constant dense<0.000000e+00> : vector<50x1xf32>
    %dot_general3A_68 = tpu.matmul %sub3A_63, %get3A_66, %dot_general3A_67 {dimension_numbers = #tpu.dot_dimension_numbers<[1], [0], [0], [1], [0, 0, 1, 1], [], []>, transpose_lhs_hint = false} : vector<50x128xf32>, vector<128x1xf32>, vector<50x1xf32> -> vector<50x1xf32>
    %get3A_69 = arith.constant 0 : index
    %get3A_70 = arith.constant 0 : index
    %get3A_71 = vector.load %arg11[%get3A_69, %get3A_70] : memref<1x1xf32, #tpu.memory_space<vmem>>, vector<1x1xf32>
    %add3A_72 = vector.broadcast %get3A_71 : vector<1x1xf32> to vector<50x1xf32>
    %add3A_73 = arith.addf %dot_general3A_68, %add3A_72 : vector<50x1xf32>
    %swap3A = arith.constant 0 : index
    %swap3A_74 = arith.constant 0 : index
    %swap3A_75 = vector.load %arg12[%swap3A, %swap3A_74] : memref<50x1xf32, #tpu.memory_space<vmem>>, vector<50x1xf32>
    tpu.vector_store %arg12[%swap3A, %swap3A_74], %add3A_73 {strides = array<i32>} : memref<50x1xf32, #tpu.memory_space<vmem>>, vector<50x1xf32>,
    return
  }
}

</mosaic_0001>

<sc_bundles>
// kernel: kernel.12.cloned.1.call-start
scs
__scs_entry_jumppad:
0x0: {  	(pc) =	sbr.rel $0x88, $3  }
0x1: {  	(tag) =	ssettag $0x0;
	lr =	simm.s32 $0x1  }
0x2: {  	[smem:$0x3F8B] =	sst lr;
	_ =	strace $0xD0000000  }
0x3: {  	_ = 	snop  }
0x4: {  	_ = 	snop  }
0x5: {  	_ = 	snop  }
0x6: {  	_ = 	snop  }
0x7: {  	_ = 	snop  }
__scs_overlays_trampoline_lowered:
0x8: {  	[smem:$0x3F9A] =	sst s0  }
0x9: {  	[smem:$0x3F9B] =	sst s1  }
0xa: {  	[smem:$0x3F9C] =	sst s2  }
0xb: {  	[smem:$0x3F9D] =	sst s3  }
0xc: {  	[smem:$0x3F9E] =	sst s4  }
0xd: {  	[smem:$0x3F9F] =	sst s5  }
0xe: {  	[smem:$0x3FA0] =	sst s6  }
0xf: {  	[smem:$0x3FA1] =	sst s7  }
0x10: {  	[smem:$0x3FA2] =	sst s8  }
0x11: {  	[smem:$0x3FA3] =	sst s9;
	s0 =	simm.s32 @!p0 $0x0  }
0x12: {  	s1 =	sld [smem:$0x3F89];
	s0 =	simm.s32 @p0 $0x1  }
0x13: {  	[smem:$0x3FA4] =	sst s0;
	s0 =	simm.s32 @!p1 $0x0  }
0x14: {  	s2 =	sld [smem:$0x3F88];
	s0 =	simm.s32 @p1 $0x1  }
0x15: {  	[smem:$0x3FA5] =	sst s0;
	s0 =	simm.s32 @!p2 $0x0  }
0x16: {  	s3 =	sld [smem:$0x3FDB];
	s0 =	simm.s32 @p2 $0x1  }
0x17: {  	s4 =	simm.s32 $0x1BF5;
	[smem:$0x3FA7] =	sst s0  }
0x18: {  	s0 =	sld [smem:$0x3F8A];
	_ =	swait.ge [sflag:s4], $0x0  }
0x19: {  	s7 =	sld [smem:$0x3F8B]  }
0x1a: {  	s8 =	sadd.s32 $0xFFFFE003, lr  }
0x1b: {  	s9 =	sadd.s32 $0xFFFFFEF7, lr;
	s5 =	simm.s32 $0xFFFFFFFF;
	p2 =	slt.u32 s8, $0xFFFFF086  }
0x1c: {  	p1 =	slt.u32 s9, $0xF7A;
	s5 =	simm.s32 @!p2 $0x0  }
0x1d: {  	s5 =	simm.s32 @p1 $0x1;
	p0 =	seq.s32 s7, s2  }
0x1e: {  	s7 =	smul.u32 @!p0 $0xF7A, s2;
	p2 =	seq.s32 @!p0 s5, $0x0  }
0x1f: {  	s9 =	smul.u32 $0xF7A, s1;
	s8 =	simm.s32 @!p0 $0x1BF5;
	p2 =	por !p2, p0  }
0x20: {  	[sflag:s8] =	ssyncset.s32 @!p0 $0xFFFFF086;
	s6 =	sadd.s32 @!p0 s3, s7;
	s7 =	simm.s32 @!p0 $0x108  }
0x21: {  	s3 =	sadd.s32 s3, s9;
	s6 =	sadd.s32 @!p0 $0x88, s6;
	s7 =	simm.s32 @p2 $0x1082  }
0x22: {  	[simem:s7], [sflag:s8] =	dma.local @!p0 [hbm:s6], $0xF7A  }
0x23: {  	s9 =	sor.u32 $0xD0000000, s2;
	s6 =	simm.s32 $0x108;
	_ =	swait.ge @!p0 [sflag:s8], $0x0  }
0x24: {  	s3 =	sadd.s32 $0x88, s3;
	s6 =	simm.s32 @!p1 $0x1082;
	[sflag:s4] =	ssyncset.s32 $0xFFFFF086  }
0x25: {  	[simem:s6], [sflag:s4] =	dma.local [hbm:s3], $0xF7A  }
0x26: {  	[smem:$0x3F8B] =	sst s1;
	(tag) =	ssettag s2;
	_ =	strace s9  }
0x27: {  	s1 =	sld [smem:$0x3F9B]  }
0x28: {  	s2 =	sld [smem:$0x3F9C]  }
0x29: {  	s4 =	sld [smem:$0x3F9E]  }
0x2a: {  	p0 =	seq.s32 s5, $0x0;
	s5 =	sld [smem:$0x3F9F]  }
0x2b: {  	s6 =	sld [smem:$0x3FA0]  }
0x2c: {  	s7 =	sld [smem:$0x3FA1]  }
0x2d: {  	s3 =	simm.s32 $0x108;
	s8 =	sld [smem:$0x3FA2]  }
0x2e: {  	s3 =	simm.s32 @!p0 $0x1082;
	s9 =	sld [smem:$0x3FA3]  }
0x2f: {  	lr =	sadd.s32 s0, s3;
	s0 =	sld [smem:$0x3F9A]  }
0x30: {  	s3 =	sld [smem:$0x3F9D]  }
0x31: {  	[smem:$0x3FA6] =	sst s10  }
0x32: {  	s10 =	sld [smem:$0x3FA4];
	_ =	sdelay $0x3  }
0x33: {  	p0 =	seq.s32 s10, $0x1;
	s10 =	sld [smem:$0x3FA6];
	_ =	sdelay $0x3  }
0x34: {  	[smem:$0x3FA6] =	sst s10  }
0x35: {  	s10 =	sld [smem:$0x3FA5];
	_ =	sdelay $0x3  }
0x36: {  	p1 =	seq.s32 s10, $0x1;
	s10 =	sld [smem:$0x3FA6];
	_ =	sdelay $0x3  }
0x37: {  	[smem:$0x3FA6] =	sst s10  }
0x38: {  	s10 =	sld [smem:$0x3FA7]  }
0x39: {  	_ = 	snop;
	(pc) =	sbr.ind lr, $3  }
0x3a: {  	_ = 	snop  }
0x3b: {  	_ = 	snop  }
0x3c: {  	p2 =	seq.s32 s10, $0x1;
	s10 =	sld [smem:$0x3FA6]  }
0x3d: {  	_ =	shalt  }
0x3e: {  	_ =	shalt  }
0x3f: {  	_ =	shalt  }
0x40: {  	_ =	shalt  }
0x41: {  	_ =	shalt  }
0x42: {  	_ =	shalt  }
0x43: {  	_ =	shalt  }
0x44: {  	_ =	shalt  }
0x45: {  	_ =	shalt  }
0x46: {  	_ =	shalt  }
0x47: {  	_ =	shalt  }
0x48: {  	_ =	shalt  }
0x49: {  	_ =	shalt  }
0x4a: {  	_ =	shalt  }
0x4b: {  	_ =	shalt  }
0x4c: {  	_ =	shalt  }
0x4d: {  	_ =	shalt  }
0x4e: {  	_ =	shalt  }
0x4f: {  	_ =	shalt  }
0x50: {  	_ =	shalt  }
0x51: {  	_ =	shalt  }
0x52: {  	_ =	shalt  }
0x53: {  	_ =	shalt  }
0x54: {  	_ =	shalt  }
0x55: {  	_ =	shalt  }
0x56: {  	_ =	shalt  }
0x57: {  	_ =	shalt  }
0x58: {  	_ =	shalt  }
0x59: {  	_ =	shalt  }
0x5a: {  	_ =	shalt  }
0x5b: {  	_ =	shalt  }
0x5c: {  	_ =	shalt  }
0x5d: {  	_ =	shalt  }
0x5e: {  	_ =	shalt  }
0x5f: {  	_ =	shalt  }
0x60: {  	_ =	shalt  }
0x61: {  	_ =	shalt  }
0x62: {  	_ =	shalt  }
0x63: {  	_ =	shalt  }
0x64: {  	_ =	shalt  }
0x65: {  	_ =	shalt  }
0x66: {  	_ =	shalt  }
0x67: {  	_ =	shalt  }
0x68: {  	_ =	shalt  }
0x69: {  	_ =	shalt  }
0x6a: {  	_ =	shalt  }
0x6b: {  	_ =	shalt  }
0x6c: {  	_ =	shalt  }
0x6d: {  	_ =	shalt  }
0x6e: {  	_ =	shalt  }
0x6f: {  	_ =	shalt  }
0x70: {  	_ =	shalt  }
0x71: {  	_ =	shalt  }
0x72: {  	_ =	shalt  }
0x73: {  	_ =	shalt  }
0x74: {  	_ =	shalt  }
0x75: {  	_ =	shalt  }
0x76: {  	_ =	shalt  }
0x77: {  	_ =	shalt  }
0x78: {  	_ =	shalt  }
0x79: {  	_ =	shalt  }
0x7a: {  	_ =	shalt  }
0x7b: {  	_ =	shalt  }
0x7c: {  	_ =	shalt  }
0x7d: {  	_ =	shalt  }
0x7e: {  	_ =	shalt  }
0x7f: {  	_ =	shalt  }
0x80: {  	_ =	shalt  }
0x81: {  	_ =	shalt  }
0x82: {  	_ =	shalt  }
0x83: {  	_ =	shalt  }
0x84: {  	_ =	shalt  }
0x85: {  	_ =	shalt  }
0x86: {  	_ =	shalt  }
0x87: {  	_ =	shalt  }
.Lfunc_end0:
.L_simem_size_0:
called_computation_lowered:
.L_overlay_start_0:
0x88: {  	s2 =	sld [smem:$0x3FD9]  }
0x89: {  	s3 =	sld [smem:$0x3FFE];
	_ =	sdelay $0x1  }
0x8a: {  	s1 =	srdreg.scid  }
0x8b: {  	s0 =	sand.u32 $0x1, s1  }
0x8c: {  	s16 =	sshll.u32 s0, $0xA;
	s2 =	sadd.s32 s3, s2  }
0x8d: {  	s2 =	sadd.s32 s2, s16  }
0x8e: {  	[smem:$0x3FB2] =	sst s2  }
0x8f: {  	_ = 	snop  }
0x90: {  	(tm) =	ssettm $0x1  }
0x91: {  	s17 =	sld [smem:$0x3FFB];
	_ =	sdelay $0x3  }
0x92: {  	_ =	strace s17  }
0x93: {  	s2 =	sld [smem:$0x3FFC];
	_ =	sdelay $0x3  }
0x94: {  	_ =	strace s2  }
0x95: {  	s2 =	sld [smem:$0x3FFD];
	_ =	sdelay $0x3  }
0x96: {  	_ =	strace s2  }
0x97: {  	_ =	strace $0x8FFFFFFF  }
0x98: {  	s18 =	sld [smem:$0x3FDB];
	_ =	sdelay $0x1  }
0x99: {  	s19 =	simm.s32 $_scs_section_size  }
0x9a: {  	s4 =	simm.s32 $_size__tile_overlayer_lowered;
	s5 =	simm.s32 $_tile_overlayer_lowered  }
0x9b: {  	s22 =	simm.s32 $0x1BFF;
	s21 =	sshll.u32 s5, $0x1;
	s2 =	sadd.s32 s19, s18  }
0x9c: {  	s6 =	simm.s32 $0x0;
	s20 =	sshll.u32 s4, $0x1;
	s4 =	sadd.s32 s21, s2  }
0x9d: {  	[timem:s6], [sflag:s22] =	dma.local [hbm:s4], s20  }
0x9e: {  	_ =	swait.ge [sflag:s22], s20  }
0x9f: {  	s3 =	ssub.s32 $0x0, s20;
	[sflag:s22] =	ssyncset.done $0x0  }
0xa0: {  	[sflag:s22] =	ssyncadd.s32 s3;
	_ =	sdelay $0x1  }
0xa1: {  	s23 =	simm.s32 $0x1B8B  }
0xa2: {  	_ =	swait.ge [sflag:s23], $0x1  }
0xa3: {  	[sflag:s23] =	ssyncset.done $0x0  }
0xa4: {  	s25 =	simm.s32 $0x1B8E;
	s24 =	sld [smem:$0x3FFE];
	[sflag:s23] =	ssyncadd.s32 $0xFFFFFFFF  }
0xa5: {  	s26 =	simm.s32 $execute0_lowered;
	[smem:$0x3FD2] =	sst s25  }
0xa6: {  	s4 =	sshll.u32 s26, $0x1;
	_ =	strace $0x80000046;
	[dreg:$0x1] =	wrdreg $0xFFFFFFFF  }
0xa7: {  	s28 =	simm.s32 $_size_execute0_lowered;
	s2 =	sadd.s32 s2, s4;
	[dreg:$0x0] =	wrdreg $0x0  }
0xa8: {  	s4 =	sshll.u32 s28, $0x1;
	[dreg:$0x2] =	wrdreg s2  }
0xa9: {  	[dreg:$0x3] =	wrdreg s4  }
0xaa: {  	[dreg:$0x4] =	wrdreg $0xC0  }
0xab: {  	_ =	task [dreg:s6], $0x5FFFF  }
0xac: {  	[dreg:$0x1] =	wrdreg $0xFFFFFFFF  }
0xad: {  	[dreg:$0x0] =	wrdreg $0x60  }
0xae: {  	[dreg:$0x2] =	wrdreg s24  }
0xaf: {  	[dreg:$0x3] =	wrdreg $0x9  }
0xb0: {  	_ =	task.clear_ibuf [dreg:s6], $0x4FFFF;
	_ =	strace $0x90000046  }
0xb1: {  	s29 =	simm.s32 $0x9;
	_ =	strace $0x80000048  }
0xb2: {  	_ =	swait.ge [sflag:s29], $0x1  }
0xb3: {  	[sflag:s29] =	ssyncadd.s32 $0xFFFFFFFF  }
0xb4: {  	_ =	strace $0x90000048  }
0xb5: {  	_ =	sfence  }
0xb6: {  	s30 =	sld [smem:$0x0];
	_ =	sdelay $0x2  }
0xb7: {  	s31 =	sshll.u32 s1, $0xD;
	s1 =	sshrl.u32 s1, $0x2  }
0xb8: {  	s3 =	sand.u32 $0x4000, s31;
	s1 =	sadd.s32 s1, s30  }
0xb9: {  	s0 =	sor.u32 s3, s0;
	s1 =	sshll.u32 s1, $0x11  }
0xba: {  	s0 =	sor.u32 s1, s0  }
0xbb: {  	s0 =	sadd.s32 $0x8F2B, s0  }
0xbc: {  	[sflag:s0] =	ssyncadd.remote.s32 $0x1  }
0xbd: {  	_ =	sfence.sel $0xFFFF  }
0xbe: {  	[dreg:$0x0] =	wrdreg $0xFFFFFFFF;
	(pc) =	sbr.abs _section_cstart, $3  }
0xbf: {  	[dreg:$0x1] =	wrdreg $0xFFFFFFFF  }
0xc0: {  	_ =	task.clear_ibuf [dreg:s6], $0x2FFFF;
	_ =	strace $0x9FFFFFFF  }
0xc1: {  	(tm) =	ssettm $0x7FFFFFFF  }
tec
execute0_lowered:
.L_overlay_start_1:
0x0: {  	(tag) =	ssettag $0x1  }
0x1: {  	s6 =	rddreg [dreg:$0x0];
	s1 =	srdreg.scid  }
0x2: {  	s0 =	rddreg [dreg:$0x1];
	s2 =	simm.s32 $0x0;
	s11 =	simm.s32 $0x2780  }
0x3: {  	s12 =	simm.s32 $0x4F00;
	s13 =	simm.s32 $0x7680;
	s14 =	simm.s32 $0x8A80  }
0x4: {  	s15 =	simm.s32 $0x80;
	s16 =	simm.s32 $0x400;
	s7 =	sand.u32 $0x1, s1  }
0x5: {  	s17 =	simm.s32 $0x9E80;
	s1 =	stileid.u32;
	s3 =	sshll.u32 s7, $0x4  }
0x6: {  	s18 =	simm.s32 $0x0;
	[smem:$0x7FF] =	sst s2;
	s5 =	sor.u32 s1, s3  }
0x7: {  	_ =	strace $0x80000047;
	s9 =	sshll.u32 s1, $0x7;
	s4 =	sshrl.u32 s5, $0x3  }
0x8: {  	s7 =	ssub.s32 $0x2, s7;
	s3 =	sadd.s32 $0xF200, s6;
	s8 =	smul.u32 $0xA000, s4  }
0x9: {  	s9 =	sand.u32 $0x380, s9;
	s31 =	sshrl.u32 s7, $0x1;
	s10 =	smul.u32 $0x280, s5  }
0xa: {  	s5 =	sadd.s32 $0xE600, s6;
	s4 =	sadd.s32 $0xEC00, s6;
	s8 =	sor.u32 s9, s8  }
0xb: {  	s30 =	sadd.s32 s10, s6;
	s10 =	ssub.s32 s7, s31;
	s8 =	sshrl.u32 s8, $0x3  }
0xc: {  	s7 =	sadd.s32 $0x9600, s30;
	s9 =	smax.u32 s10, $0x1;
	s8 =	sadd.s32 s8, s6  }
0xd: {  	s10 =	simm.s32 $0x1;
	s6 =	sadd.s32 $0x4600, s30;
	s8 =	sadd.s32 $0xF800, s8  }
.LBB2_1:
0xe: {  	[tilespmem:s2], [sflag:$0x1] =	stream.linear.gather [hbm4b:s3+s2], $0x2780, $0x38;
	[tilespmem:$0xB280] =	vst v63  }
0xf: {  	_ =	swait.ge [sflag:s10], $0x2780  }
0x10: {  	[sflag:s10] =	ssyncset.done $0x0  }
0x11: {  	[sflag:s10] =	ssyncadd.s32 $0xFFFFD880  }
0x12: {  	[tilespmem:s11], [sflag:$0x1] =	stream.linear.gather [hbm4b:s4+s2], $0x2780, $0x38;
	[tilespmem:$0xB280] =	vst v63  }
0x13: {  	_ =	swait.ge [sflag:s10], $0x2780  }
0x14: {  	[sflag:s10] =	ssyncset.done $0x0  }
0x15: {  	[sflag:s10] =	ssyncadd.s32 $0xFFFFD880  }
0x16: {  	[tilespmem:s12], [sflag:$0x1] =	stream.linear.gather [hbm4b:s5+s2], $0x2780, $0x38;
	[tilespmem:$0xB280] =	vst v63  }
0x17: {  	_ =	swait.ge [sflag:s10], $0x2780  }
0x18: {  	[sflag:s10] =	ssyncset.done $0x0  }
0x19: {  	[sflag:s10] =	ssyncadd.s32 $0xFFFFD880  }
0x1a: {  	[tilespmem:s13], [sflag:$0x1] =	stream.linear.gather [hbm4b:s6+s2], $0x1400, $0x38;
	[tilespmem:$0xB280] =	vst v63  }
0x1b: {  	_ =	swait.ge [sflag:s10], $0x1400  }
0x1c: {  	[sflag:s10] =	ssyncset.done $0x0  }
0x1d: {  	[sflag:s10] =	ssyncadd.s32 $0xFFFFEC00  }
0x1e: {  	[tilespmem:s14], [sflag:$0x1] =	stream.linear.gather [hbm4b:s7+s2], $0x1400, $0x38;
	[tilespmem:$0xB280] =	vst v63  }
0x1f: {  	_ =	swait.ge [sflag:s10], $0x1400  }
0x20: {  	[sflag:s10] =	ssyncset.done $0x0  }
0x21: {  	s19 =	simm.s32 $0x0;
	[sflag:s10] =	ssyncadd.s32 $0xFFFFEC00  }
0x22: {  	v0 =	vld [tilespmem:s19+$0x8A80]  }
0x23: {  	v1 =	vld [tilespmem:s19+$0x7680];
	_ =	sdelay $0x6  }
0x24: {  	v2 =	vld.idx.msk [tilespmem:v0+s2+$0x0], $0xffff  }
0x25: {  	v3 =	vld.idx.msk [tilespmem:v1+s2+$0x0], $0xffff  }
0x26: {  	v4 =	vld.idx.msk [tilespmem:v1+s11+$0x0], $0xffff  }
0x27: {  	v5 =	vld.idx.msk [tilespmem:v0+s11+$0x0], $0xffff  }
0x28: {  	v6 =	vld.idx.msk [tilespmem:v1+s12+$0x0], $0xffff  }
0x29: {  	v7 =	vld.idx.msk [tilespmem:v0+s12+$0x0], $0xffff;
	_ =	sdelay $0x2  }
0x2a: {  	s20 =	simm.s32 $0x10;
	v3 =	vsub.f32 v3, v2;
	v4 =	vsub.f32 v4, v5  }
0x2b: {  	v0 =	vld [tilespmem:s20+$0x8A80]  }
0x2c: {  	v1 =	vld [tilespmem:s20+$0x7680];
	v2 =	vsub.f32 v6, v7;
	v3 =	vmul.f32 v3, v3;
	v4 =	vmul.f32 v4, v4  }
0x2d: {  	s21 =	simm.s32 $0x80  }
.LBB2_2:
0x2e: {  	p0 =	sne.s32 s21, $0x4FC0;
	v3 =	vadd.f32 v4, v3;
	v2 =	vmul.f32 v2, v2;
	_ =	sdelay $0x1  }
0x2f: {  	v2 =	vadd.f32 v2, v3;
	_ =	sdelay $0x1  }
0x30: {  	[tilespmem:s19+$0x9E80] =	vst v2;
	s19 =	smov.u32 s20  }
0x31: {  	v2 =	vld.idx.msk [tilespmem:v0+s2+$0x0], $0xffff  }
0x32: {  	v3 =	vld.idx.msk [tilespmem:v1+s2+$0x0], $0xffff  }
0x33: {  	v4 =	vld.idx.msk [tilespmem:v1+s11+$0x0], $0xffff  }
0x34: {  	v5 =	vld.idx.msk [tilespmem:v0+s11+$0x0], $0xffff  }
0x35: {  	v6 =	vld.idx.msk [tilespmem:v1+s12+$0x0], $0xffff  }
0x36: {  	v7 =	vld.idx.msk [tilespmem:v0+s12+$0x0], $0xffff;
	_ =	sdelay $0x2  }
.Ltmp0:
0x37: {  	(pc) =	sbr.rel @p0 .LBB2_2-.Ltmp0, $4  }
0x38: {  	s20 =	sshra.s32 s21, $0x2;
	v3 =	vsub.f32 v3, v2;
	v4 =	vsub.f32 v4, v5  }
0x39: {  	v0 =	vld [tilespmem:s20+$0x8A80]  }
0x3a: {  	v3 =	vmul.f32 v3, v3;
	v2 =	vsub.f32 v6, v7;
	v4 =	vmul.f32 v4, v4;
	v1 =	vld [tilespmem:s20+$0x7680]  }
0x3b: {  	s21 =	sadd.s32 $0x40, s21  }
0x3c: {  	_ = 	snop  }
0x3d: {  	v3 =	vadd.f32 v4, v3;
	v2 =	vmul.f32 v2, v2;
	_ =	sdelay $0x1  }
0x3e: {  	v2 =	vadd.f32 v2, v3;
	_ =	sdelay $0x1  }
0x3f: {  	[tilespmem:s19+$0x9E80] =	vst v2  }
0x40: {  	v2 =	vld.idx.msk [tilespmem:v0+s2+$0x0], $0xffff  }
0x41: {  	v57 =	vld.idx.msk [tilespmem:v1+s2+$0x0], $0xffff  }
0x42: {  	v58 =	vld.idx.msk [tilespmem:v1+s11+$0x0], $0xffff  }
0x43: {  	v5 =	vld.idx.msk [tilespmem:v0+s11+$0x0], $0xffff  }
0x44: {  	v59 =	vld.idx.msk [tilespmem:v1+s12+$0x0], $0xffff  }
0x45: {  	v60 =	vld.idx.msk [tilespmem:v0+s12+$0x0], $0xffff;
	_ =	sdelay $0x2  }
0x46: {  	v2 =	vsub.f32 v57, v2;
	v61 =	vsub.f32 v58, v5;
	_ =	sdelay $0x1  }
0x47: {  	v0 =	vsub.f32 v59, v60;
	v62 =	vmul.f32 v2, v2;
	v63 =	vmul.f32 v61, v61;
	_ =	sdelay $0x1  }
0x48: {  	v0 =	vmul.f32 v0, v0;
	v1 =	vadd.f32 v63, v62;
	_ =	sdelay $0x1  }
0x49: {  	s18 =	sadd.s32 $0x1, s18;
	v0 =	vadd.f32 v0, v1  }
0x4a: {  	p0 =	sne.s32 s18, s9  }
.Ltmp1:
0x4b: {  	[tilespmem:s20+$0x9E80] =	vst v0;
	(pc) =	sbr.rel @p0 .LBB2_1-.Ltmp1, $4  }
0x4c: {  	[hbm4b:s8+s15] =	stream.strided.scatter [tilespmem:s17], [sflag:$0x1], $0x1400, s16, s15, $0x38;
	[tilespmem:$0xB280] =	vst v63  }
0x4d: {  	_ =	swait.ge [sflag:s10], $0x1400  }
0x4e: {  	[sflag:s10] =	ssyncset.done $0x0  }
0x4f: {  	[sflag:s10] =	ssyncadd.s32 $0xFFFFEC00  }
0x50: {  	_ =	sfence.sel $0x180000  }
0x51: {  	[bflag:$0x0] =	sbarrier.arrive $0xFFFF  }
0x52: {  	p0 =	sne.s32 s1, $0x0;
	_ =	strace $0x90000047  }
0x53: {  	s0 =	sadd.s32 @!p0 $0x100000, s0;
	[bflag:$0x2] =	sbarrier.arrive $0xFFFF  }
0x54: {  	[sflag:s0] =	ssyncadd.tile.s32 @!p0 $0x1;
	_ =	shalt  }
.Lfunc_end2:
_tile_overlayer_lowered:
.L_overlay_start_2:
0x55: {  	(tag) =	ssettag $0x2  }
0x56: {  	s0 =	rddreg [dreg:$0x0];
	s2 =	stileid.u32  }
0x57: {  	s1 =	rddreg [dreg:$0x1];
	p0 =	sne.s32 s2, $0x0  }
0x58: {  	s3 =	rddreg [dreg:$0x2];
	[bflag:$0x3] =	sbarrier.arrive $0xFFFF;
	s2 =	simm.s32 @!p0 $0x1C01  }
0x59: {  	[timem:s3], [sflag:s2] =	dma.local @!p0 [hbm:s0], s1  }
0x5a: {  	s0 =	simm.s32 @!p0 $0x1  }
0x5b: {  	_ =	swait.ge @!p0 [sflag:s0], s1  }
0x5c: {  	s1 =	ssub.s32 @!p0 $0x0, s1;
	[sflag:s0] =	ssyncset.done @!p0 $0x0  }
0x5d: {  	[sflag:s0] =	ssyncadd.s32 @!p0 s1  }
0x5e: {  	[bflag:$0x3] =	sbarrier.arrive $0xFFFF  }
0x5f: {  	_ =	shalt  }

// kernel: kernel.15.cloned.1.call-start
scs
__scs_entry_jumppad:
0x0: {  	(pc) =	sbr.rel $0x88, $3  }
0x1: {  	(tag) =	ssettag $0x0;
	lr =	simm.s32 $0x1  }
0x2: {  	[smem:$0x3F8B] =	sst lr;
	_ =	strace $0xD0000000  }
0x3: {  	_ = 	snop  }
0x4: {  	_ = 	snop  }
0x5: {  	_ = 	snop  }
0x6: {  	_ = 	snop  }
0x7: {  	_ = 	snop  }
__scs_overlays_trampoline_lowered:
0x8: {  	[smem:$0x3F9A] =	sst s0  }
0x9: {  	[smem:$0x3F9B] =	sst s1  }
0xa: {  	[smem:$0x3F9C] =	sst s2  }
0xb: {  	[smem:$0x3F9D] =	sst s3  }
0xc: {  	[smem:$0x3F9E] =	sst s4  }
0xd: {  	[smem:$0x3F9F] =	sst s5  }
0xe: {  	[smem:$0x3FA0] =	sst s6  }
0xf: {  	[smem:$0x3FA1] =	sst s7  }
0x10: {  	[smem:$0x3FA2] =	sst s8  }
0x11: {  	[smem:$0x3FA3] =	sst s9;
	s0 =	simm.s32 @!p0 $0x0  }
0x12: {  	s1 =	sld [smem:$0x3F89];
	s0 =	simm.s32 @p0 $0x1  }
0x13: {  	[smem:$0x3FA4] =	sst s0;
	s0 =	simm.s32 @!p1 $0x0  }
0x14: {  	s2 =	sld [smem:$0x3F88];
	s0 =	simm.s32 @p1 $0x1  }
0x15: {  	[smem:$0x3FA5] =	sst s0;
	s0 =	simm.s32 @!p2 $0x0  }
0x16: {  	s3 =	sld [smem:$0x3FDB];
	s0 =	simm.s32 @p2 $0x1  }
0x17: {  	s4 =	simm.s32 $0x1BF5;
	[smem:$0x3FA7] =	sst s0  }
0x18: {  	s0 =	sld [smem:$0x3F8A];
	_ =	swait.ge [sflag:s4], $0x0  }
0x19: {  	s7 =	sld [smem:$0x3F8B]  }
0x1a: {  	s8 =	sadd.s32 $0xFFFFE003, lr  }
0x1b: {  	s9 =	sadd.s32 $0xFFFFFEF7, lr;
	s5 =	simm.s32 $0xFFFFFFFF;
	p2 =	slt.u32 s8, $0xFFFFF086  }
0x1c: {  	p1 =	slt.u32 s9, $0xF7A;
	s5 =	simm.s32 @!p2 $0x0  }
0x1d: {  	s5 =	simm.s32 @p1 $0x1;
	p0 =	seq.s32 s7, s2  }
0x1e: {  	s7 =	smul.u32 @!p0 $0xF7A, s2;
	p2 =	seq.s32 @!p0 s5, $0x0  }
0x1f: {  	s9 =	smul.u32 $0xF7A, s1;
	s8 =	simm.s32 @!p0 $0x1BF5;
	p2 =	por !p2, p0  }
0x20: {  	[sflag:s8] =	ssyncset.s32 @!p0 $0xFFFFF086;
	s6 =	sadd.s32 @!p0 s3, s7;
	s7 =	simm.s32 @!p0 $0x108  }
0x21: {  	s3 =	sadd.s32 s3, s9;
	s6 =	sadd.s32 @!p0 $0x88, s6;
	s7 =	simm.s32 @p2 $0x1082  }
0x22: {  	[simem:s7], [sflag:s8] =	dma.local @!p0 [hbm:s6], $0xF7A  }
0x23: {  	s9 =	sor.u32 $0xD0000000, s2;
	s6 =	simm.s32 $0x108;
	_ =	swait.ge @!p0 [sflag:s8], $0x0  }
0x24: {  	s3 =	sadd.s32 $0x88, s3;
	s6 =	simm.s32 @!p1 $0x1082;
	[sflag:s4] =	ssyncset.s32 $0xFFFFF086  }
0x25: {  	[simem:s6], [sflag:s4] =	dma.local [hbm:s3], $0xF7A  }
0x26: {  	[smem:$0x3F8B] =	sst s1;
	(tag) =	ssettag s2;
	_ =	strace s9  }
0x27: {  	s1 =	sld [smem:$0x3F9B]  }
0x28: {  	s2 =	sld [smem:$0x3F9C]  }
0x29: {  	s4 =	sld [smem:$0x3F9E]  }
0x2a: {  	p0 =	seq.s32 s5, $0x0;
	s5 =	sld [smem:$0x3F9F]  }
0x2b: {  	s6 =	sld [smem:$0x3FA0]  }
0x2c: {  	s7 =	sld [smem:$0x3FA1]  }
0x2d: {  	s3 =	simm.s32 $0x108;
	s8 =	sld [smem:$0x3FA2]  }
0x2e: {  	s3 =	simm.s32 @!p0 $0x1082;
	s9 =	sld [smem:$0x3FA3]  }
0x2f: {  	lr =	sadd.s32 s0, s3;
	s0 =	sld [smem:$0x3F9A]  }
0x30: {  	s3 =	sld [smem:$0x3F9D]  }
0x31: {  	[smem:$0x3FA6] =	sst s10  }
0x32: {  	s10 =	sld [smem:$0x3FA4];
	_ =	sdelay $0x3  }
0x33: {  	p0 =	seq.s32 s10, $0x1;
	s10 =	sld [smem:$0x3FA6];
	_ =	sdelay $0x3  }
0x34: {  	[smem:$0x3FA6] =	sst s10  }
0x35: {  	s10 =	sld [smem:$0x3FA5];
	_ =	sdelay $0x3  }
0x36: {  	p1 =	seq.s32 s10, $0x1;
	s10 =	sld [smem:$0x3FA6];
	_ =	sdelay $0x3  }
0x37: {  	[smem:$0x3FA6] =	sst s10  }
0x38: {  	s10 =	sld [smem:$0x3FA7]  }
0x39: {  	_ = 	snop;
	(pc) =	sbr.ind lr, $3  }
0x3a: {  	_ = 	snop  }
0x3b: {  	_ = 	snop  }
0x3c: {  	p2 =	seq.s32 s10, $0x1;
	s10 =	sld [smem:$0x3FA6]  }
0x3d: {  	_ =	shalt  }
0x3e: {  	_ =	shalt  }
0x3f: {  	_ =	shalt  }
0x40: {  	_ =	shalt  }
0x41: {  	_ =	shalt  }
0x42: {  	_ =	shalt  }
0x43: {  	_ =	shalt  }
0x44: {  	_ =	shalt  }
0x45: {  	_ =	shalt  }
0x46: {  	_ =	shalt  }
0x47: {  	_ =	shalt  }
0x48: {  	_ =	shalt  }
0x49: {  	_ =	shalt  }
0x4a: {  	_ =	shalt  }
0x4b: {  	_ =	shalt  }
0x4c: {  	_ =	shalt  }
0x4d: {  	_ =	shalt  }
0x4e: {  	_ =	shalt  }
0x4f: {  	_ =	shalt  }
0x50: {  	_ =	shalt  }
0x51: {  	_ =	shalt  }
0x52: {  	_ =	shalt  }
0x53: {  	_ =	shalt  }
0x54: {  	_ =	shalt  }
0x55: {  	_ =	shalt  }
0x56: {  	_ =	shalt  }
0x57: {  	_ =	shalt  }
0x58: {  	_ =	shalt  }
0x59: {  	_ =	shalt  }
0x5a: {  	_ =	shalt  }
0x5b: {  	_ =	shalt  }
0x5c: {  	_ =	shalt  }
0x5d: {  	_ =	shalt  }
0x5e: {  	_ =	shalt  }
0x5f: {  	_ =	shalt  }
0x60: {  	_ =	shalt  }
0x61: {  	_ =	shalt  }
0x62: {  	_ =	shalt  }
0x63: {  	_ =	shalt  }
0x64: {  	_ =	shalt  }
0x65: {  	_ =	shalt  }
0x66: {  	_ =	shalt  }
0x67: {  	_ =	shalt  }
0x68: {  	_ =	shalt  }
0x69: {  	_ =	shalt  }
0x6a: {  	_ =	shalt  }
0x6b: {  	_ =	shalt  }
0x6c: {  	_ =	shalt  }
0x6d: {  	_ =	shalt  }
0x6e: {  	_ =	shalt  }
0x6f: {  	_ =	shalt  }
0x70: {  	_ =	shalt  }
0x71: {  	_ =	shalt  }
0x72: {  	_ =	shalt  }
0x73: {  	_ =	shalt  }
0x74: {  	_ =	shalt  }
0x75: {  	_ =	shalt  }
0x76: {  	_ =	shalt  }
0x77: {  	_ =	shalt  }
0x78: {  	_ =	shalt  }
0x79: {  	_ =	shalt  }
0x7a: {  	_ =	shalt  }
0x7b: {  	_ =	shalt  }
0x7c: {  	_ =	shalt  }
0x7d: {  	_ =	shalt  }
0x7e: {  	_ =	shalt  }
0x7f: {  	_ =	shalt  }
0x80: {  	_ =	shalt  }
0x81: {  	_ =	shalt  }
0x82: {  	_ =	shalt  }
0x83: {  	_ =	shalt  }
0x84: {  	_ =	shalt  }
0x85: {  	_ =	shalt  }
0x86: {  	_ =	shalt  }
0x87: {  	_ =	shalt  }
.Lfunc_end0:
.L_simem_size_0:
called_computation.1_lowered:
.L_overlay_start_0:
0x88: {  	s2 =	sld [smem:$0x3FD9]  }
0x89: {  	s3 =	sld [smem:$0x3FFE];
	_ =	sdelay $0x1  }
0x8a: {  	s1 =	srdreg.scid  }
0x8b: {  	s0 =	sand.u32 $0x1, s1  }
0x8c: {  	s16 =	sshll.u32 s0, $0xA;
	s2 =	sadd.s32 s3, s2  }
0x8d: {  	s2 =	sadd.s32 s2, s16  }
0x8e: {  	[smem:$0x3FB2] =	sst s2  }
0x8f: {  	_ = 	snop  }
0x90: {  	(tm) =	ssettm $0x1  }
0x91: {  	s17 =	sld [smem:$0x3FFB];
	_ =	sdelay $0x3  }
0x92: {  	_ =	strace s17  }
0x93: {  	s2 =	sld [smem:$0x3FFC];
	_ =	sdelay $0x3  }
0x94: {  	_ =	strace s2  }
0x95: {  	s2 =	sld [smem:$0x3FFD];
	_ =	sdelay $0x3  }
0x96: {  	_ =	strace s2  }
0x97: {  	_ =	strace $0x8FFFFFFF  }
0x98: {  	s18 =	sld [smem:$0x3FDB];
	_ =	sdelay $0x1  }
0x99: {  	s19 =	simm.s32 $_scs_section_size  }
0x9a: {  	s4 =	simm.s32 $_size__tile_overlayer_lowered;
	s5 =	simm.s32 $_tile_overlayer_lowered  }
0x9b: {  	s22 =	simm.s32 $0x1BFF;
	s21 =	sshll.u32 s5, $0x1;
	s2 =	sadd.s32 s19, s18  }
0x9c: {  	s6 =	simm.s32 $0x0;
	s20 =	sshll.u32 s4, $0x1;
	s4 =	sadd.s32 s21, s2  }
0x9d: {  	[timem:s6], [sflag:s22] =	dma.local [hbm:s4], s20  }
0x9e: {  	_ =	swait.ge [sflag:s22], s20  }
0x9f: {  	s3 =	ssub.s32 $0x0, s20;
	[sflag:s22] =	ssyncset.done $0x0  }
0xa0: {  	[sflag:s22] =	ssyncadd.s32 s3;
	_ =	sdelay $0x1  }
0xa1: {  	s23 =	simm.s32 $0x1B8B  }
0xa2: {  	_ =	swait.ge [sflag:s23], $0x1  }
0xa3: {  	[sflag:s23] =	ssyncset.done $0x0  }
0xa4: {  	s25 =	simm.s32 $0x1B8E;
	s24 =	sld [smem:$0x3FFE];
	[sflag:s23] =	ssyncadd.s32 $0xFFFFFFFF  }
0xa5: {  	s26 =	simm.s32 $execute0_lowered;
	[smem:$0x3FD2] =	sst s25  }
0xa6: {  	s4 =	sshll.u32 s26, $0x1;
	_ =	strace $0x80000049;
	[dreg:$0x1] =	wrdreg $0xFFFFFFFF  }
0xa7: {  	s28 =	simm.s32 $_size_execute0_lowered;
	s2 =	sadd.s32 s2, s4;
	[dreg:$0x0] =	wrdreg $0x0  }
0xa8: {  	s4 =	sshll.u32 s28, $0x1;
	[dreg:$0x2] =	wrdreg s2  }
0xa9: {  	[dreg:$0x3] =	wrdreg s4  }
0xaa: {  	[dreg:$0x4] =	wrdreg $0xC0  }
0xab: {  	_ =	task [dreg:s6], $0x5FFFF  }
0xac: {  	[dreg:$0x1] =	wrdreg $0xFFFFFFFF  }
0xad: {  	[dreg:$0x0] =	wrdreg $0x60  }
0xae: {  	[dreg:$0x2] =	wrdreg s24  }
0xaf: {  	[dreg:$0x3] =	wrdreg $0xC2000  }
0xb0: {  	[dreg:$0x4] =	wrdreg $0x9  }
0xb1: {  	_ =	task.clear_ibuf [dreg:s6], $0x5FFFF;
	_ =	strace $0x90000049  }
0xb2: {  	s29 =	simm.s32 $0x9;
	_ =	strace $0x8000004B  }
0xb3: {  	_ =	swait.ge [sflag:s29], $0x1  }
0xb4: {  	[sflag:s29] =	ssyncadd.s32 $0xFFFFFFFF  }
0xb5: {  	_ =	strace $0x9000004B  }
0xb6: {  	_ =	sfence  }
0xb7: {  	s30 =	sld [smem:$0x0];
	_ =	sdelay $0x2  }
0xb8: {  	s31 =	sshll.u32 s1, $0xD;
	s1 =	sshrl.u32 s1, $0x2  }
0xb9: {  	s3 =	sand.u32 $0x4000, s31;
	s1 =	sadd.s32 s1, s30  }
0xba: {  	s0 =	sor.u32 s3, s0;
	s1 =	sshll.u32 s1, $0x11  }
0xbb: {  	s0 =	sor.u32 s1, s0  }
0xbc: {  	s0 =	sadd.s32 $0x8F2B, s0  }
0xbd: {  	[sflag:s0] =	ssyncadd.remote.s32 $0x1  }
0xbe: {  	_ =	sfence.sel $0xFFFF  }
0xbf: {  	[dreg:$0x0] =	wrdreg $0xFFFFFFFF;
	(pc) =	sbr.abs _section_cstart, $3  }
0xc0: {  	[dreg:$0x1] =	wrdreg $0xFFFFFFFF  }
0xc1: {  	_ =	task.clear_ibuf [dreg:s6], $0x2FFFF;
	_ =	strace $0x9FFFFFFF  }
0xc2: {  	(tm) =	ssettm $0x7FFFFFFF  }
0xc3: {  	_ =	shalt  }
tec
execute0_lowered:
.L_overlay_start_1:
0x0: {  	(tag) =	ssettag $0x1  }
0x1: {  	s0 =	rddreg [dreg:$0x0]  }
0x2: {  	s1 =	rddreg [dreg:$0x1];
	s2 =	simm.s32 $0x0  }
0x3: {  	s3 =	srdreg.scid;
	s13 =	stileid.u32;
	s15 =	simm.s32 $0x9  }
0x4: {  	s16 =	simm.s32 $0x100;
	s17 =	simm.s32 $0x1;
	s18 =	simm.s32 $0x40  }
0x5: {  	s19 =	simm.s32 $0x200;
	s28 =	simm.s32 $0x2;
	s29 =	simm.s32 $0x2200  }
0x6: {  	s30 =	simm.s32 $0x6200;
	s31 =	simm.s32 $0xA200;
	[smem:$0x7FF] =	sst s2  }
0x7: {  	s3 =	sand.u32 $0x1, s3;
	s4 =	sadd.s32 $0x294A00, s0;
	s9 =	smul.u32 $0x13C00, s13  }
0x8: {  	s5 =	sadd.s32 $0x562E00, s0;
	s6 =	sadd.s32 $0x4600, s0;
	s10 =	smul.u32 $0x66, s13  }
0x9: {  	s7 =	sadd.s32 $0x9600, s0;
	s20 =	sadd.s32 $0x2E2E00, s0;
	s21 =	smul.u32 $0x3A, s13  }
0xa: {  	s11 =	smul.u32 $0x4F000, s13;
	s25 =	sshll.u32 s13, $0x6;
	_ =	strace $0x8000004A  }
0xb: {  	s8 =	smul.u32 $0x13C000, s3;
	[dreg:$0x4] =	wrdreg s20;
	s22 =	ssub.s32 $0x2, s3  }
0xc: {  	p0 =	seq.s32 s3, $0x0;
	s20 =	simm.s32 $0x4200;
	s3 =	simm.s32 $0x6  }
0xd: {  	s12 =	sshrl.u32 s22, $0x1;
	s24 =	sshrl.u32 s11, $0x2;
	s11 =	sor.u32 $0x1C09, s25  }
0xe: {  	s25 =	simm.s32 $0x80;
	s8 =	sadd.s32 s9, s8;
	s9 =	sadd.s32 $0x660, s21  }
0xf: {  	s23 =	ssub.s32 s22, s12;
	s22 =	simm.s32 $0x3;
	[dreg:$0x5] =	wrdreg s11  }
0x10: {  	s21 =	simm.s32 $0x0;
	s8 =	sshrl.u32 s8, $0x3;
	s9 =	smov.u32 @p0 s10  }
0x11: {  	s10 =	simm.s32 $0x33;
	s26 =	smax.u32 s23, $0x1;
	s23 =	simm.s32 $0x5  }
0x12: {  	s0 =	sadd.s32 s8, s0;
	s8 =	sadd.s32 s24, s1;
	s10 =	simm.s32 @!p0 $0x1D  }
0x13: {  	[dreg:$0x7] =	wrdreg s26;
	s24 =	simm.s32 $0x7;
	s0 =	sadd.s32 $0x2E5600, s0  }
0x14: {  	s26 =	simm.s32 $0x180;
	s13 =	sshrl.u32 s8, $0x3;
	[dreg:$0x6] =	wrdreg s0  }
0x15: {  	s8 =	simm.s32 $0x8;
	s0 =	simm.s32 $0x4;
	[dreg:$0x8] =	wrdreg s13  }
.LBB2_1:
0x16: {  	[dreg:$0x3] =	wrdreg s2  }
0x17: {  	s14 =	rddreg [dreg:$0x4]  }
0x18: {  	[spmem:s13], [sflag:s11] =	dma.local [hbm:s14], $0x2780  }
0x19: {  	_ =	swait.ge [sflag:s15], $0x2780  }
0x1a: {  	[sflag:s15] =	ssyncset.done $0x0  }
0x1b: {  	[sflag:s15] =	ssyncadd.s32 $0xFFFFD880  }
0x1c: {  	s12 =	simm.s32 $0x0;
	[bflag:$0x0] =	sbarrier.arrive $0xFFFF  }
.LBB2_2:
0x1d: {  	s13 =	sshll.u32 s12, $0x1  }
0x1e: {  	s11 =	sadd.s32 s9, s13  }
0x1f: {  	s14 =	sshll.u32 s11, $0x3  }
0x20: {  	s14 =	sand.u32 $0x1FFFFFF0, s14  }
0x21: {  	s2 =	sadd.s32 s6, s14  }
0x22: {  	[tilespmem:s21], [sflag:$0x1] =	stream.linear.gather [hbm4b:s2+s21], $0x40, $0x38;
	[tilespmem:$0x1FE00] =	vst v63  }
0x23: {  	s14 =	sadd.s32 s7, s14  }
0x24: {  	[tilespmem:s16], [sflag:$0x1] =	stream.linear.gather [hbm4b:s14+s21], $0x40, $0x38;
	[tilespmem:$0x1FE00] =	vst v63  }
0x25: {  	_ =	swait.ge [sflag:s17], $0x40  }
0x26: {  	[sflag:s17] =	ssyncset.done $0x0  }
0x27: {  	[sflag:s17] =	ssyncadd.s32 $0xFFFFFFC0  }
0x28: {  	_ =	swait.ge [sflag:s17], $0x40  }
0x29: {  	[sflag:s17] =	ssyncset.done $0x0  }
0x2a: {  	s11 =	sshll.u32 s11, $0xA;
	[sflag:s17] =	ssyncadd.s32 $0xFFFFFFC0  }
0x2b: {  	[tilespmem:s19], [sflag:$0x3] =	stream.indirect.gather [hbm4b:s4+s18], $0x80, s21, s18, $0xb8;
	[tilespmem:$0x1FE00] =	vst v63  }
0x2c: {  	s2 =	sand.u32 $0x1FFFF800, s11  }
0x2d: {  	[tilespmem:s20], [sflag:$0x5] =	stream.indirect.gather [hbm4b:s4+s18], $0x80, s16, s18, $0xb8;
	[tilespmem:$0x1FE00] =	vst v63  }
0x2e: {  	s2 =	sadd.s32 s5, s2;
	s14 =	simm.s32 $0x8200  }
0x2f: {  	[tilespmem:s14], [sflag:$0x7] =	stream.linear.gather [hbm4b:s2+s21], $0x2000, $0x38;
	[tilespmem:$0x1FE00] =	vst v63  }
0x30: {  	_ =	swait.ge [sflag:s22], $0x2000  }
0x31: {  	[sflag:s22] =	ssyncset.done $0x0  }
0x32: {  	[sflag:s22] =	ssyncadd.s32 $0xFFFFE000  }
0x33: {  	_ =	swait.ge [sflag:s23], $0x2000  }
0x34: {  	[sflag:s23] =	ssyncset.done $0x0  }
0x35: {  	[sflag:s23] =	ssyncadd.s32 $0xFFFFE000  }
0x36: {  	_ =	swait.ge [sflag:s24], $0x2000  }
0x37: {  	[sflag:s24] =	ssyncset.done $0x0  }
0x38: {  	s11 =	simm.s32 $0x0;
	[sflag:s24] =	ssyncadd.s32 $0xFFFFE000  }
0x39: {  	v3 =	vld [tilespmem:s11+$0x8200]  }
0x3a: {  	v4 =	vld [tilespmem:s11+$0x8210]  }
0x3b: {  	v5 =	vld [tilespmem:s11+$0x8220]  }
0x3c: {  	v6 =	vld [tilespmem:s11+$0x8230]  }
0x3d: {  	v7 =	vld [tilespmem:s11+$0x8240]  }
0x3e: {  	v2 =	vld [tilespmem:s11+$0x8250]  }
0x3f: {  	v1 =	vld [tilespmem:s11+$0x8260]  }
0x40: {  	v0 =	vld [tilespmem:s11+$0x8270]  }
0x41: {  	v8 =	vld [tilespmem:s11+$0x200]  }
0x42: {  	v9 =	vld [tilespmem:s11+$0x4200]  }
0x43: {  	v10 =	vld [tilespmem:s11+$0x210]  }
0x44: {  	v11 =	vld [tilespmem:s11+$0x4210]  }
0x45: {  	v12 =	vld [tilespmem:s11+$0x220]  }
0x46: {  	v13 =	vld [tilespmem:s11+$0x4220];
	v8 =	vmul.f32 v8, v3  }
0x47: {  	v14 =	vld [tilespmem:s11+$0x230];
	v3 =	vmul.f32 v9, v3  }
0x48: {  	v9 =	vmul.f32 v10, v4;
	[tilespmem:s11+$0x200] =	vst v8;
	v8 =	vld [tilespmem:s11+$0x4230]  }
0x49: {  	v10 =	vld [tilespmem:s11+$0x240];
	[tilespmem:s11+$0x4200] =	vst v3;
	v3 =	vmul.f32 v11, v4  }
0x4a: {  	[tilespmem:s11+$0x210] =	vst v9;
	v11 =	vld [tilespmem:s11+$0x4240];
	v9 =	vmul.f32 v12, v5  }
0x4b: {  	v4 =	vld [tilespmem:s11+$0x250];
	v5 =	vmul.f32 v13, v5;
	[tilespmem:s11+$0x4210] =	vst v3  }
0x4c: {  	[tilespmem:s11+$0x220] =	vst v9;
	v3 =	vld [tilespmem:s11+$0x4250];
	v9 =	vmul.f32 v14, v6  }
0x4d: {  	[tilespmem:s11+$0x4220] =	vst v5;
	v5 =	vld [tilespmem:s11+$0x260];
	v8 =	vmul.f32 v8, v6  }
0x4e: {  	[tilespmem:s11+$0x230] =	vst v9;
	v9 =	vmul.f32 v10, v7;
	v6 =	vld [tilespmem:s11+$0x4260]  }
0x4f: {  	s14 =	simm.s32 $0x200;
	[tilespmem:s11+$0x4230] =	vst v8;
	v8 =	vmul.f32 v11, v7;
	v7 =	vld [tilespmem:s11+$0x270]  }
.LBB2_3:
0x50: {  	s2 =	sshra.s32 s14, $0x2;
	p0 =	sne.s32 s14, $0x7E00;
	[tilespmem:s11+$0x240] =	vst v9;
	v4 =	vmul.f32 v4, v2;
	v9 =	vld [tilespmem:s11+$0x4270]  }
0x51: {  	v10 =	vld [tilespmem:s2+$0x8200];
	[tilespmem:s11+$0x4240] =	vst v8;
	v2 =	vmul.f32 v3, v2  }
0x52: {  	v3 =	vld [tilespmem:s2+$0x8210];
	[tilespmem:s11+$0x250] =	vst v4;
	v4 =	vmul.f32 v5, v1  }
0x53: {  	v5 =	vld [tilespmem:s2+$0x8220];
	[tilespmem:s11+$0x4250] =	vst v2;
	v1 =	vmul.f32 v6, v1  }
0x54: {  	v6 =	vld [tilespmem:s2+$0x8230];
	[tilespmem:s11+$0x260] =	vst v4;
	v4 =	vmul.f32 v7, v0  }
0x55: {  	v7 =	vld [tilespmem:s2+$0x8240];
	[tilespmem:s11+$0x4260] =	vst v1;
	v0 =	vmul.f32 v9, v0  }
0x56: {  	v2 =	vld [tilespmem:s2+$0x8250];
	[tilespmem:s11+$0x270] =	vst v4  }
0x57: {  	v1 =	vld [tilespmem:s2+$0x8260];
	[tilespmem:s11+$0x4270] =	vst v0;
	s11 =	smov.u32 s2  }
0x58: {  	v0 =	vld [tilespmem:s11+$0x8270]  }
0x59: {  	v4 =	vld [tilespmem:s11+$0x200]  }
0x5a: {  	v8 =	vld [tilespmem:s11+$0x4200]  }
0x5b: {  	v9 =	vld [tilespmem:s11+$0x210]  }
0x5c: {  	v11 =	vld [tilespmem:s11+$0x4210]  }
0x5d: {  	v12 =	vld [tilespmem:s11+$0x220]  }
0x5e: {  	v4 =	vmul.f32 v4, v10;
	v13 =	vld [tilespmem:s11+$0x4220]  }
0x5f: {  	v8 =	vmul.f32 v8, v10;
	v10 =	vld [tilespmem:s11+$0x230]  }
0x60: {  	[tilespmem:s11+$0x200] =	vst v4;
	v4 =	vmul.f32 v9, v3;
	v9 =	vld [tilespmem:s11+$0x4230]  }
0x61: {  	[tilespmem:s11+$0x4200] =	vst v8;
	v3 =	vmul.f32 v11, v3;
	v8 =	vld [tilespmem:s11+$0x240]  }
0x62: {  	[tilespmem:s11+$0x210] =	vst v4;
	v11 =	vmul.f32 v12, v5;
	v12 =	vld [tilespmem:s11+$0x4240]  }
.Ltmp0:
0x63: {  	[tilespmem:s11+$0x4210] =	vst v3;
	v5 =	vmul.f32 v13, v5;
	v4 =	vld [tilespmem:s11+$0x250];
	(pc) =	sbr.rel @p0 .LBB2_3-.Ltmp0, $4  }
0x64: {  	[tilespmem:s11+$0x220] =	vst v11;
	v10 =	vmul.f32 v10, v6;
	v3 =	vld [tilespmem:s11+$0x4250]  }
0x65: {  	[tilespmem:s11+$0x4220] =	vst v5;
	v11 =	vmul.f32 v9, v6;
	v5 =	vld [tilespmem:s11+$0x260]  }
0x66: {  	[tilespmem:s11+$0x230] =	vst v10;
	v9 =	vmul.f32 v8, v7;
	v6 =	vld [tilespmem:s11+$0x4260]  }
0x67: {  	s14 =	sadd.s32 $0x200, s14;
	[tilespmem:s11+$0x4230] =	vst v11;
	v8 =	vmul.f32 v12, v7;
	v7 =	vld [tilespmem:s11+$0x270]  }
0x68: {  	[tilespmem:s11+$0x240] =	vst v9;
	v4 =	vmul.f32 v4, v2;
	v9 =	vld [tilespmem:s11+$0x4270]  }
0x69: {  	[tilespmem:s11+$0x4240] =	vst v8;
	v2 =	vmul.f32 v3, v2  }
0x6a: {  	[tilespmem:s11+$0x250] =	vst v4;
	v3 =	vmul.f32 v5, v1  }
0x6b: {  	[tilespmem:s11+$0x4250] =	vst v2;
	v1 =	vmul.f32 v6, v1  }
0x6c: {  	[tilespmem:s11+$0x260] =	vst v3;
	v2 =	vmul.f32 v7, v0  }
0x6d: {  	[tilespmem:s11+$0x4260] =	vst v1;
	v0 =	vmul.f32 v9, v0  }
0x6e: {  	[tilespmem:s11+$0x270] =	vst v2  }
0x6f: {  	[tilespmem:s11+$0x4270] =	vst v0  }
0x70: {  	[spmem:s1] =	stream.indirect.scatter.add.f32 [tilespmem:s19], [sflag:$0x9], $0x80, s16, s18, $0xb8;
	[tilespmem:$0x1FE00] =	vst v63  }
0x71: {  	_ =	swait.ge [sflag:s15], $0x2000  }
0x72: {  	[sflag:s15] =	ssyncset.done $0x0  }
0x73: {  	s2 =	simm.s32 $0x0;
	s14 =	sadd.s32 s13, s9;
	[sflag:s15] =	ssyncadd.s32 $0xFFFFE000  }
0x74: {  	[spmem:s1] =	stream.indirect.scatter.add.f32 [tilespmem:s20], [sflag:$0x9], $0x80, s2, s18, $0xb8;
	[tilespmem:$0x1FE00] =	vst v63  }
0x75: {  	s11 =	sadd.s32 $0x1, s14;
	_ =	swait.ge [sflag:s15], $0x2000  }
0x76: {  	s13 =	sshll.u32 s11, $0x3;
	[sflag:s15] =	ssyncset.done $0x0  }
0x77: {  	s14 =	sadd.s32 s6, s13;
	[sflag:s15] =	ssyncadd.s32 $0xFFFFE000  }
0x78: {  	[tilespmem:s25], [sflag:$0x2] =	stream.linear.gather [hbm4b:s14+s2], $0x40, $0x38;
	[tilespmem:$0x1FE00] =	vst v63  }
0x79: {  	s13 =	sadd.s32 s7, s13  }
0x7a: {  	[tilespmem:s26], [sflag:$0x2] =	stream.linear.gather [hbm4b:s13+s2], $0x40, $0x38;
	[tilespmem:$0x1FE00] =	vst v63  }
0x7b: {  	_ =	swait.ge [sflag:s28], $0x40  }
0x7c: {  	[sflag:s28] =	ssyncset.done $0x0  }
0x7d: {  	[sflag:s28] =	ssyncadd.s32 $0xFFFFFFC0  }
0x7e: {  	_ =	swait.ge [sflag:s28], $0x40  }
0x7f: {  	[sflag:s28] =	ssyncset.done $0x0  }
0x80: {  	[sflag:s28] =	ssyncadd.s32 $0xFFFFFFC0  }
0x81: {  	[tilespmem:s29], [sflag:$0x4] =	stream.indirect.gather [hbm4b:s4+s18], $0x80, s25, s18, $0xb8;
	[tilespmem:$0x1FE00] =	vst v63  }
0x82: {  	s11 =	sshll.u32 s11, $0xA  }
0x83: {  	[tilespmem:s30], [sflag:$0x6] =	stream.indirect.gather [hbm4b:s4+s18], $0x80, s26, s18, $0xb8;
	[tilespmem:$0x1FE00] =	vst v63  }
0x84: {  	s11 =	sadd.s32 s5, s11  }
0x85: {  	[tilespmem:s31], [sflag:$0x8] =	stream.linear.gather [hbm4b:s11+s2], $0x2000, $0x38;
	[tilespmem:$0x1FE00] =	vst v63  }
0x86: {  	_ =	swait.ge [sflag:s0], $0x2000  }
0x87: {  	[sflag:s0] =	ssyncset.done $0x0  }
0x88: {  	[sflag:s0] =	ssyncadd.s32 $0xFFFFE000  }
0x89: {  	_ =	swait.ge [sflag:s3], $0x2000  }
0x8a: {  	[sflag:s3] =	ssyncset.done $0x0  }
0x8b: {  	[sflag:s3] =	ssyncadd.s32 $0xFFFFE000  }
0x8c: {  	_ =	swait.ge [sflag:s8], $0x2000  }
0x8d: {  	[sflag:s8] =	ssyncset.done $0x0  }
0x8e: {  	s11 =	simm.s32 $0x0;
	[sflag:s8] =	ssyncadd.s32 $0xFFFFE000  }
0x8f: {  	v3 =	vld [tilespmem:s11+$0xA200]  }
0x90: {  	v4 =	vld [tilespmem:s11+$0xA210]  }
0x91: {  	v5 =	vld [tilespmem:s11+$0xA220]  }
0x92: {  	v6 =	vld [tilespmem:s11+$0xA230]  }
0x93: {  	v7 =	vld [tilespmem:s11+$0xA240]  }
0x94: {  	v2 =	vld [tilespmem:s11+$0xA250]  }
0x95: {  	v1 =	vld [tilespmem:s11+$0xA260]  }
0x96: {  	v0 =	vld [tilespmem:s11+$0xA270]  }
0x97: {  	v8 =	vld [tilespmem:s11+$0x2200]  }
0x98: {  	v9 =	vld [tilespmem:s11+$0x6200]  }
0x99: {  	v10 =	vld [tilespmem:s11+$0x2210]  }
0x9a: {  	v11 =	vld [tilespmem:s11+$0x6210]  }
0x9b: {  	v12 =	vld [tilespmem:s11+$0x2220]  }
0x9c: {  	v13 =	vld [tilespmem:s11+$0x6220];
	v8 =	vmul.f32 v8, v3  }
0x9d: {  	v14 =	vld [tilespmem:s11+$0x2230];
	v3 =	vmul.f32 v9, v3  }
0x9e: {  	v9 =	vmul.f32 v10, v4;
	[tilespmem:s11+$0x2200] =	vst v8;
	v8 =	vld [tilespmem:s11+$0x6230]  }
0x9f: {  	v10 =	vld [tilespmem:s11+$0x2240];
	[tilespmem:s11+$0x6200] =	vst v3;
	v3 =	vmul.f32 v11, v4  }
0xa0: {  	[tilespmem:s11+$0x2210] =	vst v9;
	v11 =	vld [tilespmem:s11+$0x6240];
	v9 =	vmul.f32 v12, v5  }
0xa1: {  	v4 =	vld [tilespmem:s11+$0x2250];
	v5 =	vmul.f32 v13, v5;
	[tilespmem:s11+$0x6210] =	vst v3  }
0xa2: {  	[tilespmem:s11+$0x2220] =	vst v9;
	v3 =	vld [tilespmem:s11+$0x6250];
	v9 =	vmul.f32 v14, v6  }
0xa3: {  	[tilespmem:s11+$0x6220] =	vst v5;
	v5 =	vld [tilespmem:s11+$0x2260];
	v8 =	vmul.f32 v8, v6  }
0xa4: {  	[tilespmem:s11+$0x2230] =	vst v9;
	v9 =	vmul.f32 v10, v7;
	v6 =	vld [tilespmem:s11+$0x6260]  }
0xa5: {  	s13 =	simm.s32 $0x200;
	[tilespmem:s11+$0x6230] =	vst v8;
	v8 =	vmul.f32 v11, v7;
	v7 =	vld [tilespmem:s11+$0x2270]  }
.LBB2_5:
0xa6: {  	s2 =	sshra.s32 s13, $0x2;
	p0 =	sne.s32 s13, $0x7E00;
	[tilespmem:s11+$0x2240] =	vst v9;
	v4 =	vmul.f32 v4, v2;
	v9 =	vld [tilespmem:s11+$0x6270]  }
0xa7: {  	v10 =	vld [tilespmem:s2+$0xA200];
	[tilespmem:s11+$0x6240] =	vst v8;
	v2 =	vmul.f32 v3, v2  }
0xa8: {  	v3 =	vld [tilespmem:s2+$0xA210];
	[tilespmem:s11+$0x2250] =	vst v4;
	v4 =	vmul.f32 v5, v1  }
0xa9: {  	v5 =	vld [tilespmem:s2+$0xA220];
	[tilespmem:s11+$0x6250] =	vst v2;
	v1 =	vmul.f32 v6, v1  }
0xaa: {  	v6 =	vld [tilespmem:s2+$0xA230];
	[tilespmem:s11+$0x2260] =	vst v4;
	v4 =	vmul.f32 v7, v0  }
0xab: {  	v7 =	vld [tilespmem:s2+$0xA240];
	[tilespmem:s11+$0x6260] =	vst v1;
	v0 =	vmul.f32 v9, v0  }
0xac: {  	v2 =	vld [tilespmem:s2+$0xA250];
	[tilespmem:s11+$0x2270] =	vst v4  }
0xad: {  	v1 =	vld [tilespmem:s2+$0xA260];
	[tilespmem:s11+$0x6270] =	vst v0;
	s11 =	smov.u32 s2  }
0xae: {  	v0 =	vld [tilespmem:s11+$0xA270]  }
0xaf: {  	v4 =	vld [tilespmem:s11+$0x2200]  }
0xb0: {  	v8 =	vld [tilespmem:s11+$0x6200]  }
0xb1: {  	v9 =	vld [tilespmem:s11+$0x2210]  }
0xb2: {  	v11 =	vld [tilespmem:s11+$0x6210]  }
0xb3: {  	v12 =	vld [tilespmem:s11+$0x2220]  }
0xb4: {  	v4 =	vmul.f32 v4, v10;
	v13 =	vld [tilespmem:s11+$0x6220]  }
0xb5: {  	v8 =	vmul.f32 v8, v10;
	v10 =	vld [tilespmem:s11+$0x2230]  }
0xb6: {  	[tilespmem:s11+$0x2200] =	vst v4;
	v4 =	vmul.f32 v9, v3;
	v9 =	vld [tilespmem:s11+$0x6230]  }
0xb7: {  	[tilespmem:s11+$0x6200] =	vst v8;
	v3 =	vmul.f32 v11, v3;
	v8 =	vld [tilespmem:s11+$0x2240]  }
0xb8: {  	[tilespmem:s11+$0x2210] =	vst v4;
	v11 =	vmul.f32 v12, v5;
	v12 =	vld [tilespmem:s11+$0x6240]  }
.Ltmp1:
0xb9: {  	[tilespmem:s11+$0x6210] =	vst v3;
	v5 =	vmul.f32 v13, v5;
	v4 =	vld [tilespmem:s11+$0x2250];
	(pc) =	sbr.rel @p0 .LBB2_5-.Ltmp1, $4  }
0xba: {  	[tilespmem:s11+$0x2220] =	vst v11;
	v10 =	vmul.f32 v10, v6;
	v3 =	vld [tilespmem:s11+$0x6250]  }
0xbb: {  	[tilespmem:s11+$0x6220] =	vst v5;
	v11 =	vmul.f32 v9, v6;
	v5 =	vld [tilespmem:s11+$0x2260]  }
0xbc: {  	[tilespmem:s11+$0x2230] =	vst v10;
	v9 =	vmul.f32 v8, v7;
	v6 =	vld [tilespmem:s11+$0x6260]  }
0xbd: {  	s13 =	sadd.s32 $0x200, s13;
	[tilespmem:s11+$0x6230] =	vst v11;
	v8 =	vmul.f32 v12, v7;
	v7 =	vld [tilespmem:s11+$0x2270]  }
0xbe: {  	[tilespmem:s11+$0x2240] =	vst v9;
	v4 =	vmul.f32 v4, v2;
	v58 =	vld [tilespmem:s11+$0x6270]  }
0xbf: {  	[tilespmem:s11+$0x6240] =	vst v8;
	v59 =	vmul.f32 v3, v2  }
0xc0: {  	[tilespmem:s11+$0x2250] =	vst v4;
	v60 =	vmul.f32 v5, v1  }
0xc1: {  	[tilespmem:s11+$0x6250] =	vst v59;
	v61 =	vmul.f32 v6, v1  }
0xc2: {  	[tilespmem:s11+$0x2260] =	vst v60;
	v62 =	vmul.f32 v7, v0  }
0xc3: {  	[tilespmem:s11+$0x6260] =	vst v61;
	v63 =	vmul.f32 v58, v0  }
0xc4: {  	[tilespmem:s11+$0x2270] =	vst v62  }
0xc5: {  	[tilespmem:s11+$0x6270] =	vst v63  }
0xc6: {  	[spmem:s1] =	stream.indirect.scatter.add.f32 [tilespmem:s29], [sflag:$0x9], $0x80, s26, s18, $0xb8;
	[tilespmem:$0x1FE00] =	vst v63  }
0xc7: {  	s12 =	sadd.s32 $0x1, s12;
	_ =	swait.ge [sflag:s15], $0x2000  }
0xc8: {  	p0 =	sne.s32 s12, s10;
	[sflag:s15] =	ssyncset.done $0x0  }
.Ltmp2:
0xc9: {  	[sflag:s15] =	ssyncadd.s32 $0xFFFFE000;
	(pc) =	sbr.rel @p0 .LBB2_2-.Ltmp2, $4  }
0xca: {  	[spmem:s1] =	stream.indirect.scatter.add.f32 [tilespmem:s30], [sflag:$0x9], $0x80, s25, s18, $0xb8;
	[tilespmem:$0x1FE00] =	vst v63  }
0xcb: {  	_ =	swait.ge [sflag:s15], $0x2000  }
0xcc: {  	[sflag:s15] =	ssyncset.done $0x0  }
0xcd: {  	[sflag:s15] =	ssyncadd.s32 $0xFFFFE000  }
0xce: {  	[bflag:$0x0] =	sbarrier.arrive $0xFFFF  }
0xcf: {  	s11 =	rddreg [dreg:$0x5]  }
0xd0: {  	s2 =	rddreg [dreg:$0x6]  }
0xd1: {  	s13 =	rddreg [dreg:$0x8]  }
0xd2: {  	[hbm:s2], [sflag:s11] =	dma.local [spmem:s13], $0x2780  }
0xd3: {  	_ =	swait.ge [sflag:s15], $0x2780  }
0xd4: {  	s14 =	rddreg [dreg:$0x3]  }
0xd5: {  	s12 =	rddreg [dreg:$0x7];
	s2 =	sadd.s32 $0x1, s14  }
0xd6: {  	p0 =	sne.s32 s2, s12  }
.Ltmp3:
0xd7: {  	_ = 	snop;
	(pc) =	sbr.rel @p0 .LBB2_1-.Ltmp3, $3  }
0xd8: {  	_ =	sdelay $0x1  }
0xd9: {  	[sflag:s15] =	ssyncset.done $0x0  }
0xda: {  	[sflag:s15] =	ssyncadd.s32 $0xFFFFD880  }
0xdb: {  	_ =	sfence.sel $0x180000  }
0xdc: {  	[bflag:$0x0] =	sbarrier.arrive $0xFFFF  }
0xdd: {  	_ =	strace $0x9000004A  }
0xde: {  	s0 =	stileid.u32;
	[bflag:$0x2] =	sbarrier.arrive $0xFFFF  }
0xdf: {  	p0 =	sne.s32 s0, $0x0;
	s0 =	rddreg [dreg:$0x2]  }
0xe0: {  	s0 =	sadd.s32 @!p0 $0x100000, s0  }
0xe1: {  	[sflag:s0] =	ssyncadd.tile.s32 @!p0 $0x1;
	_ =	shalt  }
.Lfunc_end2:
_tile_overlayer_lowered:
.L_overlay_start_2:
0xe2: {  	(tag) =	ssettag $0x2  }
0xe3: {  	s0 =	rddreg [dreg:$0x0];
	s2 =	stileid.u32  }
0xe4: {  	s1 =	rddreg [dreg:$0x1];
	p0 =	sne.s32 s2, $0x0  }
0xe5: {  	s3 =	rddreg [dreg:$0x2];
	[bflag:$0x3] =	sbarrier.arrive $0xFFFF;
	s2 =	simm.s32 @!p0 $0x1C09  }
0xe6: {  	[timem:s3], [sflag:s2] =	dma.local @!p0 [hbm:s0], s1  }
0xe7: {  	s0 =	simm.s32 @!p0 $0x9  }
0xe8: {  	_ =	swait.ge @!p0 [sflag:s0], s1  }
0xe9: {  	s1 =	ssub.s32 @!p0 $0x0, s1;
	[sflag:s0] =	ssyncset.done @!p0 $0x0  }
0xea: {  	[sflag:s0] =	ssyncadd.s32 @!p0 s1  }
0xeb: {  	[bflag:$0x3] =	sbarrier.arrive $0xFFFF  }
0xec: {  	_ =	shalt  }

// kernel: kernel.18.cloned.1.call-start
scs
__scs_entry_jumppad:
0x0: {  	(pc) =	sbr.rel $0x88, $3  }
0x1: {  	(tag) =	ssettag $0x0;
	lr =	simm.s32 $0x1  }
0x2: {  	[smem:$0x3F8B] =	sst lr;
	_ =	strace $0xD0000000  }
0x3: {  	_ = 	snop  }
0x4: {  	_ = 	snop  }
0x5: {  	_ = 	snop  }
0x6: {  	_ = 	snop  }
0x7: {  	_ = 	snop  }
__scs_overlays_trampoline_lowered:
0x8: {  	[smem:$0x3F9A] =	sst s0  }
0x9: {  	[smem:$0x3F9B] =	sst s1  }
0xa: {  	[smem:$0x3F9C] =	sst s2  }
0xb: {  	[smem:$0x3F9D] =	sst s3  }
0xc: {  	[smem:$0x3F9E] =	sst s4  }
0xd: {  	[smem:$0x3F9F] =	sst s5  }
0xe: {  	[smem:$0x3FA0] =	sst s6  }
0xf: {  	[smem:$0x3FA1] =	sst s7  }
0x10: {  	[smem:$0x3FA2] =	sst s8  }
0x11: {  	[smem:$0x3FA3] =	sst s9;
	s0 =	simm.s32 @!p0 $0x0  }
0x12: {  	s1 =	sld [smem:$0x3F89];
	s0 =	simm.s32 @p0 $0x1  }
0x13: {  	[smem:$0x3FA4] =	sst s0;
	s0 =	simm.s32 @!p1 $0x0  }
0x14: {  	s2 =	sld [smem:$0x3F88];
	s0 =	simm.s32 @p1 $0x1  }
0x15: {  	[smem:$0x3FA5] =	sst s0;
	s0 =	simm.s32 @!p2 $0x0  }
0x16: {  	s3 =	sld [smem:$0x3FDB];
	s0 =	simm.s32 @p2 $0x1  }
0x17: {  	s4 =	simm.s32 $0x1BF5;
	[smem:$0x3FA7] =	sst s0  }
0x18: {  	s0 =	sld [smem:$0x3F8A];
	_ =	swait.ge [sflag:s4], $0x0  }
0x19: {  	s7 =	sld [smem:$0x3F8B]  }
0x1a: {  	s8 =	sadd.s32 $0xFFFFE003, lr  }
0x1b: {  	s9 =	sadd.s32 $0xFFFFFEF7, lr;
	s5 =	simm.s32 $0xFFFFFFFF;
	p2 =	slt.u32 s8, $0xFFFFF086  }
0x1c: {  	p1 =	slt.u32 s9, $0xF7A;
	s5 =	simm.s32 @!p2 $0x0  }
0x1d: {  	s5 =	simm.s32 @p1 $0x1;
	p0 =	seq.s32 s7, s2  }
0x1e: {  	s7 =	smul.u32 @!p0 $0xF7A, s2;
	p2 =	seq.s32 @!p0 s5, $0x0  }
0x1f: {  	s9 =	smul.u32 $0xF7A, s1;
	s8 =	simm.s32 @!p0 $0x1BF5;
	p2 =	por !p2, p0  }
0x20: {  	[sflag:s8] =	ssyncset.s32 @!p0 $0xFFFFF086;
	s6 =	sadd.s32 @!p0 s3, s7;
	s7 =	simm.s32 @!p0 $0x108  }
0x21: {  	s3 =	sadd.s32 s3, s9;
	s6 =	sadd.s32 @!p0 $0x88, s6;
	s7 =	simm.s32 @p2 $0x1082  }
0x22: {  	[simem:s7], [sflag:s8] =	dma.local @!p0 [hbm:s6], $0xF7A  }
0x23: {  	s9 =	sor.u32 $0xD0000000, s2;
	s6 =	simm.s32 $0x108;
	_ =	swait.ge @!p0 [sflag:s8], $0x0  }
0x24: {  	s3 =	sadd.s32 $0x88, s3;
	s6 =	simm.s32 @!p1 $0x1082;
	[sflag:s4] =	ssyncset.s32 $0xFFFFF086  }
0x25: {  	[simem:s6], [sflag:s4] =	dma.local [hbm:s3], $0xF7A  }
0x26: {  	[smem:$0x3F8B] =	sst s1;
	(tag) =	ssettag s2;
	_ =	strace s9  }
0x27: {  	s1 =	sld [smem:$0x3F9B]  }
0x28: {  	s2 =	sld [smem:$0x3F9C]  }
0x29: {  	s4 =	sld [smem:$0x3F9E]  }
0x2a: {  	p0 =	seq.s32 s5, $0x0;
	s5 =	sld [smem:$0x3F9F]  }
0x2b: {  	s6 =	sld [smem:$0x3FA0]  }
0x2c: {  	s7 =	sld [smem:$0x3FA1]  }
0x2d: {  	s3 =	simm.s32 $0x108;
	s8 =	sld [smem:$0x3FA2]  }
0x2e: {  	s3 =	simm.s32 @!p0 $0x1082;
	s9 =	sld [smem:$0x3FA3]  }
0x2f: {  	lr =	sadd.s32 s0, s3;
	s0 =	sld [smem:$0x3F9A]  }
0x30: {  	s3 =	sld [smem:$0x3F9D]  }
0x31: {  	[smem:$0x3FA6] =	sst s10  }
0x32: {  	s10 =	sld [smem:$0x3FA4];
	_ =	sdelay $0x3  }
0x33: {  	p0 =	seq.s32 s10, $0x1;
	s10 =	sld [smem:$0x3FA6];
	_ =	sdelay $0x3  }
0x34: {  	[smem:$0x3FA6] =	sst s10  }
0x35: {  	s10 =	sld [smem:$0x3FA5];
	_ =	sdelay $0x3  }
0x36: {  	p1 =	seq.s32 s10, $0x1;
	s10 =	sld [smem:$0x3FA6];
	_ =	sdelay $0x3  }
0x37: {  	[smem:$0x3FA6] =	sst s10  }
0x38: {  	s10 =	sld [smem:$0x3FA7]  }
0x39: {  	_ = 	snop;
	(pc) =	sbr.ind lr, $3  }
0x3a: {  	_ = 	snop  }
0x3b: {  	_ = 	snop  }
0x3c: {  	p2 =	seq.s32 s10, $0x1;
	s10 =	sld [smem:$0x3FA6]  }
0x3d: {  	_ =	shalt  }
0x3e: {  	_ =	shalt  }
0x3f: {  	_ =	shalt  }
0x40: {  	_ =	shalt  }
0x41: {  	_ =	shalt  }
0x42: {  	_ =	shalt  }
0x43: {  	_ =	shalt  }
0x44: {  	_ =	shalt  }
0x45: {  	_ =	shalt  }
0x46: {  	_ =	shalt  }
0x47: {  	_ =	shalt  }
0x48: {  	_ =	shalt  }
0x49: {  	_ =	shalt  }
0x4a: {  	_ =	shalt  }
0x4b: {  	_ =	shalt  }
0x4c: {  	_ =	shalt  }
0x4d: {  	_ =	shalt  }
0x4e: {  	_ =	shalt  }
0x4f: {  	_ =	shalt  }
0x50: {  	_ =	shalt  }
0x51: {  	_ =	shalt  }
0x52: {  	_ =	shalt  }
0x53: {  	_ =	shalt  }
0x54: {  	_ =	shalt  }
0x55: {  	_ =	shalt  }
0x56: {  	_ =	shalt  }
0x57: {  	_ =	shalt  }
0x58: {  	_ =	shalt  }
0x59: {  	_ =	shalt  }
0x5a: {  	_ =	shalt  }
0x5b: {  	_ =	shalt  }
0x5c: {  	_ =	shalt  }
0x5d: {  	_ =	shalt  }
0x5e: {  	_ =	shalt  }
0x5f: {  	_ =	shalt  }
0x60: {  	_ =	shalt  }
0x61: {  	_ =	shalt  }
0x62: {  	_ =	shalt  }
0x63: {  	_ =	shalt  }
0x64: {  	_ =	shalt  }
0x65: {  	_ =	shalt  }
0x66: {  	_ =	shalt  }
0x67: {  	_ =	shalt  }
0x68: {  	_ =	shalt  }
0x69: {  	_ =	shalt  }
0x6a: {  	_ =	shalt  }
0x6b: {  	_ =	shalt  }
0x6c: {  	_ =	shalt  }
0x6d: {  	_ =	shalt  }
0x6e: {  	_ =	shalt  }
0x6f: {  	_ =	shalt  }
0x70: {  	_ =	shalt  }
0x71: {  	_ =	shalt  }
0x72: {  	_ =	shalt  }
0x73: {  	_ =	shalt  }
0x74: {  	_ =	shalt  }
0x75: {  	_ =	shalt  }
0x76: {  	_ =	shalt  }
0x77: {  	_ =	shalt  }
0x78: {  	_ =	shalt  }
0x79: {  	_ =	shalt  }
0x7a: {  	_ =	shalt  }
0x7b: {  	_ =	shalt  }
0x7c: {  	_ =	shalt  }
0x7d: {  	_ =	shalt  }
0x7e: {  	_ =	shalt  }
0x7f: {  	_ =	shalt  }
0x80: {  	_ =	shalt  }
0x81: {  	_ =	shalt  }
0x82: {  	_ =	shalt  }
0x83: {  	_ =	shalt  }
0x84: {  	_ =	shalt  }
0x85: {  	_ =	shalt  }
0x86: {  	_ =	shalt  }
0x87: {  	_ =	shalt  }
.Lfunc_end0:
.L_simem_size_0:
called_computation.2_lowered:
.L_overlay_start_0:
0x88: {  	s2 =	sld [smem:$0x3FD9]  }
0x89: {  	s3 =	sld [smem:$0x3FFE];
	_ =	sdelay $0x1  }
0x8a: {  	s1 =	srdreg.scid  }
0x8b: {  	s0 =	sand.u32 $0x1, s1  }
0x8c: {  	s16 =	sshll.u32 s0, $0xA;
	s2 =	sadd.s32 s3, s2  }
0x8d: {  	s2 =	sadd.s32 s2, s16  }
0x8e: {  	[smem:$0x3FB2] =	sst s2  }
0x8f: {  	_ = 	snop  }
0x90: {  	(tm) =	ssettm $0x1  }
0x91: {  	s17 =	sld [smem:$0x3FFB];
	_ =	sdelay $0x3  }
0x92: {  	_ =	strace s17  }
0x93: {  	s2 =	sld [smem:$0x3FFC];
	_ =	sdelay $0x3  }
0x94: {  	_ =	strace s2  }
0x95: {  	s2 =	sld [smem:$0x3FFD];
	_ =	sdelay $0x3  }
0x96: {  	_ =	strace s2  }
0x97: {  	_ =	strace $0x8FFFFFFF  }
0x98: {  	s18 =	sld [smem:$0x3FDB];
	_ =	sdelay $0x1  }
0x99: {  	s19 =	simm.s32 $_scs_section_size  }
0x9a: {  	s4 =	simm.s32 $_size__tile_overlayer_lowered;
	s5 =	simm.s32 $_tile_overlayer_lowered  }
0x9b: {  	s22 =	simm.s32 $0x1BFF;
	s21 =	sshll.u32 s5, $0x1;
	s2 =	sadd.s32 s19, s18  }
0x9c: {  	s6 =	simm.s32 $0x0;
	s20 =	sshll.u32 s4, $0x1;
	s4 =	sadd.s32 s21, s2  }
0x9d: {  	[timem:s6], [sflag:s22] =	dma.local [hbm:s4], s20  }
0x9e: {  	_ =	swait.ge [sflag:s22], s20  }
0x9f: {  	s3 =	ssub.s32 $0x0, s20;
	[sflag:s22] =	ssyncset.done $0x0  }
0xa0: {  	[sflag:s22] =	ssyncadd.s32 s3;
	_ =	sdelay $0x1  }
0xa1: {  	s23 =	simm.s32 $0x1B8B  }
0xa2: {  	_ =	swait.ge [sflag:s23], $0x1  }
0xa3: {  	[sflag:s23] =	ssyncset.done $0x0  }
0xa4: {  	s25 =	simm.s32 $0x1B8E;
	s24 =	sld [smem:$0x3FFE];
	[sflag:s23] =	ssyncadd.s32 $0xFFFFFFFF  }
0xa5: {  	s26 =	simm.s32 $execute0_lowered;
	[smem:$0x3FD2] =	sst s25  }
0xa6: {  	s4 =	sshll.u32 s26, $0x1;
	_ =	strace $0x8000004C;
	[dreg:$0x1] =	wrdreg $0xFFFFFFFF  }
0xa7: {  	s28 =	simm.s32 $_size_execute0_lowered;
	s2 =	sadd.s32 s2, s4;
	[dreg:$0x0] =	wrdreg $0x0  }
0xa8: {  	s4 =	sshll.u32 s28, $0x1;
	[dreg:$0x2] =	wrdreg s2  }
0xa9: {  	[dreg:$0x3] =	wrdreg s4  }
0xaa: {  	[dreg:$0x4] =	wrdreg $0xC0  }
0xab: {  	_ =	task [dreg:s6], $0x5FFFF  }
0xac: {  	[dreg:$0x1] =	wrdreg $0xFFFFFFFF  }
0xad: {  	[dreg:$0x0] =	wrdreg $0x60  }
0xae: {  	[dreg:$0x2] =	wrdreg s24  }
0xaf: {  	[dreg:$0x3] =	wrdreg $0xC2000  }
0xb0: {  	[dreg:$0x4] =	wrdreg $0x9  }
0xb1: {  	_ =	task.clear_ibuf [dreg:s6], $0x5FFFF;
	_ =	strace $0x9000004C  }
0xb2: {  	s29 =	simm.s32 $0x9;
	_ =	strace $0x8000004E  }
0xb3: {  	_ =	swait.ge [sflag:s29], $0x1  }
0xb4: {  	[sflag:s29] =	ssyncadd.s32 $0xFFFFFFFF  }
0xb5: {  	_ =	strace $0x9000004E  }
0xb6: {  	_ =	sfence  }
0xb7: {  	s30 =	sld [smem:$0x0];
	_ =	sdelay $0x2  }
0xb8: {  	s31 =	sshll.u32 s1, $0xD;
	s1 =	sshrl.u32 s1, $0x2  }
0xb9: {  	s3 =	sand.u32 $0x4000, s31;
	s1 =	sadd.s32 s1, s30  }
0xba: {  	s0 =	sor.u32 s3, s0;
	s1 =	sshll.u32 s1, $0x11  }
0xbb: {  	s0 =	sor.u32 s1, s0  }
0xbc: {  	s0 =	sadd.s32 $0x8F2B, s0  }
0xbd: {  	[sflag:s0] =	ssyncadd.remote.s32 $0x1  }
0xbe: {  	_ =	sfence.sel $0xFFFF  }
0xbf: {  	[dreg:$0x0] =	wrdreg $0xFFFFFFFF;
	(pc) =	sbr.abs _section_cstart, $3  }
0xc0: {  	[dreg:$0x1] =	wrdreg $0xFFFFFFFF  }
0xc1: {  	_ =	task.clear_ibuf [dreg:s6], $0x2FFFF;
	_ =	strace $0x9FFFFFFF  }
0xc2: {  	(tm) =	ssettm $0x7FFFFFFF  }
0xc3: {  	_ =	shalt  }
tec
execute0_lowered:
.L_overlay_start_1:
0x0: {  	(tag) =	ssettag $0x1  }
0x1: {  	s0 =	rddreg [dreg:$0x0]  }
0x2: {  	s1 =	rddreg [dreg:$0x1];
	s13 =	simm.s32 $0x0  }
0x3: {  	s2 =	srdreg.scid;
	s3 =	stileid.u32;
	s15 =	simm.s32 $0x9  }
0x4: {  	s16 =	simm.s32 $0x100;
	s17 =	simm.s32 $0x1;
	s18 =	simm.s32 $0x40  }
0x5: {  	s19 =	simm.s32 $0x200;
	s28 =	simm.s32 $0x2;
	s29 =	simm.s32 $0x2200  }
0x6: {  	s30 =	simm.s32 $0x6200;
	s31 =	simm.s32 $0xA200;
	s9 =	smul.u32 $0x13C00, s3  }
0x7: {  	[smem:$0x7FF] =	sst s13;
	s2 =	sand.u32 $0x1, s2;
	s10 =	smul.u32 $0x66, s3  }
0x8: {  	s4 =	sadd.s32 $0xE600, s0;
	s5 =	sadd.s32 $0x7E2E00, s0;
	s21 =	smul.u32 $0x3A, s3  }
0x9: {  	s6 =	sadd.s32 $0x4600, s0;
	s7 =	sadd.s32 $0x9600, s0;
	s11 =	smul.u32 $0x4F000, s3  }
0xa: {  	s20 =	sadd.s32 $0x2E2E00, s0;
	s25 =	sshll.u32 s3, $0x6;
	s8 =	smul.u32 $0x13C000, s2  }
0xb: {  	_ =	strace $0x8000004D;
	[dreg:$0x4] =	wrdreg s20;
	s22 =	ssub.s32 $0x2, s2  }
0xc: {  	p0 =	seq.s32 s2, $0x0;
	s20 =	simm.s32 $0x4200;
	s2 =	simm.s32 $0x6  }
0xd: {  	s12 =	sshrl.u32 s22, $0x1;
	s24 =	sshrl.u32 s11, $0x2;
	s11 =	sor.u32 $0x1C09, s25  }
0xe: {  	s25 =	simm.s32 $0x80;
	s8 =	sadd.s32 s9, s8;
	s9 =	sadd.s32 $0x660, s21  }
0xf: {  	s23 =	ssub.s32 s22, s12;
	s22 =	simm.s32 $0x3;
	[dreg:$0x5] =	wrdreg s11  }
0x10: {  	s21 =	simm.s32 $0x0;
	s8 =	sshrl.u32 s8, $0x3;
	s9 =	smov.u32 @p0 s10  }
0x11: {  	s10 =	simm.s32 $0x33;
	s26 =	smax.u32 s23, $0x1;
	s23 =	simm.s32 $0x5  }
0x12: {  	s0 =	sadd.s32 s8, s0;
	s8 =	sadd.s32 s24, s1;
	s10 =	simm.s32 @!p0 $0x1D  }
0x13: {  	[dreg:$0x7] =	wrdreg s26;
	s24 =	simm.s32 $0x7;
	s0 =	sadd.s32 $0x35800, s0  }
0x14: {  	s26 =	simm.s32 $0x180;
	s12 =	sshrl.u32 s8, $0x3;
	[dreg:$0x6] =	wrdreg s0  }
0x15: {  	s8 =	simm.s32 $0x8;
	s0 =	simm.s32 $0x4;
	[dreg:$0x8] =	wrdreg s12  }
.LBB2_1:
0x16: {  	[dreg:$0x3] =	wrdreg s13  }
0x17: {  	s3 =	rddreg [dreg:$0x4]  }
0x18: {  	[spmem:s12], [sflag:s11] =	dma.local [hbm:s3], $0x2780  }
0x19: {  	_ =	swait.ge [sflag:s15], $0x2780  }
0x1a: {  	[sflag:s15] =	ssyncset.done $0x0  }
0x1b: {  	[sflag:s15] =	ssyncadd.s32 $0xFFFFD880  }
0x1c: {  	s12 =	simm.s32 $0x0;
	[bflag:$0x0] =	sbarrier.arrive $0xFFFF  }
.LBB2_2:
0x1d: {  	s13 =	sshll.u32 s12, $0x1  }
0x1e: {  	s11 =	sadd.s32 s9, s13  }
0x1f: {  	s14 =	sshll.u32 s11, $0x3  }
0x20: {  	s14 =	sand.u32 $0x1FFFFFF0, s14  }
0x21: {  	s3 =	sadd.s32 s6, s14  }
0x22: {  	[tilespmem:s21], [sflag:$0x1] =	stream.linear.gather [hbm4b:s3+s21], $0x40, $0x38;
	[tilespmem:$0x1FE00] =	vst v63  }
0x23: {  	s14 =	sadd.s32 s7, s14  }
0x24: {  	[tilespmem:s16], [sflag:$0x1] =	stream.linear.gather [hbm4b:s14+s21], $0x40, $0x38;
	[tilespmem:$0x1FE00] =	vst v63  }
0x25: {  	_ =	swait.ge [sflag:s17], $0x40  }
0x26: {  	[sflag:s17] =	ssyncset.done $0x0  }
0x27: {  	[sflag:s17] =	ssyncadd.s32 $0xFFFFFFC0  }
0x28: {  	_ =	swait.ge [sflag:s17], $0x40  }
0x29: {  	[sflag:s17] =	ssyncset.done $0x0  }
0x2a: {  	s11 =	sshll.u32 s11, $0xA;
	[sflag:s17] =	ssyncadd.s32 $0xFFFFFFC0  }
0x2b: {  	[tilespmem:s19], [sflag:$0x3] =	stream.indirect.gather [hbm4b:s4+s18], $0x80, s21, s18, $0xb8;
	[tilespmem:$0x1FE00] =	vst v63  }
0x2c: {  	s3 =	sand.u32 $0x1FFFF800, s11  }
0x2d: {  	[tilespmem:s20], [sflag:$0x5] =	stream.indirect.gather [hbm4b:s4+s18], $0x80, s16, s18, $0xb8;
	[tilespmem:$0x1FE00] =	vst v63  }
0x2e: {  	s3 =	sadd.s32 s5, s3;
	s14 =	simm.s32 $0x8200  }
0x2f: {  	[tilespmem:s14], [sflag:$0x7] =	stream.linear.gather [hbm4b:s3+s21], $0x2000, $0x38;
	[tilespmem:$0x1FE00] =	vst v63  }
0x30: {  	_ =	swait.ge [sflag:s22], $0x2000  }
0x31: {  	[sflag:s22] =	ssyncset.done $0x0  }
0x32: {  	[sflag:s22] =	ssyncadd.s32 $0xFFFFE000  }
0x33: {  	_ =	swait.ge [sflag:s23], $0x2000  }
0x34: {  	[sflag:s23] =	ssyncset.done $0x0  }
0x35: {  	[sflag:s23] =	ssyncadd.s32 $0xFFFFE000  }
0x36: {  	_ =	swait.ge [sflag:s24], $0x2000  }
0x37: {  	[sflag:s24] =	ssyncset.done $0x0  }
0x38: {  	s11 =	simm.s32 $0x0;
	[sflag:s24] =	ssyncadd.s32 $0xFFFFE000  }
0x39: {  	v3 =	vld [tilespmem:s11+$0x8200]  }
0x3a: {  	v4 =	vld [tilespmem:s11+$0x8210]  }
0x3b: {  	v5 =	vld [tilespmem:s11+$0x8220]  }
0x3c: {  	v6 =	vld [tilespmem:s11+$0x8230]  }
0x3d: {  	v7 =	vld [tilespmem:s11+$0x8240]  }
0x3e: {  	v2 =	vld [tilespmem:s11+$0x8250]  }
0x3f: {  	v1 =	vld [tilespmem:s11+$0x8260]  }
0x40: {  	v0 =	vld [tilespmem:s11+$0x8270]  }
0x41: {  	v8 =	vld [tilespmem:s11+$0x200]  }
0x42: {  	v9 =	vld [tilespmem:s11+$0x4200]  }
0x43: {  	v10 =	vld [tilespmem:s11+$0x210]  }
0x44: {  	v11 =	vld [tilespmem:s11+$0x4210]  }
0x45: {  	v12 =	vld [tilespmem:s11+$0x220]  }
0x46: {  	v13 =	vld [tilespmem:s11+$0x4220];
	v8 =	vmul.f32 v8, v3  }
0x47: {  	v14 =	vld [tilespmem:s11+$0x230];
	v3 =	vmul.f32 v9, v3  }
0x48: {  	v9 =	vmul.f32 v10, v4;
	[tilespmem:s11+$0x200] =	vst v8;
	v8 =	vld [tilespmem:s11+$0x4230]  }
0x49: {  	v10 =	vld [tilespmem:s11+$0x240];
	[tilespmem:s11+$0x4200] =	vst v3;
	v3 =	vmul.f32 v11, v4  }
0x4a: {  	[tilespmem:s11+$0x210] =	vst v9;
	v11 =	vld [tilespmem:s11+$0x4240];
	v9 =	vmul.f32 v12, v5  }
0x4b: {  	v4 =	vld [tilespmem:s11+$0x250];
	v5 =	vmul.f32 v13, v5;
	[tilespmem:s11+$0x4210] =	vst v3  }
0x4c: {  	[tilespmem:s11+$0x220] =	vst v9;
	v3 =	vld [tilespmem:s11+$0x4250];
	v9 =	vmul.f32 v14, v6  }
0x4d: {  	[tilespmem:s11+$0x4220] =	vst v5;
	v5 =	vld [tilespmem:s11+$0x260];
	v8 =	vmul.f32 v8, v6  }
0x4e: {  	[tilespmem:s11+$0x230] =	vst v9;
	v9 =	vmul.f32 v10, v7;
	v6 =	vld [tilespmem:s11+$0x4260]  }
0x4f: {  	s14 =	simm.s32 $0x200;
	[tilespmem:s11+$0x4230] =	vst v8;
	v8 =	vmul.f32 v11, v7;
	v7 =	vld [tilespmem:s11+$0x270]  }
.LBB2_3:
0x50: {  	s3 =	sshra.s32 s14, $0x2;
	p0 =	sne.s32 s14, $0x7E00;
	[tilespmem:s11+$0x240] =	vst v9;
	v4 =	vmul.f32 v4, v2;
	v9 =	vld [tilespmem:s11+$0x4270]  }
0x51: {  	v10 =	vld [tilespmem:s3+$0x8200];
	[tilespmem:s11+$0x4240] =	vst v8;
	v2 =	vmul.f32 v3, v2  }
0x52: {  	v3 =	vld [tilespmem:s3+$0x8210];
	[tilespmem:s11+$0x250] =	vst v4;
	v4 =	vmul.f32 v5, v1  }
0x53: {  	v5 =	vld [tilespmem:s3+$0x8220];
	[tilespmem:s11+$0x4250] =	vst v2;
	v1 =	vmul.f32 v6, v1  }
0x54: {  	v6 =	vld [tilespmem:s3+$0x8230];
	[tilespmem:s11+$0x260] =	vst v4;
	v4 =	vmul.f32 v7, v0  }
0x55: {  	v7 =	vld [tilespmem:s3+$0x8240];
	[tilespmem:s11+$0x4260] =	vst v1;
	v0 =	vmul.f32 v9, v0  }
0x56: {  	v2 =	vld [tilespmem:s3+$0x8250];
	[tilespmem:s11+$0x270] =	vst v4  }
0x57: {  	v1 =	vld [tilespmem:s3+$0x8260];
	[tilespmem:s11+$0x4270] =	vst v0;
	s11 =	smov.u32 s3  }
0x58: {  	v0 =	vld [tilespmem:s11+$0x8270]  }
0x59: {  	v4 =	vld [tilespmem:s11+$0x200]  }
0x5a: {  	v8 =	vld [tilespmem:s11+$0x4200]  }
0x5b: {  	v9 =	vld [tilespmem:s11+$0x210]  }
0x5c: {  	v11 =	vld [tilespmem:s11+$0x4210]  }
0x5d: {  	v12 =	vld [tilespmem:s11+$0x220]  }
0x5e: {  	v4 =	vmul.f32 v4, v10;
	v13 =	vld [tilespmem:s11+$0x4220]  }
0x5f: {  	v8 =	vmul.f32 v8, v10;
	v10 =	vld [tilespmem:s11+$0x230]  }
0x60: {  	[tilespmem:s11+$0x200] =	vst v4;
	v4 =	vmul.f32 v9, v3;
	v9 =	vld [tilespmem:s11+$0x4230]  }
0x61: {  	[tilespmem:s11+$0x4200] =	vst v8;
	v3 =	vmul.f32 v11, v3;
	v8 =	vld [tilespmem:s11+$0x240]  }
0x62: {  	[tilespmem:s11+$0x210] =	vst v4;
	v11 =	vmul.f32 v12, v5;
	v12 =	vld [tilespmem:s11+$0x4240]  }
.Ltmp0:
0x63: {  	[tilespmem:s11+$0x4210] =	vst v3;
	v5 =	vmul.f32 v13, v5;
	v4 =	vld [tilespmem:s11+$0x250];
	(pc) =	sbr.rel @p0 .LBB2_3-.Ltmp0, $4  }
0x64: {  	[tilespmem:s11+$0x220] =	vst v11;
	v10 =	vmul.f32 v10, v6;
	v3 =	vld [tilespmem:s11+$0x4250]  }
0x65: {  	[tilespmem:s11+$0x4220] =	vst v5;
	v11 =	vmul.f32 v9, v6;
	v5 =	vld [tilespmem:s11+$0x260]  }
0x66: {  	[tilespmem:s11+$0x230] =	vst v10;
	v9 =	vmul.f32 v8, v7;
	v6 =	vld [tilespmem:s11+$0x4260]  }
0x67: {  	s14 =	sadd.s32 $0x200, s14;
	[tilespmem:s11+$0x4230] =	vst v11;
	v8 =	vmul.f32 v12, v7;
	v7 =	vld [tilespmem:s11+$0x270]  }
0x68: {  	[tilespmem:s11+$0x240] =	vst v9;
	v4 =	vmul.f32 v4, v2;
	v9 =	vld [tilespmem:s11+$0x4270]  }
0x69: {  	[tilespmem:s11+$0x4240] =	vst v8;
	v2 =	vmul.f32 v3, v2  }
0x6a: {  	[tilespmem:s11+$0x250] =	vst v4;
	v3 =	vmul.f32 v5, v1  }
0x6b: {  	[tilespmem:s11+$0x4250] =	vst v2;
	v1 =	vmul.f32 v6, v1  }
0x6c: {  	[tilespmem:s11+$0x260] =	vst v3;
	v2 =	vmul.f32 v7, v0  }
0x6d: {  	[tilespmem:s11+$0x4260] =	vst v1;
	v0 =	vmul.f32 v9, v0  }
0x6e: {  	[tilespmem:s11+$0x270] =	vst v2  }
0x6f: {  	[tilespmem:s11+$0x4270] =	vst v0  }
0x70: {  	[spmem:s1] =	stream.indirect.scatter.add.f32 [tilespmem:s19], [sflag:$0x9], $0x80, s16, s18, $0xb8;
	[tilespmem:$0x1FE00] =	vst v63  }
0x71: {  	_ =	swait.ge [sflag:s15], $0x2000  }
0x72: {  	[sflag:s15] =	ssyncset.done $0x0  }
0x73: {  	s3 =	simm.s32 $0x0;
	s14 =	sadd.s32 s13, s9;
	[sflag:s15] =	ssyncadd.s32 $0xFFFFE000  }
0x74: {  	[spmem:s1] =	stream.indirect.scatter.add.f32 [tilespmem:s20], [sflag:$0x9], $0x80, s3, s18, $0xb8;
	[tilespmem:$0x1FE00] =	vst v63  }
0x75: {  	s11 =	sadd.s32 $0x1, s14;
	_ =	swait.ge [sflag:s15], $0x2000  }
0x76: {  	s13 =	sshll.u32 s11, $0x3;
	[sflag:s15] =	ssyncset.done $0x0  }
0x77: {  	s14 =	sadd.s32 s6, s13;
	[sflag:s15] =	ssyncadd.s32 $0xFFFFE000  }
0x78: {  	[tilespmem:s25], [sflag:$0x2] =	stream.linear.gather [hbm4b:s14+s3], $0x40, $0x38;
	[tilespmem:$0x1FE00] =	vst v63  }
0x79: {  	s13 =	sadd.s32 s7, s13  }
0x7a: {  	[tilespmem:s26], [sflag:$0x2] =	stream.linear.gather [hbm4b:s13+s3], $0x40, $0x38;
	[tilespmem:$0x1FE00] =	vst v63  }
0x7b: {  	_ =	swait.ge [sflag:s28], $0x40  }
0x7c: {  	[sflag:s28] =	ssyncset.done $0x0  }
0x7d: {  	[sflag:s28] =	ssyncadd.s32 $0xFFFFFFC0  }
0x7e: {  	_ =	swait.ge [sflag:s28], $0x40  }
0x7f: {  	[sflag:s28] =	ssyncset.done $0x0  }
0x80: {  	[sflag:s28] =	ssyncadd.s32 $0xFFFFFFC0  }
0x81: {  	[tilespmem:s29], [sflag:$0x4] =	stream.indirect.gather [hbm4b:s4+s18], $0x80, s25, s18, $0xb8;
	[tilespmem:$0x1FE00] =	vst v63  }
0x82: {  	s11 =	sshll.u32 s11, $0xA  }
0x83: {  	[tilespmem:s30], [sflag:$0x6] =	stream.indirect.gather [hbm4b:s4+s18], $0x80, s26, s18, $0xb8;
	[tilespmem:$0x1FE00] =	vst v63  }
0x84: {  	s11 =	sadd.s32 s5, s11  }
0x85: {  	[tilespmem:s31], [sflag:$0x8] =	stream.linear.gather [hbm4b:s11+s3], $0x2000, $0x38;
	[tilespmem:$0x1FE00] =	vst v63  }
0x86: {  	_ =	swait.ge [sflag:s0], $0x2000  }
0x87: {  	[sflag:s0] =	ssyncset.done $0x0  }
0x88: {  	[sflag:s0] =	ssyncadd.s32 $0xFFFFE000  }
0x89: {  	_ =	swait.ge [sflag:s2], $0x2000  }
0x8a: {  	[sflag:s2] =	ssyncset.done $0x0  }
0x8b: {  	[sflag:s2] =	ssyncadd.s32 $0xFFFFE000  }
0x8c: {  	_ =	swait.ge [sflag:s8], $0x2000  }
0x8d: {  	[sflag:s8] =	ssyncset.done $0x0  }
0x8e: {  	s11 =	simm.s32 $0x0;
	[sflag:s8] =	ssyncadd.s32 $0xFFFFE000  }
0x8f: {  	v3 =	vld [tilespmem:s11+$0xA200]  }
0x90: {  	v4 =	vld [tilespmem:s11+$0xA210]  }
0x91: {  	v5 =	vld [tilespmem:s11+$0xA220]  }
0x92: {  	v6 =	vld [tilespmem:s11+$0xA230]  }
0x93: {  	v7 =	vld [tilespmem:s11+$0xA240]  }
0x94: {  	v2 =	vld [tilespmem:s11+$0xA250]  }
0x95: {  	v1 =	vld [tilespmem:s11+$0xA260]  }
0x96: {  	v0 =	vld [tilespmem:s11+$0xA270]  }
0x97: {  	v8 =	vld [tilespmem:s11+$0x2200]  }
0x98: {  	v9 =	vld [tilespmem:s11+$0x6200]  }
0x99: {  	v10 =	vld [tilespmem:s11+$0x2210]  }
0x9a: {  	v11 =	vld [tilespmem:s11+$0x6210]  }
0x9b: {  	v12 =	vld [tilespmem:s11+$0x2220]  }
0x9c: {  	v13 =	vld [tilespmem:s11+$0x6220];
	v8 =	vmul.f32 v8, v3  }
0x9d: {  	v14 =	vld [tilespmem:s11+$0x2230];
	v3 =	vmul.f32 v9, v3  }
0x9e: {  	v9 =	vmul.f32 v10, v4;
	[tilespmem:s11+$0x2200] =	vst v8;
	v8 =	vld [tilespmem:s11+$0x6230]  }
0x9f: {  	v10 =	vld [tilespmem:s11+$0x2240];
	[tilespmem:s11+$0x6200] =	vst v3;
	v3 =	vmul.f32 v11, v4  }
0xa0: {  	[tilespmem:s11+$0x2210] =	vst v9;
	v11 =	vld [tilespmem:s11+$0x6240];
	v9 =	vmul.f32 v12, v5  }
0xa1: {  	v4 =	vld [tilespmem:s11+$0x2250];
	v5 =	vmul.f32 v13, v5;
	[tilespmem:s11+$0x6210] =	vst v3  }
0xa2: {  	[tilespmem:s11+$0x2220] =	vst v9;
	v3 =	vld [tilespmem:s11+$0x6250];
	v9 =	vmul.f32 v14, v6  }
0xa3: {  	[tilespmem:s11+$0x6220] =	vst v5;
	v5 =	vld [tilespmem:s11+$0x2260];
	v8 =	vmul.f32 v8, v6  }
0xa4: {  	[tilespmem:s11+$0x2230] =	vst v9;
	v9 =	vmul.f32 v10, v7;
	v6 =	vld [tilespmem:s11+$0x6260]  }
0xa5: {  	s13 =	simm.s32 $0x200;
	[tilespmem:s11+$0x6230] =	vst v8;
	v8 =	vmul.f32 v11, v7;
	v7 =	vld [tilespmem:s11+$0x2270]  }
.LBB2_5:
0xa6: {  	s3 =	sshra.s32 s13, $0x2;
	p0 =	sne.s32 s13, $0x7E00;
	[tilespmem:s11+$0x2240] =	vst v9;
	v4 =	vmul.f32 v4, v2;
	v9 =	vld [tilespmem:s11+$0x6270]  }
0xa7: {  	v10 =	vld [tilespmem:s3+$0xA200];
	[tilespmem:s11+$0x6240] =	vst v8;
	v2 =	vmul.f32 v3, v2  }
0xa8: {  	v3 =	vld [tilespmem:s3+$0xA210];
	[tilespmem:s11+$0x2250] =	vst v4;
	v4 =	vmul.f32 v5, v1  }
0xa9: {  	v5 =	vld [tilespmem:s3+$0xA220];
	[tilespmem:s11+$0x6250] =	vst v2;
	v1 =	vmul.f32 v6, v1  }
0xaa: {  	v6 =	vld [tilespmem:s3+$0xA230];
	[tilespmem:s11+$0x2260] =	vst v4;
	v4 =	vmul.f32 v7, v0  }
0xab: {  	v7 =	vld [tilespmem:s3+$0xA240];
	[tilespmem:s11+$0x6260] =	vst v1;
	v0 =	vmul.f32 v9, v0  }
0xac: {  	v2 =	vld [tilespmem:s3+$0xA250];
	[tilespmem:s11+$0x2270] =	vst v4  }
0xad: {  	v1 =	vld [tilespmem:s3+$0xA260];
	[tilespmem:s11+$0x6270] =	vst v0;
	s11 =	smov.u32 s3  }
0xae: {  	v0 =	vld [tilespmem:s11+$0xA270]  }
0xaf: {  	v4 =	vld [tilespmem:s11+$0x2200]  }
0xb0: {  	v8 =	vld [tilespmem:s11+$0x6200]  }
0xb1: {  	v9 =	vld [tilespmem:s11+$0x2210]  }
0xb2: {  	v11 =	vld [tilespmem:s11+$0x6210]  }
0xb3: {  	v12 =	vld [tilespmem:s11+$0x2220]  }
0xb4: {  	v4 =	vmul.f32 v4, v10;
	v13 =	vld [tilespmem:s11+$0x6220]  }
0xb5: {  	v8 =	vmul.f32 v8, v10;
	v10 =	vld [tilespmem:s11+$0x2230]  }
0xb6: {  	[tilespmem:s11+$0x2200] =	vst v4;
	v4 =	vmul.f32 v9, v3;
	v9 =	vld [tilespmem:s11+$0x6230]  }
0xb7: {  	[tilespmem:s11+$0x6200] =	vst v8;
	v3 =	vmul.f32 v11, v3;
	v8 =	vld [tilespmem:s11+$0x2240]  }
0xb8: {  	[tilespmem:s11+$0x2210] =	vst v4;
	v11 =	vmul.f32 v12, v5;
	v12 =	vld [tilespmem:s11+$0x6240]  }
.Ltmp1:
0xb9: {  	[tilespmem:s11+$0x6210] =	vst v3;
	v5 =	vmul.f32 v13, v5;
	v4 =	vld [tilespmem:s11+$0x2250];
	(pc) =	sbr.rel @p0 .LBB2_5-.Ltmp1, $4  }
0xba: {  	[tilespmem:s11+$0x2220] =	vst v11;
	v10 =	vmul.f32 v10, v6;
	v3 =	vld [tilespmem:s11+$0x6250]  }
0xbb: {  	[tilespmem:s11+$0x6220] =	vst v5;
	v11 =	vmul.f32 v9, v6;
	v5 =	vld [tilespmem:s11+$0x2260]  }
0xbc: {  	[tilespmem:s11+$0x2230] =	vst v10;
	v9 =	vmul.f32 v8, v7;
	v6 =	vld [tilespmem:s11+$0x6260]  }
0xbd: {  	s13 =	sadd.s32 $0x200, s13;
	[tilespmem:s11+$0x6230] =	vst v11;
	v8 =	vmul.f32 v12, v7;
	v7 =	vld [tilespmem:s11+$0x2270]  }
0xbe: {  	[tilespmem:s11+$0x2240] =	vst v9;
	v4 =	vmul.f32 v4, v2;
	v58 =	vld [tilespmem:s11+$0x6270]  }
0xbf: {  	[tilespmem:s11+$0x6240] =	vst v8;
	v59 =	vmul.f32 v3, v2  }
0xc0: {  	[tilespmem:s11+$0x2250] =	vst v4;
	v60 =	vmul.f32 v5, v1  }
0xc1: {  	[tilespmem:s11+$0x6250] =	vst v59;
	v61 =	vmul.f32 v6, v1  }
0xc2: {  	[tilespmem:s11+$0x2260] =	vst v60;
	v62 =	vmul.f32 v7, v0  }
0xc3: {  	[tilespmem:s11+$0x6260] =	vst v61;
	v63 =	vmul.f32 v58, v0  }
0xc4: {  	[tilespmem:s11+$0x2270] =	vst v62  }
0xc5: {  	[tilespmem:s11+$0x6270] =	vst v63  }
0xc6: {  	[spmem:s1] =	stream.indirect.scatter.add.f32 [tilespmem:s29], [sflag:$0x9], $0x80, s26, s18, $0xb8;
	[tilespmem:$0x1FE00] =	vst v63  }
0xc7: {  	s12 =	sadd.s32 $0x1, s12;
	_ =	swait.ge [sflag:s15], $0x2000  }
0xc8: {  	p0 =	sne.s32 s12, s10;
	[sflag:s15] =	ssyncset.done $0x0  }
.Ltmp2:
0xc9: {  	[sflag:s15] =	ssyncadd.s32 $0xFFFFE000;
	(pc) =	sbr.rel @p0 .LBB2_2-.Ltmp2, $4  }
0xca: {  	[spmem:s1] =	stream.indirect.scatter.add.f32 [tilespmem:s30], [sflag:$0x9], $0x80, s25, s18, $0xb8;
	[tilespmem:$0x1FE00] =	vst v63  }
0xcb: {  	_ =	swait.ge [sflag:s15], $0x2000  }
0xcc: {  	[sflag:s15] =	ssyncset.done $0x0  }
0xcd: {  	[sflag:s15] =	ssyncadd.s32 $0xFFFFE000  }
0xce: {  	[bflag:$0x0] =	sbarrier.arrive $0xFFFF  }
0xcf: {  	s11 =	rddreg [dreg:$0x5]  }
0xd0: {  	s3 =	rddreg [dreg:$0x6]  }
0xd1: {  	s12 =	rddreg [dreg:$0x8]  }
0xd2: {  	[hbm:s3], [sflag:s11] =	dma.local [spmem:s12], $0x2780  }
0xd3: {  	_ =	swait.ge [sflag:s15], $0x2780  }
0xd4: {  	s13 =	rddreg [dreg:$0x3]  }
0xd5: {  	s14 =	rddreg [dreg:$0x7];
	s13 =	sadd.s32 $0x1, s13  }
0xd6: {  	p0 =	sne.s32 s13, s14  }
.Ltmp3:
0xd7: {  	_ = 	snop;
	(pc) =	sbr.rel @p0 .LBB2_1-.Ltmp3, $3  }
0xd8: {  	_ =	sdelay $0x1  }
0xd9: {  	[sflag:s15] =	ssyncset.done $0x0  }
0xda: {  	[sflag:s15] =	ssyncadd.s32 $0xFFFFD880  }
0xdb: {  	_ =	sfence.sel $0x180000  }
0xdc: {  	[bflag:$0x0] =	sbarrier.arrive $0xFFFF  }
0xdd: {  	_ =	strace $0x9000004D  }
0xde: {  	s0 =	stileid.u32;
	[bflag:$0x2] =	sbarrier.arrive $0xFFFF  }
0xdf: {  	p0 =	sne.s32 s0, $0x0;
	s0 =	rddreg [dreg:$0x2]  }
0xe0: {  	s0 =	sadd.s32 @!p0 $0x100000, s0  }
0xe1: {  	[sflag:s0] =	ssyncadd.tile.s32 @!p0 $0x1;
	_ =	shalt  }
.Lfunc_end2:
_tile_overlayer_lowered:
.L_overlay_start_2:
0xe2: {  	(tag) =	ssettag $0x2  }
0xe3: {  	s0 =	rddreg [dreg:$0x0];
	s2 =	stileid.u32  }
0xe4: {  	s1 =	rddreg [dreg:$0x1];
	p0 =	sne.s32 s2, $0x0  }
0xe5: {  	s3 =	rddreg [dreg:$0x2];
	[bflag:$0x3] =	sbarrier.arrive $0xFFFF;
	s2 =	simm.s32 @!p0 $0x1C09  }
0xe6: {  	[timem:s3], [sflag:s2] =	dma.local @!p0 [hbm:s0], s1  }
0xe7: {  	s0 =	simm.s32 @!p0 $0x9  }
0xe8: {  	_ =	swait.ge @!p0 [sflag:s0], s1  }
0xe9: {  	s1 =	ssub.s32 @!p0 $0x0, s1;
	[sflag:s0] =	ssyncset.done @!p0 $0x0  }
0xea: {  	[sflag:s0] =	ssyncadd.s32 @!p0 s1  }
0xeb: {  	[bflag:$0x3] =	sbarrier.arrive $0xFFFF  }
0xec: {  	_ =	shalt  }

// kernel: kernel.21.cloned.1.call-start
scs
__scs_entry_jumppad:
0x0: {  	(pc) =	sbr.rel $0x88, $3  }
0x1: {  	(tag) =	ssettag $0x0;
	lr =	simm.s32 $0x1  }
0x2: {  	[smem:$0x3F8B] =	sst lr;
	_ =	strace $0xD0000000  }
0x3: {  	_ = 	snop  }
0x4: {  	_ = 	snop  }
0x5: {  	_ = 	snop  }
0x6: {  	_ = 	snop  }
0x7: {  	_ = 	snop  }
__scs_overlays_trampoline_lowered:
0x8: {  	[smem:$0x3F9A] =	sst s0  }
0x9: {  	[smem:$0x3F9B] =	sst s1  }
0xa: {  	[smem:$0x3F9C] =	sst s2  }
0xb: {  	[smem:$0x3F9D] =	sst s3  }
0xc: {  	[smem:$0x3F9E] =	sst s4  }
0xd: {  	[smem:$0x3F9F] =	sst s5  }
0xe: {  	[smem:$0x3FA0] =	sst s6  }
0xf: {  	[smem:$0x3FA1] =	sst s7  }
0x10: {  	[smem:$0x3FA2] =	sst s8  }
0x11: {  	[smem:$0x3FA3] =	sst s9;
	s0 =	simm.s32 @!p0 $0x0  }
0x12: {  	s1 =	sld [smem:$0x3F89];
	s0 =	simm.s32 @p0 $0x1  }
0x13: {  	[smem:$0x3FA4] =	sst s0;
	s0 =	simm.s32 @!p1 $0x0  }
0x14: {  	s2 =	sld [smem:$0x3F88];
	s0 =	simm.s32 @p1 $0x1  }
0x15: {  	[smem:$0x3FA5] =	sst s0;
	s0 =	simm.s32 @!p2 $0x0  }
0x16: {  	s3 =	sld [smem:$0x3FDB];
	s0 =	simm.s32 @p2 $0x1  }
0x17: {  	s4 =	simm.s32 $0x1BF5;
	[smem:$0x3FA7] =	sst s0  }
0x18: {  	s0 =	sld [smem:$0x3F8A];
	_ =	swait.ge [sflag:s4], $0x0  }
0x19: {  	s7 =	sld [smem:$0x3F8B]  }
0x1a: {  	s8 =	sadd.s32 $0xFFFFE003, lr  }
0x1b: {  	s9 =	sadd.s32 $0xFFFFFEF7, lr;
	s5 =	simm.s32 $0xFFFFFFFF;
	p2 =	slt.u32 s8, $0xFFFFF086  }
0x1c: {  	p1 =	slt.u32 s9, $0xF7A;
	s5 =	simm.s32 @!p2 $0x0  }
0x1d: {  	s5 =	simm.s32 @p1 $0x1;
	p0 =	seq.s32 s7, s2  }
0x1e: {  	s7 =	smul.u32 @!p0 $0xF7A, s2;
	p2 =	seq.s32 @!p0 s5, $0x0  }
0x1f: {  	s9 =	smul.u32 $0xF7A, s1;
	s8 =	simm.s32 @!p0 $0x1BF5;
	p2 =	por !p2, p0  }
0x20: {  	[sflag:s8] =	ssyncset.s32 @!p0 $0xFFFFF086;
	s6 =	sadd.s32 @!p0 s3, s7;
	s7 =	simm.s32 @!p0 $0x108  }
0x21: {  	s3 =	sadd.s32 s3, s9;
	s6 =	sadd.s32 @!p0 $0x88, s6;
	s7 =	simm.s32 @p2 $0x1082  }
0x22: {  	[simem:s7], [sflag:s8] =	dma.local @!p0 [hbm:s6], $0xF7A  }
0x23: {  	s9 =	sor.u32 $0xD0000000, s2;
	s6 =	simm.s32 $0x108;
	_ =	swait.ge @!p0 [sflag:s8], $0x0  }
0x24: {  	s3 =	sadd.s32 $0x88, s3;
	s6 =	simm.s32 @!p1 $0x1082;
	[sflag:s4] =	ssyncset.s32 $0xFFFFF086  }
0x25: {  	[simem:s6], [sflag:s4] =	dma.local [hbm:s3], $0xF7A  }
0x26: {  	[smem:$0x3F8B] =	sst s1;
	(tag) =	ssettag s2;
	_ =	strace s9  }
0x27: {  	s1 =	sld [smem:$0x3F9B]  }
0x28: {  	s2 =	sld [smem:$0x3F9C]  }
0x29: {  	s4 =	sld [smem:$0x3F9E]  }
0x2a: {  	p0 =	seq.s32 s5, $0x0;
	s5 =	sld [smem:$0x3F9F]  }
0x2b: {  	s6 =	sld [smem:$0x3FA0]  }
0x2c: {  	s7 =	sld [smem:$0x3FA1]  }
0x2d: {  	s3 =	simm.s32 $0x108;
	s8 =	sld [smem:$0x3FA2]  }
0x2e: {  	s3 =	simm.s32 @!p0 $0x1082;
	s9 =	sld [smem:$0x3FA3]  }
0x2f: {  	lr =	sadd.s32 s0, s3;
	s0 =	sld [smem:$0x3F9A]  }
0x30: {  	s3 =	sld [smem:$0x3F9D]  }
0x31: {  	[smem:$0x3FA6] =	sst s10  }
0x32: {  	s10 =	sld [smem:$0x3FA4];
	_ =	sdelay $0x3  }
0x33: {  	p0 =	seq.s32 s10, $0x1;
	s10 =	sld [smem:$0x3FA6];
	_ =	sdelay $0x3  }
0x34: {  	[smem:$0x3FA6] =	sst s10  }
0x35: {  	s10 =	sld [smem:$0x3FA5];
	_ =	sdelay $0x3  }
0x36: {  	p1 =	seq.s32 s10, $0x1;
	s10 =	sld [smem:$0x3FA6];
	_ =	sdelay $0x3  }
0x37: {  	[smem:$0x3FA6] =	sst s10  }
0x38: {  	s10 =	sld [smem:$0x3FA7]  }
0x39: {  	_ = 	snop;
	(pc) =	sbr.ind lr, $3  }
0x3a: {  	_ = 	snop  }
0x3b: {  	_ = 	snop  }
0x3c: {  	p2 =	seq.s32 s10, $0x1;
	s10 =	sld [smem:$0x3FA6]  }
0x3d: {  	_ =	shalt  }
0x3e: {  	_ =	shalt  }
0x3f: {  	_ =	shalt  }
0x40: {  	_ =	shalt  }
0x41: {  	_ =	shalt  }
0x42: {  	_ =	shalt  }
0x43: {  	_ =	shalt  }
0x44: {  	_ =	shalt  }
0x45: {  	_ =	shalt  }
0x46: {  	_ =	shalt  }
0x47: {  	_ =	shalt  }
0x48: {  	_ =	shalt  }
0x49: {  	_ =	shalt  }
0x4a: {  	_ =	shalt  }
0x4b: {  	_ =	shalt  }
0x4c: {  	_ =	shalt  }
0x4d: {  	_ =	shalt  }
0x4e: {  	_ =	shalt  }
0x4f: {  	_ =	shalt  }
0x50: {  	_ =	shalt  }
0x51: {  	_ =	shalt  }
0x52: {  	_ =	shalt  }
0x53: {  	_ =	shalt  }
0x54: {  	_ =	shalt  }
0x55: {  	_ =	shalt  }
0x56: {  	_ =	shalt  }
0x57: {  	_ =	shalt  }
0x58: {  	_ =	shalt  }
0x59: {  	_ =	shalt  }
0x5a: {  	_ =	shalt  }
0x5b: {  	_ =	shalt  }
0x5c: {  	_ =	shalt  }
0x5d: {  	_ =	shalt  }
0x5e: {  	_ =	shalt  }
0x5f: {  	_ =	shalt  }
0x60: {  	_ =	shalt  }
0x61: {  	_ =	shalt  }
0x62: {  	_ =	shalt  }
0x63: {  	_ =	shalt  }
0x64: {  	_ =	shalt  }
0x65: {  	_ =	shalt  }
0x66: {  	_ =	shalt  }
0x67: {  	_ =	shalt  }
0x68: {  	_ =	shalt  }
0x69: {  	_ =	shalt  }
0x6a: {  	_ =	shalt  }
0x6b: {  	_ =	shalt  }
0x6c: {  	_ =	shalt  }
0x6d: {  	_ =	shalt  }
0x6e: {  	_ =	shalt  }
0x6f: {  	_ =	shalt  }
0x70: {  	_ =	shalt  }
0x71: {  	_ =	shalt  }
0x72: {  	_ =	shalt  }
0x73: {  	_ =	shalt  }
0x74: {  	_ =	shalt  }
0x75: {  	_ =	shalt  }
0x76: {  	_ =	shalt  }
0x77: {  	_ =	shalt  }
0x78: {  	_ =	shalt  }
0x79: {  	_ =	shalt  }
0x7a: {  	_ =	shalt  }
0x7b: {  	_ =	shalt  }
0x7c: {  	_ =	shalt  }
0x7d: {  	_ =	shalt  }
0x7e: {  	_ =	shalt  }
0x7f: {  	_ =	shalt  }
0x80: {  	_ =	shalt  }
0x81: {  	_ =	shalt  }
0x82: {  	_ =	shalt  }
0x83: {  	_ =	shalt  }
0x84: {  	_ =	shalt  }
0x85: {  	_ =	shalt  }
0x86: {  	_ =	shalt  }
0x87: {  	_ =	shalt  }
.Lfunc_end0:
.L_simem_size_0:
called_computation.3_lowered:
.L_overlay_start_0:
0x88: {  	s2 =	sld [smem:$0x3FD9]  }
0x89: {  	s3 =	sld [smem:$0x3FFE];
	_ =	sdelay $0x1  }
0x8a: {  	s1 =	srdreg.scid  }
0x8b: {  	s0 =	sand.u32 $0x1, s1  }
0x8c: {  	s16 =	sshll.u32 s0, $0xA;
	s2 =	sadd.s32 s3, s2  }
0x8d: {  	s2 =	sadd.s32 s2, s16  }
0x8e: {  	[smem:$0x3FB2] =	sst s2  }
0x8f: {  	_ = 	snop  }
0x90: {  	(tm) =	ssettm $0x1  }
0x91: {  	s17 =	sld [smem:$0x3FFB];
	_ =	sdelay $0x3  }
0x92: {  	_ =	strace s17  }
0x93: {  	s2 =	sld [smem:$0x3FFC];
	_ =	sdelay $0x3  }
0x94: {  	_ =	strace s2  }
0x95: {  	s2 =	sld [smem:$0x3FFD];
	_ =	sdelay $0x3  }
0x96: {  	_ =	strace s2  }
0x97: {  	_ =	strace $0x8FFFFFFF  }
0x98: {  	s18 =	sld [smem:$0x3FDB];
	_ =	sdelay $0x1  }
0x99: {  	s19 =	simm.s32 $_scs_section_size  }
0x9a: {  	s4 =	simm.s32 $_size__tile_overlayer_lowered;
	s5 =	simm.s32 $_tile_overlayer_lowered  }
0x9b: {  	s22 =	simm.s32 $0x1BFF;
	s21 =	sshll.u32 s5, $0x1;
	s2 =	sadd.s32 s19, s18  }
0x9c: {  	s6 =	simm.s32 $0x0;
	s20 =	sshll.u32 s4, $0x1;
	s4 =	sadd.s32 s21, s2  }
0x9d: {  	[timem:s6], [sflag:s22] =	dma.local [hbm:s4], s20  }
0x9e: {  	_ =	swait.ge [sflag:s22], s20  }
0x9f: {  	s3 =	ssub.s32 $0x0, s20;
	[sflag:s22] =	ssyncset.done $0x0  }
0xa0: {  	[sflag:s22] =	ssyncadd.s32 s3;
	_ =	sdelay $0x1  }
0xa1: {  	s23 =	simm.s32 $0x1B8B  }
0xa2: {  	_ =	swait.ge [sflag:s23], $0x1  }
0xa3: {  	[sflag:s23] =	ssyncset.done $0x0  }
0xa4: {  	s25 =	simm.s32 $0x1B8E;
	s24 =	sld [smem:$0x3FFE];
	[sflag:s23] =	ssyncadd.s32 $0xFFFFFFFF  }
0xa5: {  	s26 =	simm.s32 $execute0_lowered;
	[smem:$0x3FD2] =	sst s25  }
0xa6: {  	s4 =	sshll.u32 s26, $0x1;
	_ =	strace $0x8000004F;
	[dreg:$0x1] =	wrdreg $0xFFFFFFFF  }
0xa7: {  	s28 =	simm.s32 $_size_execute0_lowered;
	s2 =	sadd.s32 s2, s4;
	[dreg:$0x0] =	wrdreg $0x0  }
0xa8: {  	s4 =	sshll.u32 s28, $0x1;
	[dreg:$0x2] =	wrdreg s2  }
0xa9: {  	[dreg:$0x3] =	wrdreg s4  }
0xaa: {  	[dreg:$0x4] =	wrdreg $0xC0  }
0xab: {  	_ =	task [dreg:s6], $0x5FFFF  }
0xac: {  	[dreg:$0x1] =	wrdreg $0xFFFFFFFF  }
0xad: {  	[dreg:$0x0] =	wrdreg $0x60  }
0xae: {  	[dreg:$0x2] =	wrdreg s24  }
0xaf: {  	[dreg:$0x3] =	wrdreg $0xC2000  }
0xb0: {  	[dreg:$0x4] =	wrdreg $0x9  }
0xb1: {  	_ =	task.clear_ibuf [dreg:s6], $0x5FFFF;
	_ =	strace $0x9000004F  }
0xb2: {  	s29 =	simm.s32 $0x9;
	_ =	strace $0x80000051  }
0xb3: {  	_ =	swait.ge [sflag:s29], $0x1  }
0xb4: {  	[sflag:s29] =	ssyncadd.s32 $0xFFFFFFFF  }
0xb5: {  	_ =	strace $0x90000051  }
0xb6: {  	_ =	sfence  }
0xb7: {  	s30 =	sld [smem:$0x0];
	_ =	sdelay $0x2  }
0xb8: {  	s31 =	sshll.u32 s1, $0xD;
	s1 =	sshrl.u32 s1, $0x2  }
0xb9: {  	s3 =	sand.u32 $0x4000, s31;
	s1 =	sadd.s32 s1, s30  }
0xba: {  	s0 =	sor.u32 s3, s0;
	s1 =	sshll.u32 s1, $0x11  }
0xbb: {  	s0 =	sor.u32 s1, s0  }
0xbc: {  	s0 =	sadd.s32 $0x8F2B, s0  }
0xbd: {  	[sflag:s0] =	ssyncadd.remote.s32 $0x1  }
0xbe: {  	_ =	sfence.sel $0xFFFF  }
0xbf: {  	[dreg:$0x0] =	wrdreg $0xFFFFFFFF;
	(pc) =	sbr.abs _section_cstart, $3  }
0xc0: {  	[dreg:$0x1] =	wrdreg $0xFFFFFFFF  }
0xc1: {  	_ =	task.clear_ibuf [dreg:s6], $0x2FFFF;
	_ =	strace $0x9FFFFFFF  }
0xc2: {  	(tm) =	ssettm $0x7FFFFFFF  }
0xc3: {  	_ =	shalt  }
tec
execute0_lowered:
.L_overlay_start_1:
0x0: {  	(tag) =	ssettag $0x1  }
0x1: {  	s0 =	rddreg [dreg:$0x0]  }
0x2: {  	s1 =	rddreg [dreg:$0x1];
	s13 =	simm.s32 $0x0  }
0x3: {  	s2 =	srdreg.scid;
	s3 =	stileid.u32;
	s15 =	simm.s32 $0x9  }
0x4: {  	s16 =	simm.s32 $0x100;
	s17 =	simm.s32 $0x1;
	s18 =	simm.s32 $0x40  }
0x5: {  	s19 =	simm.s32 $0x200;
	s28 =	simm.s32 $0x2;
	s29 =	simm.s32 $0x2200  }
0x6: {  	s30 =	simm.s32 $0x6200;
	s31 =	simm.s32 $0xA200;
	s9 =	smul.u32 $0x13C00, s3  }
0x7: {  	[smem:$0x7FF] =	sst s13;
	s2 =	sand.u32 $0x1, s2;
	s10 =	smul.u32 $0x66, s3  }
0x8: {  	s4 =	sadd.s32 $0xE600, s0;
	s5 =	sadd.s32 $0xA62E00, s0;
	s21 =	smul.u32 $0x3A, s3  }
0x9: {  	s6 =	sadd.s32 $0x4600, s0;
	s7 =	sadd.s32 $0x9600, s0;
	s11 =	smul.u32 $0x4F000, s3  }
0xa: {  	s20 =	sadd.s32 $0x2E2E00, s0;
	s25 =	sshll.u32 s3, $0x6;
	s8 =	smul.u32 $0x13C000, s2  }
0xb: {  	_ =	strace $0x80000050;
	[dreg:$0x4] =	wrdreg s20;
	s22 =	ssub.s32 $0x2, s2  }
0xc: {  	p0 =	seq.s32 s2, $0x0;
	s20 =	simm.s32 $0x4200;
	s2 =	simm.s32 $0x6  }
0xd: {  	s12 =	sshrl.u32 s22, $0x1;
	s24 =	sshrl.u32 s11, $0x2;
	s11 =	sor.u32 $0x1C09, s25  }
0xe: {  	s25 =	simm.s32 $0x80;
	s8 =	sadd.s32 s9, s8;
	s9 =	sadd.s32 $0x660, s21  }
0xf: {  	s23 =	ssub.s32 s22, s12;
	s22 =	simm.s32 $0x3;
	[dreg:$0x5] =	wrdreg s11  }
0x10: {  	s21 =	simm.s32 $0x0;
	s8 =	sshrl.u32 s8, $0x3;
	s9 =	smov.u32 @p0 s10  }
0x11: {  	s10 =	simm.s32 $0x33;
	s26 =	smax.u32 s23, $0x1;
	s23 =	simm.s32 $0x5  }
0x12: {  	s0 =	sadd.s32 s8, s0;
	s8 =	sadd.s32 s24, s1;
	s10 =	simm.s32 @!p0 $0x1D  }
0x13: {  	[dreg:$0x7] =	wrdreg s26;
	s24 =	simm.s32 $0x7;
	s0 =	sadd.s32 $0x35800, s0  }
0x14: {  	s26 =	simm.s32 $0x180;
	s12 =	sshrl.u32 s8, $0x3;
	[dreg:$0x6] =	wrdreg s0  }
0x15: {  	s8 =	simm.s32 $0x8;
	s0 =	simm.s32 $0x4;
	[dreg:$0x8] =	wrdreg s12  }
.LBB2_1:
0x16: {  	[dreg:$0x3] =	wrdreg s13  }
0x17: {  	s3 =	rddreg [dreg:$0x4]  }
0x18: {  	[spmem:s12], [sflag:s11] =	dma.local [hbm:s3], $0x2780  }
0x19: {  	_ =	swait.ge [sflag:s15], $0x2780  }
0x1a: {  	[sflag:s15] =	ssyncset.done $0x0  }
0x1b: {  	[sflag:s15] =	ssyncadd.s32 $0xFFFFD880  }
0x1c: {  	s12 =	simm.s32 $0x0;
	[bflag:$0x0] =	sbarrier.arrive $0xFFFF  }
.LBB2_2:
0x1d: {  	s13 =	sshll.u32 s12, $0x1  }
0x1e: {  	s11 =	sadd.s32 s9, s13  }
0x1f: {  	s14 =	sshll.u32 s11, $0x3  }
0x20: {  	s14 =	sand.u32 $0x1FFFFFF0, s14  }
0x21: {  	s3 =	sadd.s32 s6, s14  }
0x22: {  	[tilespmem:s21], [sflag:$0x1] =	stream.linear.gather [hbm4b:s3+s21], $0x40, $0x38;
	[tilespmem:$0x1FE00] =	vst v63  }
0x23: {  	s14 =	sadd.s32 s7, s14  }
0x24: {  	[tilespmem:s16], [sflag:$0x1] =	stream.linear.gather [hbm4b:s14+s21], $0x40, $0x38;
	[tilespmem:$0x1FE00] =	vst v63  }
0x25: {  	_ =	swait.ge [sflag:s17], $0x40  }
0x26: {  	[sflag:s17] =	ssyncset.done $0x0  }
0x27: {  	[sflag:s17] =	ssyncadd.s32 $0xFFFFFFC0  }
0x28: {  	_ =	swait.ge [sflag:s17], $0x40  }
0x29: {  	[sflag:s17] =	ssyncset.done $0x0  }
0x2a: {  	s11 =	sshll.u32 s11, $0xA;
	[sflag:s17] =	ssyncadd.s32 $0xFFFFFFC0  }
0x2b: {  	[tilespmem:s19], [sflag:$0x3] =	stream.indirect.gather [hbm4b:s4+s18], $0x80, s21, s18, $0xb8;
	[tilespmem:$0x1FE00] =	vst v63  }
0x2c: {  	s3 =	sand.u32 $0x1FFFF800, s11  }
0x2d: {  	[tilespmem:s20], [sflag:$0x5] =	stream.indirect.gather [hbm4b:s4+s18], $0x80, s16, s18, $0xb8;
	[tilespmem:$0x1FE00] =	vst v63  }
0x2e: {  	s3 =	sadd.s32 s5, s3;
	s14 =	simm.s32 $0x8200  }
0x2f: {  	[tilespmem:s14], [sflag:$0x7] =	stream.linear.gather [hbm4b:s3+s21], $0x2000, $0x38;
	[tilespmem:$0x1FE00] =	vst v63  }
0x30: {  	_ =	swait.ge [sflag:s22], $0x2000  }
0x31: {  	[sflag:s22] =	ssyncset.done $0x0  }
0x32: {  	[sflag:s22] =	ssyncadd.s32 $0xFFFFE000  }
0x33: {  	_ =	swait.ge [sflag:s23], $0x2000  }
0x34: {  	[sflag:s23] =	ssyncset.done $0x0  }
0x35: {  	[sflag:s23] =	ssyncadd.s32 $0xFFFFE000  }
0x36: {  	_ =	swait.ge [sflag:s24], $0x2000  }
0x37: {  	[sflag:s24] =	ssyncset.done $0x0  }
0x38: {  	s11 =	simm.s32 $0x0;
	[sflag:s24] =	ssyncadd.s32 $0xFFFFE000  }
0x39: {  	v3 =	vld [tilespmem:s11+$0x8200]  }
0x3a: {  	v4 =	vld [tilespmem:s11+$0x8210]  }
0x3b: {  	v5 =	vld [tilespmem:s11+$0x8220]  }
0x3c: {  	v6 =	vld [tilespmem:s11+$0x8230]  }
0x3d: {  	v7 =	vld [tilespmem:s11+$0x8240]  }
0x3e: {  	v2 =	vld [tilespmem:s11+$0x8250]  }
0x3f: {  	v1 =	vld [tilespmem:s11+$0x8260]  }
0x40: {  	v0 =	vld [tilespmem:s11+$0x8270]  }
0x41: {  	v8 =	vld [tilespmem:s11+$0x200]  }
0x42: {  	v9 =	vld [tilespmem:s11+$0x4200]  }
0x43: {  	v10 =	vld [tilespmem:s11+$0x210]  }
0x44: {  	v11 =	vld [tilespmem:s11+$0x4210]  }
0x45: {  	v12 =	vld [tilespmem:s11+$0x220]  }
0x46: {  	v13 =	vld [tilespmem:s11+$0x4220];
	v8 =	vmul.f32 v8, v3  }
0x47: {  	v14 =	vld [tilespmem:s11+$0x230];
	v3 =	vmul.f32 v9, v3  }
0x48: {  	v9 =	vmul.f32 v10, v4;
	[tilespmem:s11+$0x200] =	vst v8;
	v8 =	vld [tilespmem:s11+$0x4230]  }
0x49: {  	v10 =	vld [tilespmem:s11+$0x240];
	[tilespmem:s11+$0x4200] =	vst v3;
	v3 =	vmul.f32 v11, v4  }
0x4a: {  	[tilespmem:s11+$0x210] =	vst v9;
	v11 =	vld [tilespmem:s11+$0x4240];
	v9 =	vmul.f32 v12, v5  }
0x4b: {  	v4 =	vld [tilespmem:s11+$0x250];
	v5 =	vmul.f32 v13, v5;
	[tilespmem:s11+$0x4210] =	vst v3  }
0x4c: {  	[tilespmem:s11+$0x220] =	vst v9;
	v3 =	vld [tilespmem:s11+$0x4250];
	v9 =	vmul.f32 v14, v6  }
0x4d: {  	[tilespmem:s11+$0x4220] =	vst v5;
	v5 =	vld [tilespmem:s11+$0x260];
	v8 =	vmul.f32 v8, v6  }
0x4e: {  	[tilespmem:s11+$0x230] =	vst v9;
	v9 =	vmul.f32 v10, v7;
	v6 =	vld [tilespmem:s11+$0x4260]  }
0x4f: {  	s14 =	simm.s32 $0x200;
	[tilespmem:s11+$0x4230] =	vst v8;
	v8 =	vmul.f32 v11, v7;
	v7 =	vld [tilespmem:s11+$0x270]  }
.LBB2_3:
0x50: {  	s3 =	sshra.s32 s14, $0x2;
	p0 =	sne.s32 s14, $0x7E00;
	[tilespmem:s11+$0x240] =	vst v9;
	v4 =	vmul.f32 v4, v2;
	v9 =	vld [tilespmem:s11+$0x4270]  }
0x51: {  	v10 =	vld [tilespmem:s3+$0x8200];
	[tilespmem:s11+$0x4240] =	vst v8;
	v2 =	vmul.f32 v3, v2  }
0x52: {  	v3 =	vld [tilespmem:s3+$0x8210];
	[tilespmem:s11+$0x250] =	vst v4;
	v4 =	vmul.f32 v5, v1  }
0x53: {  	v5 =	vld [tilespmem:s3+$0x8220];
	[tilespmem:s11+$0x4250] =	vst v2;
	v1 =	vmul.f32 v6, v1  }
0x54: {  	v6 =	vld [tilespmem:s3+$0x8230];
	[tilespmem:s11+$0x260] =	vst v4;
	v4 =	vmul.f32 v7, v0  }
0x55: {  	v7 =	vld [tilespmem:s3+$0x8240];
	[tilespmem:s11+$0x4260] =	vst v1;
	v0 =	vmul.f32 v9, v0  }
0x56: {  	v2 =	vld [tilespmem:s3+$0x8250];
	[tilespmem:s11+$0x270] =	vst v4  }
0x57: {  	v1 =	vld [tilespmem:s3+$0x8260];
	[tilespmem:s11+$0x4270] =	vst v0;
	s11 =	smov.u32 s3  }
0x58: {  	v0 =	vld [tilespmem:s11+$0x8270]  }
0x59: {  	v4 =	vld [tilespmem:s11+$0x200]  }
0x5a: {  	v8 =	vld [tilespmem:s11+$0x4200]  }
0x5b: {  	v9 =	vld [tilespmem:s11+$0x210]  }
0x5c: {  	v11 =	vld [tilespmem:s11+$0x4210]  }
0x5d: {  	v12 =	vld [tilespmem:s11+$0x220]  }
0x5e: {  	v4 =	vmul.f32 v4, v10;
	v13 =	vld [tilespmem:s11+$0x4220]  }
0x5f: {  	v8 =	vmul.f32 v8, v10;
	v10 =	vld [tilespmem:s11+$0x230]  }
0x60: {  	[tilespmem:s11+$0x200] =	vst v4;
	v4 =	vmul.f32 v9, v3;
	v9 =	vld [tilespmem:s11+$0x4230]  }
0x61: {  	[tilespmem:s11+$0x4200] =	vst v8;
	v3 =	vmul.f32 v11, v3;
	v8 =	vld [tilespmem:s11+$0x240]  }
0x62: {  	[tilespmem:s11+$0x210] =	vst v4;
	v11 =	vmul.f32 v12, v5;
	v12 =	vld [tilespmem:s11+$0x4240]  }
.Ltmp0:
0x63: {  	[tilespmem:s11+$0x4210] =	vst v3;
	v5 =	vmul.f32 v13, v5;
	v4 =	vld [tilespmem:s11+$0x250];
	(pc) =	sbr.rel @p0 .LBB2_3-.Ltmp0, $4  }
0x64: {  	[tilespmem:s11+$0x220] =	vst v11;
	v10 =	vmul.f32 v10, v6;
	v3 =	vld [tilespmem:s11+$0x4250]  }
0x65: {  	[tilespmem:s11+$0x4220] =	vst v5;
	v11 =	vmul.f32 v9, v6;
	v5 =	vld [tilespmem:s11+$0x260]  }
0x66: {  	[tilespmem:s11+$0x230] =	vst v10;
	v9 =	vmul.f32 v8, v7;
	v6 =	vld [tilespmem:s11+$0x4260]  }
0x67: {  	s14 =	sadd.s32 $0x200, s14;
	[tilespmem:s11+$0x4230] =	vst v11;
	v8 =	vmul.f32 v12, v7;
	v7 =	vld [tilespmem:s11+$0x270]  }
0x68: {  	[tilespmem:s11+$0x240] =	vst v9;
	v4 =	vmul.f32 v4, v2;
	v9 =	vld [tilespmem:s11+$0x4270]  }
0x69: {  	[tilespmem:s11+$0x4240] =	vst v8;
	v2 =	vmul.f32 v3, v2  }
0x6a: {  	[tilespmem:s11+$0x250] =	vst v4;
	v3 =	vmul.f32 v5, v1  }
0x6b: {  	[tilespmem:s11+$0x4250] =	vst v2;
	v1 =	vmul.f32 v6, v1  }
0x6c: {  	[tilespmem:s11+$0x260] =	vst v3;
	v2 =	vmul.f32 v7, v0  }
0x6d: {  	[tilespmem:s11+$0x4260] =	vst v1;
	v0 =	vmul.f32 v9, v0  }
0x6e: {  	[tilespmem:s11+$0x270] =	vst v2  }
0x6f: {  	[tilespmem:s11+$0x4270] =	vst v0  }
0x70: {  	[spmem:s1] =	stream.indirect.scatter.add.f32 [tilespmem:s19], [sflag:$0x9], $0x80, s16, s18, $0xb8;
	[tilespmem:$0x1FE00] =	vst v63  }
0x71: {  	_ =	swait.ge [sflag:s15], $0x2000  }
0x72: {  	[sflag:s15] =	ssyncset.done $0x0  }
0x73: {  	s3 =	simm.s32 $0x0;
	s14 =	sadd.s32 s13, s9;
	[sflag:s15] =	ssyncadd.s32 $0xFFFFE000  }
0x74: {  	[spmem:s1] =	stream.indirect.scatter.add.f32 [tilespmem:s20], [sflag:$0x9], $0x80, s3, s18, $0xb8;
	[tilespmem:$0x1FE00] =	vst v63  }
0x75: {  	s11 =	sadd.s32 $0x1, s14;
	_ =	swait.ge [sflag:s15], $0x2000  }
0x76: {  	s13 =	sshll.u32 s11, $0x3;
	[sflag:s15] =	ssyncset.done $0x0  }
0x77: {  	s14 =	sadd.s32 s6, s13;
	[sflag:s15] =	ssyncadd.s32 $0xFFFFE000  }
0x78: {  	[tilespmem:s25], [sflag:$0x2] =	stream.linear.gather [hbm4b:s14+s3], $0x40, $0x38;
	[tilespmem:$0x1FE00] =	vst v63  }
0x79: {  	s13 =	sadd.s32 s7, s13  }
0x7a: {  	[tilespmem:s26], [sflag:$0x2] =	stream.linear.gather [hbm4b:s13+s3], $0x40, $0x38;
	[tilespmem:$0x1FE00] =	vst v63  }
0x7b: {  	_ =	swait.ge [sflag:s28], $0x40  }
0x7c: {  	[sflag:s28] =	ssyncset.done $0x0  }
0x7d: {  	[sflag:s28] =	ssyncadd.s32 $0xFFFFFFC0  }
0x7e: {  	_ =	swait.ge [sflag:s28], $0x40  }
0x7f: {  	[sflag:s28] =	ssyncset.done $0x0  }
0x80: {  	[sflag:s28] =	ssyncadd.s32 $0xFFFFFFC0  }
0x81: {  	[tilespmem:s29], [sflag:$0x4] =	stream.indirect.gather [hbm4b:s4+s18], $0x80, s25, s18, $0xb8;
	[tilespmem:$0x1FE00] =	vst v63  }
0x82: {  	s11 =	sshll.u32 s11, $0xA  }
0x83: {  	[tilespmem:s30], [sflag:$0x6] =	stream.indirect.gather [hbm4b:s4+s18], $0x80, s26, s18, $0xb8;
	[tilespmem:$0x1FE00] =	vst v63  }
0x84: {  	s11 =	sadd.s32 s5, s11  }
0x85: {  	[tilespmem:s31], [sflag:$0x8] =	stream.linear.gather [hbm4b:s11+s3], $0x2000, $0x38;
	[tilespmem:$0x1FE00] =	vst v63  }
0x86: {  	_ =	swait.ge [sflag:s0], $0x2000  }
0x87: {  	[sflag:s0] =	ssyncset.done $0x0  }
0x88: {  	[sflag:s0] =	ssyncadd.s32 $0xFFFFE000  }
0x89: {  	_ =	swait.ge [sflag:s2], $0x2000  }
0x8a: {  	[sflag:s2] =	ssyncset.done $0x0  }
0x8b: {  	[sflag:s2] =	ssyncadd.s32 $0xFFFFE000  }
0x8c: {  	_ =	swait.ge [sflag:s8], $0x2000  }
0x8d: {  	[sflag:s8] =	ssyncset.done $0x0  }
0x8e: {  	s11 =	simm.s32 $0x0;
	[sflag:s8] =	ssyncadd.s32 $0xFFFFE000  }
0x8f: {  	v3 =	vld [tilespmem:s11+$0xA200]  }
0x90: {  	v4 =	vld [tilespmem:s11+$0xA210]  }
0x91: {  	v5 =	vld [tilespmem:s11+$0xA220]  }
0x92: {  	v6 =	vld [tilespmem:s11+$0xA230]  }
0x93: {  	v7 =	vld [tilespmem:s11+$0xA240]  }
0x94: {  	v2 =	vld [tilespmem:s11+$0xA250]  }
0x95: {  	v1 =	vld [tilespmem:s11+$0xA260]  }
0x96: {  	v0 =	vld [tilespmem:s11+$0xA270]  }
0x97: {  	v8 =	vld [tilespmem:s11+$0x2200]  }
0x98: {  	v9 =	vld [tilespmem:s11+$0x6200]  }
0x99: {  	v10 =	vld [tilespmem:s11+$0x2210]  }
0x9a: {  	v11 =	vld [tilespmem:s11+$0x6210]  }
0x9b: {  	v12 =	vld [tilespmem:s11+$0x2220]  }
0x9c: {  	v13 =	vld [tilespmem:s11+$0x6220];
	v8 =	vmul.f32 v8, v3  }
0x9d: {  	v14 =	vld [tilespmem:s11+$0x2230];
	v3 =	vmul.f32 v9, v3  }
0x9e: {  	v9 =	vmul.f32 v10, v4;
	[tilespmem:s11+$0x2200] =	vst v8;
	v8 =	vld [tilespmem:s11+$0x6230]  }
0x9f: {  	v10 =	vld [tilespmem:s11+$0x2240];
	[tilespmem:s11+$0x6200] =	vst v3;
	v3 =	vmul.f32 v11, v4  }
0xa0: {  	[tilespmem:s11+$0x2210] =	vst v9;
	v11 =	vld [tilespmem:s11+$0x6240];
	v9 =	vmul.f32 v12, v5  }
0xa1: {  	v4 =	vld [tilespmem:s11+$0x2250];
	v5 =	vmul.f32 v13, v5;
	[tilespmem:s11+$0x6210] =	vst v3  }
0xa2: {  	[tilespmem:s11+$0x2220] =	vst v9;
	v3 =	vld [tilespmem:s11+$0x6250];
	v9 =	vmul.f32 v14, v6  }
0xa3: {  	[tilespmem:s11+$0x6220] =	vst v5;
	v5 =	vld [tilespmem:s11+$0x2260];
	v8 =	vmul.f32 v8, v6  }
0xa4: {  	[tilespmem:s11+$0x2230] =	vst v9;
	v9 =	vmul.f32 v10, v7;
	v6 =	vld [tilespmem:s11+$0x6260]  }
0xa5: {  	s13 =	simm.s32 $0x200;
	[tilespmem:s11+$0x6230] =	vst v8;
	v8 =	vmul.f32 v11, v7;
	v7 =	vld [tilespmem:s11+$0x2270]  }
.LBB2_5:
0xa6: {  	s3 =	sshra.s32 s13, $0x2;
	p0 =	sne.s32 s13, $0x7E00;
	[tilespmem:s11+$0x2240] =	vst v9;
	v4 =	vmul.f32 v4, v2;
	v9 =	vld [tilespmem:s11+$0x6270]  }
0xa7: {  	v10 =	vld [tilespmem:s3+$0xA200];
	[tilespmem:s11+$0x6240] =	vst v8;
	v2 =	vmul.f32 v3, v2  }
0xa8: {  	v3 =	vld [tilespmem:s3+$0xA210];
	[tilespmem:s11+$0x2250] =	vst v4;
	v4 =	vmul.f32 v5, v1  }
0xa9: {  	v5 =	vld [tilespmem:s3+$0xA220];
	[tilespmem:s11+$0x6250] =	vst v2;
	v1 =	vmul.f32 v6, v1  }
0xaa: {  	v6 =	vld [tilespmem:s3+$0xA230];
	[tilespmem:s11+$0x2260] =	vst v4;
	v4 =	vmul.f32 v7, v0  }
0xab: {  	v7 =	vld [tilespmem:s3+$0xA240];
	[tilespmem:s11+$0x6260] =	vst v1;
	v0 =	vmul.f32 v9, v0  }
0xac: {  	v2 =	vld [tilespmem:s3+$0xA250];
	[tilespmem:s11+$0x2270] =	vst v4  }
0xad: {  	v1 =	vld [tilespmem:s3+$0xA260];
	[tilespmem:s11+$0x6270] =	vst v0;
	s11 =	smov.u32 s3  }
0xae: {  	v0 =	vld [tilespmem:s11+$0xA270]  }
0xaf: {  	v4 =	vld [tilespmem:s11+$0x2200]  }
0xb0: {  	v8 =	vld [tilespmem:s11+$0x6200]  }
0xb1: {  	v9 =	vld [tilespmem:s11+$0x2210]  }
0xb2: {  	v11 =	vld [tilespmem:s11+$0x6210]  }
0xb3: {  	v12 =	vld [tilespmem:s11+$0x2220]  }
0xb4: {  	v4 =	vmul.f32 v4, v10;
	v13 =	vld [tilespmem:s11+$0x6220]  }
0xb5: {  	v8 =	vmul.f32 v8, v10;
	v10 =	vld [tilespmem:s11+$0x2230]  }
0xb6: {  	[tilespmem:s11+$0x2200] =	vst v4;
	v4 =	vmul.f32 v9, v3;
	v9 =	vld [tilespmem:s11+$0x6230]  }
0xb7: {  	[tilespmem:s11+$0x6200] =	vst v8;
	v3 =	vmul.f32 v11, v3;
	v8 =	vld [tilespmem:s11+$0x2240]  }
0xb8: {  	[tilespmem:s11+$0x2210] =	vst v4;
	v11 =	vmul.f32 v12, v5;
	v12 =	vld [tilespmem:s11+$0x6240]  }
.Ltmp1:
0xb9: {  	[tilespmem:s11+$0x6210] =	vst v3;
	v5 =	vmul.f32 v13, v5;
	v4 =	vld [tilespmem:s11+$0x2250];
	(pc) =	sbr.rel @p0 .LBB2_5-.Ltmp1, $4  }
0xba: {  	[tilespmem:s11+$0x2220] =	vst v11;
	v10 =	vmul.f32 v10, v6;
	v3 =	vld [tilespmem:s11+$0x6250]  }
0xbb: {  	[tilespmem:s11+$0x6220] =	vst v5;
	v11 =	vmul.f32 v9, v6;
	v5 =	vld [tilespmem:s11+$0x2260]  }
0xbc: {  	[tilespmem:s11+$0x2230] =	vst v10;
	v9 =	vmul.f32 v8, v7;
	v6 =	vld [tilespmem:s11+$0x6260]  }
0xbd: {  	s13 =	sadd.s32 $0x200, s13;
	[tilespmem:s11+$0x6230] =	vst v11;
	v8 =	vmul.f32 v12, v7;
	v7 =	vld [tilespmem:s11+$0x2270]  }
0xbe: {  	[tilespmem:s11+$0x2240] =	vst v9;
	v4 =	vmul.f32 v4, v2;
	v58 =	vld [tilespmem:s11+$0x6270]  }
0xbf: {  	[tilespmem:s11+$0x6240] =	vst v8;
	v59 =	vmul.f32 v3, v2  }
0xc0: {  	[tilespmem:s11+$0x2250] =	vst v4;
	v60 =	vmul.f32 v5, v1  }
0xc1: {  	[tilespmem:s11+$0x6250] =	vst v59;
	v61 =	vmul.f32 v6, v1  }
0xc2: {  	[tilespmem:s11+$0x2260] =	vst v60;
	v62 =	vmul.f32 v7, v0  }
0xc3: {  	[tilespmem:s11+$0x6260] =	vst v61;
	v63 =	vmul.f32 v58, v0  }
0xc4: {  	[tilespmem:s11+$0x2270] =	vst v62  }
0xc5: {  	[tilespmem:s11+$0x6270] =	vst v63  }
0xc6: {  	[spmem:s1] =	stream.indirect.scatter.add.f32 [tilespmem:s29], [sflag:$0x9], $0x80, s26, s18, $0xb8;
	[tilespmem:$0x1FE00] =	vst v63  }
0xc7: {  	s12 =	sadd.s32 $0x1, s12;
	_ =	swait.ge [sflag:s15], $0x2000  }
0xc8: {  	p0 =	sne.s32 s12, s10;
	[sflag:s15] =	ssyncset.done $0x0  }
.Ltmp2:
0xc9: {  	[sflag:s15] =	ssyncadd.s32 $0xFFFFE000;
	(pc) =	sbr.rel @p0 .LBB2_2-.Ltmp2, $4  }
0xca: {  	[spmem:s1] =	stream.indirect.scatter.add.f32 [tilespmem:s30], [sflag:$0x9], $0x80, s25, s18, $0xb8;
	[tilespmem:$0x1FE00] =	vst v63  }
0xcb: {  	_ =	swait.ge [sflag:s15], $0x2000  }
0xcc: {  	[sflag:s15] =	ssyncset.done $0x0  }
0xcd: {  	[sflag:s15] =	ssyncadd.s32 $0xFFFFE000  }
0xce: {  	[bflag:$0x0] =	sbarrier.arrive $0xFFFF  }
0xcf: {  	s11 =	rddreg [dreg:$0x5]  }
0xd0: {  	s3 =	rddreg [dreg:$0x6]  }
0xd1: {  	s12 =	rddreg [dreg:$0x8]  }
0xd2: {  	[hbm:s3], [sflag:s11] =	dma.local [spmem:s12], $0x2780  }
0xd3: {  	_ =	swait.ge [sflag:s15], $0x2780  }
0xd4: {  	s13 =	rddreg [dreg:$0x3]  }
0xd5: {  	s14 =	rddreg [dreg:$0x7];
	s13 =	sadd.s32 $0x1, s13  }
0xd6: {  	p0 =	sne.s32 s13, s14  }
.Ltmp3:
0xd7: {  	_ = 	snop;
	(pc) =	sbr.rel @p0 .LBB2_1-.Ltmp3, $3  }
0xd8: {  	_ =	sdelay $0x1  }
0xd9: {  	[sflag:s15] =	ssyncset.done $0x0  }
0xda: {  	[sflag:s15] =	ssyncadd.s32 $0xFFFFD880  }
0xdb: {  	_ =	sfence.sel $0x180000  }
0xdc: {  	[bflag:$0x0] =	sbarrier.arrive $0xFFFF  }
0xdd: {  	_ =	strace $0x90000050  }
0xde: {  	s0 =	stileid.u32;
	[bflag:$0x2] =	sbarrier.arrive $0xFFFF  }
0xdf: {  	p0 =	sne.s32 s0, $0x0;
	s0 =	rddreg [dreg:$0x2]  }
0xe0: {  	s0 =	sadd.s32 @!p0 $0x100000, s0  }
0xe1: {  	[sflag:s0] =	ssyncadd.tile.s32 @!p0 $0x1;
	_ =	shalt  }
.Lfunc_end2:
_tile_overlayer_lowered:
.L_overlay_start_2:
0xe2: {  	(tag) =	ssettag $0x2  }
0xe3: {  	s0 =	rddreg [dreg:$0x0];
	s2 =	stileid.u32  }
0xe4: {  	s1 =	rddreg [dreg:$0x1];
	p0 =	sne.s32 s2, $0x0  }
0xe5: {  	s3 =	rddreg [dreg:$0x2];
	[bflag:$0x3] =	sbarrier.arrive $0xFFFF;
	s2 =	simm.s32 @!p0 $0x1C09  }
0xe6: {  	[timem:s3], [sflag:s2] =	dma.local @!p0 [hbm:s0], s1  }
0xe7: {  	s0 =	simm.s32 @!p0 $0x9  }
0xe8: {  	_ =	swait.ge @!p0 [sflag:s0], s1  }
0xe9: {  	s1 =	ssub.s32 @!p0 $0x0, s1;
	[sflag:s0] =	ssyncset.done @!p0 $0x0  }
0xea: {  	[sflag:s0] =	ssyncadd.s32 @!p0 s1  }
0xeb: {  	[bflag:$0x3] =	sbarrier.arrive $0xFFFF  }
0xec: {  	_ =	shalt  }

</sc_bundles>
